<compile_context>
chip_gen: v7x
topology: tpu7x:2x2x1
jax: 0.10.2.dev20260603
libtpu: 0.0.44.dev20260713+nightly
codegen_flags: <defaults>
</compile_context>

<pallas_src>
import functools
import jax
import jax.numpy as jnp
from jax import lax
from jax.experimental import pallas as pl
from jax.experimental.pallas import tpu as pltpu
from jax.experimental.pallas import tpu_sc as plsc

_N = 131072
_DIM = 2
_BINS = 15
_BP = 16
_NO = 256

_NSC = 24576
_NTC = _N - _NSC
_BLK = 8192
_SUB = _BLK // 128

_NW = 32
_PW = _NSC // _NW
_CH = 128
_NCH = _PW // _CH
_NPAIR = _NCH // 2
_G = _CH // 16


def _tile_code_block(x0_ref, x1_ref, tiles_ref, out_ref):
    x0 = x0_ref[...]
    x1 = x1_ref[...]
    cnt0 = jnp.zeros(x0.shape, jnp.int32)
    cnt1 = jnp.zeros(x1.shape, jnp.int32)
    for b in range(_BINS):
        cnt0 = cnt0 + (x0 > tiles_ref[b : b + 1, 0:1]).astype(jnp.int32)
        cnt1 = cnt1 + (x1 > tiles_ref[b : b + 1, 1:2]).astype(jnp.int32)
    code = _BP * cnt0 + cnt1
    cols = jax.lax.broadcasted_iota(jnp.int32, (_SUB, _NO), 1)
    for k in range(128):
        col = code[:, k : k + 1]
        out_ref[_SUB * k : _SUB * (k + 1), :] = (cols == col).astype(
            jnp.float32
        )


def _tc_part(x, tiles):
    nb = _NTC // _BLK
    x0g = (
        x[:_NTC, 0].reshape(nb, 128, _SUB).transpose(0, 2, 1).reshape(nb * _SUB, 128)
    )
    x1g = (
        x[:_NTC, 1].reshape(nb, 128, _SUB).transpose(0, 2, 1).reshape(nb * _SUB, 128)
    )
    return pl.pallas_call(
        _tile_code_block,
        grid=(nb,),
        in_specs=[
            pl.BlockSpec((_SUB, 128), lambda i: (i, 0)),
            pl.BlockSpec((_SUB, 128), lambda i: (i, 0)),
            pl.BlockSpec((_BINS, _DIM), lambda i: (0, 0)),
        ],
        out_specs=pl.BlockSpec((_BLK, _NO), lambda i: (i, 0)),
        out_shape=jax.ShapeDtypeStruct((_NTC, _NO), jnp.float32),
    )(x0g, x1g, tiles)


_mesh = plsc.VectorSubcoreMesh(core_axis_name="c", subcore_axis_name="s")


@functools.partial(
    pl.kernel,
    out_type=jax.ShapeDtypeStruct((_NSC, _NO), jnp.float32),
    mesh=_mesh,
    compiler_params=pltpu.CompilerParams(
        use_tc_tiling_on_sc=False, needs_layout_passes=False
    ),
    scratch_types=[
        pltpu.VMEM((_PW,), jnp.float32),
        pltpu.VMEM((_PW,), jnp.float32),
        pltpu.VMEM((32,), jnp.float32),
        pltpu.VMEM((_CH, _NO), jnp.float32),
        pltpu.VMEM((_CH, _NO), jnp.float32),
        pltpu.VMEM((_CH,), jnp.int32),
        pltpu.VMEM((_CH,), jnp.int32),
        pltpu.SemaphoreType.DMA,
        pltpu.SemaphoreType.DMA,
    ],
)
def _sc_tile_code(
    x0_hbm, x1_hbm, tiles_hbm, zeros_hbm, out_hbm,
    x0_v, x1_v, tiles_v, bufA, bufB, codesA, codesB, semA, semB,
):
    wid = lax.axis_index("s") * 2 + lax.axis_index("c")
    base = wid * _PW
    pltpu.sync_copy(x0_hbm.at[pl.ds(base, _PW)], x0_v)
    pltpu.sync_copy(x1_hbm.at[pl.ds(base, _PW)], x1_v)
    pltpu.sync_copy(tiles_hbm, tiles_v)
    pltpu.sync_copy(zeros_hbm, bufA)
    pltpu.sync_copy(zeros_hbm, bufB)
    ta = tiles_v[pl.ds(0, 16)]
    tb = tiles_v[pl.ds(16, 16)]
    t0 = [ta[b] for b in range(_BINS)]
    t1 = [tb[b] for b in range(_BINS)]
    lanes = lax.iota(jnp.int32, 16)
    ones_f = jnp.full((16,), 1.0, jnp.float32)
    zeros_f = jnp.zeros((16,), jnp.float32)
    zeros_i = jnp.zeros((16,), jnp.int32)
    for g in range(_G):
        codesA[pl.ds(g * 16, 16)] = zeros_i
        codesB[pl.ds(g * 16, 16)] = zeros_i

    def half(pair, buf, codes, sem, ch):
        row0 = base + ch * _CH
        dst = out_hbm.at[pl.ds(row0, _CH), :]

        @pl.when(pair > 0)
        def _():
            pltpu.make_async_copy(buf, dst, sem).wait()

        for g in range(_G):
            rows = lanes + (g * 16)
            prev = codes[pl.ds(g * 16, 16)]
            plsc.store_scatter(buf, [rows, prev], zeros_f)
        for g in range(_G):
            off = ch * _CH + g * 16
            xv0 = x0_v[pl.ds(off, 16)]
            xv1 = x1_v[pl.ds(off, 16)]
            c0 = jnp.zeros((16,), jnp.int32)
            c1 = jnp.zeros((16,), jnp.int32)
            for b in range(_BINS):
                c0 = c0 + (xv0 > t0[b]).astype(jnp.int32)
                c1 = c1 + (xv1 > t1[b]).astype(jnp.int32)
            code = c0 * _BP + c1
            rows = lanes + (g * 16)
            plsc.store_scatter(buf, [rows, code], ones_f)
            codes[pl.ds(g * 16, 16)] = code
        pltpu.make_async_copy(buf, dst, sem).start()

    def body(pair, carry):
        half(pair, bufA, codesA, semA, 2 * pair)
        half(pair, bufB, codesB, semB, 2 * pair + 1)
        return carry

    lax.fori_loop(0, _NPAIR, body, 0)
    pltpu.make_async_copy(
        bufA, out_hbm.at[pl.ds(base + (_NCH - 2) * _CH, _CH), :], semA
    ).wait()
    pltpu.make_async_copy(
        bufB, out_hbm.at[pl.ds(base + (_NCH - 1) * _CH, _CH), :], semB
    ).wait()


def kernel(x, tiles):
    tc_out = _tc_part(x, tiles)
    x0 = x[_NTC:, 0] + 0.0
    x1 = x[_NTC:, 1] + 0.0
    tiles_flat = jnp.concatenate(
        [tiles[:, 0], jnp.zeros((1,), jnp.float32),
         tiles[:, 1], jnp.zeros((1,), jnp.float32)]
    )
    zeros = jnp.zeros((_CH, _NO), jnp.float32)
    sc_out = _sc_tile_code(x0, x1, tiles_flat, zeros)
    return jnp.concatenate([tc_out, sc_out], axis=0)

# --- scband reference (transcript-rebuilt; emitter-appended) ---
"""Pipeline reference for scband-tile-code-22007412424844 (READ-ONLY COPY).

The authoritative reference and input builder live on the scoring server;
editing this copy changes nothing except your own understanding.
"""

import jax, jax.numpy as jnp
import numpy as np

N = 131072
DIM = 2
BINS = 15
NUM_OUTPUTS = (BINS + 1) ** DIM  # 256
LOW = np.array([-1.0, -1.0], dtype=np.float32)
HIGH = np.array([1.0, 1.0], dtype=np.float32)


def _make_tiles():
    cols = []
    for low_, high_ in zip(LOW, HIGH):
        col = np.linspace(low_, high_, BINS + 1, dtype=np.float32)[1:] - (high_ - low_) / (2 * BINS)
        cols.append(col)
    return jnp.asarray(np.stack(cols, axis=-1))  # [BINS, DIM]


def setup_inputs(seed: int = 0) -> dict:
    key = jax.random.key(seed)
    x = jax.random.normal(key, (N, DIM), dtype=jnp.float32)
    tiles = _make_tiles()
    return {"x": x, "tiles": tiles}


def reference(x, tiles):
    # digitize: count boundaries each coordinate exceeds
    # x: [N, DIM], tiles: [BINS, DIM]
    per_dim = jnp.sum((x[:, None, :] > tiles[None, :, :]).astype(jnp.int32), axis=1)  # [N, DIM]
    # _tuple_to_int with self.bins = bins + 1 = 16 per dim
    bins_plus = BINS + 1
    code = per_dim[:, 0]
    for i in range(1, DIM):
        code = bins_plus * code + per_dim[:, i]
    # one_hot_encode via scatter-overwrite into zeros
    out = jnp.zeros((x.shape[0], NUM_OUTPUTS), dtype=jnp.float32)
    out = out.at[jnp.arange(x.shape[0]), code].set(1.0)
    return out

if __name__ == "__main__":
    import jax
    _d = setup_inputs()
    print(jax.jit(kernel)(*tuple(_d.values())))

</pallas_src>

<mosaic_0001>
#map = affine_map<(d0, d1) -> (0)>
#map1 = affine_map<(d0, d1) -> (0, 0)>
module attributes {stable_mosaic.version = 14 : i64} {
  func.func @_sc_tile_code(%arg0: i32, %arg1: i32, %arg2: memref<24576xf32, #tpu.memory_space<hbm>>, %arg3: memref<24576xf32, #tpu.memory_space<hbm>>, %arg4: memref<32xf32, #tpu.memory_space<hbm>>, %arg5: memref<128x256xf32, #tpu.memory_space<hbm>>, %arg6: memref<24576x256xf32, #tpu.memory_space<hbm>>, %arg7: memref<768xf32, #tpu.memory_space<vmem>>, %arg8: memref<768xf32, #tpu.memory_space<vmem>>, %arg9: memref<32xf32, #tpu.memory_space<vmem>>, %arg10: memref<128x256xf32, #tpu.memory_space<vmem>>, %arg11: memref<128x256xf32, #tpu.memory_space<vmem>>, %arg12: memref<128xi32, #tpu.memory_space<vmem>>, %arg13: memref<128xi32, #tpu.memory_space<vmem>>, %arg14: memref<!tpu.dma_semaphore, #tpu.memory_space<semaphore_mem>>, %arg15: memref<!tpu.dma_semaphore, #tpu.memory_space<semaphore_mem>>) attributes {dimension_semantics = [#tpu.dimension_semantics<core_parallel>, #tpu.dimension_semantics<subcore_parallel>], iteration_bounds = array<i64: 2, 16>, scalar_prefetch = 0 : i64, scratch_operands = 9 : i64, tpu.core_type = #tpu.core_type<sc_vector_subcore>, window_params = [{transform_indices = #map}, {transform_indices = #map}, {transform_indices = #map}, {transform_indices = #map1}, {transform_indices = #map1}]} {
    %mul3A = arith.constant 2 : i32
    %mul3A_0 = arith.muli %arg1, %mul3A : i32
    %add3A = arith.addi %mul3A_0, %arg0 : i32
    %mul3A_1 = arith.constant 768 : i32
    %mul3A_2 = arith.muli %add3A, %mul3A_1 : i32
    "tpu.region"() ({
      %run_scoped3A = tpu.sem_alloc : memref<!tpu.dma_semaphore, #tpu.memory_space<semaphore_mem>>
      %dma_start3A = tpu.memref_slice %arg2[%mul3A_2] : memref<24576xf32, #tpu.memory_space<hbm>> -> memref<768xf32, #tpu.memory_space<hbm>>
      %dma_start3A_116 = tpu.memref_slice %arg2[%mul3A_2] : memref<24576xf32, #tpu.memory_space<hbm>> -> memref<768xf32, #tpu.memory_space<hbm>>
      tpu.enqueue_dma source(%dma_start3A_116 : memref<768xf32, #tpu.memory_space<hbm>>) target(%arg7 : memref<768xf32, #tpu.memory_space<vmem>>) target_semaphore(%run_scoped3A : memref<!tpu.dma_semaphore, #tpu.memory_space<semaphore_mem>>)
      %dma_wait3A_117 = tpu.memref_slice %arg2[%mul3A_2] : memref<24576xf32, #tpu.memory_space<hbm>> -> memref<768xf32, #tpu.memory_space<hbm>>
      %dma_wait3A_118 = tpu.memref_slice %arg2[%mul3A_2] : memref<24576xf32, #tpu.memory_space<hbm>> -> memref<768xf32, #tpu.memory_space<hbm>>
      tpu.wait_dma2 semaphore(%run_scoped3A : memref<!tpu.dma_semaphore, #tpu.memory_space<semaphore_mem>>) src(%dma_wait3A_118 : memref<768xf32, #tpu.memory_space<hbm>>) dst(%arg7 : memref<768xf32, #tpu.memory_space<vmem>>)
      tpu.yield
    }) : () -> ()
    "tpu.region"() ({
      %run_scoped3A = tpu.sem_alloc : memref<!tpu.dma_semaphore, #tpu.memory_space<semaphore_mem>>
      %dma_start3A = tpu.memref_slice %arg3[%mul3A_2] : memref<24576xf32, #tpu.memory_space<hbm>> -> memref<768xf32, #tpu.memory_space<hbm>>
      %dma_start3A_116 = tpu.memref_slice %arg3[%mul3A_2] : memref<24576xf32, #tpu.memory_space<hbm>> -> memref<768xf32, #tpu.memory_space<hbm>>
      tpu.enqueue_dma source(%dma_start3A_116 : memref<768xf32, #tpu.memory_space<hbm>>) target(%arg8 : memref<768xf32, #tpu.memory_space<vmem>>) target_semaphore(%run_scoped3A : memref<!tpu.dma_semaphore, #tpu.memory_space<semaphore_mem>>)
      %dma_wait3A_117 = tpu.memref_slice %arg3[%mul3A_2] : memref<24576xf32, #tpu.memory_space<hbm>> -> memref<768xf32, #tpu.memory_space<hbm>>
      %dma_wait3A_118 = tpu.memref_slice %arg3[%mul3A_2] : memref<24576xf32, #tpu.memory_space<hbm>> -> memref<768xf32, #tpu.memory_space<hbm>>
      tpu.wait_dma2 semaphore(%run_scoped3A : memref<!tpu.dma_semaphore, #tpu.memory_space<semaphore_mem>>) src(%dma_wait3A_118 : memref<768xf32, #tpu.memory_space<hbm>>) dst(%arg8 : memref<768xf32, #tpu.memory_space<vmem>>)
      tpu.yield
    }) : () -> ()
    "tpu.region"() ({
      %run_scoped3A = tpu.sem_alloc : memref<!tpu.dma_semaphore, #tpu.memory_space<semaphore_mem>>
      tpu.enqueue_dma source(%arg4 : memref<32xf32, #tpu.memory_space<hbm>>) target(%arg9 : memref<32xf32, #tpu.memory_space<vmem>>) target_semaphore(%run_scoped3A : memref<!tpu.dma_semaphore, #tpu.memory_space<semaphore_mem>>)
      tpu.wait_dma2 semaphore(%run_scoped3A : memref<!tpu.dma_semaphore, #tpu.memory_space<semaphore_mem>>) src(%arg4 : memref<32xf32, #tpu.memory_space<hbm>>) dst(%arg9 : memref<32xf32, #tpu.memory_space<vmem>>)
      tpu.yield
    }) : () -> ()
    "tpu.region"() ({
      %run_scoped3A = tpu.sem_alloc : memref<!tpu.dma_semaphore, #tpu.memory_space<semaphore_mem>>
      tpu.enqueue_dma source(%arg5 : memref<128x256xf32, #tpu.memory_space<hbm>>) target(%arg10 : memref<128x256xf32, #tpu.memory_space<vmem>>) target_semaphore(%run_scoped3A : memref<!tpu.dma_semaphore, #tpu.memory_space<semaphore_mem>>)
      tpu.wait_dma2 semaphore(%run_scoped3A : memref<!tpu.dma_semaphore, #tpu.memory_space<semaphore_mem>>) src(%arg5 : memref<128x256xf32, #tpu.memory_space<hbm>>) dst(%arg10 : memref<128x256xf32, #tpu.memory_space<vmem>>)
      tpu.yield
    }) : () -> ()
    "tpu.region"() ({
      %run_scoped3A = tpu.sem_alloc : memref<!tpu.dma_semaphore, #tpu.memory_space<semaphore_mem>>
      tpu.enqueue_dma source(%arg5 : memref<128x256xf32, #tpu.memory_space<hbm>>) target(%arg11 : memref<128x256xf32, #tpu.memory_space<vmem>>) target_semaphore(%run_scoped3A : memref<!tpu.dma_semaphore, #tpu.memory_space<semaphore_mem>>)
      tpu.wait_dma2 semaphore(%run_scoped3A : memref<!tpu.dma_semaphore, #tpu.memory_space<semaphore_mem>>) src(%arg5 : memref<128x256xf32, #tpu.memory_space<hbm>>) dst(%arg11 : memref<128x256xf32, #tpu.memory_space<vmem>>)
      tpu.yield
    }) : () -> ()
    %get3A = arith.constant 0 : index
    %get3A_3 = tpu.vector_load %arg9[%get3A] {strides = array<i32>} : memref<32xf32, #tpu.memory_space<vmem>>, vector<16xf32>,
    %get3A_4 = arith.constant 16 : index
    %get3A_5 = tpu.vector_load %arg9[%get3A_4] {strides = array<i32>} : memref<32xf32, #tpu.memory_space<vmem>>, vector<16xf32>,
    %slice3A = vector.extract_strided_slice %get3A_3 {offsets = [0], sizes = [1], strides = [1]} : vector<16xf32> to vector<1xf32>
    %squeeze3A = vector.extract %slice3A[0] : f32 from vector<1xf32>
    %slice3A_6 = vector.extract_strided_slice %get3A_3 {offsets = [1], sizes = [1], strides = [1]} : vector<16xf32> to vector<1xf32>
    %squeeze3A_7 = vector.extract %slice3A_6[0] : f32 from vector<1xf32>
    %slice3A_8 = vector.extract_strided_slice %get3A_3 {offsets = [2], sizes = [1], strides = [1]} : vector<16xf32> to vector<1xf32>
    %squeeze3A_9 = vector.extract %slice3A_8[0] : f32 from vector<1xf32>
    %slice3A_10 = vector.extract_strided_slice %get3A_3 {offsets = [3], sizes = [1], strides = [1]} : vector<16xf32> to vector<1xf32>
    %squeeze3A_11 = vector.extract %slice3A_10[0] : f32 from vector<1xf32>
    %slice3A_12 = vector.extract_strided_slice %get3A_3 {offsets = [4], sizes = [1], strides = [1]} : vector<16xf32> to vector<1xf32>
    %squeeze3A_13 = vector.extract %slice3A_12[0] : f32 from vector<1xf32>
    %slice3A_14 = vector.extract_strided_slice %get3A_3 {offsets = [5], sizes = [1], strides = [1]} : vector<16xf32> to vector<1xf32>
    %squeeze3A_15 = vector.extract %slice3A_14[0] : f32 from vector<1xf32>
    %slice3A_16 = vector.extract_strided_slice %get3A_3 {offsets = [6], sizes = [1], strides = [1]} : vector<16xf32> to vector<1xf32>
    %squeeze3A_17 = vector.extract %slice3A_16[0] : f32 from vector<1xf32>
    %slice3A_18 = vector.extract_strided_slice %get3A_3 {offsets = [7], sizes = [1], strides = [1]} : vector<16xf32> to vector<1xf32>
    %squeeze3A_19 = vector.extract %slice3A_18[0] : f32 from vector<1xf32>
    %slice3A_20 = vector.extract_strided_slice %get3A_3 {offsets = [8], sizes = [1], strides = [1]} : vector<16xf32> to vector<1xf32>
    %squeeze3A_21 = vector.extract %slice3A_20[0] : f32 from vector<1xf32>
    %slice3A_22 = vector.extract_strided_slice %get3A_3 {offsets = [9], sizes = [1], strides = [1]} : vector<16xf32> to vector<1xf32>
    %squeeze3A_23 = vector.extract %slice3A_22[0] : f32 from vector<1xf32>
    %slice3A_24 = vector.extract_strided_slice %get3A_3 {offsets = [10], sizes = [1], strides = [1]} : vector<16xf32> to vector<1xf32>
    %squeeze3A_25 = vector.extract %slice3A_24[0] : f32 from vector<1xf32>
    %slice3A_26 = vector.extract_strided_slice %get3A_3 {offsets = [11], sizes = [1], strides = [1]} : vector<16xf32> to vector<1xf32>
    %squeeze3A_27 = vector.extract %slice3A_26[0] : f32 from vector<1xf32>
    %slice3A_28 = vector.extract_strided_slice %get3A_3 {offsets = [12], sizes = [1], strides = [1]} : vector<16xf32> to vector<1xf32>
    %squeeze3A_29 = vector.extract %slice3A_28[0] : f32 from vector<1xf32>
    %slice3A_30 = vector.extract_strided_slice %get3A_3 {offsets = [13], sizes = [1], strides = [1]} : vector<16xf32> to vector<1xf32>
    %squeeze3A_31 = vector.extract %slice3A_30[0] : f32 from vector<1xf32>
    %slice3A_32 = vector.extract_strided_slice %get3A_3 {offsets = [14], sizes = [1], strides = [1]} : vector<16xf32> to vector<1xf32>
    %squeeze3A_33 = vector.extract %slice3A_32[0] : f32 from vector<1xf32>
    %slice3A_34 = vector.extract_strided_slice %get3A_5 {offsets = [0], sizes = [1], strides = [1]} : vector<16xf32> to vector<1xf32>
    %squeeze3A_35 = vector.extract %slice3A_34[0] : f32 from vector<1xf32>
    %slice3A_36 = vector.extract_strided_slice %get3A_5 {offsets = [1], sizes = [1], strides = [1]} : vector<16xf32> to vector<1xf32>
    %squeeze3A_37 = vector.extract %slice3A_36[0] : f32 from vector<1xf32>
    %slice3A_38 = vector.extract_strided_slice %get3A_5 {offsets = [2], sizes = [1], strides = [1]} : vector<16xf32> to vector<1xf32>
    %squeeze3A_39 = vector.extract %slice3A_38[0] : f32 from vector<1xf32>
    %slice3A_40 = vector.extract_strided_slice %get3A_5 {offsets = [3], sizes = [1], strides = [1]} : vector<16xf32> to vector<1xf32>
    %squeeze3A_41 = vector.extract %slice3A_40[0] : f32 from vector<1xf32>
    %slice3A_42 = vector.extract_strided_slice %get3A_5 {offsets = [4], sizes = [1], strides = [1]} : vector<16xf32> to vector<1xf32>
    %squeeze3A_43 = vector.extract %slice3A_42[0] : f32 from vector<1xf32>
    %slice3A_44 = vector.extract_strided_slice %get3A_5 {offsets = [5], sizes = [1], strides = [1]} : vector<16xf32> to vector<1xf32>
    %squeeze3A_45 = vector.extract %slice3A_44[0] : f32 from vector<1xf32>
    %slice3A_46 = vector.extract_strided_slice %get3A_5 {offsets = [6], sizes = [1], strides = [1]} : vector<16xf32> to vector<1xf32>
    %squeeze3A_47 = vector.extract %slice3A_46[0] : f32 from vector<1xf32>
    %slice3A_48 = vector.extract_strided_slice %get3A_5 {offsets = [7], sizes = [1], strides = [1]} : vector<16xf32> to vector<1xf32>
    %squeeze3A_49 = vector.extract %slice3A_48[0] : f32 from vector<1xf32>
    %slice3A_50 = vector.extract_strided_slice %get3A_5 {offsets = [8], sizes = [1], strides = [1]} : vector<16xf32> to vector<1xf32>
    %squeeze3A_51 = vector.extract %slice3A_50[0] : f32 from vector<1xf32>
    %slice3A_52 = vector.extract_strided_slice %get3A_5 {offsets = [9], sizes = [1], strides = [1]} : vector<16xf32> to vector<1xf32>
    %squeeze3A_53 = vector.extract %slice3A_52[0] : f32 from vector<1xf32>
    %slice3A_54 = vector.extract_strided_slice %get3A_5 {offsets = [10], sizes = [1], strides = [1]} : vector<16xf32> to vector<1xf32>
    %squeeze3A_55 = vector.extract %slice3A_54[0] : f32 from vector<1xf32>
    %slice3A_56 = vector.extract_strided_slice %get3A_5 {offsets = [11], sizes = [1], strides = [1]} : vector<16xf32> to vector<1xf32>
    %squeeze3A_57 = vector.extract %slice3A_56[0] : f32 from vector<1xf32>
    %slice3A_58 = vector.extract_strided_slice %get3A_5 {offsets = [12], sizes = [1], strides = [1]} : vector<16xf32> to vector<1xf32>
    %squeeze3A_59 = vector.extract %slice3A_58[0] : f32 from vector<1xf32>
    %slice3A_60 = vector.extract_strided_slice %get3A_5 {offsets = [13], sizes = [1], strides = [1]} : vector<16xf32> to vector<1xf32>
    %squeeze3A_61 = vector.extract %slice3A_60[0] : f32 from vector<1xf32>
    %slice3A_62 = vector.extract_strided_slice %get3A_5 {offsets = [14], sizes = [1], strides = [1]} : vector<16xf32> to vector<1xf32>
    %squeeze3A_63 = vector.extract %slice3A_62[0] : f32 from vector<1xf32>
    %iota3A = tpu.iota {dimensions = array<i32: 0>} : vector<16xi32>
    %broadcast_in_dim3A = arith.constant 1.000000e+00 : f32
    %broadcast_in_dim3A_64 = vector.broadcast %broadcast_in_dim3A : f32 to vector<16xf32>
    %broadcast_in_dim3A_65 = arith.constant 0.000000e+00 : f32
    %broadcast_in_dim3A_66 = vector.broadcast %broadcast_in_dim3A_65 : f32 to vector<16xf32>
    %broadcast_in_dim3A_67 = arith.constant 0 : i32
    %broadcast_in_dim3A_68 = vector.broadcast %broadcast_in_dim3A_67 : i32 to vector<16xi32>
    %swap3A = arith.constant 0 : index
    %swap3A_69 = tpu.vector_load %arg12[%swap3A] {strides = array<i32>} : memref<128xi32, #tpu.memory_space<vmem>>, vector<16xi32>,
    tpu.vector_store %arg12[%swap3A], %broadcast_in_dim3A_68 {strides = array<i32>} : memref<128xi32, #tpu.memory_space<vmem>>, vector<16xi32>,
    %swap3A_70 = arith.constant 0 : index
    %swap3A_71 = tpu.vector_load %arg13[%swap3A_70] {strides = array<i32>} : memref<128xi32, #tpu.memory_space<vmem>>, vector<16xi32>,
    tpu.vector_store %arg13[%swap3A_70], %broadcast_in_dim3A_68 {strides = array<i32>} : memref<128xi32, #tpu.memory_space<vmem>>, vector<16xi32>,
    %swap3A_72 = arith.constant 16 : index
    %swap3A_73 = tpu.vector_load %arg12[%swap3A_72] {strides = array<i32>} : memref<128xi32, #tpu.memory_space<vmem>>, vector<16xi32>,
    tpu.vector_store %arg12[%swap3A_72], %broadcast_in_dim3A_68 {strides = array<i32>} : memref<128xi32, #tpu.memory_space<vmem>>, vector<16xi32>,
    %swap3A_74 = arith.constant 16 : index
    %swap3A_75 = tpu.vector_load %arg13[%swap3A_74] {strides = array<i32>} : memref<128xi32, #tpu.memory_space<vmem>>, vector<16xi32>,
    tpu.vector_store %arg13[%swap3A_74], %broadcast_in_dim3A_68 {strides = array<i32>} : memref<128xi32, #tpu.memory_space<vmem>>, vector<16xi32>,
    %swap3A_76 = arith.constant 32 : index
    %swap3A_77 = tpu.vector_load %arg12[%swap3A_76] {strides = array<i32>} : memref<128xi32, #tpu.memory_space<vmem>>, vector<16xi32>,
    tpu.vector_store %arg12[%swap3A_76], %broadcast_in_dim3A_68 {strides = array<i32>} : memref<128xi32, #tpu.memory_space<vmem>>, vector<16xi32>,
    %swap3A_78 = arith.constant 32 : index
    %swap3A_79 = tpu.vector_load %arg13[%swap3A_78] {strides = array<i32>} : memref<128xi32, #tpu.memory_space<vmem>>, vector<16xi32>,
    tpu.vector_store %arg13[%swap3A_78], %broadcast_in_dim3A_68 {strides = array<i32>} : memref<128xi32, #tpu.memory_space<vmem>>, vector<16xi32>,
    %swap3A_80 = arith.constant 48 : index
    %swap3A_81 = tpu.vector_load %arg12[%swap3A_80] {strides = array<i32>} : memref<128xi32, #tpu.memory_space<vmem>>, vector<16xi32>,
    tpu.vector_store %arg12[%swap3A_80], %broadcast_in_dim3A_68 {strides = array<i32>} : memref<128xi32, #tpu.memory_space<vmem>>, vector<16xi32>,
    %swap3A_82 = arith.constant 48 : index
    %swap3A_83 = tpu.vector_load %arg13[%swap3A_82] {strides = array<i32>} : memref<128xi32, #tpu.memory_space<vmem>>, vector<16xi32>,
    tpu.vector_store %arg13[%swap3A_82], %broadcast_in_dim3A_68 {strides = array<i32>} : memref<128xi32, #tpu.memory_space<vmem>>, vector<16xi32>,
    %swap3A_84 = arith.constant 64 : index
    %swap3A_85 = tpu.vector_load %arg12[%swap3A_84] {strides = array<i32>} : memref<128xi32, #tpu.memory_space<vmem>>, vector<16xi32>,
    tpu.vector_store %arg12[%swap3A_84], %broadcast_in_dim3A_68 {strides = array<i32>} : memref<128xi32, #tpu.memory_space<vmem>>, vector<16xi32>,
    %swap3A_86 = arith.constant 64 : index
    %swap3A_87 = tpu.vector_load %arg13[%swap3A_86] {strides = array<i32>} : memref<128xi32, #tpu.memory_space<vmem>>, vector<16xi32>,
    tpu.vector_store %arg13[%swap3A_86], %broadcast_in_dim3A_68 {strides = array<i32>} : memref<128xi32, #tpu.memory_space<vmem>>, vector<16xi32>,
    %swap3A_88 = arith.constant 80 : index
    %swap3A_89 = tpu.vector_load %arg12[%swap3A_88] {strides = array<i32>} : memref<128xi32, #tpu.memory_space<vmem>>, vector<16xi32>,
    tpu.vector_store %arg12[%swap3A_88], %broadcast_in_dim3A_68 {strides = array<i32>} : memref<128xi32, #tpu.memory_space<vmem>>, vector<16xi32>,
    %swap3A_90 = arith.constant 80 : index
    %swap3A_91 = tpu.vector_load %arg13[%swap3A_90] {strides = array<i32>} : memref<128xi32, #tpu.memory_space<vmem>>, vector<16xi32>,
    tpu.vector_store %arg13[%swap3A_90], %broadcast_in_dim3A_68 {strides = array<i32>} : memref<128xi32, #tpu.memory_space<vmem>>, vector<16xi32>,
    %swap3A_92 = arith.constant 96 : index
    %swap3A_93 = tpu.vector_load %arg12[%swap3A_92] {strides = array<i32>} : memref<128xi32, #tpu.memory_space<vmem>>, vector<16xi32>,
    tpu.vector_store %arg12[%swap3A_92], %broadcast_in_dim3A_68 {strides = array<i32>} : memref<128xi32, #tpu.memory_space<vmem>>, vector<16xi32>,
    %swap3A_94 = arith.constant 96 : index
    %swap3A_95 = tpu.vector_load %arg13[%swap3A_94] {strides = array<i32>} : memref<128xi32, #tpu.memory_space<vmem>>, vector<16xi32>,
    tpu.vector_store %arg13[%swap3A_94], %broadcast_in_dim3A_68 {strides = array<i32>} : memref<128xi32, #tpu.memory_space<vmem>>, vector<16xi32>,
    %swap3A_96 = arith.constant 112 : index
    %swap3A_97 = tpu.vector_load %arg12[%swap3A_96] {strides = array<i32>} : memref<128xi32, #tpu.memory_space<vmem>>, vector<16xi32>,
    tpu.vector_store %arg12[%swap3A_96], %broadcast_in_dim3A_68 {strides = array<i32>} : memref<128xi32, #tpu.memory_space<vmem>>, vector<16xi32>,
    %swap3A_98 = arith.constant 112 : index
    %swap3A_99 = tpu.vector_load %arg13[%swap3A_98] {strides = array<i32>} : memref<128xi32, #tpu.memory_space<vmem>>, vector<16xi32>,
    tpu.vector_store %arg13[%swap3A_98], %broadcast_in_dim3A_68 {strides = array<i32>} : memref<128xi32, #tpu.memory_space<vmem>>, vector<16xi32>,
    %scan3A = arith.constant 0 : i32
    %scan3A_100 = arith.constant 0 : i32
    %scan3A_101 = arith.constant 3 : i32
    %scan3A_102 = arith.addi %scan3A_100, %scan3A_101 : i32
    %scan3A_103 = arith.constant 1 : i32
    scf.for %scan3A_116 = %scan3A_100 to %scan3A_102 step %scan3A_103  : i32 {
      %mul3A_117 = arith.constant 2 : i32
      %mul3A_118 = arith.muli %mul3A_117, %scan3A_116 : i32
      %mul3A_119 = arith.constant 128 : i32
      %mul3A_120 = arith.muli %mul3A_118, %mul3A_119 : i32
      %add3A_121 = arith.addi %mul3A_2, %mul3A_120 : i32
      %gt3A = arith.constant 0 : i32
      %gt3A_122 = arith.cmpi sgt, %scan3A_116, %gt3A : i32
      %convert_element_type3A = arith.extui %gt3A_122 : i1 to i32
      %cond3A = arith.constant 0 : i32
      %cond3A_123 = arith.cmpi ne, %convert_element_type3A, %cond3A : i32
      scf.if %cond3A_123 {
        %dma_wait3A_2479 = arith.constant 0 : i32
        %dma_wait3A_2480 = tpu.memref_slice %arg6[%add3A_121, %dma_wait3A_2479] : memref<24576x256xf32, #tpu.memory_space<hbm>> -> memref<128x256xf32, #tpu.memory_space<hbm>>
        %dma_wait3A_2481 = arith.constant 0 : i32
        %dma_wait3A_2482 = tpu.memref_slice %arg6[%add3A_121, %dma_wait3A_2481] : memref<24576x256xf32, #tpu.memory_space<hbm>> -> memref<128x256xf32, #tpu.memory_space<hbm>>
        tpu.wait_dma2 semaphore(%arg14 : memref<!tpu.dma_semaphore, #tpu.memory_space<semaphore_mem>>) src(%arg10 : memref<128x256xf32, #tpu.memory_space<vmem>>) dst(%dma_wait3A_2482 : memref<128x256xf32, #tpu.memory_space<hbm>>)
      } else {
      }
      %add3A_124 = arith.constant 0 : i32
      %add3A_125 = vector.broadcast %add3A_124 : i32 to vector<16xi32>
      %add3A_126 = arith.addi %iota3A, %add3A_125 : vector<16xi32>
      %get3A_127 = arith.constant 0 : index
      %get3A_128 = tpu.vector_load %arg12[%get3A_127] {strides = array<i32>} : memref<128xi32, #tpu.memory_space<vmem>>, vector<16xi32>,
      tpu.vector_store_idx %arg10[%add3A_126, %get3A_128], %broadcast_in_dim3A_66 : memref<128x256xf32, #tpu.memory_space<vmem>>[vector<16xi32>, vector<16xi32>], vector<16xf32>,
      %add3A_129 = arith.constant 16 : i32
      %add3A_130 = vector.broadcast %add3A_129 : i32 to vector<16xi32>
      %add3A_131 = arith.addi %iota3A, %add3A_130 : vector<16xi32>
      %get3A_132 = arith.constant 16 : index
      %get3A_133 = tpu.vector_load %arg12[%get3A_132] {strides = array<i32>} : memref<128xi32, #tpu.memory_space<vmem>>, vector<16xi32>,
      tpu.vector_store_idx %arg10[%add3A_131, %get3A_133], %broadcast_in_dim3A_66 : memref<128x256xf32, #tpu.memory_space<vmem>>[vector<16xi32>, vector<16xi32>], vector<16xf32>,
      %add3A_134 = arith.constant 32 : i32
      %add3A_135 = vector.broadcast %add3A_134 : i32 to vector<16xi32>
      %add3A_136 = arith.addi %iota3A, %add3A_135 : vector<16xi32>
      %get3A_137 = arith.constant 32 : index
      %get3A_138 = tpu.vector_load %arg12[%get3A_137] {strides = array<i32>} : memref<128xi32, #tpu.memory_space<vmem>>, vector<16xi32>,
      tpu.vector_store_idx %arg10[%add3A_136, %get3A_138], %broadcast_in_dim3A_66 : memref<128x256xf32, #tpu.memory_space<vmem>>[vector<16xi32>, vector<16xi32>], vector<16xf32>,
      %add3A_139 = arith.constant 48 : i32
      %add3A_140 = vector.broadcast %add3A_139 : i32 to vector<16xi32>
      %add3A_141 = arith.addi %iota3A, %add3A_140 : vector<16xi32>
      %get3A_142 = arith.constant 48 : index
      %get3A_143 = tpu.vector_load %arg12[%get3A_142] {strides = array<i32>} : memref<128xi32, #tpu.memory_space<vmem>>, vector<16xi32>,
      tpu.vector_store_idx %arg10[%add3A_141, %get3A_143], %broadcast_in_dim3A_66 : memref<128x256xf32, #tpu.memory_space<vmem>>[vector<16xi32>, vector<16xi32>], vector<16xf32>,
      %add3A_144 = arith.constant 64 : i32
      %add3A_145 = vector.broadcast %add3A_144 : i32 to vector<16xi32>
      %add3A_146 = arith.addi %iota3A, %add3A_145 : vector<16xi32>
      %get3A_147 = arith.constant 64 : index
      %get3A_148 = tpu.vector_load %arg12[%get3A_147] {strides = array<i32>} : memref<128xi32, #tpu.memory_space<vmem>>, vector<16xi32>,
      tpu.vector_store_idx %arg10[%add3A_146, %get3A_148], %broadcast_in_dim3A_66 : memref<128x256xf32, #tpu.memory_space<vmem>>[vector<16xi32>, vector<16xi32>], vector<16xf32>,
      %add3A_149 = arith.constant 80 : i32
      %add3A_150 = vector.broadcast %add3A_149 : i32 to vector<16xi32>
      %add3A_151 = arith.addi %iota3A, %add3A_150 : vector<16xi32>
      %get3A_152 = arith.constant 80 : index
      %get3A_153 = tpu.vector_load %arg12[%get3A_152] {strides = array<i32>} : memref<128xi32, #tpu.memory_space<vmem>>, vector<16xi32>,
      tpu.vector_store_idx %arg10[%add3A_151, %get3A_153], %broadcast_in_dim3A_66 : memref<128x256xf32, #tpu.memory_space<vmem>>[vector<16xi32>, vector<16xi32>], vector<16xf32>,
      %add3A_154 = arith.constant 96 : i32
      %add3A_155 = vector.broadcast %add3A_154 : i32 to vector<16xi32>
      %add3A_156 = arith.addi %iota3A, %add3A_155 : vector<16xi32>
      %get3A_157 = arith.constant 96 : index
      %get3A_158 = tpu.vector_load %arg12[%get3A_157] {strides = array<i32>} : memref<128xi32, #tpu.memory_space<vmem>>, vector<16xi32>,
      tpu.vector_store_idx %arg10[%add3A_156, %get3A_158], %broadcast_in_dim3A_66 : memref<128x256xf32, #tpu.memory_space<vmem>>[vector<16xi32>, vector<16xi32>], vector<16xf32>,
      %add3A_159 = arith.constant 112 : i32
      %add3A_160 = vector.broadcast %add3A_159 : i32 to vector<16xi32>
      %add3A_161 = arith.addi %iota3A, %add3A_160 : vector<16xi32>
      %get3A_162 = arith.constant 112 : index
      %get3A_163 = tpu.vector_load %arg12[%get3A_162] {strides = array<i32>} : memref<128xi32, #tpu.memory_space<vmem>>, vector<16xi32>,
      tpu.vector_store_idx %arg10[%add3A_161, %get3A_163], %broadcast_in_dim3A_66 : memref<128x256xf32, #tpu.memory_space<vmem>>[vector<16xi32>, vector<16xi32>], vector<16xf32>,
      %mul3A_164 = arith.constant 128 : i32
      %mul3A_165 = arith.muli %mul3A_118, %mul3A_164 : i32
      %add3A_166 = arith.constant 0 : i32
      %add3A_167 = arith.addi %mul3A_165, %add3A_166 : i32
      %get3A_168 = arith.index_cast %add3A_167 : i32 to index
      %get3A_169 = tpu.vector_load %arg7[%get3A_168] {strides = array<i32>} : memref<768xf32, #tpu.memory_space<vmem>>, vector<16xf32>,
      %get3A_170 = arith.index_cast %add3A_167 : i32 to index
      %get3A_171 = tpu.vector_load %arg8[%get3A_170] {strides = array<i32>} : memref<768xf32, #tpu.memory_space<vmem>>, vector<16xf32>,
      %broadcast_in_dim3A_172 = arith.constant 0 : i32
      %broadcast_in_dim3A_173 = vector.broadcast %broadcast_in_dim3A_172 : i32 to vector<16xi32>
      %broadcast_in_dim3A_174 = arith.constant 0 : i32
      %broadcast_in_dim3A_175 = vector.broadcast %broadcast_in_dim3A_174 : i32 to vector<16xi32>
      %gt3A_176 = vector.broadcast %squeeze3A : f32 to vector<16xf32>
      %gt3A_177 = arith.cmpf ogt, %get3A_169, %gt3A_176 : vector<16xf32>
      %convert_element_type3A_178 = arith.extui %gt3A_177 : vector<16xi1> to vector<16xi32>
      %add3A_179 = arith.addi %broadcast_in_dim3A_173, %convert_element_type3A_178 : vector<16xi32>
      %gt3A_180 = vector.broadcast %squeeze3A_35 : f32 to vector<16xf32>
      %gt3A_181 = arith.cmpf ogt, %get3A_171, %gt3A_180 : vector<16xf32>
      %convert_element_type3A_182 = arith.extui %gt3A_181 : vector<16xi1> to vector<16xi32>
      %add3A_183 = arith.addi %broadcast_in_dim3A_175, %convert_element_type3A_182 : vector<16xi32>
      %gt3A_184 = vector.broadcast %squeeze3A_7 : f32 to vector<16xf32>
      %gt3A_185 = arith.cmpf ogt, %get3A_169, %gt3A_184 : vector<16xf32>
      %convert_element_type3A_186 = arith.extui %gt3A_185 : vector<16xi1> to vector<16xi32>
      %add3A_187 = arith.addi %add3A_179, %convert_element_type3A_186 : vector<16xi32>
      %gt3A_188 = vector.broadcast %squeeze3A_37 : f32 to vector<16xf32>
      %gt3A_189 = arith.cmpf ogt, %get3A_171, %gt3A_188 : vector<16xf32>
      %convert_element_type3A_190 = arith.extui %gt3A_189 : vector<16xi1> to vector<16xi32>
      %add3A_191 = arith.addi %add3A_183, %convert_element_type3A_190 : vector<16xi32>
      %gt3A_192 = vector.broadcast %squeeze3A_9 : f32 to vector<16xf32>
      %gt3A_193 = arith.cmpf ogt, %get3A_169, %gt3A_192 : vector<16xf32>
      %convert_element_type3A_194 = arith.extui %gt3A_193 : vector<16xi1> to vector<16xi32>
      %add3A_195 = arith.addi %add3A_187, %convert_element_type3A_194 : vector<16xi32>
      %gt3A_196 = vector.broadcast %squeeze3A_39 : f32 to vector<16xf32>
      %gt3A_197 = arith.cmpf ogt, %get3A_171, %gt3A_196 : vector<16xf32>
      %convert_element_type3A_198 = arith.extui %gt3A_197 : vector<16xi1> to vector<16xi32>
      %add3A_199 = arith.addi %add3A_191, %convert_element_type3A_198 : vector<16xi32>
      %gt3A_200 = vector.broadcast %squeeze3A_11 : f32 to vector<16xf32>
      %gt3A_201 = arith.cmpf ogt, %get3A_169, %gt3A_200 : vector<16xf32>
      %convert_element_type3A_202 = arith.extui %gt3A_201 : vector<16xi1> to vector<16xi32>
      %add3A_203 = arith.addi %add3A_195, %convert_element_type3A_202 : vector<16xi32>
      %gt3A_204 = vector.broadcast %squeeze3A_41 : f32 to vector<16xf32>
      %gt3A_205 = arith.cmpf ogt, %get3A_171, %gt3A_204 : vector<16xf32>
      %convert_element_type3A_206 = arith.extui %gt3A_205 : vector<16xi1> to vector<16xi32>
      %add3A_207 = arith.addi %add3A_199, %convert_element_type3A_206 : vector<16xi32>
      %gt3A_208 = vector.broadcast %squeeze3A_13 : f32 to vector<16xf32>
      %gt3A_209 = arith.cmpf ogt, %get3A_169, %gt3A_208 : vector<16xf32>
      %convert_element_type3A_210 = arith.extui %gt3A_209 : vector<16xi1> to vector<16xi32>
      %add3A_211 = arith.addi %add3A_203, %convert_element_type3A_210 : vector<16xi32>
      %gt3A_212 = vector.broadcast %squeeze3A_43 : f32 to vector<16xf32>
      %gt3A_213 = arith.cmpf ogt, %get3A_171, %gt3A_212 : vector<16xf32>
      %convert_element_type3A_214 = arith.extui %gt3A_213 : vector<16xi1> to vector<16xi32>
      %add3A_215 = arith.addi %add3A_207, %convert_element_type3A_214 : vector<16xi32>
      %gt3A_216 = vector.broadcast %squeeze3A_15 : f32 to vector<16xf32>
      %gt3A_217 = arith.cmpf ogt, %get3A_169, %gt3A_216 : vector<16xf32>
      %convert_element_type3A_218 = arith.extui %gt3A_217 : vector<16xi1> to vector<16xi32>
      %add3A_219 = arith.addi %add3A_211, %convert_element_type3A_218 : vector<16xi32>
      %gt3A_220 = vector.broadcast %squeeze3A_45 : f32 to vector<16xf32>
      %gt3A_221 = arith.cmpf ogt, %get3A_171, %gt3A_220 : vector<16xf32>
      %convert_element_type3A_222 = arith.extui %gt3A_221 : vector<16xi1> to vector<16xi32>
      %add3A_223 = arith.addi %add3A_215, %convert_element_type3A_222 : vector<16xi32>
      %gt3A_224 = vector.broadcast %squeeze3A_17 : f32 to vector<16xf32>
      %gt3A_225 = arith.cmpf ogt, %get3A_169, %gt3A_224 : vector<16xf32>
      %convert_element_type3A_226 = arith.extui %gt3A_225 : vector<16xi1> to vector<16xi32>
      %add3A_227 = arith.addi %add3A_219, %convert_element_type3A_226 : vector<16xi32>
      %gt3A_228 = vector.broadcast %squeeze3A_47 : f32 to vector<16xf32>
      %gt3A_229 = arith.cmpf ogt, %get3A_171, %gt3A_228 : vector<16xf32>
      %convert_element_type3A_230 = arith.extui %gt3A_229 : vector<16xi1> to vector<16xi32>
      %add3A_231 = arith.addi %add3A_223, %convert_element_type3A_230 : vector<16xi32>
      %gt3A_232 = vector.broadcast %squeeze3A_19 : f32 to vector<16xf32>
      %gt3A_233 = arith.cmpf ogt, %get3A_169, %gt3A_232 : vector<16xf32>
      %convert_element_type3A_234 = arith.extui %gt3A_233 : vector<16xi1> to vector<16xi32>
      %add3A_235 = arith.addi %add3A_227, %convert_element_type3A_234 : vector<16xi32>
      %gt3A_236 = vector.broadcast %squeeze3A_49 : f32 to vector<16xf32>
      %gt3A_237 = arith.cmpf ogt, %get3A_171, %gt3A_236 : vector<16xf32>
      %convert_element_type3A_238 = arith.extui %gt3A_237 : vector<16xi1> to vector<16xi32>
      %add3A_239 = arith.addi %add3A_231, %convert_element_type3A_238 : vector<16xi32>
      %gt3A_240 = vector.broadcast %squeeze3A_21 : f32 to vector<16xf32>
      %gt3A_241 = arith.cmpf ogt, %get3A_169, %gt3A_240 : vector<16xf32>
      %convert_element_type3A_242 = arith.extui %gt3A_241 : vector<16xi1> to vector<16xi32>
      %add3A_243 = arith.addi %add3A_235, %convert_element_type3A_242 : vector<16xi32>
      %gt3A_244 = vector.broadcast %squeeze3A_51 : f32 to vector<16xf32>
      %gt3A_245 = arith.cmpf ogt, %get3A_171, %gt3A_244 : vector<16xf32>
      %convert_element_type3A_246 = arith.extui %gt3A_245 : vector<16xi1> to vector<16xi32>
      %add3A_247 = arith.addi %add3A_239, %convert_element_type3A_246 : vector<16xi32>
      %gt3A_248 = vector.broadcast %squeeze3A_23 : f32 to vector<16xf32>
      %gt3A_249 = arith.cmpf ogt, %get3A_169, %gt3A_248 : vector<16xf32>
      %convert_element_type3A_250 = arith.extui %gt3A_249 : vector<16xi1> to vector<16xi32>
      %add3A_251 = arith.addi %add3A_243, %convert_element_type3A_250 : vector<16xi32>
      %gt3A_252 = vector.broadcast %squeeze3A_53 : f32 to vector<16xf32>
      %gt3A_253 = arith.cmpf ogt, %get3A_171, %gt3A_252 : vector<16xf32>
      %convert_element_type3A_254 = arith.extui %gt3A_253 : vector<16xi1> to vector<16xi32>
      %add3A_255 = arith.addi %add3A_247, %convert_element_type3A_254 : vector<16xi32>
      %gt3A_256 = vector.broadcast %squeeze3A_25 : f32 to vector<16xf32>
      %gt3A_257 = arith.cmpf ogt, %get3A_169, %gt3A_256 : vector<16xf32>
      %convert_element_type3A_258 = arith.extui %gt3A_257 : vector<16xi1> to vector<16xi32>
      %add3A_259 = arith.addi %add3A_251, %convert_element_type3A_258 : vector<16xi32>
      %gt3A_260 = vector.broadcast %squeeze3A_55 : f32 to vector<16xf32>
      %gt3A_261 = arith.cmpf ogt, %get3A_171, %gt3A_260 : vector<16xf32>
      %convert_element_type3A_262 = arith.extui %gt3A_261 : vector<16xi1> to vector<16xi32>
      %add3A_263 = arith.addi %add3A_255, %convert_element_type3A_262 : vector<16xi32>
      %gt3A_264 = vector.broadcast %squeeze3A_27 : f32 to vector<16xf32>
      %gt3A_265 = arith.cmpf ogt, %get3A_169, %gt3A_264 : vector<16xf32>
      %convert_element_type3A_266 = arith.extui %gt3A_265 : vector<16xi1> to vector<16xi32>
      %add3A_267 = arith.addi %add3A_259, %convert_element_type3A_266 : vector<16xi32>
      %gt3A_268 = vector.broadcast %squeeze3A_57 : f32 to vector<16xf32>
      %gt3A_269 = arith.cmpf ogt, %get3A_171, %gt3A_268 : vector<16xf32>
      %convert_element_type3A_270 = arith.extui %gt3A_269 : vector<16xi1> to vector<16xi32>
      %add3A_271 = arith.addi %add3A_263, %convert_element_type3A_270 : vector<16xi32>
      %gt3A_272 = vector.broadcast %squeeze3A_29 : f32 to vector<16xf32>
      %gt3A_273 = arith.cmpf ogt, %get3A_169, %gt3A_272 : vector<16xf32>
      %convert_element_type3A_274 = arith.extui %gt3A_273 : vector<16xi1> to vector<16xi32>
      %add3A_275 = arith.addi %add3A_267, %convert_element_type3A_274 : vector<16xi32>
      %gt3A_276 = vector.broadcast %squeeze3A_59 : f32 to vector<16xf32>
      %gt3A_277 = arith.cmpf ogt, %get3A_171, %gt3A_276 : vector<16xf32>
      %convert_element_type3A_278 = arith.extui %gt3A_277 : vector<16xi1> to vector<16xi32>
      %add3A_279 = arith.addi %add3A_271, %convert_element_type3A_278 : vector<16xi32>
      %gt3A_280 = vector.broadcast %squeeze3A_31 : f32 to vector<16xf32>
      %gt3A_281 = arith.cmpf ogt, %get3A_169, %gt3A_280 : vector<16xf32>
      %convert_element_type3A_282 = arith.extui %gt3A_281 : vector<16xi1> to vector<16xi32>
      %add3A_283 = arith.addi %add3A_275, %convert_element_type3A_282 : vector<16xi32>
      %gt3A_284 = vector.broadcast %squeeze3A_61 : f32 to vector<16xf32>
      %gt3A_285 = arith.cmpf ogt, %get3A_171, %gt3A_284 : vector<16xf32>
      %convert_element_type3A_286 = arith.extui %gt3A_285 : vector<16xi1> to vector<16xi32>
      %add3A_287 = arith.addi %add3A_279, %convert_element_type3A_286 : vector<16xi32>
      %gt3A_288 = vector.broadcast %squeeze3A_33 : f32 to vector<16xf32>
      %gt3A_289 = arith.cmpf ogt, %get3A_169, %gt3A_288 : vector<16xf32>
      %convert_element_type3A_290 = arith.extui %gt3A_289 : vector<16xi1> to vector<16xi32>
      %add3A_291 = arith.addi %add3A_283, %convert_element_type3A_290 : vector<16xi32>
      %gt3A_292 = vector.broadcast %squeeze3A_63 : f32 to vector<16xf32>
      %gt3A_293 = arith.cmpf ogt, %get3A_171, %gt3A_292 : vector<16xf32>
      %convert_element_type3A_294 = arith.extui %gt3A_293 : vector<16xi1> to vector<16xi32>
      %add3A_295 = arith.addi %add3A_287, %convert_element_type3A_294 : vector<16xi32>
      %mul3A_296 = arith.constant 16 : i32
      %mul3A_297 = vector.broadcast %mul3A_296 : i32 to vector<16xi32>
      %mul3A_298 = arith.muli %add3A_291, %mul3A_297 : vector<16xi32>
      %add3A_299 = arith.addi %mul3A_298, %add3A_295 : vector<16xi32>
      %add3A_300 = arith.constant 0 : i32
      %add3A_301 = vector.broadcast %add3A_300 : i32 to vector<16xi32>
      %add3A_302 = arith.addi %iota3A, %add3A_301 : vector<16xi32>
      tpu.vector_store_idx %arg10[%add3A_302, %add3A_299], %broadcast_in_dim3A_64 : memref<128x256xf32, #tpu.memory_space<vmem>>[vector<16xi32>, vector<16xi32>], vector<16xf32>,
      %swap3A_303 = arith.constant 0 : index
      %swap3A_304 = tpu.vector_load %arg12[%swap3A_303] {strides = array<i32>} : memref<128xi32, #tpu.memory_space<vmem>>, vector<16xi32>,
      tpu.vector_store %arg12[%swap3A_303], %add3A_299 {strides = array<i32>} : memref<128xi32, #tpu.memory_space<vmem>>, vector<16xi32>,
      %mul3A_305 = arith.constant 128 : i32
      %mul3A_306 = arith.muli %mul3A_118, %mul3A_305 : i32
      %add3A_307 = arith.constant 16 : i32
      %add3A_308 = arith.addi %mul3A_306, %add3A_307 : i32
      %get3A_309 = arith.index_cast %add3A_308 : i32 to index
      %get3A_310 = tpu.vector_load %arg7[%get3A_309] {strides = array<i32>} : memref<768xf32, #tpu.memory_space<vmem>>, vector<16xf32>,
      %get3A_311 = arith.index_cast %add3A_308 : i32 to index
      %get3A_312 = tpu.vector_load %arg8[%get3A_311] {strides = array<i32>} : memref<768xf32, #tpu.memory_space<vmem>>, vector<16xf32>,
      %broadcast_in_dim3A_313 = arith.constant 0 : i32
      %broadcast_in_dim3A_314 = vector.broadcast %broadcast_in_dim3A_313 : i32 to vector<16xi32>
      %broadcast_in_dim3A_315 = arith.constant 0 : i32
      %broadcast_in_dim3A_316 = vector.broadcast %broadcast_in_dim3A_315 : i32 to vector<16xi32>
      %gt3A_317 = vector.broadcast %squeeze3A : f32 to vector<16xf32>
      %gt3A_318 = arith.cmpf ogt, %get3A_310, %gt3A_317 : vector<16xf32>
      %convert_element_type3A_319 = arith.extui %gt3A_318 : vector<16xi1> to vector<16xi32>
      %add3A_320 = arith.addi %broadcast_in_dim3A_314, %convert_element_type3A_319 : vector<16xi32>
      %gt3A_321 = vector.broadcast %squeeze3A_35 : f32 to vector<16xf32>
      %gt3A_322 = arith.cmpf ogt, %get3A_312, %gt3A_321 : vector<16xf32>
      %convert_element_type3A_323 = arith.extui %gt3A_322 : vector<16xi1> to vector<16xi32>
      %add3A_324 = arith.addi %broadcast_in_dim3A_316, %convert_element_type3A_323 : vector<16xi32>
      %gt3A_325 = vector.broadcast %squeeze3A_7 : f32 to vector<16xf32>
      %gt3A_326 = arith.cmpf ogt, %get3A_310, %gt3A_325 : vector<16xf32>
      %convert_element_type3A_327 = arith.extui %gt3A_326 : vector<16xi1> to vector<16xi32>
      %add3A_328 = arith.addi %add3A_320, %convert_element_type3A_327 : vector<16xi32>
      %gt3A_329 = vector.broadcast %squeeze3A_37 : f32 to vector<16xf32>
      %gt3A_330 = arith.cmpf ogt, %get3A_312, %gt3A_329 : vector<16xf32>
      %convert_element_type3A_331 = arith.extui %gt3A_330 : vector<16xi1> to vector<16xi32>
      %add3A_332 = arith.addi %add3A_324, %convert_element_type3A_331 : vector<16xi32>
      %gt3A_333 = vector.broadcast %squeeze3A_9 : f32 to vector<16xf32>
      %gt3A_334 = arith.cmpf ogt, %get3A_310, %gt3A_333 : vector<16xf32>
      %convert_element_type3A_335 = arith.extui %gt3A_334 : vector<16xi1> to vector<16xi32>
      %add3A_336 = arith.addi %add3A_328, %convert_element_type3A_335 : vector<16xi32>
      %gt3A_337 = vector.broadcast %squeeze3A_39 : f32 to vector<16xf32>
      %gt3A_338 = arith.cmpf ogt, %get3A_312, %gt3A_337 : vector<16xf32>
      %convert_element_type3A_339 = arith.extui %gt3A_338 : vector<16xi1> to vector<16xi32>
      %add3A_340 = arith.addi %add3A_332, %convert_element_type3A_339 : vector<16xi32>
      %gt3A_341 = vector.broadcast %squeeze3A_11 : f32 to vector<16xf32>
      %gt3A_342 = arith.cmpf ogt, %get3A_310, %gt3A_341 : vector<16xf32>
      %convert_element_type3A_343 = arith.extui %gt3A_342 : vector<16xi1> to vector<16xi32>
      %add3A_344 = arith.addi %add3A_336, %convert_element_type3A_343 : vector<16xi32>
      %gt3A_345 = vector.broadcast %squeeze3A_41 : f32 to vector<16xf32>
      %gt3A_346 = arith.cmpf ogt, %get3A_312, %gt3A_345 : vector<16xf32>
      %convert_element_type3A_347 = arith.extui %gt3A_346 : vector<16xi1> to vector<16xi32>
      %add3A_348 = arith.addi %add3A_340, %convert_element_type3A_347 : vector<16xi32>
      %gt3A_349 = vector.broadcast %squeeze3A_13 : f32 to vector<16xf32>
      %gt3A_350 = arith.cmpf ogt, %get3A_310, %gt3A_349 : vector<16xf32>
      %convert_element_type3A_351 = arith.extui %gt3A_350 : vector<16xi1> to vector<16xi32>
      %add3A_352 = arith.addi %add3A_344, %convert_element_type3A_351 : vector<16xi32>
      %gt3A_353 = vector.broadcast %squeeze3A_43 : f32 to vector<16xf32>
      %gt3A_354 = arith.cmpf ogt, %get3A_312, %gt3A_353 : vector<16xf32>
      %convert_element_type3A_355 = arith.extui %gt3A_354 : vector<16xi1> to vector<16xi32>
      %add3A_356 = arith.addi %add3A_348, %convert_element_type3A_355 : vector<16xi32>
      %gt3A_357 = vector.broadcast %squeeze3A_15 : f32 to vector<16xf32>
      %gt3A_358 = arith.cmpf ogt, %get3A_310, %gt3A_357 : vector<16xf32>
      %convert_element_type3A_359 = arith.extui %gt3A_358 : vector<16xi1> to vector<16xi32>
      %add3A_360 = arith.addi %add3A_352, %convert_element_type3A_359 : vector<16xi32>
      %gt3A_361 = vector.broadcast %squeeze3A_45 : f32 to vector<16xf32>
      %gt3A_362 = arith.cmpf ogt, %get3A_312, %gt3A_361 : vector<16xf32>
      %convert_element_type3A_363 = arith.extui %gt3A_362 : vector<16xi1> to vector<16xi32>
      %add3A_364 = arith.addi %add3A_356, %convert_element_type3A_363 : vector<16xi32>
      %gt3A_365 = vector.broadcast %squeeze3A_17 : f32 to vector<16xf32>
      %gt3A_366 = arith.cmpf ogt, %get3A_310, %gt3A_365 : vector<16xf32>
      %convert_element_type3A_367 = arith.extui %gt3A_366 : vector<16xi1> to vector<16xi32>
      %add3A_368 = arith.addi %add3A_360, %convert_element_type3A_367 : vector<16xi32>
      %gt3A_369 = vector.broadcast %squeeze3A_47 : f32 to vector<16xf32>
      %gt3A_370 = arith.cmpf ogt, %get3A_312, %gt3A_369 : vector<16xf32>
      %convert_element_type3A_371 = arith.extui %gt3A_370 : vector<16xi1> to vector<16xi32>
      %add3A_372 = arith.addi %add3A_364, %convert_element_type3A_371 : vector<16xi32>
      %gt3A_373 = vector.broadcast %squeeze3A_19 : f32 to vector<16xf32>
      %gt3A_374 = arith.cmpf ogt, %get3A_310, %gt3A_373 : vector<16xf32>
      %convert_element_type3A_375 = arith.extui %gt3A_374 : vector<16xi1> to vector<16xi32>
      %add3A_376 = arith.addi %add3A_368, %convert_element_type3A_375 : vector<16xi32>
      %gt3A_377 = vector.broadcast %squeeze3A_49 : f32 to vector<16xf32>
      %gt3A_378 = arith.cmpf ogt, %get3A_312, %gt3A_377 : vector<16xf32>
      %convert_element_type3A_379 = arith.extui %gt3A_378 : vector<16xi1> to vector<16xi32>
      %add3A_380 = arith.addi %add3A_372, %convert_element_type3A_379 : vector<16xi32>
      %gt3A_381 = vector.broadcast %squeeze3A_21 : f32 to vector<16xf32>
      %gt3A_382 = arith.cmpf ogt, %get3A_310, %gt3A_381 : vector<16xf32>
      %convert_element_type3A_383 = arith.extui %gt3A_382 : vector<16xi1> to vector<16xi32>
      %add3A_384 = arith.addi %add3A_376, %convert_element_type3A_383 : vector<16xi32>
      %gt3A_385 = vector.broadcast %squeeze3A_51 : f32 to vector<16xf32>
      %gt3A_386 = arith.cmpf ogt, %get3A_312, %gt3A_385 : vector<16xf32>
      %convert_element_type3A_387 = arith.extui %gt3A_386 : vector<16xi1> to vector<16xi32>
      %add3A_388 = arith.addi %add3A_380, %convert_element_type3A_387 : vector<16xi32>
      %gt3A_389 = vector.broadcast %squeeze3A_23 : f32 to vector<16xf32>
      %gt3A_390 = arith.cmpf ogt, %get3A_310, %gt3A_389 : vector<16xf32>
      %convert_element_type3A_391 = arith.extui %gt3A_390 : vector<16xi1> to vector<16xi32>
      %add3A_392 = arith.addi %add3A_384, %convert_element_type3A_391 : vector<16xi32>
      %gt3A_393 = vector.broadcast %squeeze3A_53 : f32 to vector<16xf32>
      %gt3A_394 = arith.cmpf ogt, %get3A_312, %gt3A_393 : vector<16xf32>
      %convert_element_type3A_395 = arith.extui %gt3A_394 : vector<16xi1> to vector<16xi32>
      %add3A_396 = arith.addi %add3A_388, %convert_element_type3A_395 : vector<16xi32>
      %gt3A_397 = vector.broadcast %squeeze3A_25 : f32 to vector<16xf32>
      %gt3A_398 = arith.cmpf ogt, %get3A_310, %gt3A_397 : vector<16xf32>
      %convert_element_type3A_399 = arith.extui %gt3A_398 : vector<16xi1> to vector<16xi32>
      %add3A_400 = arith.addi %add3A_392, %convert_element_type3A_399 : vector<16xi32>
      %gt3A_401 = vector.broadcast %squeeze3A_55 : f32 to vector<16xf32>
      %gt3A_402 = arith.cmpf ogt, %get3A_312, %gt3A_401 : vector<16xf32>
      %convert_element_type3A_403 = arith.extui %gt3A_402 : vector<16xi1> to vector<16xi32>
      %add3A_404 = arith.addi %add3A_396, %convert_element_type3A_403 : vector<16xi32>
      %gt3A_405 = vector.broadcast %squeeze3A_27 : f32 to vector<16xf32>
      %gt3A_406 = arith.cmpf ogt, %get3A_310, %gt3A_405 : vector<16xf32>
      %convert_element_type3A_407 = arith.extui %gt3A_406 : vector<16xi1> to vector<16xi32>
      %add3A_408 = arith.addi %add3A_400, %convert_element_type3A_407 : vector<16xi32>
      %gt3A_409 = vector.broadcast %squeeze3A_57 : f32 to vector<16xf32>
      %gt3A_410 = arith.cmpf ogt, %get3A_312, %gt3A_409 : vector<16xf32>
      %convert_element_type3A_411 = arith.extui %gt3A_410 : vector<16xi1> to vector<16xi32>
      %add3A_412 = arith.addi %add3A_404, %convert_element_type3A_411 : vector<16xi32>
      %gt3A_413 = vector.broadcast %squeeze3A_29 : f32 to vector<16xf32>
      %gt3A_414 = arith.cmpf ogt, %get3A_310, %gt3A_413 : vector<16xf32>
      %convert_element_type3A_415 = arith.extui %gt3A_414 : vector<16xi1> to vector<16xi32>
      %add3A_416 = arith.addi %add3A_408, %convert_element_type3A_415 : vector<16xi32>
      %gt3A_417 = vector.broadcast %squeeze3A_59 : f32 to vector<16xf32>
      %gt3A_418 = arith.cmpf ogt, %get3A_312, %gt3A_417 : vector<16xf32>
      %convert_element_type3A_419 = arith.extui %gt3A_418 : vector<16xi1> to vector<16xi32>
      %add3A_420 = arith.addi %add3A_412, %convert_element_type3A_419 : vector<16xi32>
      %gt3A_421 = vector.broadcast %squeeze3A_31 : f32 to vector<16xf32>
      %gt3A_422 = arith.cmpf ogt, %get3A_310, %gt3A_421 : vector<16xf32>
      %convert_element_type3A_423 = arith.extui %gt3A_422 : vector<16xi1> to vector<16xi32>
      %add3A_424 = arith.addi %add3A_416, %convert_element_type3A_423 : vector<16xi32>
      %gt3A_425 = vector.broadcast %squeeze3A_61 : f32 to vector<16xf32>
      %gt3A_426 = arith.cmpf ogt, %get3A_312, %gt3A_425 : vector<16xf32>
      %convert_element_type3A_427 = arith.extui %gt3A_426 : vector<16xi1> to vector<16xi32>
      %add3A_428 = arith.addi %add3A_420, %convert_element_type3A_427 : vector<16xi32>
      %gt3A_429 = vector.broadcast %squeeze3A_33 : f32 to vector<16xf32>
      %gt3A_430 = arith.cmpf ogt, %get3A_310, %gt3A_429 : vector<16xf32>
      %convert_element_type3A_431 = arith.extui %gt3A_430 : vector<16xi1> to vector<16xi32>
      %add3A_432 = arith.addi %add3A_424, %convert_element_type3A_431 : vector<16xi32>
      %gt3A_433 = vector.broadcast %squeeze3A_63 : f32 to vector<16xf32>
      %gt3A_434 = arith.cmpf ogt, %get3A_312, %gt3A_433 : vector<16xf32>
      %convert_element_type3A_435 = arith.extui %gt3A_434 : vector<16xi1> to vector<16xi32>
      %add3A_436 = arith.addi %add3A_428, %convert_element_type3A_435 : vector<16xi32>
      %mul3A_437 = arith.constant 16 : i32
      %mul3A_438 = vector.broadcast %mul3A_437 : i32 to vector<16xi32>
      %mul3A_439 = arith.muli %add3A_432, %mul3A_438 : vector<16xi32>
      %add3A_440 = arith.addi %mul3A_439, %add3A_436 : vector<16xi32>
      %add3A_441 = arith.constant 16 : i32
      %add3A_442 = vector.broadcast %add3A_441 : i32 to vector<16xi32>
      %add3A_443 = arith.addi %iota3A, %add3A_442 : vector<16xi32>
      tpu.vector_store_idx %arg10[%add3A_443, %add3A_440], %broadcast_in_dim3A_64 : memref<128x256xf32, #tpu.memory_space<vmem>>[vector<16xi32>, vector<16xi32>], vector<16xf32>,
      %swap3A_444 = arith.constant 16 : index
      %swap3A_445 = tpu.vector_load %arg12[%swap3A_444] {strides = array<i32>} : memref<128xi32, #tpu.memory_space<vmem>>, vector<16xi32>,
      tpu.vector_store %arg12[%swap3A_444], %add3A_440 {strides = array<i32>} : memref<128xi32, #tpu.memory_space<vmem>>, vector<16xi32>,
      %mul3A_446 = arith.constant 128 : i32
      %mul3A_447 = arith.muli %mul3A_118, %mul3A_446 : i32
      %add3A_448 = arith.constant 32 : i32
      %add3A_449 = arith.addi %mul3A_447, %add3A_448 : i32
      %get3A_450 = arith.index_cast %add3A_449 : i32 to index
      %get3A_451 = tpu.vector_load %arg7[%get3A_450] {strides = array<i32>} : memref<768xf32, #tpu.memory_space<vmem>>, vector<16xf32>,
      %get3A_452 = arith.index_cast %add3A_449 : i32 to index
      %get3A_453 = tpu.vector_load %arg8[%get3A_452] {strides = array<i32>} : memref<768xf32, #tpu.memory_space<vmem>>, vector<16xf32>,
      %broadcast_in_dim3A_454 = arith.constant 0 : i32
      %broadcast_in_dim3A_455 = vector.broadcast %broadcast_in_dim3A_454 : i32 to vector<16xi32>
      %broadcast_in_dim3A_456 = arith.constant 0 : i32
      %broadcast_in_dim3A_457 = vector.broadcast %broadcast_in_dim3A_456 : i32 to vector<16xi32>
      %gt3A_458 = vector.broadcast %squeeze3A : f32 to vector<16xf32>
      %gt3A_459 = arith.cmpf ogt, %get3A_451, %gt3A_458 : vector<16xf32>
      %convert_element_type3A_460 = arith.extui %gt3A_459 : vector<16xi1> to vector<16xi32>
      %add3A_461 = arith.addi %broadcast_in_dim3A_455, %convert_element_type3A_460 : vector<16xi32>
      %gt3A_462 = vector.broadcast %squeeze3A_35 : f32 to vector<16xf32>
      %gt3A_463 = arith.cmpf ogt, %get3A_453, %gt3A_462 : vector<16xf32>
      %convert_element_type3A_464 = arith.extui %gt3A_463 : vector<16xi1> to vector<16xi32>
      %add3A_465 = arith.addi %broadcast_in_dim3A_457, %convert_element_type3A_464 : vector<16xi32>
      %gt3A_466 = vector.broadcast %squeeze3A_7 : f32 to vector<16xf32>
      %gt3A_467 = arith.cmpf ogt, %get3A_451, %gt3A_466 : vector<16xf32>
      %convert_element_type3A_468 = arith.extui %gt3A_467 : vector<16xi1> to vector<16xi32>
      %add3A_469 = arith.addi %add3A_461, %convert_element_type3A_468 : vector<16xi32>
      %gt3A_470 = vector.broadcast %squeeze3A_37 : f32 to vector<16xf32>
      %gt3A_471 = arith.cmpf ogt, %get3A_453, %gt3A_470 : vector<16xf32>
      %convert_element_type3A_472 = arith.extui %gt3A_471 : vector<16xi1> to vector<16xi32>
      %add3A_473 = arith.addi %add3A_465, %convert_element_type3A_472 : vector<16xi32>
      %gt3A_474 = vector.broadcast %squeeze3A_9 : f32 to vector<16xf32>
      %gt3A_475 = arith.cmpf ogt, %get3A_451, %gt3A_474 : vector<16xf32>
      %convert_element_type3A_476 = arith.extui %gt3A_475 : vector<16xi1> to vector<16xi32>
      %add3A_477 = arith.addi %add3A_469, %convert_element_type3A_476 : vector<16xi32>
      %gt3A_478 = vector.broadcast %squeeze3A_39 : f32 to vector<16xf32>
      %gt3A_479 = arith.cmpf ogt, %get3A_453, %gt3A_478 : vector<16xf32>
      %convert_element_type3A_480 = arith.extui %gt3A_479 : vector<16xi1> to vector<16xi32>
      %add3A_481 = arith.addi %add3A_473, %convert_element_type3A_480 : vector<16xi32>
      %gt3A_482 = vector.broadcast %squeeze3A_11 : f32 to vector<16xf32>
      %gt3A_483 = arith.cmpf ogt, %get3A_451, %gt3A_482 : vector<16xf32>
      %convert_element_type3A_484 = arith.extui %gt3A_483 : vector<16xi1> to vector<16xi32>
      %add3A_485 = arith.addi %add3A_477, %convert_element_type3A_484 : vector<16xi32>
      %gt3A_486 = vector.broadcast %squeeze3A_41 : f32 to vector<16xf32>
      %gt3A_487 = arith.cmpf ogt, %get3A_453, %gt3A_486 : vector<16xf32>
      %convert_element_type3A_488 = arith.extui %gt3A_487 : vector<16xi1> to vector<16xi32>
      %add3A_489 = arith.addi %add3A_481, %convert_element_type3A_488 : vector<16xi32>
      %gt3A_490 = vector.broadcast %squeeze3A_13 : f32 to vector<16xf32>
      %gt3A_491 = arith.cmpf ogt, %get3A_451, %gt3A_490 : vector<16xf32>
      %convert_element_type3A_492 = arith.extui %gt3A_491 : vector<16xi1> to vector<16xi32>
      %add3A_493 = arith.addi %add3A_485, %convert_element_type3A_492 : vector<16xi32>
      %gt3A_494 = vector.broadcast %squeeze3A_43 : f32 to vector<16xf32>
      %gt3A_495 = arith.cmpf ogt, %get3A_453, %gt3A_494 : vector<16xf32>
      %convert_element_type3A_496 = arith.extui %gt3A_495 : vector<16xi1> to vector<16xi32>
      %add3A_497 = arith.addi %add3A_489, %convert_element_type3A_496 : vector<16xi32>
      %gt3A_498 = vector.broadcast %squeeze3A_15 : f32 to vector<16xf32>
      %gt3A_499 = arith.cmpf ogt, %get3A_451, %gt3A_498 : vector<16xf32>
      %convert_element_type3A_500 = arith.extui %gt3A_499 : vector<16xi1> to vector<16xi32>
      %add3A_501 = arith.addi %add3A_493, %convert_element_type3A_500 : vector<16xi32>
      %gt3A_502 = vector.broadcast %squeeze3A_45 : f32 to vector<16xf32>
      %gt3A_503 = arith.cmpf ogt, %get3A_453, %gt3A_502 : vector<16xf32>
      %convert_element_type3A_504 = arith.extui %gt3A_503 : vector<16xi1> to vector<16xi32>
      %add3A_505 = arith.addi %add3A_497, %convert_element_type3A_504 : vector<16xi32>
      %gt3A_506 = vector.broadcast %squeeze3A_17 : f32 to vector<16xf32>
      %gt3A_507 = arith.cmpf ogt, %get3A_451, %gt3A_506 : vector<16xf32>
      %convert_element_type3A_508 = arith.extui %gt3A_507 : vector<16xi1> to vector<16xi32>
      %add3A_509 = arith.addi %add3A_501, %convert_element_type3A_508 : vector<16xi32>
      %gt3A_510 = vector.broadcast %squeeze3A_47 : f32 to vector<16xf32>
      %gt3A_511 = arith.cmpf ogt, %get3A_453, %gt3A_510 : vector<16xf32>
      %convert_element_type3A_512 = arith.extui %gt3A_511 : vector<16xi1> to vector<16xi32>
      %add3A_513 = arith.addi %add3A_505, %convert_element_type3A_512 : vector<16xi32>
      %gt3A_514 = vector.broadcast %squeeze3A_19 : f32 to vector<16xf32>
      %gt3A_515 = arith.cmpf ogt, %get3A_451, %gt3A_514 : vector<16xf32>
      %convert_element_type3A_516 = arith.extui %gt3A_515 : vector<16xi1> to vector<16xi32>
      %add3A_517 = arith.addi %add3A_509, %convert_element_type3A_516 : vector<16xi32>
      %gt3A_518 = vector.broadcast %squeeze3A_49 : f32 to vector<16xf32>
      %gt3A_519 = arith.cmpf ogt, %get3A_453, %gt3A_518 : vector<16xf32>
      %convert_element_type3A_520 = arith.extui %gt3A_519 : vector<16xi1> to vector<16xi32>
      %add3A_521 = arith.addi %add3A_513, %convert_element_type3A_520 : vector<16xi32>
      %gt3A_522 = vector.broadcast %squeeze3A_21 : f32 to vector<16xf32>
      %gt3A_523 = arith.cmpf ogt, %get3A_451, %gt3A_522 : vector<16xf32>
      %convert_element_type3A_524 = arith.extui %gt3A_523 : vector<16xi1> to vector<16xi32>
      %add3A_525 = arith.addi %add3A_517, %convert_element_type3A_524 : vector<16xi32>
      %gt3A_526 = vector.broadcast %squeeze3A_51 : f32 to vector<16xf32>
      %gt3A_527 = arith.cmpf ogt, %get3A_453, %gt3A_526 : vector<16xf32>
      %convert_element_type3A_528 = arith.extui %gt3A_527 : vector<16xi1> to vector<16xi32>
      %add3A_529 = arith.addi %add3A_521, %convert_element_type3A_528 : vector<16xi32>
      %gt3A_530 = vector.broadcast %squeeze3A_23 : f32 to vector<16xf32>
      %gt3A_531 = arith.cmpf ogt, %get3A_451, %gt3A_530 : vector<16xf32>
      %convert_element_type3A_532 = arith.extui %gt3A_531 : vector<16xi1> to vector<16xi32>
      %add3A_533 = arith.addi %add3A_525, %convert_element_type3A_532 : vector<16xi32>
      %gt3A_534 = vector.broadcast %squeeze3A_53 : f32 to vector<16xf32>
      %gt3A_535 = arith.cmpf ogt, %get3A_453, %gt3A_534 : vector<16xf32>
      %convert_element_type3A_536 = arith.extui %gt3A_535 : vector<16xi1> to vector<16xi32>
      %add3A_537 = arith.addi %add3A_529, %convert_element_type3A_536 : vector<16xi32>
      %gt3A_538 = vector.broadcast %squeeze3A_25 : f32 to vector<16xf32>
      %gt3A_539 = arith.cmpf ogt, %get3A_451, %gt3A_538 : vector<16xf32>
      %convert_element_type3A_540 = arith.extui %gt3A_539 : vector<16xi1> to vector<16xi32>
      %add3A_541 = arith.addi %add3A_533, %convert_element_type3A_540 : vector<16xi32>
      %gt3A_542 = vector.broadcast %squeeze3A_55 : f32 to vector<16xf32>
      %gt3A_543 = arith.cmpf ogt, %get3A_453, %gt3A_542 : vector<16xf32>
      %convert_element_type3A_544 = arith.extui %gt3A_543 : vector<16xi1> to vector<16xi32>
      %add3A_545 = arith.addi %add3A_537, %convert_element_type3A_544 : vector<16xi32>
      %gt3A_546 = vector.broadcast %squeeze3A_27 : f32 to vector<16xf32>
      %gt3A_547 = arith.cmpf ogt, %get3A_451, %gt3A_546 : vector<16xf32>
      %convert_element_type3A_548 = arith.extui %gt3A_547 : vector<16xi1> to vector<16xi32>
      %add3A_549 = arith.addi %add3A_541, %convert_element_type3A_548 : vector<16xi32>
      %gt3A_550 = vector.broadcast %squeeze3A_57 : f32 to vector<16xf32>
      %gt3A_551 = arith.cmpf ogt, %get3A_453, %gt3A_550 : vector<16xf32>
      %convert_element_type3A_552 = arith.extui %gt3A_551 : vector<16xi1> to vector<16xi32>
      %add3A_553 = arith.addi %add3A_545, %convert_element_type3A_552 : vector<16xi32>
      %gt3A_554 = vector.broadcast %squeeze3A_29 : f32 to vector<16xf32>
      %gt3A_555 = arith.cmpf ogt, %get3A_451, %gt3A_554 : vector<16xf32>
      %convert_element_type3A_556 = arith.extui %gt3A_555 : vector<16xi1> to vector<16xi32>
      %add3A_557 = arith.addi %add3A_549, %convert_element_type3A_556 : vector<16xi32>
      %gt3A_558 = vector.broadcast %squeeze3A_59 : f32 to vector<16xf32>
      %gt3A_559 = arith.cmpf ogt, %get3A_453, %gt3A_558 : vector<16xf32>
      %convert_element_type3A_560 = arith.extui %gt3A_559 : vector<16xi1> to vector<16xi32>
      %add3A_561 = arith.addi %add3A_553, %convert_element_type3A_560 : vector<16xi32>
      %gt3A_562 = vector.broadcast %squeeze3A_31 : f32 to vector<16xf32>
      %gt3A_563 = arith.cmpf ogt, %get3A_451, %gt3A_562 : vector<16xf32>
      %convert_element_type3A_564 = arith.extui %gt3A_563 : vector<16xi1> to vector<16xi32>
      %add3A_565 = arith.addi %add3A_557, %convert_element_type3A_564 : vector<16xi32>
      %gt3A_566 = vector.broadcast %squeeze3A_61 : f32 to vector<16xf32>
      %gt3A_567 = arith.cmpf ogt, %get3A_453, %gt3A_566 : vector<16xf32>
      %convert_element_type3A_568 = arith.extui %gt3A_567 : vector<16xi1> to vector<16xi32>
      %add3A_569 = arith.addi %add3A_561, %convert_element_type3A_568 : vector<16xi32>
      %gt3A_570 = vector.broadcast %squeeze3A_33 : f32 to vector<16xf32>
      %gt3A_571 = arith.cmpf ogt, %get3A_451, %gt3A_570 : vector<16xf32>
      %convert_element_type3A_572 = arith.extui %gt3A_571 : vector<16xi1> to vector<16xi32>
      %add3A_573 = arith.addi %add3A_565, %convert_element_type3A_572 : vector<16xi32>
      %gt3A_574 = vector.broadcast %squeeze3A_63 : f32 to vector<16xf32>
      %gt3A_575 = arith.cmpf ogt, %get3A_453, %gt3A_574 : vector<16xf32>
      %convert_element_type3A_576 = arith.extui %gt3A_575 : vector<16xi1> to vector<16xi32>
      %add3A_577 = arith.addi %add3A_569, %convert_element_type3A_576 : vector<16xi32>
      %mul3A_578 = arith.constant 16 : i32
      %mul3A_579 = vector.broadcast %mul3A_578 : i32 to vector<16xi32>
      %mul3A_580 = arith.muli %add3A_573, %mul3A_579 : vector<16xi32>
      %add3A_581 = arith.addi %mul3A_580, %add3A_577 : vector<16xi32>
      %add3A_582 = arith.constant 32 : i32
      %add3A_583 = vector.broadcast %add3A_582 : i32 to vector<16xi32>
      %add3A_584 = arith.addi %iota3A, %add3A_583 : vector<16xi32>
      tpu.vector_store_idx %arg10[%add3A_584, %add3A_581], %broadcast_in_dim3A_64 : memref<128x256xf32, #tpu.memory_space<vmem>>[vector<16xi32>, vector<16xi32>], vector<16xf32>,
      %swap3A_585 = arith.constant 32 : index
      %swap3A_586 = tpu.vector_load %arg12[%swap3A_585] {strides = array<i32>} : memref<128xi32, #tpu.memory_space<vmem>>, vector<16xi32>,
      tpu.vector_store %arg12[%swap3A_585], %add3A_581 {strides = array<i32>} : memref<128xi32, #tpu.memory_space<vmem>>, vector<16xi32>,
      %mul3A_587 = arith.constant 128 : i32
      %mul3A_588 = arith.muli %mul3A_118, %mul3A_587 : i32
      %add3A_589 = arith.constant 48 : i32
      %add3A_590 = arith.addi %mul3A_588, %add3A_589 : i32
      %get3A_591 = arith.index_cast %add3A_590 : i32 to index
      %get3A_592 = tpu.vector_load %arg7[%get3A_591] {strides = array<i32>} : memref<768xf32, #tpu.memory_space<vmem>>, vector<16xf32>,
      %get3A_593 = arith.index_cast %add3A_590 : i32 to index
      %get3A_594 = tpu.vector_load %arg8[%get3A_593] {strides = array<i32>} : memref<768xf32, #tpu.memory_space<vmem>>, vector<16xf32>,
      %broadcast_in_dim3A_595 = arith.constant 0 : i32
      %broadcast_in_dim3A_596 = vector.broadcast %broadcast_in_dim3A_595 : i32 to vector<16xi32>
      %broadcast_in_dim3A_597 = arith.constant 0 : i32
      %broadcast_in_dim3A_598 = vector.broadcast %broadcast_in_dim3A_597 : i32 to vector<16xi32>
      %gt3A_599 = vector.broadcast %squeeze3A : f32 to vector<16xf32>
      %gt3A_600 = arith.cmpf ogt, %get3A_592, %gt3A_599 : vector<16xf32>
      %convert_element_type3A_601 = arith.extui %gt3A_600 : vector<16xi1> to vector<16xi32>
      %add3A_602 = arith.addi %broadcast_in_dim3A_596, %convert_element_type3A_601 : vector<16xi32>
      %gt3A_603 = vector.broadcast %squeeze3A_35 : f32 to vector<16xf32>
      %gt3A_604 = arith.cmpf ogt, %get3A_594, %gt3A_603 : vector<16xf32>
      %convert_element_type3A_605 = arith.extui %gt3A_604 : vector<16xi1> to vector<16xi32>
      %add3A_606 = arith.addi %broadcast_in_dim3A_598, %convert_element_type3A_605 : vector<16xi32>
      %gt3A_607 = vector.broadcast %squeeze3A_7 : f32 to vector<16xf32>
      %gt3A_608 = arith.cmpf ogt, %get3A_592, %gt3A_607 : vector<16xf32>
      %convert_element_type3A_609 = arith.extui %gt3A_608 : vector<16xi1> to vector<16xi32>
      %add3A_610 = arith.addi %add3A_602, %convert_element_type3A_609 : vector<16xi32>
      %gt3A_611 = vector.broadcast %squeeze3A_37 : f32 to vector<16xf32>
      %gt3A_612 = arith.cmpf ogt, %get3A_594, %gt3A_611 : vector<16xf32>
      %convert_element_type3A_613 = arith.extui %gt3A_612 : vector<16xi1> to vector<16xi32>
      %add3A_614 = arith.addi %add3A_606, %convert_element_type3A_613 : vector<16xi32>
      %gt3A_615 = vector.broadcast %squeeze3A_9 : f32 to vector<16xf32>
      %gt3A_616 = arith.cmpf ogt, %get3A_592, %gt3A_615 : vector<16xf32>
      %convert_element_type3A_617 = arith.extui %gt3A_616 : vector<16xi1> to vector<16xi32>
      %add3A_618 = arith.addi %add3A_610, %convert_element_type3A_617 : vector<16xi32>
      %gt3A_619 = vector.broadcast %squeeze3A_39 : f32 to vector<16xf32>
      %gt3A_620 = arith.cmpf ogt, %get3A_594, %gt3A_619 : vector<16xf32>
      %convert_element_type3A_621 = arith.extui %gt3A_620 : vector<16xi1> to vector<16xi32>
      %add3A_622 = arith.addi %add3A_614, %convert_element_type3A_621 : vector<16xi32>
      %gt3A_623 = vector.broadcast %squeeze3A_11 : f32 to vector<16xf32>
      %gt3A_624 = arith.cmpf ogt, %get3A_592, %gt3A_623 : vector<16xf32>
      %convert_element_type3A_625 = arith.extui %gt3A_624 : vector<16xi1> to vector<16xi32>
      %add3A_626 = arith.addi %add3A_618, %convert_element_type3A_625 : vector<16xi32>
      %gt3A_627 = vector.broadcast %squeeze3A_41 : f32 to vector<16xf32>
      %gt3A_628 = arith.cmpf ogt, %get3A_594, %gt3A_627 : vector<16xf32>
      %convert_element_type3A_629 = arith.extui %gt3A_628 : vector<16xi1> to vector<16xi32>
      %add3A_630 = arith.addi %add3A_622, %convert_element_type3A_629 : vector<16xi32>
      %gt3A_631 = vector.broadcast %squeeze3A_13 : f32 to vector<16xf32>
      %gt3A_632 = arith.cmpf ogt, %get3A_592, %gt3A_631 : vector<16xf32>
      %convert_element_type3A_633 = arith.extui %gt3A_632 : vector<16xi1> to vector<16xi32>
      %add3A_634 = arith.addi %add3A_626, %convert_element_type3A_633 : vector<16xi32>
      %gt3A_635 = vector.broadcast %squeeze3A_43 : f32 to vector<16xf32>
      %gt3A_636 = arith.cmpf ogt, %get3A_594, %gt3A_635 : vector<16xf32>
      %convert_element_type3A_637 = arith.extui %gt3A_636 : vector<16xi1> to vector<16xi32>
      %add3A_638 = arith.addi %add3A_630, %convert_element_type3A_637 : vector<16xi32>
      %gt3A_639 = vector.broadcast %squeeze3A_15 : f32 to vector<16xf32>
      %gt3A_640 = arith.cmpf ogt, %get3A_592, %gt3A_639 : vector<16xf32>
      %convert_element_type3A_641 = arith.extui %gt3A_640 : vector<16xi1> to vector<16xi32>
      %add3A_642 = arith.addi %add3A_634, %convert_element_type3A_641 : vector<16xi32>
      %gt3A_643 = vector.broadcast %squeeze3A_45 : f32 to vector<16xf32>
      %gt3A_644 = arith.cmpf ogt, %get3A_594, %gt3A_643 : vector<16xf32>
      %convert_element_type3A_645 = arith.extui %gt3A_644 : vector<16xi1> to vector<16xi32>
      %add3A_646 = arith.addi %add3A_638, %convert_element_type3A_645 : vector<16xi32>
      %gt3A_647 = vector.broadcast %squeeze3A_17 : f32 to vector<16xf32>
      %gt3A_648 = arith.cmpf ogt, %get3A_592, %gt3A_647 : vector<16xf32>
      %convert_element_type3A_649 = arith.extui %gt3A_648 : vector<16xi1> to vector<16xi32>
      %add3A_650 = arith.addi %add3A_642, %convert_element_type3A_649 : vector<16xi32>
      %gt3A_651 = vector.broadcast %squeeze3A_47 : f32 to vector<16xf32>
      %gt3A_652 = arith.cmpf ogt, %get3A_594, %gt3A_651 : vector<16xf32>
      %convert_element_type3A_653 = arith.extui %gt3A_652 : vector<16xi1> to vector<16xi32>
      %add3A_654 = arith.addi %add3A_646, %convert_element_type3A_653 : vector<16xi32>
      %gt3A_655 = vector.broadcast %squeeze3A_19 : f32 to vector<16xf32>
      %gt3A_656 = arith.cmpf ogt, %get3A_592, %gt3A_655 : vector<16xf32>
      %convert_element_type3A_657 = arith.extui %gt3A_656 : vector<16xi1> to vector<16xi32>
      %add3A_658 = arith.addi %add3A_650, %convert_element_type3A_657 : vector<16xi32>
      %gt3A_659 = vector.broadcast %squeeze3A_49 : f32 to vector<16xf32>
      %gt3A_660 = arith.cmpf ogt, %get3A_594, %gt3A_659 : vector<16xf32>
      %convert_element_type3A_661 = arith.extui %gt3A_660 : vector<16xi1> to vector<16xi32>
      %add3A_662 = arith.addi %add3A_654, %convert_element_type3A_661 : vector<16xi32>
      %gt3A_663 = vector.broadcast %squeeze3A_21 : f32 to vector<16xf32>
      %gt3A_664 = arith.cmpf ogt, %get3A_592, %gt3A_663 : vector<16xf32>
      %convert_element_type3A_665 = arith.extui %gt3A_664 : vector<16xi1> to vector<16xi32>
      %add3A_666 = arith.addi %add3A_658, %convert_element_type3A_665 : vector<16xi32>
      %gt3A_667 = vector.broadcast %squeeze3A_51 : f32 to vector<16xf32>
      %gt3A_668 = arith.cmpf ogt, %get3A_594, %gt3A_667 : vector<16xf32>
      %convert_element_type3A_669 = arith.extui %gt3A_668 : vector<16xi1> to vector<16xi32>
      %add3A_670 = arith.addi %add3A_662, %convert_element_type3A_669 : vector<16xi32>
      %gt3A_671 = vector.broadcast %squeeze3A_23 : f32 to vector<16xf32>
      %gt3A_672 = arith.cmpf ogt, %get3A_592, %gt3A_671 : vector<16xf32>
      %convert_element_type3A_673 = arith.extui %gt3A_672 : vector<16xi1> to vector<16xi32>
      %add3A_674 = arith.addi %add3A_666, %convert_element_type3A_673 : vector<16xi32>
      %gt3A_675 = vector.broadcast %squeeze3A_53 : f32 to vector<16xf32>
      %gt3A_676 = arith.cmpf ogt, %get3A_594, %gt3A_675 : vector<16xf32>
      %convert_element_type3A_677 = arith.extui %gt3A_676 : vector<16xi1> to vector<16xi32>
      %add3A_678 = arith.addi %add3A_670, %convert_element_type3A_677 : vector<16xi32>
      %gt3A_679 = vector.broadcast %squeeze3A_25 : f32 to vector<16xf32>
      %gt3A_680 = arith.cmpf ogt, %get3A_592, %gt3A_679 : vector<16xf32>
      %convert_element_type3A_681 = arith.extui %gt3A_680 : vector<16xi1> to vector<16xi32>
      %add3A_682 = arith.addi %add3A_674, %convert_element_type3A_681 : vector<16xi32>
      %gt3A_683 = vector.broadcast %squeeze3A_55 : f32 to vector<16xf32>
      %gt3A_684 = arith.cmpf ogt, %get3A_594, %gt3A_683 : vector<16xf32>
      %convert_element_type3A_685 = arith.extui %gt3A_684 : vector<16xi1> to vector<16xi32>
      %add3A_686 = arith.addi %add3A_678, %convert_element_type3A_685 : vector<16xi32>
      %gt3A_687 = vector.broadcast %squeeze3A_27 : f32 to vector<16xf32>
      %gt3A_688 = arith.cmpf ogt, %get3A_592, %gt3A_687 : vector<16xf32>
      %convert_element_type3A_689 = arith.extui %gt3A_688 : vector<16xi1> to vector<16xi32>
      %add3A_690 = arith.addi %add3A_682, %convert_element_type3A_689 : vector<16xi32>
      %gt3A_691 = vector.broadcast %squeeze3A_57 : f32 to vector<16xf32>
      %gt3A_692 = arith.cmpf ogt, %get3A_594, %gt3A_691 : vector<16xf32>
      %convert_element_type3A_693 = arith.extui %gt3A_692 : vector<16xi1> to vector<16xi32>
      %add3A_694 = arith.addi %add3A_686, %convert_element_type3A_693 : vector<16xi32>
      %gt3A_695 = vector.broadcast %squeeze3A_29 : f32 to vector<16xf32>
      %gt3A_696 = arith.cmpf ogt, %get3A_592, %gt3A_695 : vector<16xf32>
      %convert_element_type3A_697 = arith.extui %gt3A_696 : vector<16xi1> to vector<16xi32>
      %add3A_698 = arith.addi %add3A_690, %convert_element_type3A_697 : vector<16xi32>
      %gt3A_699 = vector.broadcast %squeeze3A_59 : f32 to vector<16xf32>
      %gt3A_700 = arith.cmpf ogt, %get3A_594, %gt3A_699 : vector<16xf32>
      %convert_element_type3A_701 = arith.extui %gt3A_700 : vector<16xi1> to vector<16xi32>
      %add3A_702 = arith.addi %add3A_694, %convert_element_type3A_701 : vector<16xi32>
      %gt3A_703 = vector.broadcast %squeeze3A_31 : f32 to vector<16xf32>
      %gt3A_704 = arith.cmpf ogt, %get3A_592, %gt3A_703 : vector<16xf32>
      %convert_element_type3A_705 = arith.extui %gt3A_704 : vector<16xi1> to vector<16xi32>
      %add3A_706 = arith.addi %add3A_698, %convert_element_type3A_705 : vector<16xi32>
      %gt3A_707 = vector.broadcast %squeeze3A_61 : f32 to vector<16xf32>
      %gt3A_708 = arith.cmpf ogt, %get3A_594, %gt3A_707 : vector<16xf32>
      %convert_element_type3A_709 = arith.extui %gt3A_708 : vector<16xi1> to vector<16xi32>
      %add3A_710 = arith.addi %add3A_702, %convert_element_type3A_709 : vector<16xi32>
      %gt3A_711 = vector.broadcast %squeeze3A_33 : f32 to vector<16xf32>
      %gt3A_712 = arith.cmpf ogt, %get3A_592, %gt3A_711 : vector<16xf32>
      %convert_element_type3A_713 = arith.extui %gt3A_712 : vector<16xi1> to vector<16xi32>
      %add3A_714 = arith.addi %add3A_706, %convert_element_type3A_713 : vector<16xi32>
      %gt3A_715 = vector.broadcast %squeeze3A_63 : f32 to vector<16xf32>
      %gt3A_716 = arith.cmpf ogt, %get3A_594, %gt3A_715 : vector<16xf32>
      %convert_element_type3A_717 = arith.extui %gt3A_716 : vector<16xi1> to vector<16xi32>
      %add3A_718 = arith.addi %add3A_710, %convert_element_type3A_717 : vector<16xi32>
      %mul3A_719 = arith.constant 16 : i32
      %mul3A_720 = vector.broadcast %mul3A_719 : i32 to vector<16xi32>
      %mul3A_721 = arith.muli %add3A_714, %mul3A_720 : vector<16xi32>
      %add3A_722 = arith.addi %mul3A_721, %add3A_718 : vector<16xi32>
      %add3A_723 = arith.constant 48 : i32
      %add3A_724 = vector.broadcast %add3A_723 : i32 to vector<16xi32>
      %add3A_725 = arith.addi %iota3A, %add3A_724 : vector<16xi32>
      tpu.vector_store_idx %arg10[%add3A_725, %add3A_722], %broadcast_in_dim3A_64 : memref<128x256xf32, #tpu.memory_space<vmem>>[vector<16xi32>, vector<16xi32>], vector<16xf32>,
      %swap3A_726 = arith.constant 48 : index
      %swap3A_727 = tpu.vector_load %arg12[%swap3A_726] {strides = array<i32>} : memref<128xi32, #tpu.memory_space<vmem>>, vector<16xi32>,
      tpu.vector_store %arg12[%swap3A_726], %add3A_722 {strides = array<i32>} : memref<128xi32, #tpu.memory_space<vmem>>, vector<16xi32>,
      %mul3A_728 = arith.constant 128 : i32
      %mul3A_729 = arith.muli %mul3A_118, %mul3A_728 : i32
      %add3A_730 = arith.constant 64 : i32
      %add3A_731 = arith.addi %mul3A_729, %add3A_730 : i32
      %get3A_732 = arith.index_cast %add3A_731 : i32 to index
      %get3A_733 = tpu.vector_load %arg7[%get3A_732] {strides = array<i32>} : memref<768xf32, #tpu.memory_space<vmem>>, vector<16xf32>,
      %get3A_734 = arith.index_cast %add3A_731 : i32 to index
      %get3A_735 = tpu.vector_load %arg8[%get3A_734] {strides = array<i32>} : memref<768xf32, #tpu.memory_space<vmem>>, vector<16xf32>,
      %broadcast_in_dim3A_736 = arith.constant 0 : i32
      %broadcast_in_dim3A_737 = vector.broadcast %broadcast_in_dim3A_736 : i32 to vector<16xi32>
      %broadcast_in_dim3A_738 = arith.constant 0 : i32
      %broadcast_in_dim3A_739 = vector.broadcast %broadcast_in_dim3A_738 : i32 to vector<16xi32>
      %gt3A_740 = vector.broadcast %squeeze3A : f32 to vector<16xf32>
      %gt3A_741 = arith.cmpf ogt, %get3A_733, %gt3A_740 : vector<16xf32>
      %convert_element_type3A_742 = arith.extui %gt3A_741 : vector<16xi1> to vector<16xi32>
      %add3A_743 = arith.addi %broadcast_in_dim3A_737, %convert_element_type3A_742 : vector<16xi32>
      %gt3A_744 = vector.broadcast %squeeze3A_35 : f32 to vector<16xf32>
      %gt3A_745 = arith.cmpf ogt, %get3A_735, %gt3A_744 : vector<16xf32>
      %convert_element_type3A_746 = arith.extui %gt3A_745 : vector<16xi1> to vector<16xi32>
      %add3A_747 = arith.addi %broadcast_in_dim3A_739, %convert_element_type3A_746 : vector<16xi32>
      %gt3A_748 = vector.broadcast %squeeze3A_7 : f32 to vector<16xf32>
      %gt3A_749 = arith.cmpf ogt, %get3A_733, %gt3A_748 : vector<16xf32>
      %convert_element_type3A_750 = arith.extui %gt3A_749 : vector<16xi1> to vector<16xi32>
      %add3A_751 = arith.addi %add3A_743, %convert_element_type3A_750 : vector<16xi32>
      %gt3A_752 = vector.broadcast %squeeze3A_37 : f32 to vector<16xf32>
      %gt3A_753 = arith.cmpf ogt, %get3A_735, %gt3A_752 : vector<16xf32>
      %convert_element_type3A_754 = arith.extui %gt3A_753 : vector<16xi1> to vector<16xi32>
      %add3A_755 = arith.addi %add3A_747, %convert_element_type3A_754 : vector<16xi32>
      %gt3A_756 = vector.broadcast %squeeze3A_9 : f32 to vector<16xf32>
      %gt3A_757 = arith.cmpf ogt, %get3A_733, %gt3A_756 : vector<16xf32>
      %convert_element_type3A_758 = arith.extui %gt3A_757 : vector<16xi1> to vector<16xi32>
      %add3A_759 = arith.addi %add3A_751, %convert_element_type3A_758 : vector<16xi32>
      %gt3A_760 = vector.broadcast %squeeze3A_39 : f32 to vector<16xf32>
      %gt3A_761 = arith.cmpf ogt, %get3A_735, %gt3A_760 : vector<16xf32>
      %convert_element_type3A_762 = arith.extui %gt3A_761 : vector<16xi1> to vector<16xi32>
      %add3A_763 = arith.addi %add3A_755, %convert_element_type3A_762 : vector<16xi32>
      %gt3A_764 = vector.broadcast %squeeze3A_11 : f32 to vector<16xf32>
      %gt3A_765 = arith.cmpf ogt, %get3A_733, %gt3A_764 : vector<16xf32>
      %convert_element_type3A_766 = arith.extui %gt3A_765 : vector<16xi1> to vector<16xi32>
      %add3A_767 = arith.addi %add3A_759, %convert_element_type3A_766 : vector<16xi32>
      %gt3A_768 = vector.broadcast %squeeze3A_41 : f32 to vector<16xf32>
      %gt3A_769 = arith.cmpf ogt, %get3A_735, %gt3A_768 : vector<16xf32>
      %convert_element_type3A_770 = arith.extui %gt3A_769 : vector<16xi1> to vector<16xi32>
      %add3A_771 = arith.addi %add3A_763, %convert_element_type3A_770 : vector<16xi32>
      %gt3A_772 = vector.broadcast %squeeze3A_13 : f32 to vector<16xf32>
      %gt3A_773 = arith.cmpf ogt, %get3A_733, %gt3A_772 : vector<16xf32>
      %convert_element_type3A_774 = arith.extui %gt3A_773 : vector<16xi1> to vector<16xi32>
      %add3A_775 = arith.addi %add3A_767, %convert_element_type3A_774 : vector<16xi32>
      %gt3A_776 = vector.broadcast %squeeze3A_43 : f32 to vector<16xf32>
      %gt3A_777 = arith.cmpf ogt, %get3A_735, %gt3A_776 : vector<16xf32>
      %convert_element_type3A_778 = arith.extui %gt3A_777 : vector<16xi1> to vector<16xi32>
      %add3A_779 = arith.addi %add3A_771, %convert_element_type3A_778 : vector<16xi32>
      %gt3A_780 = vector.broadcast %squeeze3A_15 : f32 to vector<16xf32>
      %gt3A_781 = arith.cmpf ogt, %get3A_733, %gt3A_780 : vector<16xf32>
      %convert_element_type3A_782 = arith.extui %gt3A_781 : vector<16xi1> to vector<16xi32>
      %add3A_783 = arith.addi %add3A_775, %convert_element_type3A_782 : vector<16xi32>
      %gt3A_784 = vector.broadcast %squeeze3A_45 : f32 to vector<16xf32>
      %gt3A_785 = arith.cmpf ogt, %get3A_735, %gt3A_784 : vector<16xf32>
      %convert_element_type3A_786 = arith.extui %gt3A_785 : vector<16xi1> to vector<16xi32>
      %add3A_787 = arith.addi %add3A_779, %convert_element_type3A_786 : vector<16xi32>
      %gt3A_788 = vector.broadcast %squeeze3A_17 : f32 to vector<16xf32>
      %gt3A_789 = arith.cmpf ogt, %get3A_733, %gt3A_788 : vector<16xf32>
      %convert_element_type3A_790 = arith.extui %gt3A_789 : vector<16xi1> to vector<16xi32>
      %add3A_791 = arith.addi %add3A_783, %convert_element_type3A_790 : vector<16xi32>
      %gt3A_792 = vector.broadcast %squeeze3A_47 : f32 to vector<16xf32>
      %gt3A_793 = arith.cmpf ogt, %get3A_735, %gt3A_792 : vector<16xf32>
      %convert_element_type3A_794 = arith.extui %gt3A_793 : vector<16xi1> to vector<16xi32>
      %add3A_795 = arith.addi %add3A_787, %convert_element_type3A_794 : vector<16xi32>
      %gt3A_796 = vector.broadcast %squeeze3A_19 : f32 to vector<16xf32>
      %gt3A_797 = arith.cmpf ogt, %get3A_733, %gt3A_796 : vector<16xf32>
      %convert_element_type3A_798 = arith.extui %gt3A_797 : vector<16xi1> to vector<16xi32>
      %add3A_799 = arith.addi %add3A_791, %convert_element_type3A_798 : vector<16xi32>
      %gt3A_800 = vector.broadcast %squeeze3A_49 : f32 to vector<16xf32>
      %gt3A_801 = arith.cmpf ogt, %get3A_735, %gt3A_800 : vector<16xf32>
      %convert_element_type3A_802 = arith.extui %gt3A_801 : vector<16xi1> to vector<16xi32>
      %add3A_803 = arith.addi %add3A_795, %convert_element_type3A_802 : vector<16xi32>
      %gt3A_804 = vector.broadcast %squeeze3A_21 : f32 to vector<16xf32>
      %gt3A_805 = arith.cmpf ogt, %get3A_733, %gt3A_804 : vector<16xf32>
      %convert_element_type3A_806 = arith.extui %gt3A_805 : vector<16xi1> to vector<16xi32>
      %add3A_807 = arith.addi %add3A_799, %convert_element_type3A_806 : vector<16xi32>
      %gt3A_808 = vector.broadcast %squeeze3A_51 : f32 to vector<16xf32>
      %gt3A_809 = arith.cmpf ogt, %get3A_735, %gt3A_808 : vector<16xf32>
      %convert_element_type3A_810 = arith.extui %gt3A_809 : vector<16xi1> to vector<16xi32>
      %add3A_811 = arith.addi %add3A_803, %convert_element_type3A_810 : vector<16xi32>
      %gt3A_812 = vector.broadcast %squeeze3A_23 : f32 to vector<16xf32>
      %gt3A_813 = arith.cmpf ogt, %get3A_733, %gt3A_812 : vector<16xf32>
      %convert_element_type3A_814 = arith.extui %gt3A_813 : vector<16xi1> to vector<16xi32>
      %add3A_815 = arith.addi %add3A_807, %convert_element_type3A_814 : vector<16xi32>
      %gt3A_816 = vector.broadcast %squeeze3A_53 : f32 to vector<16xf32>
      %gt3A_817 = arith.cmpf ogt, %get3A_735, %gt3A_816 : vector<16xf32>
      %convert_element_type3A_818 = arith.extui %gt3A_817 : vector<16xi1> to vector<16xi32>
      %add3A_819 = arith.addi %add3A_811, %convert_element_type3A_818 : vector<16xi32>
      %gt3A_820 = vector.broadcast %squeeze3A_25 : f32 to vector<16xf32>
      %gt3A_821 = arith.cmpf ogt, %get3A_733, %gt3A_820 : vector<16xf32>
      %convert_element_type3A_822 = arith.extui %gt3A_821 : vector<16xi1> to vector<16xi32>
      %add3A_823 = arith.addi %add3A_815, %convert_element_type3A_822 : vector<16xi32>
      %gt3A_824 = vector.broadcast %squeeze3A_55 : f32 to vector<16xf32>
      %gt3A_825 = arith.cmpf ogt, %get3A_735, %gt3A_824 : vector<16xf32>
      %convert_element_type3A_826 = arith.extui %gt3A_825 : vector<16xi1> to vector<16xi32>
      %add3A_827 = arith.addi %add3A_819, %convert_element_type3A_826 : vector<16xi32>
      %gt3A_828 = vector.broadcast %squeeze3A_27 : f32 to vector<16xf32>
      %gt3A_829 = arith.cmpf ogt, %get3A_733, %gt3A_828 : vector<16xf32>
      %convert_element_type3A_830 = arith.extui %gt3A_829 : vector<16xi1> to vector<16xi32>
      %add3A_831 = arith.addi %add3A_823, %convert_element_type3A_830 : vector<16xi32>
      %gt3A_832 = vector.broadcast %squeeze3A_57 : f32 to vector<16xf32>
      %gt3A_833 = arith.cmpf ogt, %get3A_735, %gt3A_832 : vector<16xf32>
      %convert_element_type3A_834 = arith.extui %gt3A_833 : vector<16xi1> to vector<16xi32>
      %add3A_835 = arith.addi %add3A_827, %convert_element_type3A_834 : vector<16xi32>
      %gt3A_836 = vector.broadcast %squeeze3A_29 : f32 to vector<16xf32>
      %gt3A_837 = arith.cmpf ogt, %get3A_733, %gt3A_836 : vector<16xf32>
      %convert_element_type3A_838 = arith.extui %gt3A_837 : vector<16xi1> to vector<16xi32>
      %add3A_839 = arith.addi %add3A_831, %convert_element_type3A_838 : vector<16xi32>
      %gt3A_840 = vector.broadcast %squeeze3A_59 : f32 to vector<16xf32>
      %gt3A_841 = arith.cmpf ogt, %get3A_735, %gt3A_840 : vector<16xf32>
      %convert_element_type3A_842 = arith.extui %gt3A_841 : vector<16xi1> to vector<16xi32>
      %add3A_843 = arith.addi %add3A_835, %convert_element_type3A_842 : vector<16xi32>
      %gt3A_844 = vector.broadcast %squeeze3A_31 : f32 to vector<16xf32>
      %gt3A_845 = arith.cmpf ogt, %get3A_733, %gt3A_844 : vector<16xf32>
      %convert_element_type3A_846 = arith.extui %gt3A_845 : vector<16xi1> to vector<16xi32>
      %add3A_847 = arith.addi %add3A_839, %convert_element_type3A_846 : vector<16xi32>
      %gt3A_848 = vector.broadcast %squeeze3A_61 : f32 to vector<16xf32>
      %gt3A_849 = arith.cmpf ogt, %get3A_735, %gt3A_848 : vector<16xf32>
      %convert_element_type3A_850 = arith.extui %gt3A_849 : vector<16xi1> to vector<16xi32>
      %add3A_851 = arith.addi %add3A_843, %convert_element_type3A_850 : vector<16xi32>
      %gt3A_852 = vector.broadcast %squeeze3A_33 : f32 to vector<16xf32>
      %gt3A_853 = arith.cmpf ogt, %get3A_733, %gt3A_852 : vector<16xf32>
      %convert_element_type3A_854 = arith.extui %gt3A_853 : vector<16xi1> to vector<16xi32>
      %add3A_855 = arith.addi %add3A_847, %convert_element_type3A_854 : vector<16xi32>
      %gt3A_856 = vector.broadcast %squeeze3A_63 : f32 to vector<16xf32>
      %gt3A_857 = arith.cmpf ogt, %get3A_735, %gt3A_856 : vector<16xf32>
      %convert_element_type3A_858 = arith.extui %gt3A_857 : vector<16xi1> to vector<16xi32>
      %add3A_859 = arith.addi %add3A_851, %convert_element_type3A_858 : vector<16xi32>
      %mul3A_860 = arith.constant 16 : i32
      %mul3A_861 = vector.broadcast %mul3A_860 : i32 to vector<16xi32>
      %mul3A_862 = arith.muli %add3A_855, %mul3A_861 : vector<16xi32>
      %add3A_863 = arith.addi %mul3A_862, %add3A_859 : vector<16xi32>
      %add3A_864 = arith.constant 64 : i32
      %add3A_865 = vector.broadcast %add3A_864 : i32 to vector<16xi32>
      %add3A_866 = arith.addi %iota3A, %add3A_865 : vector<16xi32>
      tpu.vector_store_idx %arg10[%add3A_866, %add3A_863], %broadcast_in_dim3A_64 : memref<128x256xf32, #tpu.memory_space<vmem>>[vector<16xi32>, vector<16xi32>], vector<16xf32>,
      %swap3A_867 = arith.constant 64 : index
      %swap3A_868 = tpu.vector_load %arg12[%swap3A_867] {strides = array<i32>} : memref<128xi32, #tpu.memory_space<vmem>>, vector<16xi32>,
      tpu.vector_store %arg12[%swap3A_867], %add3A_863 {strides = array<i32>} : memref<128xi32, #tpu.memory_space<vmem>>, vector<16xi32>,
      %mul3A_869 = arith.constant 128 : i32
      %mul3A_870 = arith.muli %mul3A_118, %mul3A_869 : i32
      %add3A_871 = arith.constant 80 : i32
      %add3A_872 = arith.addi %mul3A_870, %add3A_871 : i32
      %get3A_873 = arith.index_cast %add3A_872 : i32 to index
      %get3A_874 = tpu.vector_load %arg7[%get3A_873] {strides = array<i32>} : memref<768xf32, #tpu.memory_space<vmem>>, vector<16xf32>,
      %get3A_875 = arith.index_cast %add3A_872 : i32 to index
      %get3A_876 = tpu.vector_load %arg8[%get3A_875] {strides = array<i32>} : memref<768xf32, #tpu.memory_space<vmem>>, vector<16xf32>,
      %broadcast_in_dim3A_877 = arith.constant 0 : i32
      %broadcast_in_dim3A_878 = vector.broadcast %broadcast_in_dim3A_877 : i32 to vector<16xi32>
      %broadcast_in_dim3A_879 = arith.constant 0 : i32
      %broadcast_in_dim3A_880 = vector.broadcast %broadcast_in_dim3A_879 : i32 to vector<16xi32>
      %gt3A_881 = vector.broadcast %squeeze3A : f32 to vector<16xf32>
      %gt3A_882 = arith.cmpf ogt, %get3A_874, %gt3A_881 : vector<16xf32>
      %convert_element_type3A_883 = arith.extui %gt3A_882 : vector<16xi1> to vector<16xi32>
      %add3A_884 = arith.addi %broadcast_in_dim3A_878, %convert_element_type3A_883 : vector<16xi32>
      %gt3A_885 = vector.broadcast %squeeze3A_35 : f32 to vector<16xf32>
      %gt3A_886 = arith.cmpf ogt, %get3A_876, %gt3A_885 : vector<16xf32>
      %convert_element_type3A_887 = arith.extui %gt3A_886 : vector<16xi1> to vector<16xi32>
      %add3A_888 = arith.addi %broadcast_in_dim3A_880, %convert_element_type3A_887 : vector<16xi32>
      %gt3A_889 = vector.broadcast %squeeze3A_7 : f32 to vector<16xf32>
      %gt3A_890 = arith.cmpf ogt, %get3A_874, %gt3A_889 : vector<16xf32>
      %convert_element_type3A_891 = arith.extui %gt3A_890 : vector<16xi1> to vector<16xi32>
      %add3A_892 = arith.addi %add3A_884, %convert_element_type3A_891 : vector<16xi32>
      %gt3A_893 = vector.broadcast %squeeze3A_37 : f32 to vector<16xf32>
      %gt3A_894 = arith.cmpf ogt, %get3A_876, %gt3A_893 : vector<16xf32>
      %convert_element_type3A_895 = arith.extui %gt3A_894 : vector<16xi1> to vector<16xi32>
      %add3A_896 = arith.addi %add3A_888, %convert_element_type3A_895 : vector<16xi32>
      %gt3A_897 = vector.broadcast %squeeze3A_9 : f32 to vector<16xf32>
      %gt3A_898 = arith.cmpf ogt, %get3A_874, %gt3A_897 : vector<16xf32>
      %convert_element_type3A_899 = arith.extui %gt3A_898 : vector<16xi1> to vector<16xi32>
      %add3A_900 = arith.addi %add3A_892, %convert_element_type3A_899 : vector<16xi32>
      %gt3A_901 = vector.broadcast %squeeze3A_39 : f32 to vector<16xf32>
      %gt3A_902 = arith.cmpf ogt, %get3A_876, %gt3A_901 : vector<16xf32>
      %convert_element_type3A_903 = arith.extui %gt3A_902 : vector<16xi1> to vector<16xi32>
      %add3A_904 = arith.addi %add3A_896, %convert_element_type3A_903 : vector<16xi32>
      %gt3A_905 = vector.broadcast %squeeze3A_11 : f32 to vector<16xf32>
      %gt3A_906 = arith.cmpf ogt, %get3A_874, %gt3A_905 : vector<16xf32>
      %convert_element_type3A_907 = arith.extui %gt3A_906 : vector<16xi1> to vector<16xi32>
      %add3A_908 = arith.addi %add3A_900, %convert_element_type3A_907 : vector<16xi32>
      %gt3A_909 = vector.broadcast %squeeze3A_41 : f32 to vector<16xf32>
      %gt3A_910 = arith.cmpf ogt, %get3A_876, %gt3A_909 : vector<16xf32>
      %convert_element_type3A_911 = arith.extui %gt3A_910 : vector<16xi1> to vector<16xi32>
      %add3A_912 = arith.addi %add3A_904, %convert_element_type3A_911 : vector<16xi32>
      %gt3A_913 = vector.broadcast %squeeze3A_13 : f32 to vector<16xf32>
      %gt3A_914 = arith.cmpf ogt, %get3A_874, %gt3A_913 : vector<16xf32>
      %convert_element_type3A_915 = arith.extui %gt3A_914 : vector<16xi1> to vector<16xi32>
      %add3A_916 = arith.addi %add3A_908, %convert_element_type3A_915 : vector<16xi32>
      %gt3A_917 = vector.broadcast %squeeze3A_43 : f32 to vector<16xf32>
      %gt3A_918 = arith.cmpf ogt, %get3A_876, %gt3A_917 : vector<16xf32>
      %convert_element_type3A_919 = arith.extui %gt3A_918 : vector<16xi1> to vector<16xi32>
      %add3A_920 = arith.addi %add3A_912, %convert_element_type3A_919 : vector<16xi32>
      %gt3A_921 = vector.broadcast %squeeze3A_15 : f32 to vector<16xf32>
      %gt3A_922 = arith.cmpf ogt, %get3A_874, %gt3A_921 : vector<16xf32>
      %convert_element_type3A_923 = arith.extui %gt3A_922 : vector<16xi1> to vector<16xi32>
      %add3A_924 = arith.addi %add3A_916, %convert_element_type3A_923 : vector<16xi32>
      %gt3A_925 = vector.broadcast %squeeze3A_45 : f32 to vector<16xf32>
      %gt3A_926 = arith.cmpf ogt, %get3A_876, %gt3A_925 : vector<16xf32>
      %convert_element_type3A_927 = arith.extui %gt3A_926 : vector<16xi1> to vector<16xi32>
      %add3A_928 = arith.addi %add3A_920, %convert_element_type3A_927 : vector<16xi32>
      %gt3A_929 = vector.broadcast %squeeze3A_17 : f32 to vector<16xf32>
      %gt3A_930 = arith.cmpf ogt, %get3A_874, %gt3A_929 : vector<16xf32>
      %convert_element_type3A_931 = arith.extui %gt3A_930 : vector<16xi1> to vector<16xi32>
      %add3A_932 = arith.addi %add3A_924, %convert_element_type3A_931 : vector<16xi32>
      %gt3A_933 = vector.broadcast %squeeze3A_47 : f32 to vector<16xf32>
      %gt3A_934 = arith.cmpf ogt, %get3A_876, %gt3A_933 : vector<16xf32>
      %convert_element_type3A_935 = arith.extui %gt3A_934 : vector<16xi1> to vector<16xi32>
      %add3A_936 = arith.addi %add3A_928, %convert_element_type3A_935 : vector<16xi32>
      %gt3A_937 = vector.broadcast %squeeze3A_19 : f32 to vector<16xf32>
      %gt3A_938 = arith.cmpf ogt, %get3A_874, %gt3A_937 : vector<16xf32>
      %convert_element_type3A_939 = arith.extui %gt3A_938 : vector<16xi1> to vector<16xi32>
      %add3A_940 = arith.addi %add3A_932, %convert_element_type3A_939 : vector<16xi32>
      %gt3A_941 = vector.broadcast %squeeze3A_49 : f32 to vector<16xf32>
      %gt3A_942 = arith.cmpf ogt, %get3A_876, %gt3A_941 : vector<16xf32>
      %convert_element_type3A_943 = arith.extui %gt3A_942 : vector<16xi1> to vector<16xi32>
      %add3A_944 = arith.addi %add3A_936, %convert_element_type3A_943 : vector<16xi32>
      %gt3A_945 = vector.broadcast %squeeze3A_21 : f32 to vector<16xf32>
      %gt3A_946 = arith.cmpf ogt, %get3A_874, %gt3A_945 : vector<16xf32>
      %convert_element_type3A_947 = arith.extui %gt3A_946 : vector<16xi1> to vector<16xi32>
      %add3A_948 = arith.addi %add3A_940, %convert_element_type3A_947 : vector<16xi32>
      %gt3A_949 = vector.broadcast %squeeze3A_51 : f32 to vector<16xf32>
      %gt3A_950 = arith.cmpf ogt, %get3A_876, %gt3A_949 : vector<16xf32>
      %convert_element_type3A_951 = arith.extui %gt3A_950 : vector<16xi1> to vector<16xi32>
      %add3A_952 = arith.addi %add3A_944, %convert_element_type3A_951 : vector<16xi32>
      %gt3A_953 = vector.broadcast %squeeze3A_23 : f32 to vector<16xf32>
      %gt3A_954 = arith.cmpf ogt, %get3A_874, %gt3A_953 : vector<16xf32>
      %convert_element_type3A_955 = arith.extui %gt3A_954 : vector<16xi1> to vector<16xi32>
      %add3A_956 = arith.addi %add3A_948, %convert_element_type3A_955 : vector<16xi32>
      %gt3A_957 = vector.broadcast %squeeze3A_53 : f32 to vector<16xf32>
      %gt3A_958 = arith.cmpf ogt, %get3A_876, %gt3A_957 : vector<16xf32>
      %convert_element_type3A_959 = arith.extui %gt3A_958 : vector<16xi1> to vector<16xi32>
      %add3A_960 = arith.addi %add3A_952, %convert_element_type3A_959 : vector<16xi32>
      %gt3A_961 = vector.broadcast %squeeze3A_25 : f32 to vector<16xf32>
      %gt3A_962 = arith.cmpf ogt, %get3A_874, %gt3A_961 : vector<16xf32>
      %convert_element_type3A_963 = arith.extui %gt3A_962 : vector<16xi1> to vector<16xi32>
      %add3A_964 = arith.addi %add3A_956, %convert_element_type3A_963 : vector<16xi32>
      %gt3A_965 = vector.broadcast %squeeze3A_55 : f32 to vector<16xf32>
      %gt3A_966 = arith.cmpf ogt, %get3A_876, %gt3A_965 : vector<16xf32>
      %convert_element_type3A_967 = arith.extui %gt3A_966 : vector<16xi1> to vector<16xi32>
      %add3A_968 = arith.addi %add3A_960, %convert_element_type3A_967 : vector<16xi32>
      %gt3A_969 = vector.broadcast %squeeze3A_27 : f32 to vector<16xf32>
      %gt3A_970 = arith.cmpf ogt, %get3A_874, %gt3A_969 : vector<16xf32>
      %convert_element_type3A_971 = arith.extui %gt3A_970 : vector<16xi1> to vector<16xi32>
      %add3A_972 = arith.addi %add3A_964, %convert_element_type3A_971 : vector<16xi32>
      %gt3A_973 = vector.broadcast %squeeze3A_57 : f32 to vector<16xf32>
      %gt3A_974 = arith.cmpf ogt, %get3A_876, %gt3A_973 : vector<16xf32>
      %convert_element_type3A_975 = arith.extui %gt3A_974 : vector<16xi1> to vector<16xi32>
      %add3A_976 = arith.addi %add3A_968, %convert_element_type3A_975 : vector<16xi32>
      %gt3A_977 = vector.broadcast %squeeze3A_29 : f32 to vector<16xf32>
      %gt3A_978 = arith.cmpf ogt, %get3A_874, %gt3A_977 : vector<16xf32>
      %convert_element_type3A_979 = arith.extui %gt3A_978 : vector<16xi1> to vector<16xi32>
      %add3A_980 = arith.addi %add3A_972, %convert_element_type3A_979 : vector<16xi32>
      %gt3A_981 = vector.broadcast %squeeze3A_59 : f32 to vector<16xf32>
      %gt3A_982 = arith.cmpf ogt, %get3A_876, %gt3A_981 : vector<16xf32>
      %convert_element_type3A_983 = arith.extui %gt3A_982 : vector<16xi1> to vector<16xi32>
      %add3A_984 = arith.addi %add3A_976, %convert_element_type3A_983 : vector<16xi32>
      %gt3A_985 = vector.broadcast %squeeze3A_31 : f32 to vector<16xf32>
      %gt3A_986 = arith.cmpf ogt, %get3A_874, %gt3A_985 : vector<16xf32>
      %convert_element_type3A_987 = arith.extui %gt3A_986 : vector<16xi1> to vector<16xi32>
      %add3A_988 = arith.addi %add3A_980, %convert_element_type3A_987 : vector<16xi32>
      %gt3A_989 = vector.broadcast %squeeze3A_61 : f32 to vector<16xf32>
      %gt3A_990 = arith.cmpf ogt, %get3A_876, %gt3A_989 : vector<16xf32>
      %convert_element_type3A_991 = arith.extui %gt3A_990 : vector<16xi1> to vector<16xi32>
      %add3A_992 = arith.addi %add3A_984, %convert_element_type3A_991 : vector<16xi32>
      %gt3A_993 = vector.broadcast %squeeze3A_33 : f32 to vector<16xf32>
      %gt3A_994 = arith.cmpf ogt, %get3A_874, %gt3A_993 : vector<16xf32>
      %convert_element_type3A_995 = arith.extui %gt3A_994 : vector<16xi1> to vector<16xi32>
      %add3A_996 = arith.addi %add3A_988, %convert_element_type3A_995 : vector<16xi32>
      %gt3A_997 = vector.broadcast %squeeze3A_63 : f32 to vector<16xf32>
      %gt3A_998 = arith.cmpf ogt, %get3A_876, %gt3A_997 : vector<16xf32>
      %convert_element_type3A_999 = arith.extui %gt3A_998 : vector<16xi1> to vector<16xi32>
      %add3A_1000 = arith.addi %add3A_992, %convert_element_type3A_999 : vector<16xi32>
      %mul3A_1001 = arith.constant 16 : i32
      %mul3A_1002 = vector.broadcast %mul3A_1001 : i32 to vector<16xi32>
      %mul3A_1003 = arith.muli %add3A_996, %mul3A_1002 : vector<16xi32>
      %add3A_1004 = arith.addi %mul3A_1003, %add3A_1000 : vector<16xi32>
      %add3A_1005 = arith.constant 80 : i32
      %add3A_1006 = vector.broadcast %add3A_1005 : i32 to vector<16xi32>
      %add3A_1007 = arith.addi %iota3A, %add3A_1006 : vector<16xi32>
      tpu.vector_store_idx %arg10[%add3A_1007, %add3A_1004], %broadcast_in_dim3A_64 : memref<128x256xf32, #tpu.memory_space<vmem>>[vector<16xi32>, vector<16xi32>], vector<16xf32>,
      %swap3A_1008 = arith.constant 80 : index
      %swap3A_1009 = tpu.vector_load %arg12[%swap3A_1008] {strides = array<i32>} : memref<128xi32, #tpu.memory_space<vmem>>, vector<16xi32>,
      tpu.vector_store %arg12[%swap3A_1008], %add3A_1004 {strides = array<i32>} : memref<128xi32, #tpu.memory_space<vmem>>, vector<16xi32>,
      %mul3A_1010 = arith.constant 128 : i32
      %mul3A_1011 = arith.muli %mul3A_118, %mul3A_1010 : i32
      %add3A_1012 = arith.constant 96 : i32
      %add3A_1013 = arith.addi %mul3A_1011, %add3A_1012 : i32
      %get3A_1014 = arith.index_cast %add3A_1013 : i32 to index
      %get3A_1015 = tpu.vector_load %arg7[%get3A_1014] {strides = array<i32>} : memref<768xf32, #tpu.memory_space<vmem>>, vector<16xf32>,
      %get3A_1016 = arith.index_cast %add3A_1013 : i32 to index
      %get3A_1017 = tpu.vector_load %arg8[%get3A_1016] {strides = array<i32>} : memref<768xf32, #tpu.memory_space<vmem>>, vector<16xf32>,
      %broadcast_in_dim3A_1018 = arith.constant 0 : i32
      %broadcast_in_dim3A_1019 = vector.broadcast %broadcast_in_dim3A_1018 : i32 to vector<16xi32>
      %broadcast_in_dim3A_1020 = arith.constant 0 : i32
      %broadcast_in_dim3A_1021 = vector.broadcast %broadcast_in_dim3A_1020 : i32 to vector<16xi32>
      %gt3A_1022 = vector.broadcast %squeeze3A : f32 to vector<16xf32>
      %gt3A_1023 = arith.cmpf ogt, %get3A_1015, %gt3A_1022 : vector<16xf32>
      %convert_element_type3A_1024 = arith.extui %gt3A_1023 : vector<16xi1> to vector<16xi32>
      %add3A_1025 = arith.addi %broadcast_in_dim3A_1019, %convert_element_type3A_1024 : vector<16xi32>
      %gt3A_1026 = vector.broadcast %squeeze3A_35 : f32 to vector<16xf32>
      %gt3A_1027 = arith.cmpf ogt, %get3A_1017, %gt3A_1026 : vector<16xf32>
      %convert_element_type3A_1028 = arith.extui %gt3A_1027 : vector<16xi1> to vector<16xi32>
      %add3A_1029 = arith.addi %broadcast_in_dim3A_1021, %convert_element_type3A_1028 : vector<16xi32>
      %gt3A_1030 = vector.broadcast %squeeze3A_7 : f32 to vector<16xf32>
      %gt3A_1031 = arith.cmpf ogt, %get3A_1015, %gt3A_1030 : vector<16xf32>
      %convert_element_type3A_1032 = arith.extui %gt3A_1031 : vector<16xi1> to vector<16xi32>
      %add3A_1033 = arith.addi %add3A_1025, %convert_element_type3A_1032 : vector<16xi32>
      %gt3A_1034 = vector.broadcast %squeeze3A_37 : f32 to vector<16xf32>
      %gt3A_1035 = arith.cmpf ogt, %get3A_1017, %gt3A_1034 : vector<16xf32>
      %convert_element_type3A_1036 = arith.extui %gt3A_1035 : vector<16xi1> to vector<16xi32>
      %add3A_1037 = arith.addi %add3A_1029, %convert_element_type3A_1036 : vector<16xi32>
      %gt3A_1038 = vector.broadcast %squeeze3A_9 : f32 to vector<16xf32>
      %gt3A_1039 = arith.cmpf ogt, %get3A_1015, %gt3A_1038 : vector<16xf32>
      %convert_element_type3A_1040 = arith.extui %gt3A_1039 : vector<16xi1> to vector<16xi32>
      %add3A_1041 = arith.addi %add3A_1033, %convert_element_type3A_1040 : vector<16xi32>
      %gt3A_1042 = vector.broadcast %squeeze3A_39 : f32 to vector<16xf32>
      %gt3A_1043 = arith.cmpf ogt, %get3A_1017, %gt3A_1042 : vector<16xf32>
      %convert_element_type3A_1044 = arith.extui %gt3A_1043 : vector<16xi1> to vector<16xi32>
      %add3A_1045 = arith.addi %add3A_1037, %convert_element_type3A_1044 : vector<16xi32>
      %gt3A_1046 = vector.broadcast %squeeze3A_11 : f32 to vector<16xf32>
      %gt3A_1047 = arith.cmpf ogt, %get3A_1015, %gt3A_1046 : vector<16xf32>
      %convert_element_type3A_1048 = arith.extui %gt3A_1047 : vector<16xi1> to vector<16xi32>
      %add3A_1049 = arith.addi %add3A_1041, %convert_element_type3A_1048 : vector<16xi32>
      %gt3A_1050 = vector.broadcast %squeeze3A_41 : f32 to vector<16xf32>
      %gt3A_1051 = arith.cmpf ogt, %get3A_1017, %gt3A_1050 : vector<16xf32>
      %convert_element_type3A_1052 = arith.extui %gt3A_1051 : vector<16xi1> to vector<16xi32>
      %add3A_1053 = arith.addi %add3A_1045, %convert_element_type3A_1052 : vector<16xi32>
      %gt3A_1054 = vector.broadcast %squeeze3A_13 : f32 to vector<16xf32>
      %gt3A_1055 = arith.cmpf ogt, %get3A_1015, %gt3A_1054 : vector<16xf32>
      %convert_element_type3A_1056 = arith.extui %gt3A_1055 : vector<16xi1> to vector<16xi32>
      %add3A_1057 = arith.addi %add3A_1049, %convert_element_type3A_1056 : vector<16xi32>
      %gt3A_1058 = vector.broadcast %squeeze3A_43 : f32 to vector<16xf32>
      %gt3A_1059 = arith.cmpf ogt, %get3A_1017, %gt3A_1058 : vector<16xf32>
      %convert_element_type3A_1060 = arith.extui %gt3A_1059 : vector<16xi1> to vector<16xi32>
      %add3A_1061 = arith.addi %add3A_1053, %convert_element_type3A_1060 : vector<16xi32>
      %gt3A_1062 = vector.broadcast %squeeze3A_15 : f32 to vector<16xf32>
      %gt3A_1063 = arith.cmpf ogt, %get3A_1015, %gt3A_1062 : vector<16xf32>
      %convert_element_type3A_1064 = arith.extui %gt3A_1063 : vector<16xi1> to vector<16xi32>
      %add3A_1065 = arith.addi %add3A_1057, %convert_element_type3A_1064 : vector<16xi32>
      %gt3A_1066 = vector.broadcast %squeeze3A_45 : f32 to vector<16xf32>
      %gt3A_1067 = arith.cmpf ogt, %get3A_1017, %gt3A_1066 : vector<16xf32>
      %convert_element_type3A_1068 = arith.extui %gt3A_1067 : vector<16xi1> to vector<16xi32>
      %add3A_1069 = arith.addi %add3A_1061, %convert_element_type3A_1068 : vector<16xi32>
      %gt3A_1070 = vector.broadcast %squeeze3A_17 : f32 to vector<16xf32>
      %gt3A_1071 = arith.cmpf ogt, %get3A_1015, %gt3A_1070 : vector<16xf32>
      %convert_element_type3A_1072 = arith.extui %gt3A_1071 : vector<16xi1> to vector<16xi32>
      %add3A_1073 = arith.addi %add3A_1065, %convert_element_type3A_1072 : vector<16xi32>
      %gt3A_1074 = vector.broadcast %squeeze3A_47 : f32 to vector<16xf32>
      %gt3A_1075 = arith.cmpf ogt, %get3A_1017, %gt3A_1074 : vector<16xf32>
      %convert_element_type3A_1076 = arith.extui %gt3A_1075 : vector<16xi1> to vector<16xi32>
      %add3A_1077 = arith.addi %add3A_1069, %convert_element_type3A_1076 : vector<16xi32>
      %gt3A_1078 = vector.broadcast %squeeze3A_19 : f32 to vector<16xf32>
      %gt3A_1079 = arith.cmpf ogt, %get3A_1015, %gt3A_1078 : vector<16xf32>
      %convert_element_type3A_1080 = arith.extui %gt3A_1079 : vector<16xi1> to vector<16xi32>
      %add3A_1081 = arith.addi %add3A_1073, %convert_element_type3A_1080 : vector<16xi32>
      %gt3A_1082 = vector.broadcast %squeeze3A_49 : f32 to vector<16xf32>
      %gt3A_1083 = arith.cmpf ogt, %get3A_1017, %gt3A_1082 : vector<16xf32>
      %convert_element_type3A_1084 = arith.extui %gt3A_1083 : vector<16xi1> to vector<16xi32>
      %add3A_1085 = arith.addi %add3A_1077, %convert_element_type3A_1084 : vector<16xi32>
      %gt3A_1086 = vector.broadcast %squeeze3A_21 : f32 to vector<16xf32>
      %gt3A_1087 = arith.cmpf ogt, %get3A_1015, %gt3A_1086 : vector<16xf32>
      %convert_element_type3A_1088 = arith.extui %gt3A_1087 : vector<16xi1> to vector<16xi32>
      %add3A_1089 = arith.addi %add3A_1081, %convert_element_type3A_1088 : vector<16xi32>
      %gt3A_1090 = vector.broadcast %squeeze3A_51 : f32 to vector<16xf32>
      %gt3A_1091 = arith.cmpf ogt, %get3A_1017, %gt3A_1090 : vector<16xf32>
      %convert_element_type3A_1092 = arith.extui %gt3A_1091 : vector<16xi1> to vector<16xi32>
      %add3A_1093 = arith.addi %add3A_1085, %convert_element_type3A_1092 : vector<16xi32>
      %gt3A_1094 = vector.broadcast %squeeze3A_23 : f32 to vector<16xf32>
      %gt3A_1095 = arith.cmpf ogt, %get3A_1015, %gt3A_1094 : vector<16xf32>
      %convert_element_type3A_1096 = arith.extui %gt3A_1095 : vector<16xi1> to vector<16xi32>
      %add3A_1097 = arith.addi %add3A_1089, %convert_element_type3A_1096 : vector<16xi32>
      %gt3A_1098 = vector.broadcast %squeeze3A_53 : f32 to vector<16xf32>
      %gt3A_1099 = arith.cmpf ogt, %get3A_1017, %gt3A_1098 : vector<16xf32>
      %convert_element_type3A_1100 = arith.extui %gt3A_1099 : vector<16xi1> to vector<16xi32>
      %add3A_1101 = arith.addi %add3A_1093, %convert_element_type3A_1100 : vector<16xi32>
      %gt3A_1102 = vector.broadcast %squeeze3A_25 : f32 to vector<16xf32>
      %gt3A_1103 = arith.cmpf ogt, %get3A_1015, %gt3A_1102 : vector<16xf32>
      %convert_element_type3A_1104 = arith.extui %gt3A_1103 : vector<16xi1> to vector<16xi32>
      %add3A_1105 = arith.addi %add3A_1097, %convert_element_type3A_1104 : vector<16xi32>
      %gt3A_1106 = vector.broadcast %squeeze3A_55 : f32 to vector<16xf32>
      %gt3A_1107 = arith.cmpf ogt, %get3A_1017, %gt3A_1106 : vector<16xf32>
      %convert_element_type3A_1108 = arith.extui %gt3A_1107 : vector<16xi1> to vector<16xi32>
      %add3A_1109 = arith.addi %add3A_1101, %convert_element_type3A_1108 : vector<16xi32>
      %gt3A_1110 = vector.broadcast %squeeze3A_27 : f32 to vector<16xf32>
      %gt3A_1111 = arith.cmpf ogt, %get3A_1015, %gt3A_1110 : vector<16xf32>
      %convert_element_type3A_1112 = arith.extui %gt3A_1111 : vector<16xi1> to vector<16xi32>
      %add3A_1113 = arith.addi %add3A_1105, %convert_element_type3A_1112 : vector<16xi32>
      %gt3A_1114 = vector.broadcast %squeeze3A_57 : f32 to vector<16xf32>
      %gt3A_1115 = arith.cmpf ogt, %get3A_1017, %gt3A_1114 : vector<16xf32>
      %convert_element_type3A_1116 = arith.extui %gt3A_1115 : vector<16xi1> to vector<16xi32>
      %add3A_1117 = arith.addi %add3A_1109, %convert_element_type3A_1116 : vector<16xi32>
      %gt3A_1118 = vector.broadcast %squeeze3A_29 : f32 to vector<16xf32>
      %gt3A_1119 = arith.cmpf ogt, %get3A_1015, %gt3A_1118 : vector<16xf32>
      %convert_element_type3A_1120 = arith.extui %gt3A_1119 : vector<16xi1> to vector<16xi32>
      %add3A_1121 = arith.addi %add3A_1113, %convert_element_type3A_1120 : vector<16xi32>
      %gt3A_1122 = vector.broadcast %squeeze3A_59 : f32 to vector<16xf32>
      %gt3A_1123 = arith.cmpf ogt, %get3A_1017, %gt3A_1122 : vector<16xf32>
      %convert_element_type3A_1124 = arith.extui %gt3A_1123 : vector<16xi1> to vector<16xi32>
      %add3A_1125 = arith.addi %add3A_1117, %convert_element_type3A_1124 : vector<16xi32>
      %gt3A_1126 = vector.broadcast %squeeze3A_31 : f32 to vector<16xf32>
      %gt3A_1127 = arith.cmpf ogt, %get3A_1015, %gt3A_1126 : vector<16xf32>
      %convert_element_type3A_1128 = arith.extui %gt3A_1127 : vector<16xi1> to vector<16xi32>
      %add3A_1129 = arith.addi %add3A_1121, %convert_element_type3A_1128 : vector<16xi32>
      %gt3A_1130 = vector.broadcast %squeeze3A_61 : f32 to vector<16xf32>
      %gt3A_1131 = arith.cmpf ogt, %get3A_1017, %gt3A_1130 : vector<16xf32>
      %convert_element_type3A_1132 = arith.extui %gt3A_1131 : vector<16xi1> to vector<16xi32>
      %add3A_1133 = arith.addi %add3A_1125, %convert_element_type3A_1132 : vector<16xi32>
      %gt3A_1134 = vector.broadcast %squeeze3A_33 : f32 to vector<16xf32>
      %gt3A_1135 = arith.cmpf ogt, %get3A_1015, %gt3A_1134 : vector<16xf32>
      %convert_element_type3A_1136 = arith.extui %gt3A_1135 : vector<16xi1> to vector<16xi32>
      %add3A_1137 = arith.addi %add3A_1129, %convert_element_type3A_1136 : vector<16xi32>
      %gt3A_1138 = vector.broadcast %squeeze3A_63 : f32 to vector<16xf32>
      %gt3A_1139 = arith.cmpf ogt, %get3A_1017, %gt3A_1138 : vector<16xf32>
      %convert_element_type3A_1140 = arith.extui %gt3A_1139 : vector<16xi1> to vector<16xi32>
      %add3A_1141 = arith.addi %add3A_1133, %convert_element_type3A_1140 : vector<16xi32>
      %mul3A_1142 = arith.constant 16 : i32
      %mul3A_1143 = vector.broadcast %mul3A_1142 : i32 to vector<16xi32>
      %mul3A_1144 = arith.muli %add3A_1137, %mul3A_1143 : vector<16xi32>
      %add3A_1145 = arith.addi %mul3A_1144, %add3A_1141 : vector<16xi32>
      %add3A_1146 = arith.constant 96 : i32
      %add3A_1147 = vector.broadcast %add3A_1146 : i32 to vector<16xi32>
      %add3A_1148 = arith.addi %iota3A, %add3A_1147 : vector<16xi32>
      tpu.vector_store_idx %arg10[%add3A_1148, %add3A_1145], %broadcast_in_dim3A_64 : memref<128x256xf32, #tpu.memory_space<vmem>>[vector<16xi32>, vector<16xi32>], vector<16xf32>,
      %swap3A_1149 = arith.constant 96 : index
      %swap3A_1150 = tpu.vector_load %arg12[%swap3A_1149] {strides = array<i32>} : memref<128xi32, #tpu.memory_space<vmem>>, vector<16xi32>,
      tpu.vector_store %arg12[%swap3A_1149], %add3A_1145 {strides = array<i32>} : memref<128xi32, #tpu.memory_space<vmem>>, vector<16xi32>,
      %mul3A_1151 = arith.constant 128 : i32
      %mul3A_1152 = arith.muli %mul3A_118, %mul3A_1151 : i32
      %add3A_1153 = arith.constant 112 : i32
      %add3A_1154 = arith.addi %mul3A_1152, %add3A_1153 : i32
      %get3A_1155 = arith.index_cast %add3A_1154 : i32 to index
      %get3A_1156 = tpu.vector_load %arg7[%get3A_1155] {strides = array<i32>} : memref<768xf32, #tpu.memory_space<vmem>>, vector<16xf32>,
      %get3A_1157 = arith.index_cast %add3A_1154 : i32 to index
      %get3A_1158 = tpu.vector_load %arg8[%get3A_1157] {strides = array<i32>} : memref<768xf32, #tpu.memory_space<vmem>>, vector<16xf32>,
      %broadcast_in_dim3A_1159 = arith.constant 0 : i32
      %broadcast_in_dim3A_1160 = vector.broadcast %broadcast_in_dim3A_1159 : i32 to vector<16xi32>
      %broadcast_in_dim3A_1161 = arith.constant 0 : i32
      %broadcast_in_dim3A_1162 = vector.broadcast %broadcast_in_dim3A_1161 : i32 to vector<16xi32>
      %gt3A_1163 = vector.broadcast %squeeze3A : f32 to vector<16xf32>
      %gt3A_1164 = arith.cmpf ogt, %get3A_1156, %gt3A_1163 : vector<16xf32>
      %convert_element_type3A_1165 = arith.extui %gt3A_1164 : vector<16xi1> to vector<16xi32>
      %add3A_1166 = arith.addi %broadcast_in_dim3A_1160, %convert_element_type3A_1165 : vector<16xi32>
      %gt3A_1167 = vector.broadcast %squeeze3A_35 : f32 to vector<16xf32>
      %gt3A_1168 = arith.cmpf ogt, %get3A_1158, %gt3A_1167 : vector<16xf32>
      %convert_element_type3A_1169 = arith.extui %gt3A_1168 : vector<16xi1> to vector<16xi32>
      %add3A_1170 = arith.addi %broadcast_in_dim3A_1162, %convert_element_type3A_1169 : vector<16xi32>
      %gt3A_1171 = vector.broadcast %squeeze3A_7 : f32 to vector<16xf32>
      %gt3A_1172 = arith.cmpf ogt, %get3A_1156, %gt3A_1171 : vector<16xf32>
      %convert_element_type3A_1173 = arith.extui %gt3A_1172 : vector<16xi1> to vector<16xi32>
      %add3A_1174 = arith.addi %add3A_1166, %convert_element_type3A_1173 : vector<16xi32>
      %gt3A_1175 = vector.broadcast %squeeze3A_37 : f32 to vector<16xf32>
      %gt3A_1176 = arith.cmpf ogt, %get3A_1158, %gt3A_1175 : vector<16xf32>
      %convert_element_type3A_1177 = arith.extui %gt3A_1176 : vector<16xi1> to vector<16xi32>
      %add3A_1178 = arith.addi %add3A_1170, %convert_element_type3A_1177 : vector<16xi32>
      %gt3A_1179 = vector.broadcast %squeeze3A_9 : f32 to vector<16xf32>
      %gt3A_1180 = arith.cmpf ogt, %get3A_1156, %gt3A_1179 : vector<16xf32>
      %convert_element_type3A_1181 = arith.extui %gt3A_1180 : vector<16xi1> to vector<16xi32>
      %add3A_1182 = arith.addi %add3A_1174, %convert_element_type3A_1181 : vector<16xi32>
      %gt3A_1183 = vector.broadcast %squeeze3A_39 : f32 to vector<16xf32>
      %gt3A_1184 = arith.cmpf ogt, %get3A_1158, %gt3A_1183 : vector<16xf32>
      %convert_element_type3A_1185 = arith.extui %gt3A_1184 : vector<16xi1> to vector<16xi32>
      %add3A_1186 = arith.addi %add3A_1178, %convert_element_type3A_1185 : vector<16xi32>
      %gt3A_1187 = vector.broadcast %squeeze3A_11 : f32 to vector<16xf32>
      %gt3A_1188 = arith.cmpf ogt, %get3A_1156, %gt3A_1187 : vector<16xf32>
      %convert_element_type3A_1189 = arith.extui %gt3A_1188 : vector<16xi1> to vector<16xi32>
      %add3A_1190 = arith.addi %add3A_1182, %convert_element_type3A_1189 : vector<16xi32>
      %gt3A_1191 = vector.broadcast %squeeze3A_41 : f32 to vector<16xf32>
      %gt3A_1192 = arith.cmpf ogt, %get3A_1158, %gt3A_1191 : vector<16xf32>
      %convert_element_type3A_1193 = arith.extui %gt3A_1192 : vector<16xi1> to vector<16xi32>
      %add3A_1194 = arith.addi %add3A_1186, %convert_element_type3A_1193 : vector<16xi32>
      %gt3A_1195 = vector.broadcast %squeeze3A_13 : f32 to vector<16xf32>
      %gt3A_1196 = arith.cmpf ogt, %get3A_1156, %gt3A_1195 : vector<16xf32>
      %convert_element_type3A_1197 = arith.extui %gt3A_1196 : vector<16xi1> to vector<16xi32>
      %add3A_1198 = arith.addi %add3A_1190, %convert_element_type3A_1197 : vector<16xi32>
      %gt3A_1199 = vector.broadcast %squeeze3A_43 : f32 to vector<16xf32>
      %gt3A_1200 = arith.cmpf ogt, %get3A_1158, %gt3A_1199 : vector<16xf32>
      %convert_element_type3A_1201 = arith.extui %gt3A_1200 : vector<16xi1> to vector<16xi32>
      %add3A_1202 = arith.addi %add3A_1194, %convert_element_type3A_1201 : vector<16xi32>
      %gt3A_1203 = vector.broadcast %squeeze3A_15 : f32 to vector<16xf32>
      %gt3A_1204 = arith.cmpf ogt, %get3A_1156, %gt3A_1203 : vector<16xf32>
      %convert_element_type3A_1205 = arith.extui %gt3A_1204 : vector<16xi1> to vector<16xi32>
      %add3A_1206 = arith.addi %add3A_1198, %convert_element_type3A_1205 : vector<16xi32>
      %gt3A_1207 = vector.broadcast %squeeze3A_45 : f32 to vector<16xf32>
      %gt3A_1208 = arith.cmpf ogt, %get3A_1158, %gt3A_1207 : vector<16xf32>
      %convert_element_type3A_1209 = arith.extui %gt3A_1208 : vector<16xi1> to vector<16xi32>
      %add3A_1210 = arith.addi %add3A_1202, %convert_element_type3A_1209 : vector<16xi32>
      %gt3A_1211 = vector.broadcast %squeeze3A_17 : f32 to vector<16xf32>
      %gt3A_1212 = arith.cmpf ogt, %get3A_1156, %gt3A_1211 : vector<16xf32>
      %convert_element_type3A_1213 = arith.extui %gt3A_1212 : vector<16xi1> to vector<16xi32>
      %add3A_1214 = arith.addi %add3A_1206, %convert_element_type3A_1213 : vector<16xi32>
      %gt3A_1215 = vector.broadcast %squeeze3A_47 : f32 to vector<16xf32>
      %gt3A_1216 = arith.cmpf ogt, %get3A_1158, %gt3A_1215 : vector<16xf32>
      %convert_element_type3A_1217 = arith.extui %gt3A_1216 : vector<16xi1> to vector<16xi32>
      %add3A_1218 = arith.addi %add3A_1210, %convert_element_type3A_1217 : vector<16xi32>
      %gt3A_1219 = vector.broadcast %squeeze3A_19 : f32 to vector<16xf32>
      %gt3A_1220 = arith.cmpf ogt, %get3A_1156, %gt3A_1219 : vector<16xf32>
      %convert_element_type3A_1221 = arith.extui %gt3A_1220 : vector<16xi1> to vector<16xi32>
      %add3A_1222 = arith.addi %add3A_1214, %convert_element_type3A_1221 : vector<16xi32>
      %gt3A_1223 = vector.broadcast %squeeze3A_49 : f32 to vector<16xf32>
      %gt3A_1224 = arith.cmpf ogt, %get3A_1158, %gt3A_1223 : vector<16xf32>
      %convert_element_type3A_1225 = arith.extui %gt3A_1224 : vector<16xi1> to vector<16xi32>
      %add3A_1226 = arith.addi %add3A_1218, %convert_element_type3A_1225 : vector<16xi32>
      %gt3A_1227 = vector.broadcast %squeeze3A_21 : f32 to vector<16xf32>
      %gt3A_1228 = arith.cmpf ogt, %get3A_1156, %gt3A_1227 : vector<16xf32>
      %convert_element_type3A_1229 = arith.extui %gt3A_1228 : vector<16xi1> to vector<16xi32>
      %add3A_1230 = arith.addi %add3A_1222, %convert_element_type3A_1229 : vector<16xi32>
      %gt3A_1231 = vector.broadcast %squeeze3A_51 : f32 to vector<16xf32>
      %gt3A_1232 = arith.cmpf ogt, %get3A_1158, %gt3A_1231 : vector<16xf32>
      %convert_element_type3A_1233 = arith.extui %gt3A_1232 : vector<16xi1> to vector<16xi32>
      %add3A_1234 = arith.addi %add3A_1226, %convert_element_type3A_1233 : vector<16xi32>
      %gt3A_1235 = vector.broadcast %squeeze3A_23 : f32 to vector<16xf32>
      %gt3A_1236 = arith.cmpf ogt, %get3A_1156, %gt3A_1235 : vector<16xf32>
      %convert_element_type3A_1237 = arith.extui %gt3A_1236 : vector<16xi1> to vector<16xi32>
      %add3A_1238 = arith.addi %add3A_1230, %convert_element_type3A_1237 : vector<16xi32>
      %gt3A_1239 = vector.broadcast %squeeze3A_53 : f32 to vector<16xf32>
      %gt3A_1240 = arith.cmpf ogt, %get3A_1158, %gt3A_1239 : vector<16xf32>
      %convert_element_type3A_1241 = arith.extui %gt3A_1240 : vector<16xi1> to vector<16xi32>
      %add3A_1242 = arith.addi %add3A_1234, %convert_element_type3A_1241 : vector<16xi32>
      %gt3A_1243 = vector.broadcast %squeeze3A_25 : f32 to vector<16xf32>
      %gt3A_1244 = arith.cmpf ogt, %get3A_1156, %gt3A_1243 : vector<16xf32>
      %convert_element_type3A_1245 = arith.extui %gt3A_1244 : vector<16xi1> to vector<16xi32>
      %add3A_1246 = arith.addi %add3A_1238, %convert_element_type3A_1245 : vector<16xi32>
      %gt3A_1247 = vector.broadcast %squeeze3A_55 : f32 to vector<16xf32>
      %gt3A_1248 = arith.cmpf ogt, %get3A_1158, %gt3A_1247 : vector<16xf32>
      %convert_element_type3A_1249 = arith.extui %gt3A_1248 : vector<16xi1> to vector<16xi32>
      %add3A_1250 = arith.addi %add3A_1242, %convert_element_type3A_1249 : vector<16xi32>
      %gt3A_1251 = vector.broadcast %squeeze3A_27 : f32 to vector<16xf32>
      %gt3A_1252 = arith.cmpf ogt, %get3A_1156, %gt3A_1251 : vector<16xf32>
      %convert_element_type3A_1253 = arith.extui %gt3A_1252 : vector<16xi1> to vector<16xi32>
      %add3A_1254 = arith.addi %add3A_1246, %convert_element_type3A_1253 : vector<16xi32>
      %gt3A_1255 = vector.broadcast %squeeze3A_57 : f32 to vector<16xf32>
      %gt3A_1256 = arith.cmpf ogt, %get3A_1158, %gt3A_1255 : vector<16xf32>
      %convert_element_type3A_1257 = arith.extui %gt3A_1256 : vector<16xi1> to vector<16xi32>
      %add3A_1258 = arith.addi %add3A_1250, %convert_element_type3A_1257 : vector<16xi32>
      %gt3A_1259 = vector.broadcast %squeeze3A_29 : f32 to vector<16xf32>
      %gt3A_1260 = arith.cmpf ogt, %get3A_1156, %gt3A_1259 : vector<16xf32>
      %convert_element_type3A_1261 = arith.extui %gt3A_1260 : vector<16xi1> to vector<16xi32>
      %add3A_1262 = arith.addi %add3A_1254, %convert_element_type3A_1261 : vector<16xi32>
      %gt3A_1263 = vector.broadcast %squeeze3A_59 : f32 to vector<16xf32>
      %gt3A_1264 = arith.cmpf ogt, %get3A_1158, %gt3A_1263 : vector<16xf32>
      %convert_element_type3A_1265 = arith.extui %gt3A_1264 : vector<16xi1> to vector<16xi32>
      %add3A_1266 = arith.addi %add3A_1258, %convert_element_type3A_1265 : vector<16xi32>
      %gt3A_1267 = vector.broadcast %squeeze3A_31 : f32 to vector<16xf32>
      %gt3A_1268 = arith.cmpf ogt, %get3A_1156, %gt3A_1267 : vector<16xf32>
      %convert_element_type3A_1269 = arith.extui %gt3A_1268 : vector<16xi1> to vector<16xi32>
      %add3A_1270 = arith.addi %add3A_1262, %convert_element_type3A_1269 : vector<16xi32>
      %gt3A_1271 = vector.broadcast %squeeze3A_61 : f32 to vector<16xf32>
      %gt3A_1272 = arith.cmpf ogt, %get3A_1158, %gt3A_1271 : vector<16xf32>
      %convert_element_type3A_1273 = arith.extui %gt3A_1272 : vector<16xi1> to vector<16xi32>
      %add3A_1274 = arith.addi %add3A_1266, %convert_element_type3A_1273 : vector<16xi32>
      %gt3A_1275 = vector.broadcast %squeeze3A_33 : f32 to vector<16xf32>
      %gt3A_1276 = arith.cmpf ogt, %get3A_1156, %gt3A_1275 : vector<16xf32>
      %convert_element_type3A_1277 = arith.extui %gt3A_1276 : vector<16xi1> to vector<16xi32>
      %add3A_1278 = arith.addi %add3A_1270, %convert_element_type3A_1277 : vector<16xi32>
      %gt3A_1279 = vector.broadcast %squeeze3A_63 : f32 to vector<16xf32>
      %gt3A_1280 = arith.cmpf ogt, %get3A_1158, %gt3A_1279 : vector<16xf32>
      %convert_element_type3A_1281 = arith.extui %gt3A_1280 : vector<16xi1> to vector<16xi32>
      %add3A_1282 = arith.addi %add3A_1274, %convert_element_type3A_1281 : vector<16xi32>
      %mul3A_1283 = arith.constant 16 : i32
      %mul3A_1284 = vector.broadcast %mul3A_1283 : i32 to vector<16xi32>
      %mul3A_1285 = arith.muli %add3A_1278, %mul3A_1284 : vector<16xi32>
      %add3A_1286 = arith.addi %mul3A_1285, %add3A_1282 : vector<16xi32>
      %add3A_1287 = arith.constant 112 : i32
      %add3A_1288 = vector.broadcast %add3A_1287 : i32 to vector<16xi32>
      %add3A_1289 = arith.addi %iota3A, %add3A_1288 : vector<16xi32>
      tpu.vector_store_idx %arg10[%add3A_1289, %add3A_1286], %broadcast_in_dim3A_64 : memref<128x256xf32, #tpu.memory_space<vmem>>[vector<16xi32>, vector<16xi32>], vector<16xf32>,
      %swap3A_1290 = arith.constant 112 : index
      %swap3A_1291 = tpu.vector_load %arg12[%swap3A_1290] {strides = array<i32>} : memref<128xi32, #tpu.memory_space<vmem>>, vector<16xi32>,
      tpu.vector_store %arg12[%swap3A_1290], %add3A_1286 {strides = array<i32>} : memref<128xi32, #tpu.memory_space<vmem>>, vector<16xi32>,
      %dma_start3A = arith.constant 0 : i32
      %dma_start3A_1292 = tpu.memref_slice %arg6[%add3A_121, %dma_start3A] : memref<24576x256xf32, #tpu.memory_space<hbm>> -> memref<128x256xf32, #tpu.memory_space<hbm>>
      %dma_start3A_1293 = arith.constant 0 : i32
      %dma_start3A_1294 = tpu.memref_slice %arg6[%add3A_121, %dma_start3A_1293] : memref<24576x256xf32, #tpu.memory_space<hbm>> -> memref<128x256xf32, #tpu.memory_space<hbm>>
      tpu.enqueue_dma source(%arg10 : memref<128x256xf32, #tpu.memory_space<vmem>>) target(%dma_start3A_1294 : memref<128x256xf32, #tpu.memory_space<hbm>>) target_semaphore(%arg14 : memref<!tpu.dma_semaphore, #tpu.memory_space<semaphore_mem>>)
      %mul3A_1295 = arith.constant 2 : i32
      %mul3A_1296 = arith.muli %mul3A_1295, %scan3A_116 : i32
      %add3A_1297 = arith.constant 1 : i32
      %add3A_1298 = arith.addi %mul3A_1296, %add3A_1297 : i32
      %mul3A_1299 = arith.constant 128 : i32
      %mul3A_1300 = arith.muli %add3A_1298, %mul3A_1299 : i32
      %add3A_1301 = arith.addi %mul3A_2, %mul3A_1300 : i32
      %gt3A_1302 = arith.constant 0 : i32
      %gt3A_1303 = arith.cmpi sgt, %scan3A_116, %gt3A_1302 : i32
      %convert_element_type3A_1304 = arith.extui %gt3A_1303 : i1 to i32
      %cond3A_1305 = arith.constant 0 : i32
      %cond3A_1306 = arith.cmpi ne, %convert_element_type3A_1304, %cond3A_1305 : i32
      scf.if %cond3A_1306 {
        %dma_wait3A_2479 = arith.constant 0 : i32
        %dma_wait3A_2480 = tpu.memref_slice %arg6[%add3A_1301, %dma_wait3A_2479] : memref<24576x256xf32, #tpu.memory_space<hbm>> -> memref<128x256xf32, #tpu.memory_space<hbm>>
        %dma_wait3A_2481 = arith.constant 0 : i32
        %dma_wait3A_2482 = tpu.memref_slice %arg6[%add3A_1301, %dma_wait3A_2481] : memref<24576x256xf32, #tpu.memory_space<hbm>> -> memref<128x256xf32, #tpu.memory_space<hbm>>
        tpu.wait_dma2 semaphore(%arg15 : memref<!tpu.dma_semaphore, #tpu.memory_space<semaphore_mem>>) src(%arg11 : memref<128x256xf32, #tpu.memory_space<vmem>>) dst(%dma_wait3A_2482 : memref<128x256xf32, #tpu.memory_space<hbm>>)
      } else {
      }
      %add3A_1307 = arith.constant 0 : i32
      %add3A_1308 = vector.broadcast %add3A_1307 : i32 to vector<16xi32>
      %add3A_1309 = arith.addi %iota3A, %add3A_1308 : vector<16xi32>
      %get3A_1310 = arith.constant 0 : index
      %get3A_1311 = tpu.vector_load %arg13[%get3A_1310] {strides = array<i32>} : memref<128xi32, #tpu.memory_space<vmem>>, vector<16xi32>,
      tpu.vector_store_idx %arg11[%add3A_1309, %get3A_1311], %broadcast_in_dim3A_66 : memref<128x256xf32, #tpu.memory_space<vmem>>[vector<16xi32>, vector<16xi32>], vector<16xf32>,
      %add3A_1312 = arith.constant 16 : i32
      %add3A_1313 = vector.broadcast %add3A_1312 : i32 to vector<16xi32>
      %add3A_1314 = arith.addi %iota3A, %add3A_1313 : vector<16xi32>
      %get3A_1315 = arith.constant 16 : index
      %get3A_1316 = tpu.vector_load %arg13[%get3A_1315] {strides = array<i32>} : memref<128xi32, #tpu.memory_space<vmem>>, vector<16xi32>,
      tpu.vector_store_idx %arg11[%add3A_1314, %get3A_1316], %broadcast_in_dim3A_66 : memref<128x256xf32, #tpu.memory_space<vmem>>[vector<16xi32>, vector<16xi32>], vector<16xf32>,
      %add3A_1317 = arith.constant 32 : i32
      %add3A_1318 = vector.broadcast %add3A_1317 : i32 to vector<16xi32>
      %add3A_1319 = arith.addi %iota3A, %add3A_1318 : vector<16xi32>
      %get3A_1320 = arith.constant 32 : index
      %get3A_1321 = tpu.vector_load %arg13[%get3A_1320] {strides = array<i32>} : memref<128xi32, #tpu.memory_space<vmem>>, vector<16xi32>,
      tpu.vector_store_idx %arg11[%add3A_1319, %get3A_1321], %broadcast_in_dim3A_66 : memref<128x256xf32, #tpu.memory_space<vmem>>[vector<16xi32>, vector<16xi32>], vector<16xf32>,
      %add3A_1322 = arith.constant 48 : i32
      %add3A_1323 = vector.broadcast %add3A_1322 : i32 to vector<16xi32>
      %add3A_1324 = arith.addi %iota3A, %add3A_1323 : vector<16xi32>
      %get3A_1325 = arith.constant 48 : index
      %get3A_1326 = tpu.vector_load %arg13[%get3A_1325] {strides = array<i32>} : memref<128xi32, #tpu.memory_space<vmem>>, vector<16xi32>,
      tpu.vector_store_idx %arg11[%add3A_1324, %get3A_1326], %broadcast_in_dim3A_66 : memref<128x256xf32, #tpu.memory_space<vmem>>[vector<16xi32>, vector<16xi32>], vector<16xf32>,
      %add3A_1327 = arith.constant 64 : i32
      %add3A_1328 = vector.broadcast %add3A_1327 : i32 to vector<16xi32>
      %add3A_1329 = arith.addi %iota3A, %add3A_1328 : vector<16xi32>
      %get3A_1330 = arith.constant 64 : index
      %get3A_1331 = tpu.vector_load %arg13[%get3A_1330] {strides = array<i32>} : memref<128xi32, #tpu.memory_space<vmem>>, vector<16xi32>,
      tpu.vector_store_idx %arg11[%add3A_1329, %get3A_1331], %broadcast_in_dim3A_66 : memref<128x256xf32, #tpu.memory_space<vmem>>[vector<16xi32>, vector<16xi32>], vector<16xf32>,
      %add3A_1332 = arith.constant 80 : i32
      %add3A_1333 = vector.broadcast %add3A_1332 : i32 to vector<16xi32>
      %add3A_1334 = arith.addi %iota3A, %add3A_1333 : vector<16xi32>
      %get3A_1335 = arith.constant 80 : index
      %get3A_1336 = tpu.vector_load %arg13[%get3A_1335] {strides = array<i32>} : memref<128xi32, #tpu.memory_space<vmem>>, vector<16xi32>,
      tpu.vector_store_idx %arg11[%add3A_1334, %get3A_1336], %broadcast_in_dim3A_66 : memref<128x256xf32, #tpu.memory_space<vmem>>[vector<16xi32>, vector<16xi32>], vector<16xf32>,
      %add3A_1337 = arith.constant 96 : i32
      %add3A_1338 = vector.broadcast %add3A_1337 : i32 to vector<16xi32>
      %add3A_1339 = arith.addi %iota3A, %add3A_1338 : vector<16xi32>
      %get3A_1340 = arith.constant 96 : index
      %get3A_1341 = tpu.vector_load %arg13[%get3A_1340] {strides = array<i32>} : memref<128xi32, #tpu.memory_space<vmem>>, vector<16xi32>,
      tpu.vector_store_idx %arg11[%add3A_1339, %get3A_1341], %broadcast_in_dim3A_66 : memref<128x256xf32, #tpu.memory_space<vmem>>[vector<16xi32>, vector<16xi32>], vector<16xf32>,
      %add3A_1342 = arith.constant 112 : i32
      %add3A_1343 = vector.broadcast %add3A_1342 : i32 to vector<16xi32>
      %add3A_1344 = arith.addi %iota3A, %add3A_1343 : vector<16xi32>
      %get3A_1345 = arith.constant 112 : index
      %get3A_1346 = tpu.vector_load %arg13[%get3A_1345] {strides = array<i32>} : memref<128xi32, #tpu.memory_space<vmem>>, vector<16xi32>,
      tpu.vector_store_idx %arg11[%add3A_1344, %get3A_1346], %broadcast_in_dim3A_66 : memref<128x256xf32, #tpu.memory_space<vmem>>[vector<16xi32>, vector<16xi32>], vector<16xf32>,
      %mul3A_1347 = arith.constant 128 : i32
      %mul3A_1348 = arith.muli %add3A_1298, %mul3A_1347 : i32
      %add3A_1349 = arith.constant 0 : i32
      %add3A_1350 = arith.addi %mul3A_1348, %add3A_1349 : i32
      %get3A_1351 = arith.index_cast %add3A_1350 : i32 to index
      %get3A_1352 = tpu.vector_load %arg7[%get3A_1351] {strides = array<i32>} : memref<768xf32, #tpu.memory_space<vmem>>, vector<16xf32>,
      %get3A_1353 = arith.index_cast %add3A_1350 : i32 to index
      %get3A_1354 = tpu.vector_load %arg8[%get3A_1353] {strides = array<i32>} : memref<768xf32, #tpu.memory_space<vmem>>, vector<16xf32>,
      %broadcast_in_dim3A_1355 = arith.constant 0 : i32
      %broadcast_in_dim3A_1356 = vector.broadcast %broadcast_in_dim3A_1355 : i32 to vector<16xi32>
      %broadcast_in_dim3A_1357 = arith.constant 0 : i32
      %broadcast_in_dim3A_1358 = vector.broadcast %broadcast_in_dim3A_1357 : i32 to vector<16xi32>
      %gt3A_1359 = vector.broadcast %squeeze3A : f32 to vector<16xf32>
      %gt3A_1360 = arith.cmpf ogt, %get3A_1352, %gt3A_1359 : vector<16xf32>
      %convert_element_type3A_1361 = arith.extui %gt3A_1360 : vector<16xi1> to vector<16xi32>
      %add3A_1362 = arith.addi %broadcast_in_dim3A_1356, %convert_element_type3A_1361 : vector<16xi32>
      %gt3A_1363 = vector.broadcast %squeeze3A_35 : f32 to vector<16xf32>
      %gt3A_1364 = arith.cmpf ogt, %get3A_1354, %gt3A_1363 : vector<16xf32>
      %convert_element_type3A_1365 = arith.extui %gt3A_1364 : vector<16xi1> to vector<16xi32>
      %add3A_1366 = arith.addi %broadcast_in_dim3A_1358, %convert_element_type3A_1365 : vector<16xi32>
      %gt3A_1367 = vector.broadcast %squeeze3A_7 : f32 to vector<16xf32>
      %gt3A_1368 = arith.cmpf ogt, %get3A_1352, %gt3A_1367 : vector<16xf32>
      %convert_element_type3A_1369 = arith.extui %gt3A_1368 : vector<16xi1> to vector<16xi32>
      %add3A_1370 = arith.addi %add3A_1362, %convert_element_type3A_1369 : vector<16xi32>
      %gt3A_1371 = vector.broadcast %squeeze3A_37 : f32 to vector<16xf32>
      %gt3A_1372 = arith.cmpf ogt, %get3A_1354, %gt3A_1371 : vector<16xf32>
      %convert_element_type3A_1373 = arith.extui %gt3A_1372 : vector<16xi1> to vector<16xi32>
      %add3A_1374 = arith.addi %add3A_1366, %convert_element_type3A_1373 : vector<16xi32>
      %gt3A_1375 = vector.broadcast %squeeze3A_9 : f32 to vector<16xf32>
      %gt3A_1376 = arith.cmpf ogt, %get3A_1352, %gt3A_1375 : vector<16xf32>
      %convert_element_type3A_1377 = arith.extui %gt3A_1376 : vector<16xi1> to vector<16xi32>
      %add3A_1378 = arith.addi %add3A_1370, %convert_element_type3A_1377 : vector<16xi32>
      %gt3A_1379 = vector.broadcast %squeeze3A_39 : f32 to vector<16xf32>
      %gt3A_1380 = arith.cmpf ogt, %get3A_1354, %gt3A_1379 : vector<16xf32>
      %convert_element_type3A_1381 = arith.extui %gt3A_1380 : vector<16xi1> to vector<16xi32>
      %add3A_1382 = arith.addi %add3A_1374, %convert_element_type3A_1381 : vector<16xi32>
      %gt3A_1383 = vector.broadcast %squeeze3A_11 : f32 to vector<16xf32>
      %gt3A_1384 = arith.cmpf ogt, %get3A_1352, %gt3A_1383 : vector<16xf32>
      %convert_element_type3A_1385 = arith.extui %gt3A_1384 : vector<16xi1> to vector<16xi32>
      %add3A_1386 = arith.addi %add3A_1378, %convert_element_type3A_1385 : vector<16xi32>
      %gt3A_1387 = vector.broadcast %squeeze3A_41 : f32 to vector<16xf32>
      %gt3A_1388 = arith.cmpf ogt, %get3A_1354, %gt3A_1387 : vector<16xf32>
      %convert_element_type3A_1389 = arith.extui %gt3A_1388 : vector<16xi1> to vector<16xi32>
      %add3A_1390 = arith.addi %add3A_1382, %convert_element_type3A_1389 : vector<16xi32>
      %gt3A_1391 = vector.broadcast %squeeze3A_13 : f32 to vector<16xf32>
      %gt3A_1392 = arith.cmpf ogt, %get3A_1352, %gt3A_1391 : vector<16xf32>
      %convert_element_type3A_1393 = arith.extui %gt3A_1392 : vector<16xi1> to vector<16xi32>
      %add3A_1394 = arith.addi %add3A_1386, %convert_element_type3A_1393 : vector<16xi32>
      %gt3A_1395 = vector.broadcast %squeeze3A_43 : f32 to vector<16xf32>
      %gt3A_1396 = arith.cmpf ogt, %get3A_1354, %gt3A_1395 : vector<16xf32>
      %convert_element_type3A_1397 = arith.extui %gt3A_1396 : vector<16xi1> to vector<16xi32>
      %add3A_1398 = arith.addi %add3A_1390, %convert_element_type3A_1397 : vector<16xi32>
      %gt3A_1399 = vector.broadcast %squeeze3A_15 : f32 to vector<16xf32>
      %gt3A_1400 = arith.cmpf ogt, %get3A_1352, %gt3A_1399 : vector<16xf32>
      %convert_element_type3A_1401 = arith.extui %gt3A_1400 : vector<16xi1> to vector<16xi32>
      %add3A_1402 = arith.addi %add3A_1394, %convert_element_type3A_1401 : vector<16xi32>
      %gt3A_1403 = vector.broadcast %squeeze3A_45 : f32 to vector<16xf32>
      %gt3A_1404 = arith.cmpf ogt, %get3A_1354, %gt3A_1403 : vector<16xf32>
      %convert_element_type3A_1405 = arith.extui %gt3A_1404 : vector<16xi1> to vector<16xi32>
      %add3A_1406 = arith.addi %add3A_1398, %convert_element_type3A_1405 : vector<16xi32>
      %gt3A_1407 = vector.broadcast %squeeze3A_17 : f32 to vector<16xf32>
      %gt3A_1408 = arith.cmpf ogt, %get3A_1352, %gt3A_1407 : vector<16xf32>
      %convert_element_type3A_1409 = arith.extui %gt3A_1408 : vector<16xi1> to vector<16xi32>
      %add3A_1410 = arith.addi %add3A_1402, %convert_element_type3A_1409 : vector<16xi32>
      %gt3A_1411 = vector.broadcast %squeeze3A_47 : f32 to vector<16xf32>
      %gt3A_1412 = arith.cmpf ogt, %get3A_1354, %gt3A_1411 : vector<16xf32>
      %convert_element_type3A_1413 = arith.extui %gt3A_1412 : vector<16xi1> to vector<16xi32>
      %add3A_1414 = arith.addi %add3A_1406, %convert_element_type3A_1413 : vector<16xi32>
      %gt3A_1415 = vector.broadcast %squeeze3A_19 : f32 to vector<16xf32>
      %gt3A_1416 = arith.cmpf ogt, %get3A_1352, %gt3A_1415 : vector<16xf32>
      %convert_element_type3A_1417 = arith.extui %gt3A_1416 : vector<16xi1> to vector<16xi32>
      %add3A_1418 = arith.addi %add3A_1410, %convert_element_type3A_1417 : vector<16xi32>
      %gt3A_1419 = vector.broadcast %squeeze3A_49 : f32 to vector<16xf32>
      %gt3A_1420 = arith.cmpf ogt, %get3A_1354, %gt3A_1419 : vector<16xf32>
      %convert_element_type3A_1421 = arith.extui %gt3A_1420 : vector<16xi1> to vector<16xi32>
      %add3A_1422 = arith.addi %add3A_1414, %convert_element_type3A_1421 : vector<16xi32>
      %gt3A_1423 = vector.broadcast %squeeze3A_21 : f32 to vector<16xf32>
      %gt3A_1424 = arith.cmpf ogt, %get3A_1352, %gt3A_1423 : vector<16xf32>
      %convert_element_type3A_1425 = arith.extui %gt3A_1424 : vector<16xi1> to vector<16xi32>
      %add3A_1426 = arith.addi %add3A_1418, %convert_element_type3A_1425 : vector<16xi32>
      %gt3A_1427 = vector.broadcast %squeeze3A_51 : f32 to vector<16xf32>
      %gt3A_1428 = arith.cmpf ogt, %get3A_1354, %gt3A_1427 : vector<16xf32>
      %convert_element_type3A_1429 = arith.extui %gt3A_1428 : vector<16xi1> to vector<16xi32>
      %add3A_1430 = arith.addi %add3A_1422, %convert_element_type3A_1429 : vector<16xi32>
      %gt3A_1431 = vector.broadcast %squeeze3A_23 : f32 to vector<16xf32>
      %gt3A_1432 = arith.cmpf ogt, %get3A_1352, %gt3A_1431 : vector<16xf32>
      %convert_element_type3A_1433 = arith.extui %gt3A_1432 : vector<16xi1> to vector<16xi32>
      %add3A_1434 = arith.addi %add3A_1426, %convert_element_type3A_1433 : vector<16xi32>
      %gt3A_1435 = vector.broadcast %squeeze3A_53 : f32 to vector<16xf32>
      %gt3A_1436 = arith.cmpf ogt, %get3A_1354, %gt3A_1435 : vector<16xf32>
      %convert_element_type3A_1437 = arith.extui %gt3A_1436 : vector<16xi1> to vector<16xi32>
      %add3A_1438 = arith.addi %add3A_1430, %convert_element_type3A_1437 : vector<16xi32>
      %gt3A_1439 = vector.broadcast %squeeze3A_25 : f32 to vector<16xf32>
      %gt3A_1440 = arith.cmpf ogt, %get3A_1352, %gt3A_1439 : vector<16xf32>
      %convert_element_type3A_1441 = arith.extui %gt3A_1440 : vector<16xi1> to vector<16xi32>
      %add3A_1442 = arith.addi %add3A_1434, %convert_element_type3A_1441 : vector<16xi32>
      %gt3A_1443 = vector.broadcast %squeeze3A_55 : f32 to vector<16xf32>
      %gt3A_1444 = arith.cmpf ogt, %get3A_1354, %gt3A_1443 : vector<16xf32>
      %convert_element_type3A_1445 = arith.extui %gt3A_1444 : vector<16xi1> to vector<16xi32>
      %add3A_1446 = arith.addi %add3A_1438, %convert_element_type3A_1445 : vector<16xi32>
      %gt3A_1447 = vector.broadcast %squeeze3A_27 : f32 to vector<16xf32>
      %gt3A_1448 = arith.cmpf ogt, %get3A_1352, %gt3A_1447 : vector<16xf32>
      %convert_element_type3A_1449 = arith.extui %gt3A_1448 : vector<16xi1> to vector<16xi32>
      %add3A_1450 = arith.addi %add3A_1442, %convert_element_type3A_1449 : vector<16xi32>
      %gt3A_1451 = vector.broadcast %squeeze3A_57 : f32 to vector<16xf32>
      %gt3A_1452 = arith.cmpf ogt, %get3A_1354, %gt3A_1451 : vector<16xf32>
      %convert_element_type3A_1453 = arith.extui %gt3A_1452 : vector<16xi1> to vector<16xi32>
      %add3A_1454 = arith.addi %add3A_1446, %convert_element_type3A_1453 : vector<16xi32>
      %gt3A_1455 = vector.broadcast %squeeze3A_29 : f32 to vector<16xf32>
      %gt3A_1456 = arith.cmpf ogt, %get3A_1352, %gt3A_1455 : vector<16xf32>
      %convert_element_type3A_1457 = arith.extui %gt3A_1456 : vector<16xi1> to vector<16xi32>
      %add3A_1458 = arith.addi %add3A_1450, %convert_element_type3A_1457 : vector<16xi32>
      %gt3A_1459 = vector.broadcast %squeeze3A_59 : f32 to vector<16xf32>
      %gt3A_1460 = arith.cmpf ogt, %get3A_1354, %gt3A_1459 : vector<16xf32>
      %convert_element_type3A_1461 = arith.extui %gt3A_1460 : vector<16xi1> to vector<16xi32>
      %add3A_1462 = arith.addi %add3A_1454, %convert_element_type3A_1461 : vector<16xi32>
      %gt3A_1463 = vector.broadcast %squeeze3A_31 : f32 to vector<16xf32>
      %gt3A_1464 = arith.cmpf ogt, %get3A_1352, %gt3A_1463 : vector<16xf32>
      %convert_element_type3A_1465 = arith.extui %gt3A_1464 : vector<16xi1> to vector<16xi32>
      %add3A_1466 = arith.addi %add3A_1458, %convert_element_type3A_1465 : vector<16xi32>
      %gt3A_1467 = vector.broadcast %squeeze3A_61 : f32 to vector<16xf32>
      %gt3A_1468 = arith.cmpf ogt, %get3A_1354, %gt3A_1467 : vector<16xf32>
      %convert_element_type3A_1469 = arith.extui %gt3A_1468 : vector<16xi1> to vector<16xi32>
      %add3A_1470 = arith.addi %add3A_1462, %convert_element_type3A_1469 : vector<16xi32>
      %gt3A_1471 = vector.broadcast %squeeze3A_33 : f32 to vector<16xf32>
      %gt3A_1472 = arith.cmpf ogt, %get3A_1352, %gt3A_1471 : vector<16xf32>
      %convert_element_type3A_1473 = arith.extui %gt3A_1472 : vector<16xi1> to vector<16xi32>
      %add3A_1474 = arith.addi %add3A_1466, %convert_element_type3A_1473 : vector<16xi32>
      %gt3A_1475 = vector.broadcast %squeeze3A_63 : f32 to vector<16xf32>
      %gt3A_1476 = arith.cmpf ogt, %get3A_1354, %gt3A_1475 : vector<16xf32>
      %convert_element_type3A_1477 = arith.extui %gt3A_1476 : vector<16xi1> to vector<16xi32>
      %add3A_1478 = arith.addi %add3A_1470, %convert_element_type3A_1477 : vector<16xi32>
      %mul3A_1479 = arith.constant 16 : i32
      %mul3A_1480 = vector.broadcast %mul3A_1479 : i32 to vector<16xi32>
      %mul3A_1481 = arith.muli %add3A_1474, %mul3A_1480 : vector<16xi32>
      %add3A_1482 = arith.addi %mul3A_1481, %add3A_1478 : vector<16xi32>
      %add3A_1483 = arith.constant 0 : i32
      %add3A_1484 = vector.broadcast %add3A_1483 : i32 to vector<16xi32>
      %add3A_1485 = arith.addi %iota3A, %add3A_1484 : vector<16xi32>
      tpu.vector_store_idx %arg11[%add3A_1485, %add3A_1482], %broadcast_in_dim3A_64 : memref<128x256xf32, #tpu.memory_space<vmem>>[vector<16xi32>, vector<16xi32>], vector<16xf32>,
      %swap3A_1486 = arith.constant 0 : index
      %swap3A_1487 = tpu.vector_load %arg13[%swap3A_1486] {strides = array<i32>} : memref<128xi32, #tpu.memory_space<vmem>>, vector<16xi32>,
      tpu.vector_store %arg13[%swap3A_1486], %add3A_1482 {strides = array<i32>} : memref<128xi32, #tpu.memory_space<vmem>>, vector<16xi32>,
      %mul3A_1488 = arith.constant 128 : i32
      %mul3A_1489 = arith.muli %add3A_1298, %mul3A_1488 : i32
      %add3A_1490 = arith.constant 16 : i32
      %add3A_1491 = arith.addi %mul3A_1489, %add3A_1490 : i32
      %get3A_1492 = arith.index_cast %add3A_1491 : i32 to index
      %get3A_1493 = tpu.vector_load %arg7[%get3A_1492] {strides = array<i32>} : memref<768xf32, #tpu.memory_space<vmem>>, vector<16xf32>,
      %get3A_1494 = arith.index_cast %add3A_1491 : i32 to index
      %get3A_1495 = tpu.vector_load %arg8[%get3A_1494] {strides = array<i32>} : memref<768xf32, #tpu.memory_space<vmem>>, vector<16xf32>,
      %broadcast_in_dim3A_1496 = arith.constant 0 : i32
      %broadcast_in_dim3A_1497 = vector.broadcast %broadcast_in_dim3A_1496 : i32 to vector<16xi32>
      %broadcast_in_dim3A_1498 = arith.constant 0 : i32
      %broadcast_in_dim3A_1499 = vector.broadcast %broadcast_in_dim3A_1498 : i32 to vector<16xi32>
      %gt3A_1500 = vector.broadcast %squeeze3A : f32 to vector<16xf32>
      %gt3A_1501 = arith.cmpf ogt, %get3A_1493, %gt3A_1500 : vector<16xf32>
      %convert_element_type3A_1502 = arith.extui %gt3A_1501 : vector<16xi1> to vector<16xi32>
      %add3A_1503 = arith.addi %broadcast_in_dim3A_1497, %convert_element_type3A_1502 : vector<16xi32>
      %gt3A_1504 = vector.broadcast %squeeze3A_35 : f32 to vector<16xf32>
      %gt3A_1505 = arith.cmpf ogt, %get3A_1495, %gt3A_1504 : vector<16xf32>
      %convert_element_type3A_1506 = arith.extui %gt3A_1505 : vector<16xi1> to vector<16xi32>
      %add3A_1507 = arith.addi %broadcast_in_dim3A_1499, %convert_element_type3A_1506 : vector<16xi32>
      %gt3A_1508 = vector.broadcast %squeeze3A_7 : f32 to vector<16xf32>
      %gt3A_1509 = arith.cmpf ogt, %get3A_1493, %gt3A_1508 : vector<16xf32>
      %convert_element_type3A_1510 = arith.extui %gt3A_1509 : vector<16xi1> to vector<16xi32>
      %add3A_1511 = arith.addi %add3A_1503, %convert_element_type3A_1510 : vector<16xi32>
      %gt3A_1512 = vector.broadcast %squeeze3A_37 : f32 to vector<16xf32>
      %gt3A_1513 = arith.cmpf ogt, %get3A_1495, %gt3A_1512 : vector<16xf32>
      %convert_element_type3A_1514 = arith.extui %gt3A_1513 : vector<16xi1> to vector<16xi32>
      %add3A_1515 = arith.addi %add3A_1507, %convert_element_type3A_1514 : vector<16xi32>
      %gt3A_1516 = vector.broadcast %squeeze3A_9 : f32 to vector<16xf32>
      %gt3A_1517 = arith.cmpf ogt, %get3A_1493, %gt3A_1516 : vector<16xf32>
      %convert_element_type3A_1518 = arith.extui %gt3A_1517 : vector<16xi1> to vector<16xi32>
      %add3A_1519 = arith.addi %add3A_1511, %convert_element_type3A_1518 : vector<16xi32>
      %gt3A_1520 = vector.broadcast %squeeze3A_39 : f32 to vector<16xf32>
      %gt3A_1521 = arith.cmpf ogt, %get3A_1495, %gt3A_1520 : vector<16xf32>
      %convert_element_type3A_1522 = arith.extui %gt3A_1521 : vector<16xi1> to vector<16xi32>
      %add3A_1523 = arith.addi %add3A_1515, %convert_element_type3A_1522 : vector<16xi32>
      %gt3A_1524 = vector.broadcast %squeeze3A_11 : f32 to vector<16xf32>
      %gt3A_1525 = arith.cmpf ogt, %get3A_1493, %gt3A_1524 : vector<16xf32>
      %convert_element_type3A_1526 = arith.extui %gt3A_1525 : vector<16xi1> to vector<16xi32>
      %add3A_1527 = arith.addi %add3A_1519, %convert_element_type3A_1526 : vector<16xi32>
      %gt3A_1528 = vector.broadcast %squeeze3A_41 : f32 to vector<16xf32>
      %gt3A_1529 = arith.cmpf ogt, %get3A_1495, %gt3A_1528 : vector<16xf32>
      %convert_element_type3A_1530 = arith.extui %gt3A_1529 : vector<16xi1> to vector<16xi32>
      %add3A_1531 = arith.addi %add3A_1523, %convert_element_type3A_1530 : vector<16xi32>
      %gt3A_1532 = vector.broadcast %squeeze3A_13 : f32 to vector<16xf32>
      %gt3A_1533 = arith.cmpf ogt, %get3A_1493, %gt3A_1532 : vector<16xf32>
      %convert_element_type3A_1534 = arith.extui %gt3A_1533 : vector<16xi1> to vector<16xi32>
      %add3A_1535 = arith.addi %add3A_1527, %convert_element_type3A_1534 : vector<16xi32>
      %gt3A_1536 = vector.broadcast %squeeze3A_43 : f32 to vector<16xf32>
      %gt3A_1537 = arith.cmpf ogt, %get3A_1495, %gt3A_1536 : vector<16xf32>
      %convert_element_type3A_1538 = arith.extui %gt3A_1537 : vector<16xi1> to vector<16xi32>
      %add3A_1539 = arith.addi %add3A_1531, %convert_element_type3A_1538 : vector<16xi32>
      %gt3A_1540 = vector.broadcast %squeeze3A_15 : f32 to vector<16xf32>
      %gt3A_1541 = arith.cmpf ogt, %get3A_1493, %gt3A_1540 : vector<16xf32>
      %convert_element_type3A_1542 = arith.extui %gt3A_1541 : vector<16xi1> to vector<16xi32>
      %add3A_1543 = arith.addi %add3A_1535, %convert_element_type3A_1542 : vector<16xi32>
      %gt3A_1544 = vector.broadcast %squeeze3A_45 : f32 to vector<16xf32>
      %gt3A_1545 = arith.cmpf ogt, %get3A_1495, %gt3A_1544 : vector<16xf32>
      %convert_element_type3A_1546 = arith.extui %gt3A_1545 : vector<16xi1> to vector<16xi32>
      %add3A_1547 = arith.addi %add3A_1539, %convert_element_type3A_1546 : vector<16xi32>
      %gt3A_1548 = vector.broadcast %squeeze3A_17 : f32 to vector<16xf32>
      %gt3A_1549 = arith.cmpf ogt, %get3A_1493, %gt3A_1548 : vector<16xf32>
      %convert_element_type3A_1550 = arith.extui %gt3A_1549 : vector<16xi1> to vector<16xi32>
      %add3A_1551 = arith.addi %add3A_1543, %convert_element_type3A_1550 : vector<16xi32>
      %gt3A_1552 = vector.broadcast %squeeze3A_47 : f32 to vector<16xf32>
      %gt3A_1553 = arith.cmpf ogt, %get3A_1495, %gt3A_1552 : vector<16xf32>
      %convert_element_type3A_1554 = arith.extui %gt3A_1553 : vector<16xi1> to vector<16xi32>
      %add3A_1555 = arith.addi %add3A_1547, %convert_element_type3A_1554 : vector<16xi32>
      %gt3A_1556 = vector.broadcast %squeeze3A_19 : f32 to vector<16xf32>
      %gt3A_1557 = arith.cmpf ogt, %get3A_1493, %gt3A_1556 : vector<16xf32>
      %convert_element_type3A_1558 = arith.extui %gt3A_1557 : vector<16xi1> to vector<16xi32>
      %add3A_1559 = arith.addi %add3A_1551, %convert_element_type3A_1558 : vector<16xi32>
      %gt3A_1560 = vector.broadcast %squeeze3A_49 : f32 to vector<16xf32>
      %gt3A_1561 = arith.cmpf ogt, %get3A_1495, %gt3A_1560 : vector<16xf32>
      %convert_element_type3A_1562 = arith.extui %gt3A_1561 : vector<16xi1> to vector<16xi32>
      %add3A_1563 = arith.addi %add3A_1555, %convert_element_type3A_1562 : vector<16xi32>
      %gt3A_1564 = vector.broadcast %squeeze3A_21 : f32 to vector<16xf32>
      %gt3A_1565 = arith.cmpf ogt, %get3A_1493, %gt3A_1564 : vector<16xf32>
      %convert_element_type3A_1566 = arith.extui %gt3A_1565 : vector<16xi1> to vector<16xi32>
      %add3A_1567 = arith.addi %add3A_1559, %convert_element_type3A_1566 : vector<16xi32>
      %gt3A_1568 = vector.broadcast %squeeze3A_51 : f32 to vector<16xf32>
      %gt3A_1569 = arith.cmpf ogt, %get3A_1495, %gt3A_1568 : vector<16xf32>
      %convert_element_type3A_1570 = arith.extui %gt3A_1569 : vector<16xi1> to vector<16xi32>
      %add3A_1571 = arith.addi %add3A_1563, %convert_element_type3A_1570 : vector<16xi32>
      %gt3A_1572 = vector.broadcast %squeeze3A_23 : f32 to vector<16xf32>
      %gt3A_1573 = arith.cmpf ogt, %get3A_1493, %gt3A_1572 : vector<16xf32>
      %convert_element_type3A_1574 = arith.extui %gt3A_1573 : vector<16xi1> to vector<16xi32>
      %add3A_1575 = arith.addi %add3A_1567, %convert_element_type3A_1574 : vector<16xi32>
      %gt3A_1576 = vector.broadcast %squeeze3A_53 : f32 to vector<16xf32>
      %gt3A_1577 = arith.cmpf ogt, %get3A_1495, %gt3A_1576 : vector<16xf32>
      %convert_element_type3A_1578 = arith.extui %gt3A_1577 : vector<16xi1> to vector<16xi32>
      %add3A_1579 = arith.addi %add3A_1571, %convert_element_type3A_1578 : vector<16xi32>
      %gt3A_1580 = vector.broadcast %squeeze3A_25 : f32 to vector<16xf32>
      %gt3A_1581 = arith.cmpf ogt, %get3A_1493, %gt3A_1580 : vector<16xf32>
      %convert_element_type3A_1582 = arith.extui %gt3A_1581 : vector<16xi1> to vector<16xi32>
      %add3A_1583 = arith.addi %add3A_1575, %convert_element_type3A_1582 : vector<16xi32>
      %gt3A_1584 = vector.broadcast %squeeze3A_55 : f32 to vector<16xf32>
      %gt3A_1585 = arith.cmpf ogt, %get3A_1495, %gt3A_1584 : vector<16xf32>
      %convert_element_type3A_1586 = arith.extui %gt3A_1585 : vector<16xi1> to vector<16xi32>
      %add3A_1587 = arith.addi %add3A_1579, %convert_element_type3A_1586 : vector<16xi32>
      %gt3A_1588 = vector.broadcast %squeeze3A_27 : f32 to vector<16xf32>
      %gt3A_1589 = arith.cmpf ogt, %get3A_1493, %gt3A_1588 : vector<16xf32>
      %convert_element_type3A_1590 = arith.extui %gt3A_1589 : vector<16xi1> to vector<16xi32>
      %add3A_1591 = arith.addi %add3A_1583, %convert_element_type3A_1590 : vector<16xi32>
      %gt3A_1592 = vector.broadcast %squeeze3A_57 : f32 to vector<16xf32>
      %gt3A_1593 = arith.cmpf ogt, %get3A_1495, %gt3A_1592 : vector<16xf32>
      %convert_element_type3A_1594 = arith.extui %gt3A_1593 : vector<16xi1> to vector<16xi32>
      %add3A_1595 = arith.addi %add3A_1587, %convert_element_type3A_1594 : vector<16xi32>
      %gt3A_1596 = vector.broadcast %squeeze3A_29 : f32 to vector<16xf32>
      %gt3A_1597 = arith.cmpf ogt, %get3A_1493, %gt3A_1596 : vector<16xf32>
      %convert_element_type3A_1598 = arith.extui %gt3A_1597 : vector<16xi1> to vector<16xi32>
      %add3A_1599 = arith.addi %add3A_1591, %convert_element_type3A_1598 : vector<16xi32>
      %gt3A_1600 = vector.broadcast %squeeze3A_59 : f32 to vector<16xf32>
      %gt3A_1601 = arith.cmpf ogt, %get3A_1495, %gt3A_1600 : vector<16xf32>
      %convert_element_type3A_1602 = arith.extui %gt3A_1601 : vector<16xi1> to vector<16xi32>
      %add3A_1603 = arith.addi %add3A_1595, %convert_element_type3A_1602 : vector<16xi32>
      %gt3A_1604 = vector.broadcast %squeeze3A_31 : f32 to vector<16xf32>
      %gt3A_1605 = arith.cmpf ogt, %get3A_1493, %gt3A_1604 : vector<16xf32>
      %convert_element_type3A_1606 = arith.extui %gt3A_1605 : vector<16xi1> to vector<16xi32>
      %add3A_1607 = arith.addi %add3A_1599, %convert_element_type3A_1606 : vector<16xi32>
      %gt3A_1608 = vector.broadcast %squeeze3A_61 : f32 to vector<16xf32>
      %gt3A_1609 = arith.cmpf ogt, %get3A_1495, %gt3A_1608 : vector<16xf32>
      %convert_element_type3A_1610 = arith.extui %gt3A_1609 : vector<16xi1> to vector<16xi32>
      %add3A_1611 = arith.addi %add3A_1603, %convert_element_type3A_1610 : vector<16xi32>
      %gt3A_1612 = vector.broadcast %squeeze3A_33 : f32 to vector<16xf32>
      %gt3A_1613 = arith.cmpf ogt, %get3A_1493, %gt3A_1612 : vector<16xf32>
      %convert_element_type3A_1614 = arith.extui %gt3A_1613 : vector<16xi1> to vector<16xi32>
      %add3A_1615 = arith.addi %add3A_1607, %convert_element_type3A_1614 : vector<16xi32>
      %gt3A_1616 = vector.broadcast %squeeze3A_63 : f32 to vector<16xf32>
      %gt3A_1617 = arith.cmpf ogt, %get3A_1495, %gt3A_1616 : vector<16xf32>
      %convert_element_type3A_1618 = arith.extui %gt3A_1617 : vector<16xi1> to vector<16xi32>
      %add3A_1619 = arith.addi %add3A_1611, %convert_element_type3A_1618 : vector<16xi32>
      %mul3A_1620 = arith.constant 16 : i32
      %mul3A_1621 = vector.broadcast %mul3A_1620 : i32 to vector<16xi32>
      %mul3A_1622 = arith.muli %add3A_1615, %mul3A_1621 : vector<16xi32>
      %add3A_1623 = arith.addi %mul3A_1622, %add3A_1619 : vector<16xi32>
      %add3A_1624 = arith.constant 16 : i32
      %add3A_1625 = vector.broadcast %add3A_1624 : i32 to vector<16xi32>
      %add3A_1626 = arith.addi %iota3A, %add3A_1625 : vector<16xi32>
      tpu.vector_store_idx %arg11[%add3A_1626, %add3A_1623], %broadcast_in_dim3A_64 : memref<128x256xf32, #tpu.memory_space<vmem>>[vector<16xi32>, vector<16xi32>], vector<16xf32>,
      %swap3A_1627 = arith.constant 16 : index
      %swap3A_1628 = tpu.vector_load %arg13[%swap3A_1627] {strides = array<i32>} : memref<128xi32, #tpu.memory_space<vmem>>, vector<16xi32>,
      tpu.vector_store %arg13[%swap3A_1627], %add3A_1623 {strides = array<i32>} : memref<128xi32, #tpu.memory_space<vmem>>, vector<16xi32>,
      %mul3A_1629 = arith.constant 128 : i32
      %mul3A_1630 = arith.muli %add3A_1298, %mul3A_1629 : i32
      %add3A_1631 = arith.constant 32 : i32
      %add3A_1632 = arith.addi %mul3A_1630, %add3A_1631 : i32
      %get3A_1633 = arith.index_cast %add3A_1632 : i32 to index
      %get3A_1634 = tpu.vector_load %arg7[%get3A_1633] {strides = array<i32>} : memref<768xf32, #tpu.memory_space<vmem>>, vector<16xf32>,
      %get3A_1635 = arith.index_cast %add3A_1632 : i32 to index
      %get3A_1636 = tpu.vector_load %arg8[%get3A_1635] {strides = array<i32>} : memref<768xf32, #tpu.memory_space<vmem>>, vector<16xf32>,
      %broadcast_in_dim3A_1637 = arith.constant 0 : i32
      %broadcast_in_dim3A_1638 = vector.broadcast %broadcast_in_dim3A_1637 : i32 to vector<16xi32>
      %broadcast_in_dim3A_1639 = arith.constant 0 : i32
      %broadcast_in_dim3A_1640 = vector.broadcast %broadcast_in_dim3A_1639 : i32 to vector<16xi32>
      %gt3A_1641 = vector.broadcast %squeeze3A : f32 to vector<16xf32>
      %gt3A_1642 = arith.cmpf ogt, %get3A_1634, %gt3A_1641 : vector<16xf32>
      %convert_element_type3A_1643 = arith.extui %gt3A_1642 : vector<16xi1> to vector<16xi32>
      %add3A_1644 = arith.addi %broadcast_in_dim3A_1638, %convert_element_type3A_1643 : vector<16xi32>
      %gt3A_1645 = vector.broadcast %squeeze3A_35 : f32 to vector<16xf32>
      %gt3A_1646 = arith.cmpf ogt, %get3A_1636, %gt3A_1645 : vector<16xf32>
      %convert_element_type3A_1647 = arith.extui %gt3A_1646 : vector<16xi1> to vector<16xi32>
      %add3A_1648 = arith.addi %broadcast_in_dim3A_1640, %convert_element_type3A_1647 : vector<16xi32>
      %gt3A_1649 = vector.broadcast %squeeze3A_7 : f32 to vector<16xf32>
      %gt3A_1650 = arith.cmpf ogt, %get3A_1634, %gt3A_1649 : vector<16xf32>
      %convert_element_type3A_1651 = arith.extui %gt3A_1650 : vector<16xi1> to vector<16xi32>
      %add3A_1652 = arith.addi %add3A_1644, %convert_element_type3A_1651 : vector<16xi32>
      %gt3A_1653 = vector.broadcast %squeeze3A_37 : f32 to vector<16xf32>
      %gt3A_1654 = arith.cmpf ogt, %get3A_1636, %gt3A_1653 : vector<16xf32>
      %convert_element_type3A_1655 = arith.extui %gt3A_1654 : vector<16xi1> to vector<16xi32>
      %add3A_1656 = arith.addi %add3A_1648, %convert_element_type3A_1655 : vector<16xi32>
      %gt3A_1657 = vector.broadcast %squeeze3A_9 : f32 to vector<16xf32>
      %gt3A_1658 = arith.cmpf ogt, %get3A_1634, %gt3A_1657 : vector<16xf32>
      %convert_element_type3A_1659 = arith.extui %gt3A_1658 : vector<16xi1> to vector<16xi32>
      %add3A_1660 = arith.addi %add3A_1652, %convert_element_type3A_1659 : vector<16xi32>
      %gt3A_1661 = vector.broadcast %squeeze3A_39 : f32 to vector<16xf32>
      %gt3A_1662 = arith.cmpf ogt, %get3A_1636, %gt3A_1661 : vector<16xf32>
      %convert_element_type3A_1663 = arith.extui %gt3A_1662 : vector<16xi1> to vector<16xi32>
      %add3A_1664 = arith.addi %add3A_1656, %convert_element_type3A_1663 : vector<16xi32>
      %gt3A_1665 = vector.broadcast %squeeze3A_11 : f32 to vector<16xf32>
      %gt3A_1666 = arith.cmpf ogt, %get3A_1634, %gt3A_1665 : vector<16xf32>
      %convert_element_type3A_1667 = arith.extui %gt3A_1666 : vector<16xi1> to vector<16xi32>
      %add3A_1668 = arith.addi %add3A_1660, %convert_element_type3A_1667 : vector<16xi32>
      %gt3A_1669 = vector.broadcast %squeeze3A_41 : f32 to vector<16xf32>
      %gt3A_1670 = arith.cmpf ogt, %get3A_1636, %gt3A_1669 : vector<16xf32>
      %convert_element_type3A_1671 = arith.extui %gt3A_1670 : vector<16xi1> to vector<16xi32>
      %add3A_1672 = arith.addi %add3A_1664, %convert_element_type3A_1671 : vector<16xi32>
      %gt3A_1673 = vector.broadcast %squeeze3A_13 : f32 to vector<16xf32>
      %gt3A_1674 = arith.cmpf ogt, %get3A_1634, %gt3A_1673 : vector<16xf32>
      %convert_element_type3A_1675 = arith.extui %gt3A_1674 : vector<16xi1> to vector<16xi32>
      %add3A_1676 = arith.addi %add3A_1668, %convert_element_type3A_1675 : vector<16xi32>
      %gt3A_1677 = vector.broadcast %squeeze3A_43 : f32 to vector<16xf32>
      %gt3A_1678 = arith.cmpf ogt, %get3A_1636, %gt3A_1677 : vector<16xf32>
      %convert_element_type3A_1679 = arith.extui %gt3A_1678 : vector<16xi1> to vector<16xi32>
      %add3A_1680 = arith.addi %add3A_1672, %convert_element_type3A_1679 : vector<16xi32>
      %gt3A_1681 = vector.broadcast %squeeze3A_15 : f32 to vector<16xf32>
      %gt3A_1682 = arith.cmpf ogt, %get3A_1634, %gt3A_1681 : vector<16xf32>
      %convert_element_type3A_1683 = arith.extui %gt3A_1682 : vector<16xi1> to vector<16xi32>
      %add3A_1684 = arith.addi %add3A_1676, %convert_element_type3A_1683 : vector<16xi32>
      %gt3A_1685 = vector.broadcast %squeeze3A_45 : f32 to vector<16xf32>
      %gt3A_1686 = arith.cmpf ogt, %get3A_1636, %gt3A_1685 : vector<16xf32>
      %convert_element_type3A_1687 = arith.extui %gt3A_1686 : vector<16xi1> to vector<16xi32>
      %add3A_1688 = arith.addi %add3A_1680, %convert_element_type3A_1687 : vector<16xi32>
      %gt3A_1689 = vector.broadcast %squeeze3A_17 : f32 to vector<16xf32>
      %gt3A_1690 = arith.cmpf ogt, %get3A_1634, %gt3A_1689 : vector<16xf32>
      %convert_element_type3A_1691 = arith.extui %gt3A_1690 : vector<16xi1> to vector<16xi32>
      %add3A_1692 = arith.addi %add3A_1684, %convert_element_type3A_1691 : vector<16xi32>
      %gt3A_1693 = vector.broadcast %squeeze3A_47 : f32 to vector<16xf32>
      %gt3A_1694 = arith.cmpf ogt, %get3A_1636, %gt3A_1693 : vector<16xf32>
      %convert_element_type3A_1695 = arith.extui %gt3A_1694 : vector<16xi1> to vector<16xi32>
      %add3A_1696 = arith.addi %add3A_1688, %convert_element_type3A_1695 : vector<16xi32>
      %gt3A_1697 = vector.broadcast %squeeze3A_19 : f32 to vector<16xf32>
      %gt3A_1698 = arith.cmpf ogt, %get3A_1634, %gt3A_1697 : vector<16xf32>
      %convert_element_type3A_1699 = arith.extui %gt3A_1698 : vector<16xi1> to vector<16xi32>
      %add3A_1700 = arith.addi %add3A_1692, %convert_element_type3A_1699 : vector<16xi32>
      %gt3A_1701 = vector.broadcast %squeeze3A_49 : f32 to vector<16xf32>
      %gt3A_1702 = arith.cmpf ogt, %get3A_1636, %gt3A_1701 : vector<16xf32>
      %convert_element_type3A_1703 = arith.extui %gt3A_1702 : vector<16xi1> to vector<16xi32>
      %add3A_1704 = arith.addi %add3A_1696, %convert_element_type3A_1703 : vector<16xi32>
      %gt3A_1705 = vector.broadcast %squeeze3A_21 : f32 to vector<16xf32>
      %gt3A_1706 = arith.cmpf ogt, %get3A_1634, %gt3A_1705 : vector<16xf32>
      %convert_element_type3A_1707 = arith.extui %gt3A_1706 : vector<16xi1> to vector<16xi32>
      %add3A_1708 = arith.addi %add3A_1700, %convert_element_type3A_1707 : vector<16xi32>
      %gt3A_1709 = vector.broadcast %squeeze3A_51 : f32 to vector<16xf32>
      %gt3A_1710 = arith.cmpf ogt, %get3A_1636, %gt3A_1709 : vector<16xf32>
      %convert_element_type3A_1711 = arith.extui %gt3A_1710 : vector<16xi1> to vector<16xi32>
      %add3A_1712 = arith.addi %add3A_1704, %convert_element_type3A_1711 : vector<16xi32>
      %gt3A_1713 = vector.broadcast %squeeze3A_23 : f32 to vector<16xf32>
      %gt3A_1714 = arith.cmpf ogt, %get3A_1634, %gt3A_1713 : vector<16xf32>
      %convert_element_type3A_1715 = arith.extui %gt3A_1714 : vector<16xi1> to vector<16xi32>
      %add3A_1716 = arith.addi %add3A_1708, %convert_element_type3A_1715 : vector<16xi32>
      %gt3A_1717 = vector.broadcast %squeeze3A_53 : f32 to vector<16xf32>
      %gt3A_1718 = arith.cmpf ogt, %get3A_1636, %gt3A_1717 : vector<16xf32>
      %convert_element_type3A_1719 = arith.extui %gt3A_1718 : vector<16xi1> to vector<16xi32>
      %add3A_1720 = arith.addi %add3A_1712, %convert_element_type3A_1719 : vector<16xi32>
      %gt3A_1721 = vector.broadcast %squeeze3A_25 : f32 to vector<16xf32>
      %gt3A_1722 = arith.cmpf ogt, %get3A_1634, %gt3A_1721 : vector<16xf32>
      %convert_element_type3A_1723 = arith.extui %gt3A_1722 : vector<16xi1> to vector<16xi32>
      %add3A_1724 = arith.addi %add3A_1716, %convert_element_type3A_1723 : vector<16xi32>
      %gt3A_1725 = vector.broadcast %squeeze3A_55 : f32 to vector<16xf32>
      %gt3A_1726 = arith.cmpf ogt, %get3A_1636, %gt3A_1725 : vector<16xf32>
      %convert_element_type3A_1727 = arith.extui %gt3A_1726 : vector<16xi1> to vector<16xi32>
      %add3A_1728 = arith.addi %add3A_1720, %convert_element_type3A_1727 : vector<16xi32>
      %gt3A_1729 = vector.broadcast %squeeze3A_27 : f32 to vector<16xf32>
      %gt3A_1730 = arith.cmpf ogt, %get3A_1634, %gt3A_1729 : vector<16xf32>
      %convert_element_type3A_1731 = arith.extui %gt3A_1730 : vector<16xi1> to vector<16xi32>
      %add3A_1732 = arith.addi %add3A_1724, %convert_element_type3A_1731 : vector<16xi32>
      %gt3A_1733 = vector.broadcast %squeeze3A_57 : f32 to vector<16xf32>
      %gt3A_1734 = arith.cmpf ogt, %get3A_1636, %gt3A_1733 : vector<16xf32>
      %convert_element_type3A_1735 = arith.extui %gt3A_1734 : vector<16xi1> to vector<16xi32>
      %add3A_1736 = arith.addi %add3A_1728, %convert_element_type3A_1735 : vector<16xi32>
      %gt3A_1737 = vector.broadcast %squeeze3A_29 : f32 to vector<16xf32>
      %gt3A_1738 = arith.cmpf ogt, %get3A_1634, %gt3A_1737 : vector<16xf32>
      %convert_element_type3A_1739 = arith.extui %gt3A_1738 : vector<16xi1> to vector<16xi32>
      %add3A_1740 = arith.addi %add3A_1732, %convert_element_type3A_1739 : vector<16xi32>
      %gt3A_1741 = vector.broadcast %squeeze3A_59 : f32 to vector<16xf32>
      %gt3A_1742 = arith.cmpf ogt, %get3A_1636, %gt3A_1741 : vector<16xf32>
      %convert_element_type3A_1743 = arith.extui %gt3A_1742 : vector<16xi1> to vector<16xi32>
      %add3A_1744 = arith.addi %add3A_1736, %convert_element_type3A_1743 : vector<16xi32>
      %gt3A_1745 = vector.broadcast %squeeze3A_31 : f32 to vector<16xf32>
      %gt3A_1746 = arith.cmpf ogt, %get3A_1634, %gt3A_1745 : vector<16xf32>
      %convert_element_type3A_1747 = arith.extui %gt3A_1746 : vector<16xi1> to vector<16xi32>
      %add3A_1748 = arith.addi %add3A_1740, %convert_element_type3A_1747 : vector<16xi32>
      %gt3A_1749 = vector.broadcast %squeeze3A_61 : f32 to vector<16xf32>
      %gt3A_1750 = arith.cmpf ogt, %get3A_1636, %gt3A_1749 : vector<16xf32>
      %convert_element_type3A_1751 = arith.extui %gt3A_1750 : vector<16xi1> to vector<16xi32>
      %add3A_1752 = arith.addi %add3A_1744, %convert_element_type3A_1751 : vector<16xi32>
      %gt3A_1753 = vector.broadcast %squeeze3A_33 : f32 to vector<16xf32>
      %gt3A_1754 = arith.cmpf ogt, %get3A_1634, %gt3A_1753 : vector<16xf32>
      %convert_element_type3A_1755 = arith.extui %gt3A_1754 : vector<16xi1> to vector<16xi32>
      %add3A_1756 = arith.addi %add3A_1748, %convert_element_type3A_1755 : vector<16xi32>
      %gt3A_1757 = vector.broadcast %squeeze3A_63 : f32 to vector<16xf32>
      %gt3A_1758 = arith.cmpf ogt, %get3A_1636, %gt3A_1757 : vector<16xf32>
      %convert_element_type3A_1759 = arith.extui %gt3A_1758 : vector<16xi1> to vector<16xi32>
      %add3A_1760 = arith.addi %add3A_1752, %convert_element_type3A_1759 : vector<16xi32>
      %mul3A_1761 = arith.constant 16 : i32
      %mul3A_1762 = vector.broadcast %mul3A_1761 : i32 to vector<16xi32>
      %mul3A_1763 = arith.muli %add3A_1756, %mul3A_1762 : vector<16xi32>
      %add3A_1764 = arith.addi %mul3A_1763, %add3A_1760 : vector<16xi32>
      %add3A_1765 = arith.constant 32 : i32
      %add3A_1766 = vector.broadcast %add3A_1765 : i32 to vector<16xi32>
      %add3A_1767 = arith.addi %iota3A, %add3A_1766 : vector<16xi32>
      tpu.vector_store_idx %arg11[%add3A_1767, %add3A_1764], %broadcast_in_dim3A_64 : memref<128x256xf32, #tpu.memory_space<vmem>>[vector<16xi32>, vector<16xi32>], vector<16xf32>,
      %swap3A_1768 = arith.constant 32 : index
      %swap3A_1769 = tpu.vector_load %arg13[%swap3A_1768] {strides = array<i32>} : memref<128xi32, #tpu.memory_space<vmem>>, vector<16xi32>,
      tpu.vector_store %arg13[%swap3A_1768], %add3A_1764 {strides = array<i32>} : memref<128xi32, #tpu.memory_space<vmem>>, vector<16xi32>,
      %mul3A_1770 = arith.constant 128 : i32
      %mul3A_1771 = arith.muli %add3A_1298, %mul3A_1770 : i32
      %add3A_1772 = arith.constant 48 : i32
      %add3A_1773 = arith.addi %mul3A_1771, %add3A_1772 : i32
      %get3A_1774 = arith.index_cast %add3A_1773 : i32 to index
      %get3A_1775 = tpu.vector_load %arg7[%get3A_1774] {strides = array<i32>} : memref<768xf32, #tpu.memory_space<vmem>>, vector<16xf32>,
      %get3A_1776 = arith.index_cast %add3A_1773 : i32 to index
      %get3A_1777 = tpu.vector_load %arg8[%get3A_1776] {strides = array<i32>} : memref<768xf32, #tpu.memory_space<vmem>>, vector<16xf32>,
      %broadcast_in_dim3A_1778 = arith.constant 0 : i32
      %broadcast_in_dim3A_1779 = vector.broadcast %broadcast_in_dim3A_1778 : i32 to vector<16xi32>
      %broadcast_in_dim3A_1780 = arith.constant 0 : i32
      %broadcast_in_dim3A_1781 = vector.broadcast %broadcast_in_dim3A_1780 : i32 to vector<16xi32>
      %gt3A_1782 = vector.broadcast %squeeze3A : f32 to vector<16xf32>
      %gt3A_1783 = arith.cmpf ogt, %get3A_1775, %gt3A_1782 : vector<16xf32>
      %convert_element_type3A_1784 = arith.extui %gt3A_1783 : vector<16xi1> to vector<16xi32>
      %add3A_1785 = arith.addi %broadcast_in_dim3A_1779, %convert_element_type3A_1784 : vector<16xi32>
      %gt3A_1786 = vector.broadcast %squeeze3A_35 : f32 to vector<16xf32>
      %gt3A_1787 = arith.cmpf ogt, %get3A_1777, %gt3A_1786 : vector<16xf32>
      %convert_element_type3A_1788 = arith.extui %gt3A_1787 : vector<16xi1> to vector<16xi32>
      %add3A_1789 = arith.addi %broadcast_in_dim3A_1781, %convert_element_type3A_1788 : vector<16xi32>
      %gt3A_1790 = vector.broadcast %squeeze3A_7 : f32 to vector<16xf32>
      %gt3A_1791 = arith.cmpf ogt, %get3A_1775, %gt3A_1790 : vector<16xf32>
      %convert_element_type3A_1792 = arith.extui %gt3A_1791 : vector<16xi1> to vector<16xi32>
      %add3A_1793 = arith.addi %add3A_1785, %convert_element_type3A_1792 : vector<16xi32>
      %gt3A_1794 = vector.broadcast %squeeze3A_37 : f32 to vector<16xf32>
      %gt3A_1795 = arith.cmpf ogt, %get3A_1777, %gt3A_1794 : vector<16xf32>
      %convert_element_type3A_1796 = arith.extui %gt3A_1795 : vector<16xi1> to vector<16xi32>
      %add3A_1797 = arith.addi %add3A_1789, %convert_element_type3A_1796 : vector<16xi32>
      %gt3A_1798 = vector.broadcast %squeeze3A_9 : f32 to vector<16xf32>
      %gt3A_1799 = arith.cmpf ogt, %get3A_1775, %gt3A_1798 : vector<16xf32>
      %convert_element_type3A_1800 = arith.extui %gt3A_1799 : vector<16xi1> to vector<16xi32>
      %add3A_1801 = arith.addi %add3A_1793, %convert_element_type3A_1800 : vector<16xi32>
      %gt3A_1802 = vector.broadcast %squeeze3A_39 : f32 to vector<16xf32>
      %gt3A_1803 = arith.cmpf ogt, %get3A_1777, %gt3A_1802 : vector<16xf32>
      %convert_element_type3A_1804 = arith.extui %gt3A_1803 : vector<16xi1> to vector<16xi32>
      %add3A_1805 = arith.addi %add3A_1797, %convert_element_type3A_1804 : vector<16xi32>
      %gt3A_1806 = vector.broadcast %squeeze3A_11 : f32 to vector<16xf32>
      %gt3A_1807 = arith.cmpf ogt, %get3A_1775, %gt3A_1806 : vector<16xf32>
      %convert_element_type3A_1808 = arith.extui %gt3A_1807 : vector<16xi1> to vector<16xi32>
      %add3A_1809 = arith.addi %add3A_1801, %convert_element_type3A_1808 : vector<16xi32>
      %gt3A_1810 = vector.broadcast %squeeze3A_41 : f32 to vector<16xf32>
      %gt3A_1811 = arith.cmpf ogt, %get3A_1777, %gt3A_1810 : vector<16xf32>
      %convert_element_type3A_1812 = arith.extui %gt3A_1811 : vector<16xi1> to vector<16xi32>
      %add3A_1813 = arith.addi %add3A_1805, %convert_element_type3A_1812 : vector<16xi32>
      %gt3A_1814 = vector.broadcast %squeeze3A_13 : f32 to vector<16xf32>
      %gt3A_1815 = arith.cmpf ogt, %get3A_1775, %gt3A_1814 : vector<16xf32>
      %convert_element_type3A_1816 = arith.extui %gt3A_1815 : vector<16xi1> to vector<16xi32>
      %add3A_1817 = arith.addi %add3A_1809, %convert_element_type3A_1816 : vector<16xi32>
      %gt3A_1818 = vector.broadcast %squeeze3A_43 : f32 to vector<16xf32>
      %gt3A_1819 = arith.cmpf ogt, %get3A_1777, %gt3A_1818 : vector<16xf32>
      %convert_element_type3A_1820 = arith.extui %gt3A_1819 : vector<16xi1> to vector<16xi32>
      %add3A_1821 = arith.addi %add3A_1813, %convert_element_type3A_1820 : vector<16xi32>
      %gt3A_1822 = vector.broadcast %squeeze3A_15 : f32 to vector<16xf32>
      %gt3A_1823 = arith.cmpf ogt, %get3A_1775, %gt3A_1822 : vector<16xf32>
      %convert_element_type3A_1824 = arith.extui %gt3A_1823 : vector<16xi1> to vector<16xi32>
      %add3A_1825 = arith.addi %add3A_1817, %convert_element_type3A_1824 : vector<16xi32>
      %gt3A_1826 = vector.broadcast %squeeze3A_45 : f32 to vector<16xf32>
      %gt3A_1827 = arith.cmpf ogt, %get3A_1777, %gt3A_1826 : vector<16xf32>
      %convert_element_type3A_1828 = arith.extui %gt3A_1827 : vector<16xi1> to vector<16xi32>
      %add3A_1829 = arith.addi %add3A_1821, %convert_element_type3A_1828 : vector<16xi32>
      %gt3A_1830 = vector.broadcast %squeeze3A_17 : f32 to vector<16xf32>
      %gt3A_1831 = arith.cmpf ogt, %get3A_1775, %gt3A_1830 : vector<16xf32>
      %convert_element_type3A_1832 = arith.extui %gt3A_1831 : vector<16xi1> to vector<16xi32>
      %add3A_1833 = arith.addi %add3A_1825, %convert_element_type3A_1832 : vector<16xi32>
      %gt3A_1834 = vector.broadcast %squeeze3A_47 : f32 to vector<16xf32>
      %gt3A_1835 = arith.cmpf ogt, %get3A_1777, %gt3A_1834 : vector<16xf32>
      %convert_element_type3A_1836 = arith.extui %gt3A_1835 : vector<16xi1> to vector<16xi32>
      %add3A_1837 = arith.addi %add3A_1829, %convert_element_type3A_1836 : vector<16xi32>
      %gt3A_1838 = vector.broadcast %squeeze3A_19 : f32 to vector<16xf32>
      %gt3A_1839 = arith.cmpf ogt, %get3A_1775, %gt3A_1838 : vector<16xf32>
      %convert_element_type3A_1840 = arith.extui %gt3A_1839 : vector<16xi1> to vector<16xi32>
      %add3A_1841 = arith.addi %add3A_1833, %convert_element_type3A_1840 : vector<16xi32>
      %gt3A_1842 = vector.broadcast %squeeze3A_49 : f32 to vector<16xf32>
      %gt3A_1843 = arith.cmpf ogt, %get3A_1777, %gt3A_1842 : vector<16xf32>
      %convert_element_type3A_1844 = arith.extui %gt3A_1843 : vector<16xi1> to vector<16xi32>
      %add3A_1845 = arith.addi %add3A_1837, %convert_element_type3A_1844 : vector<16xi32>
      %gt3A_1846 = vector.broadcast %squeeze3A_21 : f32 to vector<16xf32>
      %gt3A_1847 = arith.cmpf ogt, %get3A_1775, %gt3A_1846 : vector<16xf32>
      %convert_element_type3A_1848 = arith.extui %gt3A_1847 : vector<16xi1> to vector<16xi32>
      %add3A_1849 = arith.addi %add3A_1841, %convert_element_type3A_1848 : vector<16xi32>
      %gt3A_1850 = vector.broadcast %squeeze3A_51 : f32 to vector<16xf32>
      %gt3A_1851 = arith.cmpf ogt, %get3A_1777, %gt3A_1850 : vector<16xf32>
      %convert_element_type3A_1852 = arith.extui %gt3A_1851 : vector<16xi1> to vector<16xi32>
      %add3A_1853 = arith.addi %add3A_1845, %convert_element_type3A_1852 : vector<16xi32>
      %gt3A_1854 = vector.broadcast %squeeze3A_23 : f32 to vector<16xf32>
      %gt3A_1855 = arith.cmpf ogt, %get3A_1775, %gt3A_1854 : vector<16xf32>
      %convert_element_type3A_1856 = arith.extui %gt3A_1855 : vector<16xi1> to vector<16xi32>
      %add3A_1857 = arith.addi %add3A_1849, %convert_element_type3A_1856 : vector<16xi32>
      %gt3A_1858 = vector.broadcast %squeeze3A_53 : f32 to vector<16xf32>
      %gt3A_1859 = arith.cmpf ogt, %get3A_1777, %gt3A_1858 : vector<16xf32>
      %convert_element_type3A_1860 = arith.extui %gt3A_1859 : vector<16xi1> to vector<16xi32>
      %add3A_1861 = arith.addi %add3A_1853, %convert_element_type3A_1860 : vector<16xi32>
      %gt3A_1862 = vector.broadcast %squeeze3A_25 : f32 to vector<16xf32>
      %gt3A_1863 = arith.cmpf ogt, %get3A_1775, %gt3A_1862 : vector<16xf32>
      %convert_element_type3A_1864 = arith.extui %gt3A_1863 : vector<16xi1> to vector<16xi32>
      %add3A_1865 = arith.addi %add3A_1857, %convert_element_type3A_1864 : vector<16xi32>
      %gt3A_1866 = vector.broadcast %squeeze3A_55 : f32 to vector<16xf32>
      %gt3A_1867 = arith.cmpf ogt, %get3A_1777, %gt3A_1866 : vector<16xf32>
      %convert_element_type3A_1868 = arith.extui %gt3A_1867 : vector<16xi1> to vector<16xi32>
      %add3A_1869 = arith.addi %add3A_1861, %convert_element_type3A_1868 : vector<16xi32>
      %gt3A_1870 = vector.broadcast %squeeze3A_27 : f32 to vector<16xf32>
      %gt3A_1871 = arith.cmpf ogt, %get3A_1775, %gt3A_1870 : vector<16xf32>
      %convert_element_type3A_1872 = arith.extui %gt3A_1871 : vector<16xi1> to vector<16xi32>
      %add3A_1873 = arith.addi %add3A_1865, %convert_element_type3A_1872 : vector<16xi32>
      %gt3A_1874 = vector.broadcast %squeeze3A_57 : f32 to vector<16xf32>
      %gt3A_1875 = arith.cmpf ogt, %get3A_1777, %gt3A_1874 : vector<16xf32>
      %convert_element_type3A_1876 = arith.extui %gt3A_1875 : vector<16xi1> to vector<16xi32>
      %add3A_1877 = arith.addi %add3A_1869, %convert_element_type3A_1876 : vector<16xi32>
      %gt3A_1878 = vector.broadcast %squeeze3A_29 : f32 to vector<16xf32>
      %gt3A_1879 = arith.cmpf ogt, %get3A_1775, %gt3A_1878 : vector<16xf32>
      %convert_element_type3A_1880 = arith.extui %gt3A_1879 : vector<16xi1> to vector<16xi32>
      %add3A_1881 = arith.addi %add3A_1873, %convert_element_type3A_1880 : vector<16xi32>
      %gt3A_1882 = vector.broadcast %squeeze3A_59 : f32 to vector<16xf32>
      %gt3A_1883 = arith.cmpf ogt, %get3A_1777, %gt3A_1882 : vector<16xf32>
      %convert_element_type3A_1884 = arith.extui %gt3A_1883 : vector<16xi1> to vector<16xi32>
      %add3A_1885 = arith.addi %add3A_1877, %convert_element_type3A_1884 : vector<16xi32>
      %gt3A_1886 = vector.broadcast %squeeze3A_31 : f32 to vector<16xf32>
      %gt3A_1887 = arith.cmpf ogt, %get3A_1775, %gt3A_1886 : vector<16xf32>
      %convert_element_type3A_1888 = arith.extui %gt3A_1887 : vector<16xi1> to vector<16xi32>
      %add3A_1889 = arith.addi %add3A_1881, %convert_element_type3A_1888 : vector<16xi32>
      %gt3A_1890 = vector.broadcast %squeeze3A_61 : f32 to vector<16xf32>
      %gt3A_1891 = arith.cmpf ogt, %get3A_1777, %gt3A_1890 : vector<16xf32>
      %convert_element_type3A_1892 = arith.extui %gt3A_1891 : vector<16xi1> to vector<16xi32>
      %add3A_1893 = arith.addi %add3A_1885, %convert_element_type3A_1892 : vector<16xi32>
      %gt3A_1894 = vector.broadcast %squeeze3A_33 : f32 to vector<16xf32>
      %gt3A_1895 = arith.cmpf ogt, %get3A_1775, %gt3A_1894 : vector<16xf32>
      %convert_element_type3A_1896 = arith.extui %gt3A_1895 : vector<16xi1> to vector<16xi32>
      %add3A_1897 = arith.addi %add3A_1889, %convert_element_type3A_1896 : vector<16xi32>
      %gt3A_1898 = vector.broadcast %squeeze3A_63 : f32 to vector<16xf32>
      %gt3A_1899 = arith.cmpf ogt, %get3A_1777, %gt3A_1898 : vector<16xf32>
      %convert_element_type3A_1900 = arith.extui %gt3A_1899 : vector<16xi1> to vector<16xi32>
      %add3A_1901 = arith.addi %add3A_1893, %convert_element_type3A_1900 : vector<16xi32>
      %mul3A_1902 = arith.constant 16 : i32
      %mul3A_1903 = vector.broadcast %mul3A_1902 : i32 to vector<16xi32>
      %mul3A_1904 = arith.muli %add3A_1897, %mul3A_1903 : vector<16xi32>
      %add3A_1905 = arith.addi %mul3A_1904, %add3A_1901 : vector<16xi32>
      %add3A_1906 = arith.constant 48 : i32
      %add3A_1907 = vector.broadcast %add3A_1906 : i32 to vector<16xi32>
      %add3A_1908 = arith.addi %iota3A, %add3A_1907 : vector<16xi32>
      tpu.vector_store_idx %arg11[%add3A_1908, %add3A_1905], %broadcast_in_dim3A_64 : memref<128x256xf32, #tpu.memory_space<vmem>>[vector<16xi32>, vector<16xi32>], vector<16xf32>,
      %swap3A_1909 = arith.constant 48 : index
      %swap3A_1910 = tpu.vector_load %arg13[%swap3A_1909] {strides = array<i32>} : memref<128xi32, #tpu.memory_space<vmem>>, vector<16xi32>,
      tpu.vector_store %arg13[%swap3A_1909], %add3A_1905 {strides = array<i32>} : memref<128xi32, #tpu.memory_space<vmem>>, vector<16xi32>,
      %mul3A_1911 = arith.constant 128 : i32
      %mul3A_1912 = arith.muli %add3A_1298, %mul3A_1911 : i32
      %add3A_1913 = arith.constant 64 : i32
      %add3A_1914 = arith.addi %mul3A_1912, %add3A_1913 : i32
      %get3A_1915 = arith.index_cast %add3A_1914 : i32 to index
      %get3A_1916 = tpu.vector_load %arg7[%get3A_1915] {strides = array<i32>} : memref<768xf32, #tpu.memory_space<vmem>>, vector<16xf32>,
      %get3A_1917 = arith.index_cast %add3A_1914 : i32 to index
      %get3A_1918 = tpu.vector_load %arg8[%get3A_1917] {strides = array<i32>} : memref<768xf32, #tpu.memory_space<vmem>>, vector<16xf32>,
      %broadcast_in_dim3A_1919 = arith.constant 0 : i32
      %broadcast_in_dim3A_1920 = vector.broadcast %broadcast_in_dim3A_1919 : i32 to vector<16xi32>
      %broadcast_in_dim3A_1921 = arith.constant 0 : i32
      %broadcast_in_dim3A_1922 = vector.broadcast %broadcast_in_dim3A_1921 : i32 to vector<16xi32>
      %gt3A_1923 = vector.broadcast %squeeze3A : f32 to vector<16xf32>
      %gt3A_1924 = arith.cmpf ogt, %get3A_1916, %gt3A_1923 : vector<16xf32>
      %convert_element_type3A_1925 = arith.extui %gt3A_1924 : vector<16xi1> to vector<16xi32>
      %add3A_1926 = arith.addi %broadcast_in_dim3A_1920, %convert_element_type3A_1925 : vector<16xi32>
      %gt3A_1927 = vector.broadcast %squeeze3A_35 : f32 to vector<16xf32>
      %gt3A_1928 = arith.cmpf ogt, %get3A_1918, %gt3A_1927 : vector<16xf32>
      %convert_element_type3A_1929 = arith.extui %gt3A_1928 : vector<16xi1> to vector<16xi32>
      %add3A_1930 = arith.addi %broadcast_in_dim3A_1922, %convert_element_type3A_1929 : vector<16xi32>
      %gt3A_1931 = vector.broadcast %squeeze3A_7 : f32 to vector<16xf32>
      %gt3A_1932 = arith.cmpf ogt, %get3A_1916, %gt3A_1931 : vector<16xf32>
      %convert_element_type3A_1933 = arith.extui %gt3A_1932 : vector<16xi1> to vector<16xi32>
      %add3A_1934 = arith.addi %add3A_1926, %convert_element_type3A_1933 : vector<16xi32>
      %gt3A_1935 = vector.broadcast %squeeze3A_37 : f32 to vector<16xf32>
      %gt3A_1936 = arith.cmpf ogt, %get3A_1918, %gt3A_1935 : vector<16xf32>
      %convert_element_type3A_1937 = arith.extui %gt3A_1936 : vector<16xi1> to vector<16xi32>
      %add3A_1938 = arith.addi %add3A_1930, %convert_element_type3A_1937 : vector<16xi32>
      %gt3A_1939 = vector.broadcast %squeeze3A_9 : f32 to vector<16xf32>
      %gt3A_1940 = arith.cmpf ogt, %get3A_1916, %gt3A_1939 : vector<16xf32>
      %convert_element_type3A_1941 = arith.extui %gt3A_1940 : vector<16xi1> to vector<16xi32>
      %add3A_1942 = arith.addi %add3A_1934, %convert_element_type3A_1941 : vector<16xi32>
      %gt3A_1943 = vector.broadcast %squeeze3A_39 : f32 to vector<16xf32>
      %gt3A_1944 = arith.cmpf ogt, %get3A_1918, %gt3A_1943 : vector<16xf32>
      %convert_element_type3A_1945 = arith.extui %gt3A_1944 : vector<16xi1> to vector<16xi32>
      %add3A_1946 = arith.addi %add3A_1938, %convert_element_type3A_1945 : vector<16xi32>
      %gt3A_1947 = vector.broadcast %squeeze3A_11 : f32 to vector<16xf32>
      %gt3A_1948 = arith.cmpf ogt, %get3A_1916, %gt3A_1947 : vector<16xf32>
      %convert_element_type3A_1949 = arith.extui %gt3A_1948 : vector<16xi1> to vector<16xi32>
      %add3A_1950 = arith.addi %add3A_1942, %convert_element_type3A_1949 : vector<16xi32>
      %gt3A_1951 = vector.broadcast %squeeze3A_41 : f32 to vector<16xf32>
      %gt3A_1952 = arith.cmpf ogt, %get3A_1918, %gt3A_1951 : vector<16xf32>
      %convert_element_type3A_1953 = arith.extui %gt3A_1952 : vector<16xi1> to vector<16xi32>
      %add3A_1954 = arith.addi %add3A_1946, %convert_element_type3A_1953 : vector<16xi32>
      %gt3A_1955 = vector.broadcast %squeeze3A_13 : f32 to vector<16xf32>
      %gt3A_1956 = arith.cmpf ogt, %get3A_1916, %gt3A_1955 : vector<16xf32>
      %convert_element_type3A_1957 = arith.extui %gt3A_1956 : vector<16xi1> to vector<16xi32>
      %add3A_1958 = arith.addi %add3A_1950, %convert_element_type3A_1957 : vector<16xi32>
      %gt3A_1959 = vector.broadcast %squeeze3A_43 : f32 to vector<16xf32>
      %gt3A_1960 = arith.cmpf ogt, %get3A_1918, %gt3A_1959 : vector<16xf32>
      %convert_element_type3A_1961 = arith.extui %gt3A_1960 : vector<16xi1> to vector<16xi32>
      %add3A_1962 = arith.addi %add3A_1954, %convert_element_type3A_1961 : vector<16xi32>
      %gt3A_1963 = vector.broadcast %squeeze3A_15 : f32 to vector<16xf32>
      %gt3A_1964 = arith.cmpf ogt, %get3A_1916, %gt3A_1963 : vector<16xf32>
      %convert_element_type3A_1965 = arith.extui %gt3A_1964 : vector<16xi1> to vector<16xi32>
      %add3A_1966 = arith.addi %add3A_1958, %convert_element_type3A_1965 : vector<16xi32>
      %gt3A_1967 = vector.broadcast %squeeze3A_45 : f32 to vector<16xf32>
      %gt3A_1968 = arith.cmpf ogt, %get3A_1918, %gt3A_1967 : vector<16xf32>
      %convert_element_type3A_1969 = arith.extui %gt3A_1968 : vector<16xi1> to vector<16xi32>
      %add3A_1970 = arith.addi %add3A_1962, %convert_element_type3A_1969 : vector<16xi32>
      %gt3A_1971 = vector.broadcast %squeeze3A_17 : f32 to vector<16xf32>
      %gt3A_1972 = arith.cmpf ogt, %get3A_1916, %gt3A_1971 : vector<16xf32>
      %convert_element_type3A_1973 = arith.extui %gt3A_1972 : vector<16xi1> to vector<16xi32>
      %add3A_1974 = arith.addi %add3A_1966, %convert_element_type3A_1973 : vector<16xi32>
      %gt3A_1975 = vector.broadcast %squeeze3A_47 : f32 to vector<16xf32>
      %gt3A_1976 = arith.cmpf ogt, %get3A_1918, %gt3A_1975 : vector<16xf32>
      %convert_element_type3A_1977 = arith.extui %gt3A_1976 : vector<16xi1> to vector<16xi32>
      %add3A_1978 = arith.addi %add3A_1970, %convert_element_type3A_1977 : vector<16xi32>
      %gt3A_1979 = vector.broadcast %squeeze3A_19 : f32 to vector<16xf32>
      %gt3A_1980 = arith.cmpf ogt, %get3A_1916, %gt3A_1979 : vector<16xf32>
      %convert_element_type3A_1981 = arith.extui %gt3A_1980 : vector<16xi1> to vector<16xi32>
      %add3A_1982 = arith.addi %add3A_1974, %convert_element_type3A_1981 : vector<16xi32>
      %gt3A_1983 = vector.broadcast %squeeze3A_49 : f32 to vector<16xf32>
      %gt3A_1984 = arith.cmpf ogt, %get3A_1918, %gt3A_1983 : vector<16xf32>
      %convert_element_type3A_1985 = arith.extui %gt3A_1984 : vector<16xi1> to vector<16xi32>
      %add3A_1986 = arith.addi %add3A_1978, %convert_element_type3A_1985 : vector<16xi32>
      %gt3A_1987 = vector.broadcast %squeeze3A_21 : f32 to vector<16xf32>
      %gt3A_1988 = arith.cmpf ogt, %get3A_1916, %gt3A_1987 : vector<16xf32>
      %convert_element_type3A_1989 = arith.extui %gt3A_1988 : vector<16xi1> to vector<16xi32>
      %add3A_1990 = arith.addi %add3A_1982, %convert_element_type3A_1989 : vector<16xi32>
      %gt3A_1991 = vector.broadcast %squeeze3A_51 : f32 to vector<16xf32>
      %gt3A_1992 = arith.cmpf ogt, %get3A_1918, %gt3A_1991 : vector<16xf32>
      %convert_element_type3A_1993 = arith.extui %gt3A_1992 : vector<16xi1> to vector<16xi32>
      %add3A_1994 = arith.addi %add3A_1986, %convert_element_type3A_1993 : vector<16xi32>
      %gt3A_1995 = vector.broadcast %squeeze3A_23 : f32 to vector<16xf32>
      %gt3A_1996 = arith.cmpf ogt, %get3A_1916, %gt3A_1995 : vector<16xf32>
      %convert_element_type3A_1997 = arith.extui %gt3A_1996 : vector<16xi1> to vector<16xi32>
      %add3A_1998 = arith.addi %add3A_1990, %convert_element_type3A_1997 : vector<16xi32>
      %gt3A_1999 = vector.broadcast %squeeze3A_53 : f32 to vector<16xf32>
      %gt3A_2000 = arith.cmpf ogt, %get3A_1918, %gt3A_1999 : vector<16xf32>
      %convert_element_type3A_2001 = arith.extui %gt3A_2000 : vector<16xi1> to vector<16xi32>
      %add3A_2002 = arith.addi %add3A_1994, %convert_element_type3A_2001 : vector<16xi32>
      %gt3A_2003 = vector.broadcast %squeeze3A_25 : f32 to vector<16xf32>
      %gt3A_2004 = arith.cmpf ogt, %get3A_1916, %gt3A_2003 : vector<16xf32>
      %convert_element_type3A_2005 = arith.extui %gt3A_2004 : vector<16xi1> to vector<16xi32>
      %add3A_2006 = arith.addi %add3A_1998, %convert_element_type3A_2005 : vector<16xi32>
      %gt3A_2007 = vector.broadcast %squeeze3A_55 : f32 to vector<16xf32>
      %gt3A_2008 = arith.cmpf ogt, %get3A_1918, %gt3A_2007 : vector<16xf32>
      %convert_element_type3A_2009 = arith.extui %gt3A_2008 : vector<16xi1> to vector<16xi32>
      %add3A_2010 = arith.addi %add3A_2002, %convert_element_type3A_2009 : vector<16xi32>
      %gt3A_2011 = vector.broadcast %squeeze3A_27 : f32 to vector<16xf32>
      %gt3A_2012 = arith.cmpf ogt, %get3A_1916, %gt3A_2011 : vector<16xf32>
      %convert_element_type3A_2013 = arith.extui %gt3A_2012 : vector<16xi1> to vector<16xi32>
      %add3A_2014 = arith.addi %add3A_2006, %convert_element_type3A_2013 : vector<16xi32>
      %gt3A_2015 = vector.broadcast %squeeze3A_57 : f32 to vector<16xf32>
      %gt3A_2016 = arith.cmpf ogt, %get3A_1918, %gt3A_2015 : vector<16xf32>
      %convert_element_type3A_2017 = arith.extui %gt3A_2016 : vector<16xi1> to vector<16xi32>
      %add3A_2018 = arith.addi %add3A_2010, %convert_element_type3A_2017 : vector<16xi32>
      %gt3A_2019 = vector.broadcast %squeeze3A_29 : f32 to vector<16xf32>
      %gt3A_2020 = arith.cmpf ogt, %get3A_1916, %gt3A_2019 : vector<16xf32>
      %convert_element_type3A_2021 = arith.extui %gt3A_2020 : vector<16xi1> to vector<16xi32>
      %add3A_2022 = arith.addi %add3A_2014, %convert_element_type3A_2021 : vector<16xi32>
      %gt3A_2023 = vector.broadcast %squeeze3A_59 : f32 to vector<16xf32>
      %gt3A_2024 = arith.cmpf ogt, %get3A_1918, %gt3A_2023 : vector<16xf32>
      %convert_element_type3A_2025 = arith.extui %gt3A_2024 : vector<16xi1> to vector<16xi32>
      %add3A_2026 = arith.addi %add3A_2018, %convert_element_type3A_2025 : vector<16xi32>
      %gt3A_2027 = vector.broadcast %squeeze3A_31 : f32 to vector<16xf32>
      %gt3A_2028 = arith.cmpf ogt, %get3A_1916, %gt3A_2027 : vector<16xf32>
      %convert_element_type3A_2029 = arith.extui %gt3A_2028 : vector<16xi1> to vector<16xi32>
      %add3A_2030 = arith.addi %add3A_2022, %convert_element_type3A_2029 : vector<16xi32>
      %gt3A_2031 = vector.broadcast %squeeze3A_61 : f32 to vector<16xf32>
      %gt3A_2032 = arith.cmpf ogt, %get3A_1918, %gt3A_2031 : vector<16xf32>
      %convert_element_type3A_2033 = arith.extui %gt3A_2032 : vector<16xi1> to vector<16xi32>
      %add3A_2034 = arith.addi %add3A_2026, %convert_element_type3A_2033 : vector<16xi32>
      %gt3A_2035 = vector.broadcast %squeeze3A_33 : f32 to vector<16xf32>
      %gt3A_2036 = arith.cmpf ogt, %get3A_1916, %gt3A_2035 : vector<16xf32>
      %convert_element_type3A_2037 = arith.extui %gt3A_2036 : vector<16xi1> to vector<16xi32>
      %add3A_2038 = arith.addi %add3A_2030, %convert_element_type3A_2037 : vector<16xi32>
      %gt3A_2039 = vector.broadcast %squeeze3A_63 : f32 to vector<16xf32>
      %gt3A_2040 = arith.cmpf ogt, %get3A_1918, %gt3A_2039 : vector<16xf32>
      %convert_element_type3A_2041 = arith.extui %gt3A_2040 : vector<16xi1> to vector<16xi32>
      %add3A_2042 = arith.addi %add3A_2034, %convert_element_type3A_2041 : vector<16xi32>
      %mul3A_2043 = arith.constant 16 : i32
      %mul3A_2044 = vector.broadcast %mul3A_2043 : i32 to vector<16xi32>
      %mul3A_2045 = arith.muli %add3A_2038, %mul3A_2044 : vector<16xi32>
      %add3A_2046 = arith.addi %mul3A_2045, %add3A_2042 : vector<16xi32>
      %add3A_2047 = arith.constant 64 : i32
      %add3A_2048 = vector.broadcast %add3A_2047 : i32 to vector<16xi32>
      %add3A_2049 = arith.addi %iota3A, %add3A_2048 : vector<16xi32>
      tpu.vector_store_idx %arg11[%add3A_2049, %add3A_2046], %broadcast_in_dim3A_64 : memref<128x256xf32, #tpu.memory_space<vmem>>[vector<16xi32>, vector<16xi32>], vector<16xf32>,
      %swap3A_2050 = arith.constant 64 : index
      %swap3A_2051 = tpu.vector_load %arg13[%swap3A_2050] {strides = array<i32>} : memref<128xi32, #tpu.memory_space<vmem>>, vector<16xi32>,
      tpu.vector_store %arg13[%swap3A_2050], %add3A_2046 {strides = array<i32>} : memref<128xi32, #tpu.memory_space<vmem>>, vector<16xi32>,
      %mul3A_2052 = arith.constant 128 : i32
      %mul3A_2053 = arith.muli %add3A_1298, %mul3A_2052 : i32
      %add3A_2054 = arith.constant 80 : i32
      %add3A_2055 = arith.addi %mul3A_2053, %add3A_2054 : i32
      %get3A_2056 = arith.index_cast %add3A_2055 : i32 to index
      %get3A_2057 = tpu.vector_load %arg7[%get3A_2056] {strides = array<i32>} : memref<768xf32, #tpu.memory_space<vmem>>, vector<16xf32>,
      %get3A_2058 = arith.index_cast %add3A_2055 : i32 to index
      %get3A_2059 = tpu.vector_load %arg8[%get3A_2058] {strides = array<i32>} : memref<768xf32, #tpu.memory_space<vmem>>, vector<16xf32>,
      %broadcast_in_dim3A_2060 = arith.constant 0 : i32
      %broadcast_in_dim3A_2061 = vector.broadcast %broadcast_in_dim3A_2060 : i32 to vector<16xi32>
      %broadcast_in_dim3A_2062 = arith.constant 0 : i32
      %broadcast_in_dim3A_2063 = vector.broadcast %broadcast_in_dim3A_2062 : i32 to vector<16xi32>
      %gt3A_2064 = vector.broadcast %squeeze3A : f32 to vector<16xf32>
      %gt3A_2065 = arith.cmpf ogt, %get3A_2057, %gt3A_2064 : vector<16xf32>
      %convert_element_type3A_2066 = arith.extui %gt3A_2065 : vector<16xi1> to vector<16xi32>
      %add3A_2067 = arith.addi %broadcast_in_dim3A_2061, %convert_element_type3A_2066 : vector<16xi32>
      %gt3A_2068 = vector.broadcast %squeeze3A_35 : f32 to vector<16xf32>
      %gt3A_2069 = arith.cmpf ogt, %get3A_2059, %gt3A_2068 : vector<16xf32>
      %convert_element_type3A_2070 = arith.extui %gt3A_2069 : vector<16xi1> to vector<16xi32>
      %add3A_2071 = arith.addi %broadcast_in_dim3A_2063, %convert_element_type3A_2070 : vector<16xi32>
      %gt3A_2072 = vector.broadcast %squeeze3A_7 : f32 to vector<16xf32>
      %gt3A_2073 = arith.cmpf ogt, %get3A_2057, %gt3A_2072 : vector<16xf32>
      %convert_element_type3A_2074 = arith.extui %gt3A_2073 : vector<16xi1> to vector<16xi32>
      %add3A_2075 = arith.addi %add3A_2067, %convert_element_type3A_2074 : vector<16xi32>
      %gt3A_2076 = vector.broadcast %squeeze3A_37 : f32 to vector<16xf32>
      %gt3A_2077 = arith.cmpf ogt, %get3A_2059, %gt3A_2076 : vector<16xf32>
      %convert_element_type3A_2078 = arith.extui %gt3A_2077 : vector<16xi1> to vector<16xi32>
      %add3A_2079 = arith.addi %add3A_2071, %convert_element_type3A_2078 : vector<16xi32>
      %gt3A_2080 = vector.broadcast %squeeze3A_9 : f32 to vector<16xf32>
      %gt3A_2081 = arith.cmpf ogt, %get3A_2057, %gt3A_2080 : vector<16xf32>
      %convert_element_type3A_2082 = arith.extui %gt3A_2081 : vector<16xi1> to vector<16xi32>
      %add3A_2083 = arith.addi %add3A_2075, %convert_element_type3A_2082 : vector<16xi32>
      %gt3A_2084 = vector.broadcast %squeeze3A_39 : f32 to vector<16xf32>
      %gt3A_2085 = arith.cmpf ogt, %get3A_2059, %gt3A_2084 : vector<16xf32>
      %convert_element_type3A_2086 = arith.extui %gt3A_2085 : vector<16xi1> to vector<16xi32>
      %add3A_2087 = arith.addi %add3A_2079, %convert_element_type3A_2086 : vector<16xi32>
      %gt3A_2088 = vector.broadcast %squeeze3A_11 : f32 to vector<16xf32>
      %gt3A_2089 = arith.cmpf ogt, %get3A_2057, %gt3A_2088 : vector<16xf32>
      %convert_element_type3A_2090 = arith.extui %gt3A_2089 : vector<16xi1> to vector<16xi32>
      %add3A_2091 = arith.addi %add3A_2083, %convert_element_type3A_2090 : vector<16xi32>
      %gt3A_2092 = vector.broadcast %squeeze3A_41 : f32 to vector<16xf32>
      %gt3A_2093 = arith.cmpf ogt, %get3A_2059, %gt3A_2092 : vector<16xf32>
      %convert_element_type3A_2094 = arith.extui %gt3A_2093 : vector<16xi1> to vector<16xi32>
      %add3A_2095 = arith.addi %add3A_2087, %convert_element_type3A_2094 : vector<16xi32>
      %gt3A_2096 = vector.broadcast %squeeze3A_13 : f32 to vector<16xf32>
      %gt3A_2097 = arith.cmpf ogt, %get3A_2057, %gt3A_2096 : vector<16xf32>
      %convert_element_type3A_2098 = arith.extui %gt3A_2097 : vector<16xi1> to vector<16xi32>
      %add3A_2099 = arith.addi %add3A_2091, %convert_element_type3A_2098 : vector<16xi32>
      %gt3A_2100 = vector.broadcast %squeeze3A_43 : f32 to vector<16xf32>
      %gt3A_2101 = arith.cmpf ogt, %get3A_2059, %gt3A_2100 : vector<16xf32>
      %convert_element_type3A_2102 = arith.extui %gt3A_2101 : vector<16xi1> to vector<16xi32>
      %add3A_2103 = arith.addi %add3A_2095, %convert_element_type3A_2102 : vector<16xi32>
      %gt3A_2104 = vector.broadcast %squeeze3A_15 : f32 to vector<16xf32>
      %gt3A_2105 = arith.cmpf ogt, %get3A_2057, %gt3A_2104 : vector<16xf32>
      %convert_element_type3A_2106 = arith.extui %gt3A_2105 : vector<16xi1> to vector<16xi32>
      %add3A_2107 = arith.addi %add3A_2099, %convert_element_type3A_2106 : vector<16xi32>
      %gt3A_2108 = vector.broadcast %squeeze3A_45 : f32 to vector<16xf32>
      %gt3A_2109 = arith.cmpf ogt, %get3A_2059, %gt3A_2108 : vector<16xf32>
      %convert_element_type3A_2110 = arith.extui %gt3A_2109 : vector<16xi1> to vector<16xi32>
      %add3A_2111 = arith.addi %add3A_2103, %convert_element_type3A_2110 : vector<16xi32>
      %gt3A_2112 = vector.broadcast %squeeze3A_17 : f32 to vector<16xf32>
      %gt3A_2113 = arith.cmpf ogt, %get3A_2057, %gt3A_2112 : vector<16xf32>
      %convert_element_type3A_2114 = arith.extui %gt3A_2113 : vector<16xi1> to vector<16xi32>
      %add3A_2115 = arith.addi %add3A_2107, %convert_element_type3A_2114 : vector<16xi32>
      %gt3A_2116 = vector.broadcast %squeeze3A_47 : f32 to vector<16xf32>
      %gt3A_2117 = arith.cmpf ogt, %get3A_2059, %gt3A_2116 : vector<16xf32>
      %convert_element_type3A_2118 = arith.extui %gt3A_2117 : vector<16xi1> to vector<16xi32>
      %add3A_2119 = arith.addi %add3A_2111, %convert_element_type3A_2118 : vector<16xi32>
      %gt3A_2120 = vector.broadcast %squeeze3A_19 : f32 to vector<16xf32>
      %gt3A_2121 = arith.cmpf ogt, %get3A_2057, %gt3A_2120 : vector<16xf32>
      %convert_element_type3A_2122 = arith.extui %gt3A_2121 : vector<16xi1> to vector<16xi32>
      %add3A_2123 = arith.addi %add3A_2115, %convert_element_type3A_2122 : vector<16xi32>
      %gt3A_2124 = vector.broadcast %squeeze3A_49 : f32 to vector<16xf32>
      %gt3A_2125 = arith.cmpf ogt, %get3A_2059, %gt3A_2124 : vector<16xf32>
      %convert_element_type3A_2126 = arith.extui %gt3A_2125 : vector<16xi1> to vector<16xi32>
      %add3A_2127 = arith.addi %add3A_2119, %convert_element_type3A_2126 : vector<16xi32>
      %gt3A_2128 = vector.broadcast %squeeze3A_21 : f32 to vector<16xf32>
      %gt3A_2129 = arith.cmpf ogt, %get3A_2057, %gt3A_2128 : vector<16xf32>
      %convert_element_type3A_2130 = arith.extui %gt3A_2129 : vector<16xi1> to vector<16xi32>
      %add3A_2131 = arith.addi %add3A_2123, %convert_element_type3A_2130 : vector<16xi32>
      %gt3A_2132 = vector.broadcast %squeeze3A_51 : f32 to vector<16xf32>
      %gt3A_2133 = arith.cmpf ogt, %get3A_2059, %gt3A_2132 : vector<16xf32>
      %convert_element_type3A_2134 = arith.extui %gt3A_2133 : vector<16xi1> to vector<16xi32>
      %add3A_2135 = arith.addi %add3A_2127, %convert_element_type3A_2134 : vector<16xi32>
      %gt3A_2136 = vector.broadcast %squeeze3A_23 : f32 to vector<16xf32>
      %gt3A_2137 = arith.cmpf ogt, %get3A_2057, %gt3A_2136 : vector<16xf32>
      %convert_element_type3A_2138 = arith.extui %gt3A_2137 : vector<16xi1> to vector<16xi32>
      %add3A_2139 = arith.addi %add3A_2131, %convert_element_type3A_2138 : vector<16xi32>
      %gt3A_2140 = vector.broadcast %squeeze3A_53 : f32 to vector<16xf32>
      %gt3A_2141 = arith.cmpf ogt, %get3A_2059, %gt3A_2140 : vector<16xf32>
      %convert_element_type3A_2142 = arith.extui %gt3A_2141 : vector<16xi1> to vector<16xi32>
      %add3A_2143 = arith.addi %add3A_2135, %convert_element_type3A_2142 : vector<16xi32>
      %gt3A_2144 = vector.broadcast %squeeze3A_25 : f32 to vector<16xf32>
      %gt3A_2145 = arith.cmpf ogt, %get3A_2057, %gt3A_2144 : vector<16xf32>
      %convert_element_type3A_2146 = arith.extui %gt3A_2145 : vector<16xi1> to vector<16xi32>
      %add3A_2147 = arith.addi %add3A_2139, %convert_element_type3A_2146 : vector<16xi32>
      %gt3A_2148 = vector.broadcast %squeeze3A_55 : f32 to vector<16xf32>
      %gt3A_2149 = arith.cmpf ogt, %get3A_2059, %gt3A_2148 : vector<16xf32>
      %convert_element_type3A_2150 = arith.extui %gt3A_2149 : vector<16xi1> to vector<16xi32>
      %add3A_2151 = arith.addi %add3A_2143, %convert_element_type3A_2150 : vector<16xi32>
      %gt3A_2152 = vector.broadcast %squeeze3A_27 : f32 to vector<16xf32>
      %gt3A_2153 = arith.cmpf ogt, %get3A_2057, %gt3A_2152 : vector<16xf32>
      %convert_element_type3A_2154 = arith.extui %gt3A_2153 : vector<16xi1> to vector<16xi32>
      %add3A_2155 = arith.addi %add3A_2147, %convert_element_type3A_2154 : vector<16xi32>
      %gt3A_2156 = vector.broadcast %squeeze3A_57 : f32 to vector<16xf32>
      %gt3A_2157 = arith.cmpf ogt, %get3A_2059, %gt3A_2156 : vector<16xf32>
      %convert_element_type3A_2158 = arith.extui %gt3A_2157 : vector<16xi1> to vector<16xi32>
      %add3A_2159 = arith.addi %add3A_2151, %convert_element_type3A_2158 : vector<16xi32>
      %gt3A_2160 = vector.broadcast %squeeze3A_29 : f32 to vector<16xf32>
      %gt3A_2161 = arith.cmpf ogt, %get3A_2057, %gt3A_2160 : vector<16xf32>
      %convert_element_type3A_2162 = arith.extui %gt3A_2161 : vector<16xi1> to vector<16xi32>
      %add3A_2163 = arith.addi %add3A_2155, %convert_element_type3A_2162 : vector<16xi32>
      %gt3A_2164 = vector.broadcast %squeeze3A_59 : f32 to vector<16xf32>
      %gt3A_2165 = arith.cmpf ogt, %get3A_2059, %gt3A_2164 : vector<16xf32>
      %convert_element_type3A_2166 = arith.extui %gt3A_2165 : vector<16xi1> to vector<16xi32>
      %add3A_2167 = arith.addi %add3A_2159, %convert_element_type3A_2166 : vector<16xi32>
      %gt3A_2168 = vector.broadcast %squeeze3A_31 : f32 to vector<16xf32>
      %gt3A_2169 = arith.cmpf ogt, %get3A_2057, %gt3A_2168 : vector<16xf32>
      %convert_element_type3A_2170 = arith.extui %gt3A_2169 : vector<16xi1> to vector<16xi32>
      %add3A_2171 = arith.addi %add3A_2163, %convert_element_type3A_2170 : vector<16xi32>
      %gt3A_2172 = vector.broadcast %squeeze3A_61 : f32 to vector<16xf32>
      %gt3A_2173 = arith.cmpf ogt, %get3A_2059, %gt3A_2172 : vector<16xf32>
      %convert_element_type3A_2174 = arith.extui %gt3A_2173 : vector<16xi1> to vector<16xi32>
      %add3A_2175 = arith.addi %add3A_2167, %convert_element_type3A_2174 : vector<16xi32>
      %gt3A_2176 = vector.broadcast %squeeze3A_33 : f32 to vector<16xf32>
      %gt3A_2177 = arith.cmpf ogt, %get3A_2057, %gt3A_2176 : vector<16xf32>
      %convert_element_type3A_2178 = arith.extui %gt3A_2177 : vector<16xi1> to vector<16xi32>
      %add3A_2179 = arith.addi %add3A_2171, %convert_element_type3A_2178 : vector<16xi32>
      %gt3A_2180 = vector.broadcast %squeeze3A_63 : f32 to vector<16xf32>
      %gt3A_2181 = arith.cmpf ogt, %get3A_2059, %gt3A_2180 : vector<16xf32>
      %convert_element_type3A_2182 = arith.extui %gt3A_2181 : vector<16xi1> to vector<16xi32>
      %add3A_2183 = arith.addi %add3A_2175, %convert_element_type3A_2182 : vector<16xi32>
      %mul3A_2184 = arith.constant 16 : i32
      %mul3A_2185 = vector.broadcast %mul3A_2184 : i32 to vector<16xi32>
      %mul3A_2186 = arith.muli %add3A_2179, %mul3A_2185 : vector<16xi32>
      %add3A_2187 = arith.addi %mul3A_2186, %add3A_2183 : vector<16xi32>
      %add3A_2188 = arith.constant 80 : i32
      %add3A_2189 = vector.broadcast %add3A_2188 : i32 to vector<16xi32>
      %add3A_2190 = arith.addi %iota3A, %add3A_2189 : vector<16xi32>
      tpu.vector_store_idx %arg11[%add3A_2190, %add3A_2187], %broadcast_in_dim3A_64 : memref<128x256xf32, #tpu.memory_space<vmem>>[vector<16xi32>, vector<16xi32>], vector<16xf32>,
      %swap3A_2191 = arith.constant 80 : index
      %swap3A_2192 = tpu.vector_load %arg13[%swap3A_2191] {strides = array<i32>} : memref<128xi32, #tpu.memory_space<vmem>>, vector<16xi32>,
      tpu.vector_store %arg13[%swap3A_2191], %add3A_2187 {strides = array<i32>} : memref<128xi32, #tpu.memory_space<vmem>>, vector<16xi32>,
      %mul3A_2193 = arith.constant 128 : i32
      %mul3A_2194 = arith.muli %add3A_1298, %mul3A_2193 : i32
      %add3A_2195 = arith.constant 96 : i32
      %add3A_2196 = arith.addi %mul3A_2194, %add3A_2195 : i32
      %get3A_2197 = arith.index_cast %add3A_2196 : i32 to index
      %get3A_2198 = tpu.vector_load %arg7[%get3A_2197] {strides = array<i32>} : memref<768xf32, #tpu.memory_space<vmem>>, vector<16xf32>,
      %get3A_2199 = arith.index_cast %add3A_2196 : i32 to index
      %get3A_2200 = tpu.vector_load %arg8[%get3A_2199] {strides = array<i32>} : memref<768xf32, #tpu.memory_space<vmem>>, vector<16xf32>,
      %broadcast_in_dim3A_2201 = arith.constant 0 : i32
      %broadcast_in_dim3A_2202 = vector.broadcast %broadcast_in_dim3A_2201 : i32 to vector<16xi32>
      %broadcast_in_dim3A_2203 = arith.constant 0 : i32
      %broadcast_in_dim3A_2204 = vector.broadcast %broadcast_in_dim3A_2203 : i32 to vector<16xi32>
      %gt3A_2205 = vector.broadcast %squeeze3A : f32 to vector<16xf32>
      %gt3A_2206 = arith.cmpf ogt, %get3A_2198, %gt3A_2205 : vector<16xf32>
      %convert_element_type3A_2207 = arith.extui %gt3A_2206 : vector<16xi1> to vector<16xi32>
      %add3A_2208 = arith.addi %broadcast_in_dim3A_2202, %convert_element_type3A_2207 : vector<16xi32>
      %gt3A_2209 = vector.broadcast %squeeze3A_35 : f32 to vector<16xf32>
      %gt3A_2210 = arith.cmpf ogt, %get3A_2200, %gt3A_2209 : vector<16xf32>
      %convert_element_type3A_2211 = arith.extui %gt3A_2210 : vector<16xi1> to vector<16xi32>
      %add3A_2212 = arith.addi %broadcast_in_dim3A_2204, %convert_element_type3A_2211 : vector<16xi32>
      %gt3A_2213 = vector.broadcast %squeeze3A_7 : f32 to vector<16xf32>
      %gt3A_2214 = arith.cmpf ogt, %get3A_2198, %gt3A_2213 : vector<16xf32>
      %convert_element_type3A_2215 = arith.extui %gt3A_2214 : vector<16xi1> to vector<16xi32>
      %add3A_2216 = arith.addi %add3A_2208, %convert_element_type3A_2215 : vector<16xi32>
      %gt3A_2217 = vector.broadcast %squeeze3A_37 : f32 to vector<16xf32>
      %gt3A_2218 = arith.cmpf ogt, %get3A_2200, %gt3A_2217 : vector<16xf32>
      %convert_element_type3A_2219 = arith.extui %gt3A_2218 : vector<16xi1> to vector<16xi32>
      %add3A_2220 = arith.addi %add3A_2212, %convert_element_type3A_2219 : vector<16xi32>
      %gt3A_2221 = vector.broadcast %squeeze3A_9 : f32 to vector<16xf32>
      %gt3A_2222 = arith.cmpf ogt, %get3A_2198, %gt3A_2221 : vector<16xf32>
      %convert_element_type3A_2223 = arith.extui %gt3A_2222 : vector<16xi1> to vector<16xi32>
      %add3A_2224 = arith.addi %add3A_2216, %convert_element_type3A_2223 : vector<16xi32>
      %gt3A_2225 = vector.broadcast %squeeze3A_39 : f32 to vector<16xf32>
      %gt3A_2226 = arith.cmpf ogt, %get3A_2200, %gt3A_2225 : vector<16xf32>
      %convert_element_type3A_2227 = arith.extui %gt3A_2226 : vector<16xi1> to vector<16xi32>
      %add3A_2228 = arith.addi %add3A_2220, %convert_element_type3A_2227 : vector<16xi32>
      %gt3A_2229 = vector.broadcast %squeeze3A_11 : f32 to vector<16xf32>
      %gt3A_2230 = arith.cmpf ogt, %get3A_2198, %gt3A_2229 : vector<16xf32>
      %convert_element_type3A_2231 = arith.extui %gt3A_2230 : vector<16xi1> to vector<16xi32>
      %add3A_2232 = arith.addi %add3A_2224, %convert_element_type3A_2231 : vector<16xi32>
      %gt3A_2233 = vector.broadcast %squeeze3A_41 : f32 to vector<16xf32>
      %gt3A_2234 = arith.cmpf ogt, %get3A_2200, %gt3A_2233 : vector<16xf32>
      %convert_element_type3A_2235 = arith.extui %gt3A_2234 : vector<16xi1> to vector<16xi32>
      %add3A_2236 = arith.addi %add3A_2228, %convert_element_type3A_2235 : vector<16xi32>
      %gt3A_2237 = vector.broadcast %squeeze3A_13 : f32 to vector<16xf32>
      %gt3A_2238 = arith.cmpf ogt, %get3A_2198, %gt3A_2237 : vector<16xf32>
      %convert_element_type3A_2239 = arith.extui %gt3A_2238 : vector<16xi1> to vector<16xi32>
      %add3A_2240 = arith.addi %add3A_2232, %convert_element_type3A_2239 : vector<16xi32>
      %gt3A_2241 = vector.broadcast %squeeze3A_43 : f32 to vector<16xf32>
      %gt3A_2242 = arith.cmpf ogt, %get3A_2200, %gt3A_2241 : vector<16xf32>
      %convert_element_type3A_2243 = arith.extui %gt3A_2242 : vector<16xi1> to vector<16xi32>
      %add3A_2244 = arith.addi %add3A_2236, %convert_element_type3A_2243 : vector<16xi32>
      %gt3A_2245 = vector.broadcast %squeeze3A_15 : f32 to vector<16xf32>
      %gt3A_2246 = arith.cmpf ogt, %get3A_2198, %gt3A_2245 : vector<16xf32>
      %convert_element_type3A_2247 = arith.extui %gt3A_2246 : vector<16xi1> to vector<16xi32>
      %add3A_2248 = arith.addi %add3A_2240, %convert_element_type3A_2247 : vector<16xi32>
      %gt3A_2249 = vector.broadcast %squeeze3A_45 : f32 to vector<16xf32>
      %gt3A_2250 = arith.cmpf ogt, %get3A_2200, %gt3A_2249 : vector<16xf32>
      %convert_element_type3A_2251 = arith.extui %gt3A_2250 : vector<16xi1> to vector<16xi32>
      %add3A_2252 = arith.addi %add3A_2244, %convert_element_type3A_2251 : vector<16xi32>
      %gt3A_2253 = vector.broadcast %squeeze3A_17 : f32 to vector<16xf32>
      %gt3A_2254 = arith.cmpf ogt, %get3A_2198, %gt3A_2253 : vector<16xf32>
      %convert_element_type3A_2255 = arith.extui %gt3A_2254 : vector<16xi1> to vector<16xi32>
      %add3A_2256 = arith.addi %add3A_2248, %convert_element_type3A_2255 : vector<16xi32>
      %gt3A_2257 = vector.broadcast %squeeze3A_47 : f32 to vector<16xf32>
      %gt3A_2258 = arith.cmpf ogt, %get3A_2200, %gt3A_2257 : vector<16xf32>
      %convert_element_type3A_2259 = arith.extui %gt3A_2258 : vector<16xi1> to vector<16xi32>
      %add3A_2260 = arith.addi %add3A_2252, %convert_element_type3A_2259 : vector<16xi32>
      %gt3A_2261 = vector.broadcast %squeeze3A_19 : f32 to vector<16xf32>
      %gt3A_2262 = arith.cmpf ogt, %get3A_2198, %gt3A_2261 : vector<16xf32>
      %convert_element_type3A_2263 = arith.extui %gt3A_2262 : vector<16xi1> to vector<16xi32>
      %add3A_2264 = arith.addi %add3A_2256, %convert_element_type3A_2263 : vector<16xi32>
      %gt3A_2265 = vector.broadcast %squeeze3A_49 : f32 to vector<16xf32>
      %gt3A_2266 = arith.cmpf ogt, %get3A_2200, %gt3A_2265 : vector<16xf32>
      %convert_element_type3A_2267 = arith.extui %gt3A_2266 : vector<16xi1> to vector<16xi32>
      %add3A_2268 = arith.addi %add3A_2260, %convert_element_type3A_2267 : vector<16xi32>
      %gt3A_2269 = vector.broadcast %squeeze3A_21 : f32 to vector<16xf32>
      %gt3A_2270 = arith.cmpf ogt, %get3A_2198, %gt3A_2269 : vector<16xf32>
      %convert_element_type3A_2271 = arith.extui %gt3A_2270 : vector<16xi1> to vector<16xi32>
      %add3A_2272 = arith.addi %add3A_2264, %convert_element_type3A_2271 : vector<16xi32>
      %gt3A_2273 = vector.broadcast %squeeze3A_51 : f32 to vector<16xf32>
      %gt3A_2274 = arith.cmpf ogt, %get3A_2200, %gt3A_2273 : vector<16xf32>
      %convert_element_type3A_2275 = arith.extui %gt3A_2274 : vector<16xi1> to vector<16xi32>
      %add3A_2276 = arith.addi %add3A_2268, %convert_element_type3A_2275 : vector<16xi32>
      %gt3A_2277 = vector.broadcast %squeeze3A_23 : f32 to vector<16xf32>
      %gt3A_2278 = arith.cmpf ogt, %get3A_2198, %gt3A_2277 : vector<16xf32>
      %convert_element_type3A_2279 = arith.extui %gt3A_2278 : vector<16xi1> to vector<16xi32>
      %add3A_2280 = arith.addi %add3A_2272, %convert_element_type3A_2279 : vector<16xi32>
      %gt3A_2281 = vector.broadcast %squeeze3A_53 : f32 to vector<16xf32>
      %gt3A_2282 = arith.cmpf ogt, %get3A_2200, %gt3A_2281 : vector<16xf32>
      %convert_element_type3A_2283 = arith.extui %gt3A_2282 : vector<16xi1> to vector<16xi32>
      %add3A_2284 = arith.addi %add3A_2276, %convert_element_type3A_2283 : vector<16xi32>
      %gt3A_2285 = vector.broadcast %squeeze3A_25 : f32 to vector<16xf32>
      %gt3A_2286 = arith.cmpf ogt, %get3A_2198, %gt3A_2285 : vector<16xf32>
      %convert_element_type3A_2287 = arith.extui %gt3A_2286 : vector<16xi1> to vector<16xi32>
      %add3A_2288 = arith.addi %add3A_2280, %convert_element_type3A_2287 : vector<16xi32>
      %gt3A_2289 = vector.broadcast %squeeze3A_55 : f32 to vector<16xf32>
      %gt3A_2290 = arith.cmpf ogt, %get3A_2200, %gt3A_2289 : vector<16xf32>
      %convert_element_type3A_2291 = arith.extui %gt3A_2290 : vector<16xi1> to vector<16xi32>
      %add3A_2292 = arith.addi %add3A_2284, %convert_element_type3A_2291 : vector<16xi32>
      %gt3A_2293 = vector.broadcast %squeeze3A_27 : f32 to vector<16xf32>
      %gt3A_2294 = arith.cmpf ogt, %get3A_2198, %gt3A_2293 : vector<16xf32>
      %convert_element_type3A_2295 = arith.extui %gt3A_2294 : vector<16xi1> to vector<16xi32>
      %add3A_2296 = arith.addi %add3A_2288, %convert_element_type3A_2295 : vector<16xi32>
      %gt3A_2297 = vector.broadcast %squeeze3A_57 : f32 to vector<16xf32>
      %gt3A_2298 = arith.cmpf ogt, %get3A_2200, %gt3A_2297 : vector<16xf32>
      %convert_element_type3A_2299 = arith.extui %gt3A_2298 : vector<16xi1> to vector<16xi32>
      %add3A_2300 = arith.addi %add3A_2292, %convert_element_type3A_2299 : vector<16xi32>
      %gt3A_2301 = vector.broadcast %squeeze3A_29 : f32 to vector<16xf32>
      %gt3A_2302 = arith.cmpf ogt, %get3A_2198, %gt3A_2301 : vector<16xf32>
      %convert_element_type3A_2303 = arith.extui %gt3A_2302 : vector<16xi1> to vector<16xi32>
      %add3A_2304 = arith.addi %add3A_2296, %convert_element_type3A_2303 : vector<16xi32>
      %gt3A_2305 = vector.broadcast %squeeze3A_59 : f32 to vector<16xf32>
      %gt3A_2306 = arith.cmpf ogt, %get3A_2200, %gt3A_2305 : vector<16xf32>
      %convert_element_type3A_2307 = arith.extui %gt3A_2306 : vector<16xi1> to vector<16xi32>
      %add3A_2308 = arith.addi %add3A_2300, %convert_element_type3A_2307 : vector<16xi32>
      %gt3A_2309 = vector.broadcast %squeeze3A_31 : f32 to vector<16xf32>
      %gt3A_2310 = arith.cmpf ogt, %get3A_2198, %gt3A_2309 : vector<16xf32>
      %convert_element_type3A_2311 = arith.extui %gt3A_2310 : vector<16xi1> to vector<16xi32>
      %add3A_2312 = arith.addi %add3A_2304, %convert_element_type3A_2311 : vector<16xi32>
      %gt3A_2313 = vector.broadcast %squeeze3A_61 : f32 to vector<16xf32>
      %gt3A_2314 = arith.cmpf ogt, %get3A_2200, %gt3A_2313 : vector<16xf32>
      %convert_element_type3A_2315 = arith.extui %gt3A_2314 : vector<16xi1> to vector<16xi32>
      %add3A_2316 = arith.addi %add3A_2308, %convert_element_type3A_2315 : vector<16xi32>
      %gt3A_2317 = vector.broadcast %squeeze3A_33 : f32 to vector<16xf32>
      %gt3A_2318 = arith.cmpf ogt, %get3A_2198, %gt3A_2317 : vector<16xf32>
      %convert_element_type3A_2319 = arith.extui %gt3A_2318 : vector<16xi1> to vector<16xi32>
      %add3A_2320 = arith.addi %add3A_2312, %convert_element_type3A_2319 : vector<16xi32>
      %gt3A_2321 = vector.broadcast %squeeze3A_63 : f32 to vector<16xf32>
      %gt3A_2322 = arith.cmpf ogt, %get3A_2200, %gt3A_2321 : vector<16xf32>
      %convert_element_type3A_2323 = arith.extui %gt3A_2322 : vector<16xi1> to vector<16xi32>
      %add3A_2324 = arith.addi %add3A_2316, %convert_element_type3A_2323 : vector<16xi32>
      %mul3A_2325 = arith.constant 16 : i32
      %mul3A_2326 = vector.broadcast %mul3A_2325 : i32 to vector<16xi32>
      %mul3A_2327 = arith.muli %add3A_2320, %mul3A_2326 : vector<16xi32>
      %add3A_2328 = arith.addi %mul3A_2327, %add3A_2324 : vector<16xi32>
      %add3A_2329 = arith.constant 96 : i32
      %add3A_2330 = vector.broadcast %add3A_2329 : i32 to vector<16xi32>
      %add3A_2331 = arith.addi %iota3A, %add3A_2330 : vector<16xi32>
      tpu.vector_store_idx %arg11[%add3A_2331, %add3A_2328], %broadcast_in_dim3A_64 : memref<128x256xf32, #tpu.memory_space<vmem>>[vector<16xi32>, vector<16xi32>], vector<16xf32>,
      %swap3A_2332 = arith.constant 96 : index
      %swap3A_2333 = tpu.vector_load %arg13[%swap3A_2332] {strides = array<i32>} : memref<128xi32, #tpu.memory_space<vmem>>, vector<16xi32>,
      tpu.vector_store %arg13[%swap3A_2332], %add3A_2328 {strides = array<i32>} : memref<128xi32, #tpu.memory_space<vmem>>, vector<16xi32>,
      %mul3A_2334 = arith.constant 128 : i32
      %mul3A_2335 = arith.muli %add3A_1298, %mul3A_2334 : i32
      %add3A_2336 = arith.constant 112 : i32
      %add3A_2337 = arith.addi %mul3A_2335, %add3A_2336 : i32
      %get3A_2338 = arith.index_cast %add3A_2337 : i32 to index
      %get3A_2339 = tpu.vector_load %arg7[%get3A_2338] {strides = array<i32>} : memref<768xf32, #tpu.memory_space<vmem>>, vector<16xf32>,
      %get3A_2340 = arith.index_cast %add3A_2337 : i32 to index
      %get3A_2341 = tpu.vector_load %arg8[%get3A_2340] {strides = array<i32>} : memref<768xf32, #tpu.memory_space<vmem>>, vector<16xf32>,
      %broadcast_in_dim3A_2342 = arith.constant 0 : i32
      %broadcast_in_dim3A_2343 = vector.broadcast %broadcast_in_dim3A_2342 : i32 to vector<16xi32>
      %broadcast_in_dim3A_2344 = arith.constant 0 : i32
      %broadcast_in_dim3A_2345 = vector.broadcast %broadcast_in_dim3A_2344 : i32 to vector<16xi32>
      %gt3A_2346 = vector.broadcast %squeeze3A : f32 to vector<16xf32>
      %gt3A_2347 = arith.cmpf ogt, %get3A_2339, %gt3A_2346 : vector<16xf32>
      %convert_element_type3A_2348 = arith.extui %gt3A_2347 : vector<16xi1> to vector<16xi32>
      %add3A_2349 = arith.addi %broadcast_in_dim3A_2343, %convert_element_type3A_2348 : vector<16xi32>
      %gt3A_2350 = vector.broadcast %squeeze3A_35 : f32 to vector<16xf32>
      %gt3A_2351 = arith.cmpf ogt, %get3A_2341, %gt3A_2350 : vector<16xf32>
      %convert_element_type3A_2352 = arith.extui %gt3A_2351 : vector<16xi1> to vector<16xi32>
      %add3A_2353 = arith.addi %broadcast_in_dim3A_2345, %convert_element_type3A_2352 : vector<16xi32>
      %gt3A_2354 = vector.broadcast %squeeze3A_7 : f32 to vector<16xf32>
      %gt3A_2355 = arith.cmpf ogt, %get3A_2339, %gt3A_2354 : vector<16xf32>
      %convert_element_type3A_2356 = arith.extui %gt3A_2355 : vector<16xi1> to vector<16xi32>
      %add3A_2357 = arith.addi %add3A_2349, %convert_element_type3A_2356 : vector<16xi32>
      %gt3A_2358 = vector.broadcast %squeeze3A_37 : f32 to vector<16xf32>
      %gt3A_2359 = arith.cmpf ogt, %get3A_2341, %gt3A_2358 : vector<16xf32>
      %convert_element_type3A_2360 = arith.extui %gt3A_2359 : vector<16xi1> to vector<16xi32>
      %add3A_2361 = arith.addi %add3A_2353, %convert_element_type3A_2360 : vector<16xi32>
      %gt3A_2362 = vector.broadcast %squeeze3A_9 : f32 to vector<16xf32>
      %gt3A_2363 = arith.cmpf ogt, %get3A_2339, %gt3A_2362 : vector<16xf32>
      %convert_element_type3A_2364 = arith.extui %gt3A_2363 : vector<16xi1> to vector<16xi32>
      %add3A_2365 = arith.addi %add3A_2357, %convert_element_type3A_2364 : vector<16xi32>
      %gt3A_2366 = vector.broadcast %squeeze3A_39 : f32 to vector<16xf32>
      %gt3A_2367 = arith.cmpf ogt, %get3A_2341, %gt3A_2366 : vector<16xf32>
      %convert_element_type3A_2368 = arith.extui %gt3A_2367 : vector<16xi1> to vector<16xi32>
      %add3A_2369 = arith.addi %add3A_2361, %convert_element_type3A_2368 : vector<16xi32>
      %gt3A_2370 = vector.broadcast %squeeze3A_11 : f32 to vector<16xf32>
      %gt3A_2371 = arith.cmpf ogt, %get3A_2339, %gt3A_2370 : vector<16xf32>
      %convert_element_type3A_2372 = arith.extui %gt3A_2371 : vector<16xi1> to vector<16xi32>
      %add3A_2373 = arith.addi %add3A_2365, %convert_element_type3A_2372 : vector<16xi32>
      %gt3A_2374 = vector.broadcast %squeeze3A_41 : f32 to vector<16xf32>
      %gt3A_2375 = arith.cmpf ogt, %get3A_2341, %gt3A_2374 : vector<16xf32>
      %convert_element_type3A_2376 = arith.extui %gt3A_2375 : vector<16xi1> to vector<16xi32>
      %add3A_2377 = arith.addi %add3A_2369, %convert_element_type3A_2376 : vector<16xi32>
      %gt3A_2378 = vector.broadcast %squeeze3A_13 : f32 to vector<16xf32>
      %gt3A_2379 = arith.cmpf ogt, %get3A_2339, %gt3A_2378 : vector<16xf32>
      %convert_element_type3A_2380 = arith.extui %gt3A_2379 : vector<16xi1> to vector<16xi32>
      %add3A_2381 = arith.addi %add3A_2373, %convert_element_type3A_2380 : vector<16xi32>
      %gt3A_2382 = vector.broadcast %squeeze3A_43 : f32 to vector<16xf32>
      %gt3A_2383 = arith.cmpf ogt, %get3A_2341, %gt3A_2382 : vector<16xf32>
      %convert_element_type3A_2384 = arith.extui %gt3A_2383 : vector<16xi1> to vector<16xi32>
      %add3A_2385 = arith.addi %add3A_2377, %convert_element_type3A_2384 : vector<16xi32>
      %gt3A_2386 = vector.broadcast %squeeze3A_15 : f32 to vector<16xf32>
      %gt3A_2387 = arith.cmpf ogt, %get3A_2339, %gt3A_2386 : vector<16xf32>
      %convert_element_type3A_2388 = arith.extui %gt3A_2387 : vector<16xi1> to vector<16xi32>
      %add3A_2389 = arith.addi %add3A_2381, %convert_element_type3A_2388 : vector<16xi32>
      %gt3A_2390 = vector.broadcast %squeeze3A_45 : f32 to vector<16xf32>
      %gt3A_2391 = arith.cmpf ogt, %get3A_2341, %gt3A_2390 : vector<16xf32>
      %convert_element_type3A_2392 = arith.extui %gt3A_2391 : vector<16xi1> to vector<16xi32>
      %add3A_2393 = arith.addi %add3A_2385, %convert_element_type3A_2392 : vector<16xi32>
      %gt3A_2394 = vector.broadcast %squeeze3A_17 : f32 to vector<16xf32>
      %gt3A_2395 = arith.cmpf ogt, %get3A_2339, %gt3A_2394 : vector<16xf32>
      %convert_element_type3A_2396 = arith.extui %gt3A_2395 : vector<16xi1> to vector<16xi32>
      %add3A_2397 = arith.addi %add3A_2389, %convert_element_type3A_2396 : vector<16xi32>
      %gt3A_2398 = vector.broadcast %squeeze3A_47 : f32 to vector<16xf32>
      %gt3A_2399 = arith.cmpf ogt, %get3A_2341, %gt3A_2398 : vector<16xf32>
      %convert_element_type3A_2400 = arith.extui %gt3A_2399 : vector<16xi1> to vector<16xi32>
      %add3A_2401 = arith.addi %add3A_2393, %convert_element_type3A_2400 : vector<16xi32>
      %gt3A_2402 = vector.broadcast %squeeze3A_19 : f32 to vector<16xf32>
      %gt3A_2403 = arith.cmpf ogt, %get3A_2339, %gt3A_2402 : vector<16xf32>
      %convert_element_type3A_2404 = arith.extui %gt3A_2403 : vector<16xi1> to vector<16xi32>
      %add3A_2405 = arith.addi %add3A_2397, %convert_element_type3A_2404 : vector<16xi32>
      %gt3A_2406 = vector.broadcast %squeeze3A_49 : f32 to vector<16xf32>
      %gt3A_2407 = arith.cmpf ogt, %get3A_2341, %gt3A_2406 : vector<16xf32>
      %convert_element_type3A_2408 = arith.extui %gt3A_2407 : vector<16xi1> to vector<16xi32>
      %add3A_2409 = arith.addi %add3A_2401, %convert_element_type3A_2408 : vector<16xi32>
      %gt3A_2410 = vector.broadcast %squeeze3A_21 : f32 to vector<16xf32>
      %gt3A_2411 = arith.cmpf ogt, %get3A_2339, %gt3A_2410 : vector<16xf32>
      %convert_element_type3A_2412 = arith.extui %gt3A_2411 : vector<16xi1> to vector<16xi32>
      %add3A_2413 = arith.addi %add3A_2405, %convert_element_type3A_2412 : vector<16xi32>
      %gt3A_2414 = vector.broadcast %squeeze3A_51 : f32 to vector<16xf32>
      %gt3A_2415 = arith.cmpf ogt, %get3A_2341, %gt3A_2414 : vector<16xf32>
      %convert_element_type3A_2416 = arith.extui %gt3A_2415 : vector<16xi1> to vector<16xi32>
      %add3A_2417 = arith.addi %add3A_2409, %convert_element_type3A_2416 : vector<16xi32>
      %gt3A_2418 = vector.broadcast %squeeze3A_23 : f32 to vector<16xf32>
      %gt3A_2419 = arith.cmpf ogt, %get3A_2339, %gt3A_2418 : vector<16xf32>
      %convert_element_type3A_2420 = arith.extui %gt3A_2419 : vector<16xi1> to vector<16xi32>
      %add3A_2421 = arith.addi %add3A_2413, %convert_element_type3A_2420 : vector<16xi32>
      %gt3A_2422 = vector.broadcast %squeeze3A_53 : f32 to vector<16xf32>
      %gt3A_2423 = arith.cmpf ogt, %get3A_2341, %gt3A_2422 : vector<16xf32>
      %convert_element_type3A_2424 = arith.extui %gt3A_2423 : vector<16xi1> to vector<16xi32>
      %add3A_2425 = arith.addi %add3A_2417, %convert_element_type3A_2424 : vector<16xi32>
      %gt3A_2426 = vector.broadcast %squeeze3A_25 : f32 to vector<16xf32>
      %gt3A_2427 = arith.cmpf ogt, %get3A_2339, %gt3A_2426 : vector<16xf32>
      %convert_element_type3A_2428 = arith.extui %gt3A_2427 : vector<16xi1> to vector<16xi32>
      %add3A_2429 = arith.addi %add3A_2421, %convert_element_type3A_2428 : vector<16xi32>
      %gt3A_2430 = vector.broadcast %squeeze3A_55 : f32 to vector<16xf32>
      %gt3A_2431 = arith.cmpf ogt, %get3A_2341, %gt3A_2430 : vector<16xf32>
      %convert_element_type3A_2432 = arith.extui %gt3A_2431 : vector<16xi1> to vector<16xi32>
      %add3A_2433 = arith.addi %add3A_2425, %convert_element_type3A_2432 : vector<16xi32>
      %gt3A_2434 = vector.broadcast %squeeze3A_27 : f32 to vector<16xf32>
      %gt3A_2435 = arith.cmpf ogt, %get3A_2339, %gt3A_2434 : vector<16xf32>
      %convert_element_type3A_2436 = arith.extui %gt3A_2435 : vector<16xi1> to vector<16xi32>
      %add3A_2437 = arith.addi %add3A_2429, %convert_element_type3A_2436 : vector<16xi32>
      %gt3A_2438 = vector.broadcast %squeeze3A_57 : f32 to vector<16xf32>
      %gt3A_2439 = arith.cmpf ogt, %get3A_2341, %gt3A_2438 : vector<16xf32>
      %convert_element_type3A_2440 = arith.extui %gt3A_2439 : vector<16xi1> to vector<16xi32>
      %add3A_2441 = arith.addi %add3A_2433, %convert_element_type3A_2440 : vector<16xi32>
      %gt3A_2442 = vector.broadcast %squeeze3A_29 : f32 to vector<16xf32>
      %gt3A_2443 = arith.cmpf ogt, %get3A_2339, %gt3A_2442 : vector<16xf32>
      %convert_element_type3A_2444 = arith.extui %gt3A_2443 : vector<16xi1> to vector<16xi32>
      %add3A_2445 = arith.addi %add3A_2437, %convert_element_type3A_2444 : vector<16xi32>
      %gt3A_2446 = vector.broadcast %squeeze3A_59 : f32 to vector<16xf32>
      %gt3A_2447 = arith.cmpf ogt, %get3A_2341, %gt3A_2446 : vector<16xf32>
      %convert_element_type3A_2448 = arith.extui %gt3A_2447 : vector<16xi1> to vector<16xi32>
      %add3A_2449 = arith.addi %add3A_2441, %convert_element_type3A_2448 : vector<16xi32>
      %gt3A_2450 = vector.broadcast %squeeze3A_31 : f32 to vector<16xf32>
      %gt3A_2451 = arith.cmpf ogt, %get3A_2339, %gt3A_2450 : vector<16xf32>
      %convert_element_type3A_2452 = arith.extui %gt3A_2451 : vector<16xi1> to vector<16xi32>
      %add3A_2453 = arith.addi %add3A_2445, %convert_element_type3A_2452 : vector<16xi32>
      %gt3A_2454 = vector.broadcast %squeeze3A_61 : f32 to vector<16xf32>
      %gt3A_2455 = arith.cmpf ogt, %get3A_2341, %gt3A_2454 : vector<16xf32>
      %convert_element_type3A_2456 = arith.extui %gt3A_2455 : vector<16xi1> to vector<16xi32>
      %add3A_2457 = arith.addi %add3A_2449, %convert_element_type3A_2456 : vector<16xi32>
      %gt3A_2458 = vector.broadcast %squeeze3A_33 : f32 to vector<16xf32>
      %gt3A_2459 = arith.cmpf ogt, %get3A_2339, %gt3A_2458 : vector<16xf32>
      %convert_element_type3A_2460 = arith.extui %gt3A_2459 : vector<16xi1> to vector<16xi32>
      %add3A_2461 = arith.addi %add3A_2453, %convert_element_type3A_2460 : vector<16xi32>
      %gt3A_2462 = vector.broadcast %squeeze3A_63 : f32 to vector<16xf32>
      %gt3A_2463 = arith.cmpf ogt, %get3A_2341, %gt3A_2462 : vector<16xf32>
      %convert_element_type3A_2464 = arith.extui %gt3A_2463 : vector<16xi1> to vector<16xi32>
      %add3A_2465 = arith.addi %add3A_2457, %convert_element_type3A_2464 : vector<16xi32>
      %mul3A_2466 = arith.constant 16 : i32
      %mul3A_2467 = vector.broadcast %mul3A_2466 : i32 to vector<16xi32>
      %mul3A_2468 = arith.muli %add3A_2461, %mul3A_2467 : vector<16xi32>
      %add3A_2469 = arith.addi %mul3A_2468, %add3A_2465 : vector<16xi32>
      %add3A_2470 = arith.constant 112 : i32
      %add3A_2471 = vector.broadcast %add3A_2470 : i32 to vector<16xi32>
      %add3A_2472 = arith.addi %iota3A, %add3A_2471 : vector<16xi32>
      tpu.vector_store_idx %arg11[%add3A_2472, %add3A_2469], %broadcast_in_dim3A_64 : memref<128x256xf32, #tpu.memory_space<vmem>>[vector<16xi32>, vector<16xi32>], vector<16xf32>,
      %swap3A_2473 = arith.constant 112 : index
      %swap3A_2474 = tpu.vector_load %arg13[%swap3A_2473] {strides = array<i32>} : memref<128xi32, #tpu.memory_space<vmem>>, vector<16xi32>,
      tpu.vector_store %arg13[%swap3A_2473], %add3A_2469 {strides = array<i32>} : memref<128xi32, #tpu.memory_space<vmem>>, vector<16xi32>,
      %dma_start3A_2475 = arith.constant 0 : i32
      %dma_start3A_2476 = tpu.memref_slice %arg6[%add3A_1301, %dma_start3A_2475] : memref<24576x256xf32, #tpu.memory_space<hbm>> -> memref<128x256xf32, #tpu.memory_space<hbm>>
      %dma_start3A_2477 = arith.constant 0 : i32
      %dma_start3A_2478 = tpu.memref_slice %arg6[%add3A_1301, %dma_start3A_2477] : memref<24576x256xf32, #tpu.memory_space<hbm>> -> memref<128x256xf32, #tpu.memory_space<hbm>>
      tpu.enqueue_dma source(%arg11 : memref<128x256xf32, #tpu.memory_space<vmem>>) target(%dma_start3A_2478 : memref<128x256xf32, #tpu.memory_space<hbm>>) target_semaphore(%arg15 : memref<!tpu.dma_semaphore, #tpu.memory_space<semaphore_mem>>)
    }
    %scan3A_104 = arith.constant 3 : i32
    %add3A_105 = arith.constant 512 : i32
    %add3A_106 = arith.addi %mul3A_2, %add3A_105 : i32
    %dma_wait3A = arith.constant 0 : i32
    %dma_wait3A_107 = tpu.memref_slice %arg6[%add3A_106, %dma_wait3A] : memref<24576x256xf32, #tpu.memory_space<hbm>> -> memref<128x256xf32, #tpu.memory_space<hbm>>
    %dma_wait3A_108 = arith.constant 0 : i32
    %dma_wait3A_109 = tpu.memref_slice %arg6[%add3A_106, %dma_wait3A_108] : memref<24576x256xf32, #tpu.memory_space<hbm>> -> memref<128x256xf32, #tpu.memory_space<hbm>>
    tpu.wait_dma2 semaphore(%arg14 : memref<!tpu.dma_semaphore, #tpu.memory_space<semaphore_mem>>) src(%arg10 : memref<128x256xf32, #tpu.memory_space<vmem>>) dst(%dma_wait3A_109 : memref<128x256xf32, #tpu.memory_space<hbm>>)
    %add3A_110 = arith.constant 640 : i32
    %add3A_111 = arith.addi %mul3A_2, %add3A_110 : i32
    %dma_wait3A_112 = arith.constant 0 : i32
    %dma_wait3A_113 = tpu.memref_slice %arg6[%add3A_111, %dma_wait3A_112] : memref<24576x256xf32, #tpu.memory_space<hbm>> -> memref<128x256xf32, #tpu.memory_space<hbm>>
    %dma_wait3A_114 = arith.constant 0 : i32
    %dma_wait3A_115 = tpu.memref_slice %arg6[%add3A_111, %dma_wait3A_114] : memref<24576x256xf32, #tpu.memory_space<hbm>> -> memref<128x256xf32, #tpu.memory_space<hbm>>
    tpu.wait_dma2 semaphore(%arg15 : memref<!tpu.dma_semaphore, #tpu.memory_space<semaphore_mem>>) src(%arg11 : memref<128x256xf32, #tpu.memory_space<vmem>>) dst(%dma_wait3A_115 : memref<128x256xf32, #tpu.memory_space<hbm>>)
    return
  }
}

module attributes {stable_mosaic.version = 14 : i64} {
  func.func @_tile_code_block(%arg0: i32, %arg1: memref<64x128xf32, #tpu.memory_space<vmem>>, %arg2: memref<64x128xf32, #tpu.memory_space<vmem>>, %arg3: memref<15x2xf32, #tpu.memory_space<vmem>>, %arg4: memref<8192x256xf32, #tpu.memory_space<vmem>>) attributes {dimension_semantics = [#tpu.dimension_semantics<arbitrary>], iteration_bounds = array<i64: 13>, scalar_prefetch = 0 : i64, scratch_operands = 0 : i64, tpu.core_type = #tpu.core_type<tc>, window_params = [{transform_indices = @transform_0, window_bounds = array<i64: 64, 128>}, {transform_indices = @transform_1, window_bounds = array<i64: 64, 128>}, {pipeline_mode = #tpu.pipeline_mode<synchronous>, transform_indices = @transform_2, window_bounds = array<i64: 15, 2>}, {transform_indices = @transform_3, window_bounds = array<i64: 8192, 256>}]} {
    %get3A = arith.constant 0 : index
    %get3A_0 = arith.constant 0 : index
    %get3A_1 = vector.load %arg1[%get3A, %get3A_0] : memref<64x128xf32, #tpu.memory_space<vmem>>, vector<64x128xf32>
    %get3A_2 = arith.constant 0 : index
    %get3A_3 = arith.constant 0 : index
    %get3A_4 = vector.load %arg2[%get3A_2, %get3A_3] : memref<64x128xf32, #tpu.memory_space<vmem>>, vector<64x128xf32>
    %broadcast_in_dim3A = arith.constant 0 : i32
    %broadcast_in_dim3A_5 = vector.broadcast %broadcast_in_dim3A : i32 to vector<64x128xi32>
    %broadcast_in_dim3A_6 = arith.constant 0 : i32
    %broadcast_in_dim3A_7 = vector.broadcast %broadcast_in_dim3A_6 : i32 to vector<64x128xi32>
    %get3A_8 = arith.constant 0 : index
    %get3A_9 = arith.constant 0 : index
    %get3A_10 = vector.load %arg3[%get3A_8, %get3A_9] : memref<15x2xf32, #tpu.memory_space<vmem>>, vector<1x1xf32>
    %gt3A = vector.broadcast %get3A_10 : vector<1x1xf32> to vector<64x128xf32>
    %gt3A_11 = arith.cmpf ogt, %get3A_1, %gt3A : vector<64x128xf32>
    %convert_element_type3A = arith.extui %gt3A_11 : vector<64x128xi1> to vector<64x128xi32>
    %add3A = arith.addi %broadcast_in_dim3A_5, %convert_element_type3A : vector<64x128xi32>
    %get3A_12 = arith.constant 0 : index
    %get3A_13 = arith.constant 1 : index
    %get3A_14 = vector.load %arg3[%get3A_12, %get3A_13] : memref<15x2xf32, #tpu.memory_space<vmem>>, vector<1x1xf32>
    %gt3A_15 = vector.broadcast %get3A_14 : vector<1x1xf32> to vector<64x128xf32>
    %gt3A_16 = arith.cmpf ogt, %get3A_4, %gt3A_15 : vector<64x128xf32>
    %convert_element_type3A_17 = arith.extui %gt3A_16 : vector<64x128xi1> to vector<64x128xi32>
    %add3A_18 = arith.addi %broadcast_in_dim3A_7, %convert_element_type3A_17 : vector<64x128xi32>
    %get3A_19 = arith.constant 1 : index
    %get3A_20 = arith.constant 0 : index
    %get3A_21 = vector.load %arg3[%get3A_19, %get3A_20] : memref<15x2xf32, #tpu.memory_space<vmem>>, vector<1x1xf32>
    %gt3A_22 = vector.broadcast %get3A_21 : vector<1x1xf32> to vector<64x128xf32>
    %gt3A_23 = arith.cmpf ogt, %get3A_1, %gt3A_22 : vector<64x128xf32>
    %convert_element_type3A_24 = arith.extui %gt3A_23 : vector<64x128xi1> to vector<64x128xi32>
    %add3A_25 = arith.addi %add3A, %convert_element_type3A_24 : vector<64x128xi32>
    %get3A_26 = arith.constant 1 : index
    %get3A_27 = arith.constant 1 : index
    %get3A_28 = vector.load %arg3[%get3A_26, %get3A_27] : memref<15x2xf32, #tpu.memory_space<vmem>>, vector<1x1xf32>
    %gt3A_29 = vector.broadcast %get3A_28 : vector<1x1xf32> to vector<64x128xf32>
    %gt3A_30 = arith.cmpf ogt, %get3A_4, %gt3A_29 : vector<64x128xf32>
    %convert_element_type3A_31 = arith.extui %gt3A_30 : vector<64x128xi1> to vector<64x128xi32>
    %add3A_32 = arith.addi %add3A_18, %convert_element_type3A_31 : vector<64x128xi32>
    %get3A_33 = arith.constant 2 : index
    %get3A_34 = arith.constant 0 : index
    %get3A_35 = vector.load %arg3[%get3A_33, %get3A_34] : memref<15x2xf32, #tpu.memory_space<vmem>>, vector<1x1xf32>
    %gt3A_36 = vector.broadcast %get3A_35 : vector<1x1xf32> to vector<64x128xf32>
    %gt3A_37 = arith.cmpf ogt, %get3A_1, %gt3A_36 : vector<64x128xf32>
    %convert_element_type3A_38 = arith.extui %gt3A_37 : vector<64x128xi1> to vector<64x128xi32>
    %add3A_39 = arith.addi %add3A_25, %convert_element_type3A_38 : vector<64x128xi32>
    %get3A_40 = arith.constant 2 : index
    %get3A_41 = arith.constant 1 : index
    %get3A_42 = vector.load %arg3[%get3A_40, %get3A_41] : memref<15x2xf32, #tpu.memory_space<vmem>>, vector<1x1xf32>
    %gt3A_43 = vector.broadcast %get3A_42 : vector<1x1xf32> to vector<64x128xf32>
    %gt3A_44 = arith.cmpf ogt, %get3A_4, %gt3A_43 : vector<64x128xf32>
    %convert_element_type3A_45 = arith.extui %gt3A_44 : vector<64x128xi1> to vector<64x128xi32>
    %add3A_46 = arith.addi %add3A_32, %convert_element_type3A_45 : vector<64x128xi32>
    %get3A_47 = arith.constant 3 : index
    %get3A_48 = arith.constant 0 : index
    %get3A_49 = vector.load %arg3[%get3A_47, %get3A_48] : memref<15x2xf32, #tpu.memory_space<vmem>>, vector<1x1xf32>
    %gt3A_50 = vector.broadcast %get3A_49 : vector<1x1xf32> to vector<64x128xf32>
    %gt3A_51 = arith.cmpf ogt, %get3A_1, %gt3A_50 : vector<64x128xf32>
    %convert_element_type3A_52 = arith.extui %gt3A_51 : vector<64x128xi1> to vector<64x128xi32>
    %add3A_53 = arith.addi %add3A_39, %convert_element_type3A_52 : vector<64x128xi32>
    %get3A_54 = arith.constant 3 : index
    %get3A_55 = arith.constant 1 : index
    %get3A_56 = vector.load %arg3[%get3A_54, %get3A_55] : memref<15x2xf32, #tpu.memory_space<vmem>>, vector<1x1xf32>
    %gt3A_57 = vector.broadcast %get3A_56 : vector<1x1xf32> to vector<64x128xf32>
    %gt3A_58 = arith.cmpf ogt, %get3A_4, %gt3A_57 : vector<64x128xf32>
    %convert_element_type3A_59 = arith.extui %gt3A_58 : vector<64x128xi1> to vector<64x128xi32>
    %add3A_60 = arith.addi %add3A_46, %convert_element_type3A_59 : vector<64x128xi32>
    %get3A_61 = arith.constant 4 : index
    %get3A_62 = arith.constant 0 : index
    %get3A_63 = vector.load %arg3[%get3A_61, %get3A_62] : memref<15x2xf32, #tpu.memory_space<vmem>>, vector<1x1xf32>
    %gt3A_64 = vector.broadcast %get3A_63 : vector<1x1xf32> to vector<64x128xf32>
    %gt3A_65 = arith.cmpf ogt, %get3A_1, %gt3A_64 : vector<64x128xf32>
    %convert_element_type3A_66 = arith.extui %gt3A_65 : vector<64x128xi1> to vector<64x128xi32>
    %add3A_67 = arith.addi %add3A_53, %convert_element_type3A_66 : vector<64x128xi32>
    %get3A_68 = arith.constant 4 : index
    %get3A_69 = arith.constant 1 : index
    %get3A_70 = vector.load %arg3[%get3A_68, %get3A_69] : memref<15x2xf32, #tpu.memory_space<vmem>>, vector<1x1xf32>
    %gt3A_71 = vector.broadcast %get3A_70 : vector<1x1xf32> to vector<64x128xf32>
    %gt3A_72 = arith.cmpf ogt, %get3A_4, %gt3A_71 : vector<64x128xf32>
    %convert_element_type3A_73 = arith.extui %gt3A_72 : vector<64x128xi1> to vector<64x128xi32>
    %add3A_74 = arith.addi %add3A_60, %convert_element_type3A_73 : vector<64x128xi32>
    %get3A_75 = arith.constant 5 : index
    %get3A_76 = arith.constant 0 : index
    %get3A_77 = vector.load %arg3[%get3A_75, %get3A_76] : memref<15x2xf32, #tpu.memory_space<vmem>>, vector<1x1xf32>
    %gt3A_78 = vector.broadcast %get3A_77 : vector<1x1xf32> to vector<64x128xf32>
    %gt3A_79 = arith.cmpf ogt, %get3A_1, %gt3A_78 : vector<64x128xf32>
    %convert_element_type3A_80 = arith.extui %gt3A_79 : vector<64x128xi1> to vector<64x128xi32>
    %add3A_81 = arith.addi %add3A_67, %convert_element_type3A_80 : vector<64x128xi32>
    %get3A_82 = arith.constant 5 : index
    %get3A_83 = arith.constant 1 : index
    %get3A_84 = vector.load %arg3[%get3A_82, %get3A_83] : memref<15x2xf32, #tpu.memory_space<vmem>>, vector<1x1xf32>
    %gt3A_85 = vector.broadcast %get3A_84 : vector<1x1xf32> to vector<64x128xf32>
    %gt3A_86 = arith.cmpf ogt, %get3A_4, %gt3A_85 : vector<64x128xf32>
    %convert_element_type3A_87 = arith.extui %gt3A_86 : vector<64x128xi1> to vector<64x128xi32>
    %add3A_88 = arith.addi %add3A_74, %convert_element_type3A_87 : vector<64x128xi32>
    %get3A_89 = arith.constant 6 : index
    %get3A_90 = arith.constant 0 : index
    %get3A_91 = vector.load %arg3[%get3A_89, %get3A_90] : memref<15x2xf32, #tpu.memory_space<vmem>>, vector<1x1xf32>
    %gt3A_92 = vector.broadcast %get3A_91 : vector<1x1xf32> to vector<64x128xf32>
    %gt3A_93 = arith.cmpf ogt, %get3A_1, %gt3A_92 : vector<64x128xf32>
    %convert_element_type3A_94 = arith.extui %gt3A_93 : vector<64x128xi1> to vector<64x128xi32>
    %add3A_95 = arith.addi %add3A_81, %convert_element_type3A_94 : vector<64x128xi32>
    %get3A_96 = arith.constant 6 : index
    %get3A_97 = arith.constant 1 : index
    %get3A_98 = vector.load %arg3[%get3A_96, %get3A_97] : memref<15x2xf32, #tpu.memory_space<vmem>>, vector<1x1xf32>
    %gt3A_99 = vector.broadcast %get3A_98 : vector<1x1xf32> to vector<64x128xf32>
    %gt3A_100 = arith.cmpf ogt, %get3A_4, %gt3A_99 : vector<64x128xf32>
    %convert_element_type3A_101 = arith.extui %gt3A_100 : vector<64x128xi1> to vector<64x128xi32>
    %add3A_102 = arith.addi %add3A_88, %convert_element_type3A_101 : vector<64x128xi32>
    %get3A_103 = arith.constant 7 : index
    %get3A_104 = arith.constant 0 : index
    %get3A_105 = vector.load %arg3[%get3A_103, %get3A_104] : memref<15x2xf32, #tpu.memory_space<vmem>>, vector<1x1xf32>
    %gt3A_106 = vector.broadcast %get3A_105 : vector<1x1xf32> to vector<64x128xf32>
    %gt3A_107 = arith.cmpf ogt, %get3A_1, %gt3A_106 : vector<64x128xf32>
    %convert_element_type3A_108 = arith.extui %gt3A_107 : vector<64x128xi1> to vector<64x128xi32>
    %add3A_109 = arith.addi %add3A_95, %convert_element_type3A_108 : vector<64x128xi32>
    %get3A_110 = arith.constant 7 : index
    %get3A_111 = arith.constant 1 : index
    %get3A_112 = vector.load %arg3[%get3A_110, %get3A_111] : memref<15x2xf32, #tpu.memory_space<vmem>>, vector<1x1xf32>
    %gt3A_113 = vector.broadcast %get3A_112 : vector<1x1xf32> to vector<64x128xf32>
    %gt3A_114 = arith.cmpf ogt, %get3A_4, %gt3A_113 : vector<64x128xf32>
    %convert_element_type3A_115 = arith.extui %gt3A_114 : vector<64x128xi1> to vector<64x128xi32>
    %add3A_116 = arith.addi %add3A_102, %convert_element_type3A_115 : vector<64x128xi32>
    %get3A_117 = arith.constant 8 : index
    %get3A_118 = arith.constant 0 : index
    %get3A_119 = vector.load %arg3[%get3A_117, %get3A_118] : memref<15x2xf32, #tpu.memory_space<vmem>>, vector<1x1xf32>
    %gt3A_120 = vector.broadcast %get3A_119 : vector<1x1xf32> to vector<64x128xf32>
    %gt3A_121 = arith.cmpf ogt, %get3A_1, %gt3A_120 : vector<64x128xf32>
    %convert_element_type3A_122 = arith.extui %gt3A_121 : vector<64x128xi1> to vector<64x128xi32>
    %add3A_123 = arith.addi %add3A_109, %convert_element_type3A_122 : vector<64x128xi32>
    %get3A_124 = arith.constant 8 : index
    %get3A_125 = arith.constant 1 : index
    %get3A_126 = vector.load %arg3[%get3A_124, %get3A_125] : memref<15x2xf32, #tpu.memory_space<vmem>>, vector<1x1xf32>
    %gt3A_127 = vector.broadcast %get3A_126 : vector<1x1xf32> to vector<64x128xf32>
    %gt3A_128 = arith.cmpf ogt, %get3A_4, %gt3A_127 : vector<64x128xf32>
    %convert_element_type3A_129 = arith.extui %gt3A_128 : vector<64x128xi1> to vector<64x128xi32>
    %add3A_130 = arith.addi %add3A_116, %convert_element_type3A_129 : vector<64x128xi32>
    %get3A_131 = arith.constant 9 : index
    %get3A_132 = arith.constant 0 : index
    %get3A_133 = vector.load %arg3[%get3A_131, %get3A_132] : memref<15x2xf32, #tpu.memory_space<vmem>>, vector<1x1xf32>
    %gt3A_134 = vector.broadcast %get3A_133 : vector<1x1xf32> to vector<64x128xf32>
    %gt3A_135 = arith.cmpf ogt, %get3A_1, %gt3A_134 : vector<64x128xf32>
    %convert_element_type3A_136 = arith.extui %gt3A_135 : vector<64x128xi1> to vector<64x128xi32>
    %add3A_137 = arith.addi %add3A_123, %convert_element_type3A_136 : vector<64x128xi32>
    %get3A_138 = arith.constant 9 : index
    %get3A_139 = arith.constant 1 : index
    %get3A_140 = vector.load %arg3[%get3A_138, %get3A_139] : memref<15x2xf32, #tpu.memory_space<vmem>>, vector<1x1xf32>
    %gt3A_141 = vector.broadcast %get3A_140 : vector<1x1xf32> to vector<64x128xf32>
    %gt3A_142 = arith.cmpf ogt, %get3A_4, %gt3A_141 : vector<64x128xf32>
    %convert_element_type3A_143 = arith.extui %gt3A_142 : vector<64x128xi1> to vector<64x128xi32>
    %add3A_144 = arith.addi %add3A_130, %convert_element_type3A_143 : vector<64x128xi32>
    %get3A_145 = arith.constant 10 : index
    %get3A_146 = arith.constant 0 : index
    %get3A_147 = vector.load %arg3[%get3A_145, %get3A_146] : memref<15x2xf32, #tpu.memory_space<vmem>>, vector<1x1xf32>
    %gt3A_148 = vector.broadcast %get3A_147 : vector<1x1xf32> to vector<64x128xf32>
    %gt3A_149 = arith.cmpf ogt, %get3A_1, %gt3A_148 : vector<64x128xf32>
    %convert_element_type3A_150 = arith.extui %gt3A_149 : vector<64x128xi1> to vector<64x128xi32>
    %add3A_151 = arith.addi %add3A_137, %convert_element_type3A_150 : vector<64x128xi32>
    %get3A_152 = arith.constant 10 : index
    %get3A_153 = arith.constant 1 : index
    %get3A_154 = vector.load %arg3[%get3A_152, %get3A_153] : memref<15x2xf32, #tpu.memory_space<vmem>>, vector<1x1xf32>
    %gt3A_155 = vector.broadcast %get3A_154 : vector<1x1xf32> to vector<64x128xf32>
    %gt3A_156 = arith.cmpf ogt, %get3A_4, %gt3A_155 : vector<64x128xf32>
    %convert_element_type3A_157 = arith.extui %gt3A_156 : vector<64x128xi1> to vector<64x128xi32>
    %add3A_158 = arith.addi %add3A_144, %convert_element_type3A_157 : vector<64x128xi32>
    %get3A_159 = arith.constant 11 : index
    %get3A_160 = arith.constant 0 : index
    %get3A_161 = vector.load %arg3[%get3A_159, %get3A_160] : memref<15x2xf32, #tpu.memory_space<vmem>>, vector<1x1xf32>
    %gt3A_162 = vector.broadcast %get3A_161 : vector<1x1xf32> to vector<64x128xf32>
    %gt3A_163 = arith.cmpf ogt, %get3A_1, %gt3A_162 : vector<64x128xf32>
    %convert_element_type3A_164 = arith.extui %gt3A_163 : vector<64x128xi1> to vector<64x128xi32>
    %add3A_165 = arith.addi %add3A_151, %convert_element_type3A_164 : vector<64x128xi32>
    %get3A_166 = arith.constant 11 : index
    %get3A_167 = arith.constant 1 : index
    %get3A_168 = vector.load %arg3[%get3A_166, %get3A_167] : memref<15x2xf32, #tpu.memory_space<vmem>>, vector<1x1xf32>
    %gt3A_169 = vector.broadcast %get3A_168 : vector<1x1xf32> to vector<64x128xf32>
    %gt3A_170 = arith.cmpf ogt, %get3A_4, %gt3A_169 : vector<64x128xf32>
    %convert_element_type3A_171 = arith.extui %gt3A_170 : vector<64x128xi1> to vector<64x128xi32>
    %add3A_172 = arith.addi %add3A_158, %convert_element_type3A_171 : vector<64x128xi32>
    %get3A_173 = arith.constant 12 : index
    %get3A_174 = arith.constant 0 : index
    %get3A_175 = vector.load %arg3[%get3A_173, %get3A_174] : memref<15x2xf32, #tpu.memory_space<vmem>>, vector<1x1xf32>
    %gt3A_176 = vector.broadcast %get3A_175 : vector<1x1xf32> to vector<64x128xf32>
    %gt3A_177 = arith.cmpf ogt, %get3A_1, %gt3A_176 : vector<64x128xf32>
    %convert_element_type3A_178 = arith.extui %gt3A_177 : vector<64x128xi1> to vector<64x128xi32>
    %add3A_179 = arith.addi %add3A_165, %convert_element_type3A_178 : vector<64x128xi32>
    %get3A_180 = arith.constant 12 : index
    %get3A_181 = arith.constant 1 : index
    %get3A_182 = vector.load %arg3[%get3A_180, %get3A_181] : memref<15x2xf32, #tpu.memory_space<vmem>>, vector<1x1xf32>
    %gt3A_183 = vector.broadcast %get3A_182 : vector<1x1xf32> to vector<64x128xf32>
    %gt3A_184 = arith.cmpf ogt, %get3A_4, %gt3A_183 : vector<64x128xf32>
    %convert_element_type3A_185 = arith.extui %gt3A_184 : vector<64x128xi1> to vector<64x128xi32>
    %add3A_186 = arith.addi %add3A_172, %convert_element_type3A_185 : vector<64x128xi32>
    %get3A_187 = arith.constant 13 : index
    %get3A_188 = arith.constant 0 : index
    %get3A_189 = vector.load %arg3[%get3A_187, %get3A_188] : memref<15x2xf32, #tpu.memory_space<vmem>>, vector<1x1xf32>
    %gt3A_190 = vector.broadcast %get3A_189 : vector<1x1xf32> to vector<64x128xf32>
    %gt3A_191 = arith.cmpf ogt, %get3A_1, %gt3A_190 : vector<64x128xf32>
    %convert_element_type3A_192 = arith.extui %gt3A_191 : vector<64x128xi1> to vector<64x128xi32>
    %add3A_193 = arith.addi %add3A_179, %convert_element_type3A_192 : vector<64x128xi32>
    %get3A_194 = arith.constant 13 : index
    %get3A_195 = arith.constant 1 : index
    %get3A_196 = vector.load %arg3[%get3A_194, %get3A_195] : memref<15x2xf32, #tpu.memory_space<vmem>>, vector<1x1xf32>
    %gt3A_197 = vector.broadcast %get3A_196 : vector<1x1xf32> to vector<64x128xf32>
    %gt3A_198 = arith.cmpf ogt, %get3A_4, %gt3A_197 : vector<64x128xf32>
    %convert_element_type3A_199 = arith.extui %gt3A_198 : vector<64x128xi1> to vector<64x128xi32>
    %add3A_200 = arith.addi %add3A_186, %convert_element_type3A_199 : vector<64x128xi32>
    %get3A_201 = arith.constant 14 : index
    %get3A_202 = arith.constant 0 : index
    %get3A_203 = vector.load %arg3[%get3A_201, %get3A_202] : memref<15x2xf32, #tpu.memory_space<vmem>>, vector<1x1xf32>
    %gt3A_204 = vector.broadcast %get3A_203 : vector<1x1xf32> to vector<64x128xf32>
    %gt3A_205 = arith.cmpf ogt, %get3A_1, %gt3A_204 : vector<64x128xf32>
    %convert_element_type3A_206 = arith.extui %gt3A_205 : vector<64x128xi1> to vector<64x128xi32>
    %add3A_207 = arith.addi %add3A_193, %convert_element_type3A_206 : vector<64x128xi32>
    %get3A_208 = arith.constant 14 : index
    %get3A_209 = arith.constant 1 : index
    %get3A_210 = vector.load %arg3[%get3A_208, %get3A_209] : memref<15x2xf32, #tpu.memory_space<vmem>>, vector<1x1xf32>
    %gt3A_211 = vector.broadcast %get3A_210 : vector<1x1xf32> to vector<64x128xf32>
    %gt3A_212 = arith.cmpf ogt, %get3A_4, %gt3A_211 : vector<64x128xf32>
    %convert_element_type3A_213 = arith.extui %gt3A_212 : vector<64x128xi1> to vector<64x128xi32>
    %add3A_214 = arith.addi %add3A_200, %convert_element_type3A_213 : vector<64x128xi32>
    %mul3A = arith.constant 16 : i32
    %mul3A_215 = vector.broadcast %mul3A : i32 to vector<64x128xi32>
    %mul3A_216 = arith.muli %mul3A_215, %add3A_207 : vector<64x128xi32>
    %add3A_217 = arith.addi %mul3A_216, %add3A_214 : vector<64x128xi32>
    %iota3A = tpu.iota {dimensions = array<i32: 1>} : vector<64x256xi32>
    %slice3A = vector.extract_strided_slice %add3A_217 {offsets = [0, 0], sizes = [64, 1], strides = [1, 1]} : vector<64x128xi32> to vector<64x1xi32>
    %eq3A = vector.broadcast %slice3A : vector<64x1xi32> to vector<64x256xi32>
    %eq3A_218 = arith.cmpi eq, %iota3A, %eq3A : vector<64x256xi32>
    %convert_element_type3A_219 = arith.extui %eq3A_218 : vector<64x256xi1> to vector<64x256xi32>
    %convert_element_type3A_220 = arith.sitofp %convert_element_type3A_219 : vector<64x256xi32> to vector<64x256xf32>
    %swap3A = arith.constant 0 : index
    %swap3A_221 = arith.constant 0 : index
    %swap3A_222 = vector.load %arg4[%swap3A, %swap3A_221] : memref<8192x256xf32, #tpu.memory_space<vmem>>, vector<64x256xf32>
    tpu.vector_store %arg4[%swap3A, %swap3A_221], %convert_element_type3A_220 {strides = array<i32>} : memref<8192x256xf32, #tpu.memory_space<vmem>>, vector<64x256xf32>,
    %slice3A_223 = vector.extract_strided_slice %add3A_217 {offsets = [0, 1], sizes = [64, 1], strides = [1, 1]} : vector<64x128xi32> to vector<64x1xi32>
    %eq3A_224 = vector.broadcast %slice3A_223 : vector<64x1xi32> to vector<64x256xi32>
    %eq3A_225 = arith.cmpi eq, %iota3A, %eq3A_224 : vector<64x256xi32>
    %convert_element_type3A_226 = arith.extui %eq3A_225 : vector<64x256xi1> to vector<64x256xi32>
    %convert_element_type3A_227 = arith.sitofp %convert_element_type3A_226 : vector<64x256xi32> to vector<64x256xf32>
    %swap3A_228 = arith.constant 64 : index
    %swap3A_229 = arith.constant 0 : index
    %swap3A_230 = vector.load %arg4[%swap3A_228, %swap3A_229] : memref<8192x256xf32, #tpu.memory_space<vmem>>, vector<64x256xf32>
    tpu.vector_store %arg4[%swap3A_228, %swap3A_229], %convert_element_type3A_227 {strides = array<i32>} : memref<8192x256xf32, #tpu.memory_space<vmem>>, vector<64x256xf32>,
    %slice3A_231 = vector.extract_strided_slice %add3A_217 {offsets = [0, 2], sizes = [64, 1], strides = [1, 1]} : vector<64x128xi32> to vector<64x1xi32>
    %eq3A_232 = vector.broadcast %slice3A_231 : vector<64x1xi32> to vector<64x256xi32>
    %eq3A_233 = arith.cmpi eq, %iota3A, %eq3A_232 : vector<64x256xi32>
    %convert_element_type3A_234 = arith.extui %eq3A_233 : vector<64x256xi1> to vector<64x256xi32>
    %convert_element_type3A_235 = arith.sitofp %convert_element_type3A_234 : vector<64x256xi32> to vector<64x256xf32>
    %swap3A_236 = arith.constant 128 : index
    %swap3A_237 = arith.constant 0 : index
    %swap3A_238 = vector.load %arg4[%swap3A_236, %swap3A_237] : memref<8192x256xf32, #tpu.memory_space<vmem>>, vector<64x256xf32>
    tpu.vector_store %arg4[%swap3A_236, %swap3A_237], %convert_element_type3A_235 {strides = array<i32>} : memref<8192x256xf32, #tpu.memory_space<vmem>>, vector<64x256xf32>,
    %slice3A_239 = vector.extract_strided_slice %add3A_217 {offsets = [0, 3], sizes = [64, 1], strides = [1, 1]} : vector<64x128xi32> to vector<64x1xi32>
    %eq3A_240 = vector.broadcast %slice3A_239 : vector<64x1xi32> to vector<64x256xi32>
    %eq3A_241 = arith.cmpi eq, %iota3A, %eq3A_240 : vector<64x256xi32>
    %convert_element_type3A_242 = arith.extui %eq3A_241 : vector<64x256xi1> to vector<64x256xi32>
    %convert_element_type3A_243 = arith.sitofp %convert_element_type3A_242 : vector<64x256xi32> to vector<64x256xf32>
    %swap3A_244 = arith.constant 192 : index
    %swap3A_245 = arith.constant 0 : index
    %swap3A_246 = vector.load %arg4[%swap3A_244, %swap3A_245] : memref<8192x256xf32, #tpu.memory_space<vmem>>, vector<64x256xf32>
    tpu.vector_store %arg4[%swap3A_244, %swap3A_245], %convert_element_type3A_243 {strides = array<i32>} : memref<8192x256xf32, #tpu.memory_space<vmem>>, vector<64x256xf32>,
    %slice3A_247 = vector.extract_strided_slice %add3A_217 {offsets = [0, 4], sizes = [64, 1], strides = [1, 1]} : vector<64x128xi32> to vector<64x1xi32>
    %eq3A_248 = vector.broadcast %slice3A_247 : vector<64x1xi32> to vector<64x256xi32>
    %eq3A_249 = arith.cmpi eq, %iota3A, %eq3A_248 : vector<64x256xi32>
    %convert_element_type3A_250 = arith.extui %eq3A_249 : vector<64x256xi1> to vector<64x256xi32>
    %convert_element_type3A_251 = arith.sitofp %convert_element_type3A_250 : vector<64x256xi32> to vector<64x256xf32>
    %swap3A_252 = arith.constant 256 : index
    %swap3A_253 = arith.constant 0 : index
    %swap3A_254 = vector.load %arg4[%swap3A_252, %swap3A_253] : memref<8192x256xf32, #tpu.memory_space<vmem>>, vector<64x256xf32>
    tpu.vector_store %arg4[%swap3A_252, %swap3A_253], %convert_element_type3A_251 {strides = array<i32>} : memref<8192x256xf32, #tpu.memory_space<vmem>>, vector<64x256xf32>,
    %slice3A_255 = vector.extract_strided_slice %add3A_217 {offsets = [0, 5], sizes = [64, 1], strides = [1, 1]} : vector<64x128xi32> to vector<64x1xi32>
    %eq3A_256 = vector.broadcast %slice3A_255 : vector<64x1xi32> to vector<64x256xi32>
    %eq3A_257 = arith.cmpi eq, %iota3A, %eq3A_256 : vector<64x256xi32>
    %convert_element_type3A_258 = arith.extui %eq3A_257 : vector<64x256xi1> to vector<64x256xi32>
    %convert_element_type3A_259 = arith.sitofp %convert_element_type3A_258 : vector<64x256xi32> to vector<64x256xf32>
    %swap3A_260 = arith.constant 320 : index
    %swap3A_261 = arith.constant 0 : index
    %swap3A_262 = vector.load %arg4[%swap3A_260, %swap3A_261] : memref<8192x256xf32, #tpu.memory_space<vmem>>, vector<64x256xf32>
    tpu.vector_store %arg4[%swap3A_260, %swap3A_261], %convert_element_type3A_259 {strides = array<i32>} : memref<8192x256xf32, #tpu.memory_space<vmem>>, vector<64x256xf32>,
    %slice3A_263 = vector.extract_strided_slice %add3A_217 {offsets = [0, 6], sizes = [64, 1], strides = [1, 1]} : vector<64x128xi32> to vector<64x1xi32>
    %eq3A_264 = vector.broadcast %slice3A_263 : vector<64x1xi32> to vector<64x256xi32>
    %eq3A_265 = arith.cmpi eq, %iota3A, %eq3A_264 : vector<64x256xi32>
    %convert_element_type3A_266 = arith.extui %eq3A_265 : vector<64x256xi1> to vector<64x256xi32>
    %convert_element_type3A_267 = arith.sitofp %convert_element_type3A_266 : vector<64x256xi32> to vector<64x256xf32>
    %swap3A_268 = arith.constant 384 : index
    %swap3A_269 = arith.constant 0 : index
    %swap3A_270 = vector.load %arg4[%swap3A_268, %swap3A_269] : memref<8192x256xf32, #tpu.memory_space<vmem>>, vector<64x256xf32>
    tpu.vector_store %arg4[%swap3A_268, %swap3A_269], %convert_element_type3A_267 {strides = array<i32>} : memref<8192x256xf32, #tpu.memory_space<vmem>>, vector<64x256xf32>,
    %slice3A_271 = vector.extract_strided_slice %add3A_217 {offsets = [0, 7], sizes = [64, 1], strides = [1, 1]} : vector<64x128xi32> to vector<64x1xi32>
    %eq3A_272 = vector.broadcast %slice3A_271 : vector<64x1xi32> to vector<64x256xi32>
    %eq3A_273 = arith.cmpi eq, %iota3A, %eq3A_272 : vector<64x256xi32>
    %convert_element_type3A_274 = arith.extui %eq3A_273 : vector<64x256xi1> to vector<64x256xi32>
    %convert_element_type3A_275 = arith.sitofp %convert_element_type3A_274 : vector<64x256xi32> to vector<64x256xf32>
    %swap3A_276 = arith.constant 448 : index
    %swap3A_277 = arith.constant 0 : index
    %swap3A_278 = vector.load %arg4[%swap3A_276, %swap3A_277] : memref<8192x256xf32, #tpu.memory_space<vmem>>, vector<64x256xf32>
    tpu.vector_store %arg4[%swap3A_276, %swap3A_277], %convert_element_type3A_275 {strides = array<i32>} : memref<8192x256xf32, #tpu.memory_space<vmem>>, vector<64x256xf32>,
    %slice3A_279 = vector.extract_strided_slice %add3A_217 {offsets = [0, 8], sizes = [64, 1], strides = [1, 1]} : vector<64x128xi32> to vector<64x1xi32>
    %eq3A_280 = vector.broadcast %slice3A_279 : vector<64x1xi32> to vector<64x256xi32>
    %eq3A_281 = arith.cmpi eq, %iota3A, %eq3A_280 : vector<64x256xi32>
    %convert_element_type3A_282 = arith.extui %eq3A_281 : vector<64x256xi1> to vector<64x256xi32>
    %convert_element_type3A_283 = arith.sitofp %convert_element_type3A_282 : vector<64x256xi32> to vector<64x256xf32>
    %swap3A_284 = arith.constant 512 : index
    %swap3A_285 = arith.constant 0 : index
    %swap3A_286 = vector.load %arg4[%swap3A_284, %swap3A_285] : memref<8192x256xf32, #tpu.memory_space<vmem>>, vector<64x256xf32>
    tpu.vector_store %arg4[%swap3A_284, %swap3A_285], %convert_element_type3A_283 {strides = array<i32>} : memref<8192x256xf32, #tpu.memory_space<vmem>>, vector<64x256xf32>,
    %slice3A_287 = vector.extract_strided_slice %add3A_217 {offsets = [0, 9], sizes = [64, 1], strides = [1, 1]} : vector<64x128xi32> to vector<64x1xi32>
    %eq3A_288 = vector.broadcast %slice3A_287 : vector<64x1xi32> to vector<64x256xi32>
    %eq3A_289 = arith.cmpi eq, %iota3A, %eq3A_288 : vector<64x256xi32>
    %convert_element_type3A_290 = arith.extui %eq3A_289 : vector<64x256xi1> to vector<64x256xi32>
    %convert_element_type3A_291 = arith.sitofp %convert_element_type3A_290 : vector<64x256xi32> to vector<64x256xf32>
    %swap3A_292 = arith.constant 576 : index
    %swap3A_293 = arith.constant 0 : index
    %swap3A_294 = vector.load %arg4[%swap3A_292, %swap3A_293] : memref<8192x256xf32, #tpu.memory_space<vmem>>, vector<64x256xf32>
    tpu.vector_store %arg4[%swap3A_292, %swap3A_293], %convert_element_type3A_291 {strides = array<i32>} : memref<8192x256xf32, #tpu.memory_space<vmem>>, vector<64x256xf32>,
    %slice3A_295 = vector.extract_strided_slice %add3A_217 {offsets = [0, 10], sizes = [64, 1], strides = [1, 1]} : vector<64x128xi32> to vector<64x1xi32>
    %eq3A_296 = vector.broadcast %slice3A_295 : vector<64x1xi32> to vector<64x256xi32>
    %eq3A_297 = arith.cmpi eq, %iota3A, %eq3A_296 : vector<64x256xi32>
    %convert_element_type3A_298 = arith.extui %eq3A_297 : vector<64x256xi1> to vector<64x256xi32>
    %convert_element_type3A_299 = arith.sitofp %convert_element_type3A_298 : vector<64x256xi32> to vector<64x256xf32>
    %swap3A_300 = arith.constant 640 : index
    %swap3A_301 = arith.constant 0 : index
    %swap3A_302 = vector.load %arg4[%swap3A_300, %swap3A_301] : memref<8192x256xf32, #tpu.memory_space<vmem>>, vector<64x256xf32>
    tpu.vector_store %arg4[%swap3A_300, %swap3A_301], %convert_element_type3A_299 {strides = array<i32>} : memref<8192x256xf32, #tpu.memory_space<vmem>>, vector<64x256xf32>,
    %slice3A_303 = vector.extract_strided_slice %add3A_217 {offsets = [0, 11], sizes = [64, 1], strides = [1, 1]} : vector<64x128xi32> to vector<64x1xi32>
    %eq3A_304 = vector.broadcast %slice3A_303 : vector<64x1xi32> to vector<64x256xi32>
    %eq3A_305 = arith.cmpi eq, %iota3A, %eq3A_304 : vector<64x256xi32>
    %convert_element_type3A_306 = arith.extui %eq3A_305 : vector<64x256xi1> to vector<64x256xi32>
    %convert_element_type3A_307 = arith.sitofp %convert_element_type3A_306 : vector<64x256xi32> to vector<64x256xf32>
    %swap3A_308 = arith.constant 704 : index
    %swap3A_309 = arith.constant 0 : index
    %swap3A_310 = vector.load %arg4[%swap3A_308, %swap3A_309] : memref<8192x256xf32, #tpu.memory_space<vmem>>, vector<64x256xf32>
    tpu.vector_store %arg4[%swap3A_308, %swap3A_309], %convert_element_type3A_307 {strides = array<i32>} : memref<8192x256xf32, #tpu.memory_space<vmem>>, vector<64x256xf32>,
    %slice3A_311 = vector.extract_strided_slice %add3A_217 {offsets = [0, 12], sizes = [64, 1], strides = [1, 1]} : vector<64x128xi32> to vector<64x1xi32>
    %eq3A_312 = vector.broadcast %slice3A_311 : vector<64x1xi32> to vector<64x256xi32>
    %eq3A_313 = arith.cmpi eq, %iota3A, %eq3A_312 : vector<64x256xi32>
    %convert_element_type3A_314 = arith.extui %eq3A_313 : vector<64x256xi1> to vector<64x256xi32>
    %convert_element_type3A_315 = arith.sitofp %convert_element_type3A_314 : vector<64x256xi32> to vector<64x256xf32>
    %swap3A_316 = arith.constant 768 : index
    %swap3A_317 = arith.constant 0 : index
    %swap3A_318 = vector.load %arg4[%swap3A_316, %swap3A_317] : memref<8192x256xf32, #tpu.memory_space<vmem>>, vector<64x256xf32>
    tpu.vector_store %arg4[%swap3A_316, %swap3A_317], %convert_element_type3A_315 {strides = array<i32>} : memref<8192x256xf32, #tpu.memory_space<vmem>>, vector<64x256xf32>,
    %slice3A_319 = vector.extract_strided_slice %add3A_217 {offsets = [0, 13], sizes = [64, 1], strides = [1, 1]} : vector<64x128xi32> to vector<64x1xi32>
    %eq3A_320 = vector.broadcast %slice3A_319 : vector<64x1xi32> to vector<64x256xi32>
    %eq3A_321 = arith.cmpi eq, %iota3A, %eq3A_320 : vector<64x256xi32>
    %convert_element_type3A_322 = arith.extui %eq3A_321 : vector<64x256xi1> to vector<64x256xi32>
    %convert_element_type3A_323 = arith.sitofp %convert_element_type3A_322 : vector<64x256xi32> to vector<64x256xf32>
    %swap3A_324 = arith.constant 832 : index
    %swap3A_325 = arith.constant 0 : index
    %swap3A_326 = vector.load %arg4[%swap3A_324, %swap3A_325] : memref<8192x256xf32, #tpu.memory_space<vmem>>, vector<64x256xf32>
    tpu.vector_store %arg4[%swap3A_324, %swap3A_325], %convert_element_type3A_323 {strides = array<i32>} : memref<8192x256xf32, #tpu.memory_space<vmem>>, vector<64x256xf32>,
    %slice3A_327 = vector.extract_strided_slice %add3A_217 {offsets = [0, 14], sizes = [64, 1], strides = [1, 1]} : vector<64x128xi32> to vector<64x1xi32>
    %eq3A_328 = vector.broadcast %slice3A_327 : vector<64x1xi32> to vector<64x256xi32>
    %eq3A_329 = arith.cmpi eq, %iota3A, %eq3A_328 : vector<64x256xi32>
    %convert_element_type3A_330 = arith.extui %eq3A_329 : vector<64x256xi1> to vector<64x256xi32>
    %convert_element_type3A_331 = arith.sitofp %convert_element_type3A_330 : vector<64x256xi32> to vector<64x256xf32>
    %swap3A_332 = arith.constant 896 : index
    %swap3A_333 = arith.constant 0 : index
    %swap3A_334 = vector.load %arg4[%swap3A_332, %swap3A_333] : memref<8192x256xf32, #tpu.memory_space<vmem>>, vector<64x256xf32>
    tpu.vector_store %arg4[%swap3A_332, %swap3A_333], %convert_element_type3A_331 {strides = array<i32>} : memref<8192x256xf32, #tpu.memory_space<vmem>>, vector<64x256xf32>,
    %slice3A_335 = vector.extract_strided_slice %add3A_217 {offsets = [0, 15], sizes = [64, 1], strides = [1, 1]} : vector<64x128xi32> to vector<64x1xi32>
    %eq3A_336 = vector.broadcast %slice3A_335 : vector<64x1xi32> to vector<64x256xi32>
    %eq3A_337 = arith.cmpi eq, %iota3A, %eq3A_336 : vector<64x256xi32>
    %convert_element_type3A_338 = arith.extui %eq3A_337 : vector<64x256xi1> to vector<64x256xi32>
    %convert_element_type3A_339 = arith.sitofp %convert_element_type3A_338 : vector<64x256xi32> to vector<64x256xf32>
    %swap3A_340 = arith.constant 960 : index
    %swap3A_341 = arith.constant 0 : index
    %swap3A_342 = vector.load %arg4[%swap3A_340, %swap3A_341] : memref<8192x256xf32, #tpu.memory_space<vmem>>, vector<64x256xf32>
    tpu.vector_store %arg4[%swap3A_340, %swap3A_341], %convert_element_type3A_339 {strides = array<i32>} : memref<8192x256xf32, #tpu.memory_space<vmem>>, vector<64x256xf32>,
    %slice3A_343 = vector.extract_strided_slice %add3A_217 {offsets = [0, 16], sizes = [64, 1], strides = [1, 1]} : vector<64x128xi32> to vector<64x1xi32>
    %eq3A_344 = vector.broadcast %slice3A_343 : vector<64x1xi32> to vector<64x256xi32>
    %eq3A_345 = arith.cmpi eq, %iota3A, %eq3A_344 : vector<64x256xi32>
    %convert_element_type3A_346 = arith.extui %eq3A_345 : vector<64x256xi1> to vector<64x256xi32>
    %convert_element_type3A_347 = arith.sitofp %convert_element_type3A_346 : vector<64x256xi32> to vector<64x256xf32>
    %swap3A_348 = arith.constant 1024 : index
    %swap3A_349 = arith.constant 0 : index
    %swap3A_350 = vector.load %arg4[%swap3A_348, %swap3A_349] : memref<8192x256xf32, #tpu.memory_space<vmem>>, vector<64x256xf32>
    tpu.vector_store %arg4[%swap3A_348, %swap3A_349], %convert_element_type3A_347 {strides = array<i32>} : memref<8192x256xf32, #tpu.memory_space<vmem>>, vector<64x256xf32>,
    %slice3A_351 = vector.extract_strided_slice %add3A_217 {offsets = [0, 17], sizes = [64, 1], strides = [1, 1]} : vector<64x128xi32> to vector<64x1xi32>
    %eq3A_352 = vector.broadcast %slice3A_351 : vector<64x1xi32> to vector<64x256xi32>
    %eq3A_353 = arith.cmpi eq, %iota3A, %eq3A_352 : vector<64x256xi32>
    %convert_element_type3A_354 = arith.extui %eq3A_353 : vector<64x256xi1> to vector<64x256xi32>
    %convert_element_type3A_355 = arith.sitofp %convert_element_type3A_354 : vector<64x256xi32> to vector<64x256xf32>
    %swap3A_356 = arith.constant 1088 : index
    %swap3A_357 = arith.constant 0 : index
    %swap3A_358 = vector.load %arg4[%swap3A_356, %swap3A_357] : memref<8192x256xf32, #tpu.memory_space<vmem>>, vector<64x256xf32>
    tpu.vector_store %arg4[%swap3A_356, %swap3A_357], %convert_element_type3A_355 {strides = array<i32>} : memref<8192x256xf32, #tpu.memory_space<vmem>>, vector<64x256xf32>,
    %slice3A_359 = vector.extract_strided_slice %add3A_217 {offsets = [0, 18], sizes = [64, 1], strides = [1, 1]} : vector<64x128xi32> to vector<64x1xi32>
    %eq3A_360 = vector.broadcast %slice3A_359 : vector<64x1xi32> to vector<64x256xi32>
    %eq3A_361 = arith.cmpi eq, %iota3A, %eq3A_360 : vector<64x256xi32>
    %convert_element_type3A_362 = arith.extui %eq3A_361 : vector<64x256xi1> to vector<64x256xi32>
    %convert_element_type3A_363 = arith.sitofp %convert_element_type3A_362 : vector<64x256xi32> to vector<64x256xf32>
    %swap3A_364 = arith.constant 1152 : index
    %swap3A_365 = arith.constant 0 : index
    %swap3A_366 = vector.load %arg4[%swap3A_364, %swap3A_365] : memref<8192x256xf32, #tpu.memory_space<vmem>>, vector<64x256xf32>
    tpu.vector_store %arg4[%swap3A_364, %swap3A_365], %convert_element_type3A_363 {strides = array<i32>} : memref<8192x256xf32, #tpu.memory_space<vmem>>, vector<64x256xf32>,
    %slice3A_367 = vector.extract_strided_slice %add3A_217 {offsets = [0, 19], sizes = [64, 1], strides = [1, 1]} : vector<64x128xi32> to vector<64x1xi32>
    %eq3A_368 = vector.broadcast %slice3A_367 : vector<64x1xi32> to vector<64x256xi32>
    %eq3A_369 = arith.cmpi eq, %iota3A, %eq3A_368 : vector<64x256xi32>
    %convert_element_type3A_370 = arith.extui %eq3A_369 : vector<64x256xi1> to vector<64x256xi32>
    %convert_element_type3A_371 = arith.sitofp %convert_element_type3A_370 : vector<64x256xi32> to vector<64x256xf32>
    %swap3A_372 = arith.constant 1216 : index
    %swap3A_373 = arith.constant 0 : index
    %swap3A_374 = vector.load %arg4[%swap3A_372, %swap3A_373] : memref<8192x256xf32, #tpu.memory_space<vmem>>, vector<64x256xf32>
    tpu.vector_store %arg4[%swap3A_372, %swap3A_373], %convert_element_type3A_371 {strides = array<i32>} : memref<8192x256xf32, #tpu.memory_space<vmem>>, vector<64x256xf32>,
    %slice3A_375 = vector.extract_strided_slice %add3A_217 {offsets = [0, 20], sizes = [64, 1], strides = [1, 1]} : vector<64x128xi32> to vector<64x1xi32>
    %eq3A_376 = vector.broadcast %slice3A_375 : vector<64x1xi32> to vector<64x256xi32>
    %eq3A_377 = arith.cmpi eq, %iota3A, %eq3A_376 : vector<64x256xi32>
    %convert_element_type3A_378 = arith.extui %eq3A_377 : vector<64x256xi1> to vector<64x256xi32>
    %convert_element_type3A_379 = arith.sitofp %convert_element_type3A_378 : vector<64x256xi32> to vector<64x256xf32>
    %swap3A_380 = arith.constant 1280 : index
    %swap3A_381 = arith.constant 0 : index
    %swap3A_382 = vector.load %arg4[%swap3A_380, %swap3A_381] : memref<8192x256xf32, #tpu.memory_space<vmem>>, vector<64x256xf32>
    tpu.vector_store %arg4[%swap3A_380, %swap3A_381], %convert_element_type3A_379 {strides = array<i32>} : memref<8192x256xf32, #tpu.memory_space<vmem>>, vector<64x256xf32>,
    %slice3A_383 = vector.extract_strided_slice %add3A_217 {offsets = [0, 21], sizes = [64, 1], strides = [1, 1]} : vector<64x128xi32> to vector<64x1xi32>
    %eq3A_384 = vector.broadcast %slice3A_383 : vector<64x1xi32> to vector<64x256xi32>
    %eq3A_385 = arith.cmpi eq, %iota3A, %eq3A_384 : vector<64x256xi32>
    %convert_element_type3A_386 = arith.extui %eq3A_385 : vector<64x256xi1> to vector<64x256xi32>
    %convert_element_type3A_387 = arith.sitofp %convert_element_type3A_386 : vector<64x256xi32> to vector<64x256xf32>
    %swap3A_388 = arith.constant 1344 : index
    %swap3A_389 = arith.constant 0 : index
    %swap3A_390 = vector.load %arg4[%swap3A_388, %swap3A_389] : memref<8192x256xf32, #tpu.memory_space<vmem>>, vector<64x256xf32>
    tpu.vector_store %arg4[%swap3A_388, %swap3A_389], %convert_element_type3A_387 {strides = array<i32>} : memref<8192x256xf32, #tpu.memory_space<vmem>>, vector<64x256xf32>,
    %slice3A_391 = vector.extract_strided_slice %add3A_217 {offsets = [0, 22], sizes = [64, 1], strides = [1, 1]} : vector<64x128xi32> to vector<64x1xi32>
    %eq3A_392 = vector.broadcast %slice3A_391 : vector<64x1xi32> to vector<64x256xi32>
    %eq3A_393 = arith.cmpi eq, %iota3A, %eq3A_392 : vector<64x256xi32>
    %convert_element_type3A_394 = arith.extui %eq3A_393 : vector<64x256xi1> to vector<64x256xi32>
    %convert_element_type3A_395 = arith.sitofp %convert_element_type3A_394 : vector<64x256xi32> to vector<64x256xf32>
    %swap3A_396 = arith.constant 1408 : index
    %swap3A_397 = arith.constant 0 : index
    %swap3A_398 = vector.load %arg4[%swap3A_396, %swap3A_397] : memref<8192x256xf32, #tpu.memory_space<vmem>>, vector<64x256xf32>
    tpu.vector_store %arg4[%swap3A_396, %swap3A_397], %convert_element_type3A_395 {strides = array<i32>} : memref<8192x256xf32, #tpu.memory_space<vmem>>, vector<64x256xf32>,
    %slice3A_399 = vector.extract_strided_slice %add3A_217 {offsets = [0, 23], sizes = [64, 1], strides = [1, 1]} : vector<64x128xi32> to vector<64x1xi32>
    %eq3A_400 = vector.broadcast %slice3A_399 : vector<64x1xi32> to vector<64x256xi32>
    %eq3A_401 = arith.cmpi eq, %iota3A, %eq3A_400 : vector<64x256xi32>
    %convert_element_type3A_402 = arith.extui %eq3A_401 : vector<64x256xi1> to vector<64x256xi32>
    %convert_element_type3A_403 = arith.sitofp %convert_element_type3A_402 : vector<64x256xi32> to vector<64x256xf32>
    %swap3A_404 = arith.constant 1472 : index
    %swap3A_405 = arith.constant 0 : index
    %swap3A_406 = vector.load %arg4[%swap3A_404, %swap3A_405] : memref<8192x256xf32, #tpu.memory_space<vmem>>, vector<64x256xf32>
    tpu.vector_store %arg4[%swap3A_404, %swap3A_405], %convert_element_type3A_403 {strides = array<i32>} : memref<8192x256xf32, #tpu.memory_space<vmem>>, vector<64x256xf32>,
    %slice3A_407 = vector.extract_strided_slice %add3A_217 {offsets = [0, 24], sizes = [64, 1], strides = [1, 1]} : vector<64x128xi32> to vector<64x1xi32>
    %eq3A_408 = vector.broadcast %slice3A_407 : vector<64x1xi32> to vector<64x256xi32>
    %eq3A_409 = arith.cmpi eq, %iota3A, %eq3A_408 : vector<64x256xi32>
    %convert_element_type3A_410 = arith.extui %eq3A_409 : vector<64x256xi1> to vector<64x256xi32>
    %convert_element_type3A_411 = arith.sitofp %convert_element_type3A_410 : vector<64x256xi32> to vector<64x256xf32>
    %swap3A_412 = arith.constant 1536 : index
    %swap3A_413 = arith.constant 0 : index
    %swap3A_414 = vector.load %arg4[%swap3A_412, %swap3A_413] : memref<8192x256xf32, #tpu.memory_space<vmem>>, vector<64x256xf32>
    tpu.vector_store %arg4[%swap3A_412, %swap3A_413], %convert_element_type3A_411 {strides = array<i32>} : memref<8192x256xf32, #tpu.memory_space<vmem>>, vector<64x256xf32>,
    %slice3A_415 = vector.extract_strided_slice %add3A_217 {offsets = [0, 25], sizes = [64, 1], strides = [1, 1]} : vector<64x128xi32> to vector<64x1xi32>
    %eq3A_416 = vector.broadcast %slice3A_415 : vector<64x1xi32> to vector<64x256xi32>
    %eq3A_417 = arith.cmpi eq, %iota3A, %eq3A_416 : vector<64x256xi32>
    %convert_element_type3A_418 = arith.extui %eq3A_417 : vector<64x256xi1> to vector<64x256xi32>
    %convert_element_type3A_419 = arith.sitofp %convert_element_type3A_418 : vector<64x256xi32> to vector<64x256xf32>
    %swap3A_420 = arith.constant 1600 : index
    %swap3A_421 = arith.constant 0 : index
    %swap3A_422 = vector.load %arg4[%swap3A_420, %swap3A_421] : memref<8192x256xf32, #tpu.memory_space<vmem>>, vector<64x256xf32>
    tpu.vector_store %arg4[%swap3A_420, %swap3A_421], %convert_element_type3A_419 {strides = array<i32>} : memref<8192x256xf32, #tpu.memory_space<vmem>>, vector<64x256xf32>,
    %slice3A_423 = vector.extract_strided_slice %add3A_217 {offsets = [0, 26], sizes = [64, 1], strides = [1, 1]} : vector<64x128xi32> to vector<64x1xi32>
    %eq3A_424 = vector.broadcast %slice3A_423 : vector<64x1xi32> to vector<64x256xi32>
    %eq3A_425 = arith.cmpi eq, %iota3A, %eq3A_424 : vector<64x256xi32>
    %convert_element_type3A_426 = arith.extui %eq3A_425 : vector<64x256xi1> to vector<64x256xi32>
    %convert_element_type3A_427 = arith.sitofp %convert_element_type3A_426 : vector<64x256xi32> to vector<64x256xf32>
    %swap3A_428 = arith.constant 1664 : index
    %swap3A_429 = arith.constant 0 : index
    %swap3A_430 = vector.load %arg4[%swap3A_428, %swap3A_429] : memref<8192x256xf32, #tpu.memory_space<vmem>>, vector<64x256xf32>
    tpu.vector_store %arg4[%swap3A_428, %swap3A_429], %convert_element_type3A_427 {strides = array<i32>} : memref<8192x256xf32, #tpu.memory_space<vmem>>, vector<64x256xf32>,
    %slice3A_431 = vector.extract_strided_slice %add3A_217 {offsets = [0, 27], sizes = [64, 1], strides = [1, 1]} : vector<64x128xi32> to vector<64x1xi32>
    %eq3A_432 = vector.broadcast %slice3A_431 : vector<64x1xi32> to vector<64x256xi32>
    %eq3A_433 = arith.cmpi eq, %iota3A, %eq3A_432 : vector<64x256xi32>
    %convert_element_type3A_434 = arith.extui %eq3A_433 : vector<64x256xi1> to vector<64x256xi32>
    %convert_element_type3A_435 = arith.sitofp %convert_element_type3A_434 : vector<64x256xi32> to vector<64x256xf32>
    %swap3A_436 = arith.constant 1728 : index
    %swap3A_437 = arith.constant 0 : index
    %swap3A_438 = vector.load %arg4[%swap3A_436, %swap3A_437] : memref<8192x256xf32, #tpu.memory_space<vmem>>, vector<64x256xf32>
    tpu.vector_store %arg4[%swap3A_436, %swap3A_437], %convert_element_type3A_435 {strides = array<i32>} : memref<8192x256xf32, #tpu.memory_space<vmem>>, vector<64x256xf32>,
    %slice3A_439 = vector.extract_strided_slice %add3A_217 {offsets = [0, 28], sizes = [64, 1], strides = [1, 1]} : vector<64x128xi32> to vector<64x1xi32>
    %eq3A_440 = vector.broadcast %slice3A_439 : vector<64x1xi32> to vector<64x256xi32>
    %eq3A_441 = arith.cmpi eq, %iota3A, %eq3A_440 : vector<64x256xi32>
    %convert_element_type3A_442 = arith.extui %eq3A_441 : vector<64x256xi1> to vector<64x256xi32>
    %convert_element_type3A_443 = arith.sitofp %convert_element_type3A_442 : vector<64x256xi32> to vector<64x256xf32>
    %swap3A_444 = arith.constant 1792 : index
    %swap3A_445 = arith.constant 0 : index
    %swap3A_446 = vector.load %arg4[%swap3A_444, %swap3A_445] : memref<8192x256xf32, #tpu.memory_space<vmem>>, vector<64x256xf32>
    tpu.vector_store %arg4[%swap3A_444, %swap3A_445], %convert_element_type3A_443 {strides = array<i32>} : memref<8192x256xf32, #tpu.memory_space<vmem>>, vector<64x256xf32>,
    %slice3A_447 = vector.extract_strided_slice %add3A_217 {offsets = [0, 29], sizes = [64, 1], strides = [1, 1]} : vector<64x128xi32> to vector<64x1xi32>
    %eq3A_448 = vector.broadcast %slice3A_447 : vector<64x1xi32> to vector<64x256xi32>
    %eq3A_449 = arith.cmpi eq, %iota3A, %eq3A_448 : vector<64x256xi32>
    %convert_element_type3A_450 = arith.extui %eq3A_449 : vector<64x256xi1> to vector<64x256xi32>
    %convert_element_type3A_451 = arith.sitofp %convert_element_type3A_450 : vector<64x256xi32> to vector<64x256xf32>
    %swap3A_452 = arith.constant 1856 : index
    %swap3A_453 = arith.constant 0 : index
    %swap3A_454 = vector.load %arg4[%swap3A_452, %swap3A_453] : memref<8192x256xf32, #tpu.memory_space<vmem>>, vector<64x256xf32>
    tpu.vector_store %arg4[%swap3A_452, %swap3A_453], %convert_element_type3A_451 {strides = array<i32>} : memref<8192x256xf32, #tpu.memory_space<vmem>>, vector<64x256xf32>,
    %slice3A_455 = vector.extract_strided_slice %add3A_217 {offsets = [0, 30], sizes = [64, 1], strides = [1, 1]} : vector<64x128xi32> to vector<64x1xi32>
    %eq3A_456 = vector.broadcast %slice3A_455 : vector<64x1xi32> to vector<64x256xi32>
    %eq3A_457 = arith.cmpi eq, %iota3A, %eq3A_456 : vector<64x256xi32>
    %convert_element_type3A_458 = arith.extui %eq3A_457 : vector<64x256xi1> to vector<64x256xi32>
    %convert_element_type3A_459 = arith.sitofp %convert_element_type3A_458 : vector<64x256xi32> to vector<64x256xf32>
    %swap3A_460 = arith.constant 1920 : index
    %swap3A_461 = arith.constant 0 : index
    %swap3A_462 = vector.load %arg4[%swap3A_460, %swap3A_461] : memref<8192x256xf32, #tpu.memory_space<vmem>>, vector<64x256xf32>
    tpu.vector_store %arg4[%swap3A_460, %swap3A_461], %convert_element_type3A_459 {strides = array<i32>} : memref<8192x256xf32, #tpu.memory_space<vmem>>, vector<64x256xf32>,
    %slice3A_463 = vector.extract_strided_slice %add3A_217 {offsets = [0, 31], sizes = [64, 1], strides = [1, 1]} : vector<64x128xi32> to vector<64x1xi32>
    %eq3A_464 = vector.broadcast %slice3A_463 : vector<64x1xi32> to vector<64x256xi32>
    %eq3A_465 = arith.cmpi eq, %iota3A, %eq3A_464 : vector<64x256xi32>
    %convert_element_type3A_466 = arith.extui %eq3A_465 : vector<64x256xi1> to vector<64x256xi32>
    %convert_element_type3A_467 = arith.sitofp %convert_element_type3A_466 : vector<64x256xi32> to vector<64x256xf32>
    %swap3A_468 = arith.constant 1984 : index
    %swap3A_469 = arith.constant 0 : index
    %swap3A_470 = vector.load %arg4[%swap3A_468, %swap3A_469] : memref<8192x256xf32, #tpu.memory_space<vmem>>, vector<64x256xf32>
    tpu.vector_store %arg4[%swap3A_468, %swap3A_469], %convert_element_type3A_467 {strides = array<i32>} : memref<8192x256xf32, #tpu.memory_space<vmem>>, vector<64x256xf32>,
    %slice3A_471 = vector.extract_strided_slice %add3A_217 {offsets = [0, 32], sizes = [64, 1], strides = [1, 1]} : vector<64x128xi32> to vector<64x1xi32>
    %eq3A_472 = vector.broadcast %slice3A_471 : vector<64x1xi32> to vector<64x256xi32>
    %eq3A_473 = arith.cmpi eq, %iota3A, %eq3A_472 : vector<64x256xi32>
    %convert_element_type3A_474 = arith.extui %eq3A_473 : vector<64x256xi1> to vector<64x256xi32>
    %convert_element_type3A_475 = arith.sitofp %convert_element_type3A_474 : vector<64x256xi32> to vector<64x256xf32>
    %swap3A_476 = arith.constant 2048 : index
    %swap3A_477 = arith.constant 0 : index
    %swap3A_478 = vector.load %arg4[%swap3A_476, %swap3A_477] : memref<8192x256xf32, #tpu.memory_space<vmem>>, vector<64x256xf32>
    tpu.vector_store %arg4[%swap3A_476, %swap3A_477], %convert_element_type3A_475 {strides = array<i32>} : memref<8192x256xf32, #tpu.memory_space<vmem>>, vector<64x256xf32>,
    %slice3A_479 = vector.extract_strided_slice %add3A_217 {offsets = [0, 33], sizes = [64, 1], strides = [1, 1]} : vector<64x128xi32> to vector<64x1xi32>
    %eq3A_480 = vector.broadcast %slice3A_479 : vector<64x1xi32> to vector<64x256xi32>
    %eq3A_481 = arith.cmpi eq, %iota3A, %eq3A_480 : vector<64x256xi32>
    %convert_element_type3A_482 = arith.extui %eq3A_481 : vector<64x256xi1> to vector<64x256xi32>
    %convert_element_type3A_483 = arith.sitofp %convert_element_type3A_482 : vector<64x256xi32> to vector<64x256xf32>
    %swap3A_484 = arith.constant 2112 : index
    %swap3A_485 = arith.constant 0 : index
    %swap3A_486 = vector.load %arg4[%swap3A_484, %swap3A_485] : memref<8192x256xf32, #tpu.memory_space<vmem>>, vector<64x256xf32>
    tpu.vector_store %arg4[%swap3A_484, %swap3A_485], %convert_element_type3A_483 {strides = array<i32>} : memref<8192x256xf32, #tpu.memory_space<vmem>>, vector<64x256xf32>,
    %slice3A_487 = vector.extract_strided_slice %add3A_217 {offsets = [0, 34], sizes = [64, 1], strides = [1, 1]} : vector<64x128xi32> to vector<64x1xi32>
    %eq3A_488 = vector.broadcast %slice3A_487 : vector<64x1xi32> to vector<64x256xi32>
    %eq3A_489 = arith.cmpi eq, %iota3A, %eq3A_488 : vector<64x256xi32>
    %convert_element_type3A_490 = arith.extui %eq3A_489 : vector<64x256xi1> to vector<64x256xi32>
    %convert_element_type3A_491 = arith.sitofp %convert_element_type3A_490 : vector<64x256xi32> to vector<64x256xf32>
    %swap3A_492 = arith.constant 2176 : index
    %swap3A_493 = arith.constant 0 : index
    %swap3A_494 = vector.load %arg4[%swap3A_492, %swap3A_493] : memref<8192x256xf32, #tpu.memory_space<vmem>>, vector<64x256xf32>
    tpu.vector_store %arg4[%swap3A_492, %swap3A_493], %convert_element_type3A_491 {strides = array<i32>} : memref<8192x256xf32, #tpu.memory_space<vmem>>, vector<64x256xf32>,
    %slice3A_495 = vector.extract_strided_slice %add3A_217 {offsets = [0, 35], sizes = [64, 1], strides = [1, 1]} : vector<64x128xi32> to vector<64x1xi32>
    %eq3A_496 = vector.broadcast %slice3A_495 : vector<64x1xi32> to vector<64x256xi32>
    %eq3A_497 = arith.cmpi eq, %iota3A, %eq3A_496 : vector<64x256xi32>
    %convert_element_type3A_498 = arith.extui %eq3A_497 : vector<64x256xi1> to vector<64x256xi32>
    %convert_element_type3A_499 = arith.sitofp %convert_element_type3A_498 : vector<64x256xi32> to vector<64x256xf32>
    %swap3A_500 = arith.constant 2240 : index
    %swap3A_501 = arith.constant 0 : index
    %swap3A_502 = vector.load %arg4[%swap3A_500, %swap3A_501] : memref<8192x256xf32, #tpu.memory_space<vmem>>, vector<64x256xf32>
    tpu.vector_store %arg4[%swap3A_500, %swap3A_501], %convert_element_type3A_499 {strides = array<i32>} : memref<8192x256xf32, #tpu.memory_space<vmem>>, vector<64x256xf32>,
    %slice3A_503 = vector.extract_strided_slice %add3A_217 {offsets = [0, 36], sizes = [64, 1], strides = [1, 1]} : vector<64x128xi32> to vector<64x1xi32>
    %eq3A_504 = vector.broadcast %slice3A_503 : vector<64x1xi32> to vector<64x256xi32>
    %eq3A_505 = arith.cmpi eq, %iota3A, %eq3A_504 : vector<64x256xi32>
    %convert_element_type3A_506 = arith.extui %eq3A_505 : vector<64x256xi1> to vector<64x256xi32>
    %convert_element_type3A_507 = arith.sitofp %convert_element_type3A_506 : vector<64x256xi32> to vector<64x256xf32>
    %swap3A_508 = arith.constant 2304 : index
    %swap3A_509 = arith.constant 0 : index
    %swap3A_510 = vector.load %arg4[%swap3A_508, %swap3A_509] : memref<8192x256xf32, #tpu.memory_space<vmem>>, vector<64x256xf32>
    tpu.vector_store %arg4[%swap3A_508, %swap3A_509], %convert_element_type3A_507 {strides = array<i32>} : memref<8192x256xf32, #tpu.memory_space<vmem>>, vector<64x256xf32>,
    %slice3A_511 = vector.extract_strided_slice %add3A_217 {offsets = [0, 37], sizes = [64, 1], strides = [1, 1]} : vector<64x128xi32> to vector<64x1xi32>
    %eq3A_512 = vector.broadcast %slice3A_511 : vector<64x1xi32> to vector<64x256xi32>
    %eq3A_513 = arith.cmpi eq, %iota3A, %eq3A_512 : vector<64x256xi32>
    %convert_element_type3A_514 = arith.extui %eq3A_513 : vector<64x256xi1> to vector<64x256xi32>
    %convert_element_type3A_515 = arith.sitofp %convert_element_type3A_514 : vector<64x256xi32> to vector<64x256xf32>
    %swap3A_516 = arith.constant 2368 : index
    %swap3A_517 = arith.constant 0 : index
    %swap3A_518 = vector.load %arg4[%swap3A_516, %swap3A_517] : memref<8192x256xf32, #tpu.memory_space<vmem>>, vector<64x256xf32>
    tpu.vector_store %arg4[%swap3A_516, %swap3A_517], %convert_element_type3A_515 {strides = array<i32>} : memref<8192x256xf32, #tpu.memory_space<vmem>>, vector<64x256xf32>,
    %slice3A_519 = vector.extract_strided_slice %add3A_217 {offsets = [0, 38], sizes = [64, 1], strides = [1, 1]} : vector<64x128xi32> to vector<64x1xi32>
    %eq3A_520 = vector.broadcast %slice3A_519 : vector<64x1xi32> to vector<64x256xi32>
    %eq3A_521 = arith.cmpi eq, %iota3A, %eq3A_520 : vector<64x256xi32>
    %convert_element_type3A_522 = arith.extui %eq3A_521 : vector<64x256xi1> to vector<64x256xi32>
    %convert_element_type3A_523 = arith.sitofp %convert_element_type3A_522 : vector<64x256xi32> to vector<64x256xf32>
    %swap3A_524 = arith.constant 2432 : index
    %swap3A_525 = arith.constant 0 : index
    %swap3A_526 = vector.load %arg4[%swap3A_524, %swap3A_525] : memref<8192x256xf32, #tpu.memory_space<vmem>>, vector<64x256xf32>
    tpu.vector_store %arg4[%swap3A_524, %swap3A_525], %convert_element_type3A_523 {strides = array<i32>} : memref<8192x256xf32, #tpu.memory_space<vmem>>, vector<64x256xf32>,
    %slice3A_527 = vector.extract_strided_slice %add3A_217 {offsets = [0, 39], sizes = [64, 1], strides = [1, 1]} : vector<64x128xi32> to vector<64x1xi32>
    %eq3A_528 = vector.broadcast %slice3A_527 : vector<64x1xi32> to vector<64x256xi32>
    %eq3A_529 = arith.cmpi eq, %iota3A, %eq3A_528 : vector<64x256xi32>
    %convert_element_type3A_530 = arith.extui %eq3A_529 : vector<64x256xi1> to vector<64x256xi32>
    %convert_element_type3A_531 = arith.sitofp %convert_element_type3A_530 : vector<64x256xi32> to vector<64x256xf32>
    %swap3A_532 = arith.constant 2496 : index
    %swap3A_533 = arith.constant 0 : index
    %swap3A_534 = vector.load %arg4[%swap3A_532, %swap3A_533] : memref<8192x256xf32, #tpu.memory_space<vmem>>, vector<64x256xf32>
    tpu.vector_store %arg4[%swap3A_532, %swap3A_533], %convert_element_type3A_531 {strides = array<i32>} : memref<8192x256xf32, #tpu.memory_space<vmem>>, vector<64x256xf32>,
    %slice3A_535 = vector.extract_strided_slice %add3A_217 {offsets = [0, 40], sizes = [64, 1], strides = [1, 1]} : vector<64x128xi32> to vector<64x1xi32>
    %eq3A_536 = vector.broadcast %slice3A_535 : vector<64x1xi32> to vector<64x256xi32>
    %eq3A_537 = arith.cmpi eq, %iota3A, %eq3A_536 : vector<64x256xi32>
    %convert_element_type3A_538 = arith.extui %eq3A_537 : vector<64x256xi1> to vector<64x256xi32>
    %convert_element_type3A_539 = arith.sitofp %convert_element_type3A_538 : vector<64x256xi32> to vector<64x256xf32>
    %swap3A_540 = arith.constant 2560 : index
    %swap3A_541 = arith.constant 0 : index
    %swap3A_542 = vector.load %arg4[%swap3A_540, %swap3A_541] : memref<8192x256xf32, #tpu.memory_space<vmem>>, vector<64x256xf32>
    tpu.vector_store %arg4[%swap3A_540, %swap3A_541], %convert_element_type3A_539 {strides = array<i32>} : memref<8192x256xf32, #tpu.memory_space<vmem>>, vector<64x256xf32>,
    %slice3A_543 = vector.extract_strided_slice %add3A_217 {offsets = [0, 41], sizes = [64, 1], strides = [1, 1]} : vector<64x128xi32> to vector<64x1xi32>
    %eq3A_544 = vector.broadcast %slice3A_543 : vector<64x1xi32> to vector<64x256xi32>
    %eq3A_545 = arith.cmpi eq, %iota3A, %eq3A_544 : vector<64x256xi32>
    %convert_element_type3A_546 = arith.extui %eq3A_545 : vector<64x256xi1> to vector<64x256xi32>
    %convert_element_type3A_547 = arith.sitofp %convert_element_type3A_546 : vector<64x256xi32> to vector<64x256xf32>
    %swap3A_548 = arith.constant 2624 : index
    %swap3A_549 = arith.constant 0 : index
    %swap3A_550 = vector.load %arg4[%swap3A_548, %swap3A_549] : memref<8192x256xf32, #tpu.memory_space<vmem>>, vector<64x256xf32>
    tpu.vector_store %arg4[%swap3A_548, %swap3A_549], %convert_element_type3A_547 {strides = array<i32>} : memref<8192x256xf32, #tpu.memory_space<vmem>>, vector<64x256xf32>,
    %slice3A_551 = vector.extract_strided_slice %add3A_217 {offsets = [0, 42], sizes = [64, 1], strides = [1, 1]} : vector<64x128xi32> to vector<64x1xi32>
    %eq3A_552 = vector.broadcast %slice3A_551 : vector<64x1xi32> to vector<64x256xi32>
    %eq3A_553 = arith.cmpi eq, %iota3A, %eq3A_552 : vector<64x256xi32>
    %convert_element_type3A_554 = arith.extui %eq3A_553 : vector<64x256xi1> to vector<64x256xi32>
    %convert_element_type3A_555 = arith.sitofp %convert_element_type3A_554 : vector<64x256xi32> to vector<64x256xf32>
    %swap3A_556 = arith.constant 2688 : index
    %swap3A_557 = arith.constant 0 : index
    %swap3A_558 = vector.load %arg4[%swap3A_556, %swap3A_557] : memref<8192x256xf32, #tpu.memory_space<vmem>>, vector<64x256xf32>
    tpu.vector_store %arg4[%swap3A_556, %swap3A_557], %convert_element_type3A_555 {strides = array<i32>} : memref<8192x256xf32, #tpu.memory_space<vmem>>, vector<64x256xf32>,
    %slice3A_559 = vector.extract_strided_slice %add3A_217 {offsets = [0, 43], sizes = [64, 1], strides = [1, 1]} : vector<64x128xi32> to vector<64x1xi32>
    %eq3A_560 = vector.broadcast %slice3A_559 : vector<64x1xi32> to vector<64x256xi32>
    %eq3A_561 = arith.cmpi eq, %iota3A, %eq3A_560 : vector<64x256xi32>
    %convert_element_type3A_562 = arith.extui %eq3A_561 : vector<64x256xi1> to vector<64x256xi32>
    %convert_element_type3A_563 = arith.sitofp %convert_element_type3A_562 : vector<64x256xi32> to vector<64x256xf32>
    %swap3A_564 = arith.constant 2752 : index
    %swap3A_565 = arith.constant 0 : index
    %swap3A_566 = vector.load %arg4[%swap3A_564, %swap3A_565] : memref<8192x256xf32, #tpu.memory_space<vmem>>, vector<64x256xf32>
    tpu.vector_store %arg4[%swap3A_564, %swap3A_565], %convert_element_type3A_563 {strides = array<i32>} : memref<8192x256xf32, #tpu.memory_space<vmem>>, vector<64x256xf32>,
    %slice3A_567 = vector.extract_strided_slice %add3A_217 {offsets = [0, 44], sizes = [64, 1], strides = [1, 1]} : vector<64x128xi32> to vector<64x1xi32>
    %eq3A_568 = vector.broadcast %slice3A_567 : vector<64x1xi32> to vector<64x256xi32>
    %eq3A_569 = arith.cmpi eq, %iota3A, %eq3A_568 : vector<64x256xi32>
    %convert_element_type3A_570 = arith.extui %eq3A_569 : vector<64x256xi1> to vector<64x256xi32>
    %convert_element_type3A_571 = arith.sitofp %convert_element_type3A_570 : vector<64x256xi32> to vector<64x256xf32>
    %swap3A_572 = arith.constant 2816 : index
    %swap3A_573 = arith.constant 0 : index
    %swap3A_574 = vector.load %arg4[%swap3A_572, %swap3A_573] : memref<8192x256xf32, #tpu.memory_space<vmem>>, vector<64x256xf32>
    tpu.vector_store %arg4[%swap3A_572, %swap3A_573], %convert_element_type3A_571 {strides = array<i32>} : memref<8192x256xf32, #tpu.memory_space<vmem>>, vector<64x256xf32>,
    %slice3A_575 = vector.extract_strided_slice %add3A_217 {offsets = [0, 45], sizes = [64, 1], strides = [1, 1]} : vector<64x128xi32> to vector<64x1xi32>
    %eq3A_576 = vector.broadcast %slice3A_575 : vector<64x1xi32> to vector<64x256xi32>
    %eq3A_577 = arith.cmpi eq, %iota3A, %eq3A_576 : vector<64x256xi32>
    %convert_element_type3A_578 = arith.extui %eq3A_577 : vector<64x256xi1> to vector<64x256xi32>
    %convert_element_type3A_579 = arith.sitofp %convert_element_type3A_578 : vector<64x256xi32> to vector<64x256xf32>
    %swap3A_580 = arith.constant 2880 : index
    %swap3A_581 = arith.constant 0 : index
    %swap3A_582 = vector.load %arg4[%swap3A_580, %swap3A_581] : memref<8192x256xf32, #tpu.memory_space<vmem>>, vector<64x256xf32>
    tpu.vector_store %arg4[%swap3A_580, %swap3A_581], %convert_element_type3A_579 {strides = array<i32>} : memref<8192x256xf32, #tpu.memory_space<vmem>>, vector<64x256xf32>,
    %slice3A_583 = vector.extract_strided_slice %add3A_217 {offsets = [0, 46], sizes = [64, 1], strides = [1, 1]} : vector<64x128xi32> to vector<64x1xi32>
    %eq3A_584 = vector.broadcast %slice3A_583 : vector<64x1xi32> to vector<64x256xi32>
    %eq3A_585 = arith.cmpi eq, %iota3A, %eq3A_584 : vector<64x256xi32>
    %convert_element_type3A_586 = arith.extui %eq3A_585 : vector<64x256xi1> to vector<64x256xi32>
    %convert_element_type3A_587 = arith.sitofp %convert_element_type3A_586 : vector<64x256xi32> to vector<64x256xf32>
    %swap3A_588 = arith.constant 2944 : index
    %swap3A_589 = arith.constant 0 : index
    %swap3A_590 = vector.load %arg4[%swap3A_588, %swap3A_589] : memref<8192x256xf32, #tpu.memory_space<vmem>>, vector<64x256xf32>
    tpu.vector_store %arg4[%swap3A_588, %swap3A_589], %convert_element_type3A_587 {strides = array<i32>} : memref<8192x256xf32, #tpu.memory_space<vmem>>, vector<64x256xf32>,
    %slice3A_591 = vector.extract_strided_slice %add3A_217 {offsets = [0, 47], sizes = [64, 1], strides = [1, 1]} : vector<64x128xi32> to vector<64x1xi32>
    %eq3A_592 = vector.broadcast %slice3A_591 : vector<64x1xi32> to vector<64x256xi32>
    %eq3A_593 = arith.cmpi eq, %iota3A, %eq3A_592 : vector<64x256xi32>
    %convert_element_type3A_594 = arith.extui %eq3A_593 : vector<64x256xi1> to vector<64x256xi32>
    %convert_element_type3A_595 = arith.sitofp %convert_element_type3A_594 : vector<64x256xi32> to vector<64x256xf32>
    %swap3A_596 = arith.constant 3008 : index
    %swap3A_597 = arith.constant 0 : index
    %swap3A_598 = vector.load %arg4[%swap3A_596, %swap3A_597] : memref<8192x256xf32, #tpu.memory_space<vmem>>, vector<64x256xf32>
    tpu.vector_store %arg4[%swap3A_596, %swap3A_597], %convert_element_type3A_595 {strides = array<i32>} : memref<8192x256xf32, #tpu.memory_space<vmem>>, vector<64x256xf32>,
    %slice3A_599 = vector.extract_strided_slice %add3A_217 {offsets = [0, 48], sizes = [64, 1], strides = [1, 1]} : vector<64x128xi32> to vector<64x1xi32>
    %eq3A_600 = vector.broadcast %slice3A_599 : vector<64x1xi32> to vector<64x256xi32>
    %eq3A_601 = arith.cmpi eq, %iota3A, %eq3A_600 : vector<64x256xi32>
    %convert_element_type3A_602 = arith.extui %eq3A_601 : vector<64x256xi1> to vector<64x256xi32>
    %convert_element_type3A_603 = arith.sitofp %convert_element_type3A_602 : vector<64x256xi32> to vector<64x256xf32>
    %swap3A_604 = arith.constant 3072 : index
    %swap3A_605 = arith.constant 0 : index
    %swap3A_606 = vector.load %arg4[%swap3A_604, %swap3A_605] : memref<8192x256xf32, #tpu.memory_space<vmem>>, vector<64x256xf32>
    tpu.vector_store %arg4[%swap3A_604, %swap3A_605], %convert_element_type3A_603 {strides = array<i32>} : memref<8192x256xf32, #tpu.memory_space<vmem>>, vector<64x256xf32>,
    %slice3A_607 = vector.extract_strided_slice %add3A_217 {offsets = [0, 49], sizes = [64, 1], strides = [1, 1]} : vector<64x128xi32> to vector<64x1xi32>
    %eq3A_608 = vector.broadcast %slice3A_607 : vector<64x1xi32> to vector<64x256xi32>
    %eq3A_609 = arith.cmpi eq, %iota3A, %eq3A_608 : vector<64x256xi32>
    %convert_element_type3A_610 = arith.extui %eq3A_609 : vector<64x256xi1> to vector<64x256xi32>
    %convert_element_type3A_611 = arith.sitofp %convert_element_type3A_610 : vector<64x256xi32> to vector<64x256xf32>
    %swap3A_612 = arith.constant 3136 : index
    %swap3A_613 = arith.constant 0 : index
    %swap3A_614 = vector.load %arg4[%swap3A_612, %swap3A_613] : memref<8192x256xf32, #tpu.memory_space<vmem>>, vector<64x256xf32>
    tpu.vector_store %arg4[%swap3A_612, %swap3A_613], %convert_element_type3A_611 {strides = array<i32>} : memref<8192x256xf32, #tpu.memory_space<vmem>>, vector<64x256xf32>,
    %slice3A_615 = vector.extract_strided_slice %add3A_217 {offsets = [0, 50], sizes = [64, 1], strides = [1, 1]} : vector<64x128xi32> to vector<64x1xi32>
    %eq3A_616 = vector.broadcast %slice3A_615 : vector<64x1xi32> to vector<64x256xi32>
    %eq3A_617 = arith.cmpi eq, %iota3A, %eq3A_616 : vector<64x256xi32>
    %convert_element_type3A_618 = arith.extui %eq3A_617 : vector<64x256xi1> to vector<64x256xi32>
    %convert_element_type3A_619 = arith.sitofp %convert_element_type3A_618 : vector<64x256xi32> to vector<64x256xf32>
    %swap3A_620 = arith.constant 3200 : index
    %swap3A_621 = arith.constant 0 : index
    %swap3A_622 = vector.load %arg4[%swap3A_620, %swap3A_621] : memref<8192x256xf32, #tpu.memory_space<vmem>>, vector<64x256xf32>
    tpu.vector_store %arg4[%swap3A_620, %swap3A_621], %convert_element_type3A_619 {strides = array<i32>} : memref<8192x256xf32, #tpu.memory_space<vmem>>, vector<64x256xf32>,
    %slice3A_623 = vector.extract_strided_slice %add3A_217 {offsets = [0, 51], sizes = [64, 1], strides = [1, 1]} : vector<64x128xi32> to vector<64x1xi32>
    %eq3A_624 = vector.broadcast %slice3A_623 : vector<64x1xi32> to vector<64x256xi32>
    %eq3A_625 = arith.cmpi eq, %iota3A, %eq3A_624 : vector<64x256xi32>
    %convert_element_type3A_626 = arith.extui %eq3A_625 : vector<64x256xi1> to vector<64x256xi32>
    %convert_element_type3A_627 = arith.sitofp %convert_element_type3A_626 : vector<64x256xi32> to vector<64x256xf32>
    %swap3A_628 = arith.constant 3264 : index
    %swap3A_629 = arith.constant 0 : index
    %swap3A_630 = vector.load %arg4[%swap3A_628, %swap3A_629] : memref<8192x256xf32, #tpu.memory_space<vmem>>, vector<64x256xf32>
    tpu.vector_store %arg4[%swap3A_628, %swap3A_629], %convert_element_type3A_627 {strides = array<i32>} : memref<8192x256xf32, #tpu.memory_space<vmem>>, vector<64x256xf32>,
    %slice3A_631 = vector.extract_strided_slice %add3A_217 {offsets = [0, 52], sizes = [64, 1], strides = [1, 1]} : vector<64x128xi32> to vector<64x1xi32>
    %eq3A_632 = vector.broadcast %slice3A_631 : vector<64x1xi32> to vector<64x256xi32>
    %eq3A_633 = arith.cmpi eq, %iota3A, %eq3A_632 : vector<64x256xi32>
    %convert_element_type3A_634 = arith.extui %eq3A_633 : vector<64x256xi1> to vector<64x256xi32>
    %convert_element_type3A_635 = arith.sitofp %convert_element_type3A_634 : vector<64x256xi32> to vector<64x256xf32>
    %swap3A_636 = arith.constant 3328 : index
    %swap3A_637 = arith.constant 0 : index
    %swap3A_638 = vector.load %arg4[%swap3A_636, %swap3A_637] : memref<8192x256xf32, #tpu.memory_space<vmem>>, vector<64x256xf32>
    tpu.vector_store %arg4[%swap3A_636, %swap3A_637], %convert_element_type3A_635 {strides = array<i32>} : memref<8192x256xf32, #tpu.memory_space<vmem>>, vector<64x256xf32>,
    %slice3A_639 = vector.extract_strided_slice %add3A_217 {offsets = [0, 53], sizes = [64, 1], strides = [1, 1]} : vector<64x128xi32> to vector<64x1xi32>
    %eq3A_640 = vector.broadcast %slice3A_639 : vector<64x1xi32> to vector<64x256xi32>
    %eq3A_641 = arith.cmpi eq, %iota3A, %eq3A_640 : vector<64x256xi32>
    %convert_element_type3A_642 = arith.extui %eq3A_641 : vector<64x256xi1> to vector<64x256xi32>
    %convert_element_type3A_643 = arith.sitofp %convert_element_type3A_642 : vector<64x256xi32> to vector<64x256xf32>
    %swap3A_644 = arith.constant 3392 : index
    %swap3A_645 = arith.constant 0 : index
    %swap3A_646 = vector.load %arg4[%swap3A_644, %swap3A_645] : memref<8192x256xf32, #tpu.memory_space<vmem>>, vector<64x256xf32>
    tpu.vector_store %arg4[%swap3A_644, %swap3A_645], %convert_element_type3A_643 {strides = array<i32>} : memref<8192x256xf32, #tpu.memory_space<vmem>>, vector<64x256xf32>,
    %slice3A_647 = vector.extract_strided_slice %add3A_217 {offsets = [0, 54], sizes = [64, 1], strides = [1, 1]} : vector<64x128xi32> to vector<64x1xi32>
    %eq3A_648 = vector.broadcast %slice3A_647 : vector<64x1xi32> to vector<64x256xi32>
    %eq3A_649 = arith.cmpi eq, %iota3A, %eq3A_648 : vector<64x256xi32>
    %convert_element_type3A_650 = arith.extui %eq3A_649 : vector<64x256xi1> to vector<64x256xi32>
    %convert_element_type3A_651 = arith.sitofp %convert_element_type3A_650 : vector<64x256xi32> to vector<64x256xf32>
    %swap3A_652 = arith.constant 3456 : index
    %swap3A_653 = arith.constant 0 : index
    %swap3A_654 = vector.load %arg4[%swap3A_652, %swap3A_653] : memref<8192x256xf32, #tpu.memory_space<vmem>>, vector<64x256xf32>
    tpu.vector_store %arg4[%swap3A_652, %swap3A_653], %convert_element_type3A_651 {strides = array<i32>} : memref<8192x256xf32, #tpu.memory_space<vmem>>, vector<64x256xf32>,
    %slice3A_655 = vector.extract_strided_slice %add3A_217 {offsets = [0, 55], sizes = [64, 1], strides = [1, 1]} : vector<64x128xi32> to vector<64x1xi32>
    %eq3A_656 = vector.broadcast %slice3A_655 : vector<64x1xi32> to vector<64x256xi32>
    %eq3A_657 = arith.cmpi eq, %iota3A, %eq3A_656 : vector<64x256xi32>
    %convert_element_type3A_658 = arith.extui %eq3A_657 : vector<64x256xi1> to vector<64x256xi32>
    %convert_element_type3A_659 = arith.sitofp %convert_element_type3A_658 : vector<64x256xi32> to vector<64x256xf32>
    %swap3A_660 = arith.constant 3520 : index
    %swap3A_661 = arith.constant 0 : index
    %swap3A_662 = vector.load %arg4[%swap3A_660, %swap3A_661] : memref<8192x256xf32, #tpu.memory_space<vmem>>, vector<64x256xf32>
    tpu.vector_store %arg4[%swap3A_660, %swap3A_661], %convert_element_type3A_659 {strides = array<i32>} : memref<8192x256xf32, #tpu.memory_space<vmem>>, vector<64x256xf32>,
    %slice3A_663 = vector.extract_strided_slice %add3A_217 {offsets = [0, 56], sizes = [64, 1], strides = [1, 1]} : vector<64x128xi32> to vector<64x1xi32>
    %eq3A_664 = vector.broadcast %slice3A_663 : vector<64x1xi32> to vector<64x256xi32>
    %eq3A_665 = arith.cmpi eq, %iota3A, %eq3A_664 : vector<64x256xi32>
    %convert_element_type3A_666 = arith.extui %eq3A_665 : vector<64x256xi1> to vector<64x256xi32>
    %convert_element_type3A_667 = arith.sitofp %convert_element_type3A_666 : vector<64x256xi32> to vector<64x256xf32>
    %swap3A_668 = arith.constant 3584 : index
    %swap3A_669 = arith.constant 0 : index
    %swap3A_670 = vector.load %arg4[%swap3A_668, %swap3A_669] : memref<8192x256xf32, #tpu.memory_space<vmem>>, vector<64x256xf32>
    tpu.vector_store %arg4[%swap3A_668, %swap3A_669], %convert_element_type3A_667 {strides = array<i32>} : memref<8192x256xf32, #tpu.memory_space<vmem>>, vector<64x256xf32>,
    %slice3A_671 = vector.extract_strided_slice %add3A_217 {offsets = [0, 57], sizes = [64, 1], strides = [1, 1]} : vector<64x128xi32> to vector<64x1xi32>
    %eq3A_672 = vector.broadcast %slice3A_671 : vector<64x1xi32> to vector<64x256xi32>
    %eq3A_673 = arith.cmpi eq, %iota3A, %eq3A_672 : vector<64x256xi32>
    %convert_element_type3A_674 = arith.extui %eq3A_673 : vector<64x256xi1> to vector<64x256xi32>
    %convert_element_type3A_675 = arith.sitofp %convert_element_type3A_674 : vector<64x256xi32> to vector<64x256xf32>
    %swap3A_676 = arith.constant 3648 : index
    %swap3A_677 = arith.constant 0 : index
    %swap3A_678 = vector.load %arg4[%swap3A_676, %swap3A_677] : memref<8192x256xf32, #tpu.memory_space<vmem>>, vector<64x256xf32>
    tpu.vector_store %arg4[%swap3A_676, %swap3A_677], %convert_element_type3A_675 {strides = array<i32>} : memref<8192x256xf32, #tpu.memory_space<vmem>>, vector<64x256xf32>,
    %slice3A_679 = vector.extract_strided_slice %add3A_217 {offsets = [0, 58], sizes = [64, 1], strides = [1, 1]} : vector<64x128xi32> to vector<64x1xi32>
    %eq3A_680 = vector.broadcast %slice3A_679 : vector<64x1xi32> to vector<64x256xi32>
    %eq3A_681 = arith.cmpi eq, %iota3A, %eq3A_680 : vector<64x256xi32>
    %convert_element_type3A_682 = arith.extui %eq3A_681 : vector<64x256xi1> to vector<64x256xi32>
    %convert_element_type3A_683 = arith.sitofp %convert_element_type3A_682 : vector<64x256xi32> to vector<64x256xf32>
    %swap3A_684 = arith.constant 3712 : index
    %swap3A_685 = arith.constant 0 : index
    %swap3A_686 = vector.load %arg4[%swap3A_684, %swap3A_685] : memref<8192x256xf32, #tpu.memory_space<vmem>>, vector<64x256xf32>
    tpu.vector_store %arg4[%swap3A_684, %swap3A_685], %convert_element_type3A_683 {strides = array<i32>} : memref<8192x256xf32, #tpu.memory_space<vmem>>, vector<64x256xf32>,
    %slice3A_687 = vector.extract_strided_slice %add3A_217 {offsets = [0, 59], sizes = [64, 1], strides = [1, 1]} : vector<64x128xi32> to vector<64x1xi32>
    %eq3A_688 = vector.broadcast %slice3A_687 : vector<64x1xi32> to vector<64x256xi32>
    %eq3A_689 = arith.cmpi eq, %iota3A, %eq3A_688 : vector<64x256xi32>
    %convert_element_type3A_690 = arith.extui %eq3A_689 : vector<64x256xi1> to vector<64x256xi32>
    %convert_element_type3A_691 = arith.sitofp %convert_element_type3A_690 : vector<64x256xi32> to vector<64x256xf32>
    %swap3A_692 = arith.constant 3776 : index
    %swap3A_693 = arith.constant 0 : index
    %swap3A_694 = vector.load %arg4[%swap3A_692, %swap3A_693] : memref<8192x256xf32, #tpu.memory_space<vmem>>, vector<64x256xf32>
    tpu.vector_store %arg4[%swap3A_692, %swap3A_693], %convert_element_type3A_691 {strides = array<i32>} : memref<8192x256xf32, #tpu.memory_space<vmem>>, vector<64x256xf32>,
    %slice3A_695 = vector.extract_strided_slice %add3A_217 {offsets = [0, 60], sizes = [64, 1], strides = [1, 1]} : vector<64x128xi32> to vector<64x1xi32>
    %eq3A_696 = vector.broadcast %slice3A_695 : vector<64x1xi32> to vector<64x256xi32>
    %eq3A_697 = arith.cmpi eq, %iota3A, %eq3A_696 : vector<64x256xi32>
    %convert_element_type3A_698 = arith.extui %eq3A_697 : vector<64x256xi1> to vector<64x256xi32>
    %convert_element_type3A_699 = arith.sitofp %convert_element_type3A_698 : vector<64x256xi32> to vector<64x256xf32>
    %swap3A_700 = arith.constant 3840 : index
    %swap3A_701 = arith.constant 0 : index
    %swap3A_702 = vector.load %arg4[%swap3A_700, %swap3A_701] : memref<8192x256xf32, #tpu.memory_space<vmem>>, vector<64x256xf32>
    tpu.vector_store %arg4[%swap3A_700, %swap3A_701], %convert_element_type3A_699 {strides = array<i32>} : memref<8192x256xf32, #tpu.memory_space<vmem>>, vector<64x256xf32>,
    %slice3A_703 = vector.extract_strided_slice %add3A_217 {offsets = [0, 61], sizes = [64, 1], strides = [1, 1]} : vector<64x128xi32> to vector<64x1xi32>
    %eq3A_704 = vector.broadcast %slice3A_703 : vector<64x1xi32> to vector<64x256xi32>
    %eq3A_705 = arith.cmpi eq, %iota3A, %eq3A_704 : vector<64x256xi32>
    %convert_element_type3A_706 = arith.extui %eq3A_705 : vector<64x256xi1> to vector<64x256xi32>
    %convert_element_type3A_707 = arith.sitofp %convert_element_type3A_706 : vector<64x256xi32> to vector<64x256xf32>
    %swap3A_708 = arith.constant 3904 : index
    %swap3A_709 = arith.constant 0 : index
    %swap3A_710 = vector.load %arg4[%swap3A_708, %swap3A_709] : memref<8192x256xf32, #tpu.memory_space<vmem>>, vector<64x256xf32>
    tpu.vector_store %arg4[%swap3A_708, %swap3A_709], %convert_element_type3A_707 {strides = array<i32>} : memref<8192x256xf32, #tpu.memory_space<vmem>>, vector<64x256xf32>,
    %slice3A_711 = vector.extract_strided_slice %add3A_217 {offsets = [0, 62], sizes = [64, 1], strides = [1, 1]} : vector<64x128xi32> to vector<64x1xi32>
    %eq3A_712 = vector.broadcast %slice3A_711 : vector<64x1xi32> to vector<64x256xi32>
    %eq3A_713 = arith.cmpi eq, %iota3A, %eq3A_712 : vector<64x256xi32>
    %convert_element_type3A_714 = arith.extui %eq3A_713 : vector<64x256xi1> to vector<64x256xi32>
    %convert_element_type3A_715 = arith.sitofp %convert_element_type3A_714 : vector<64x256xi32> to vector<64x256xf32>
    %swap3A_716 = arith.constant 3968 : index
    %swap3A_717 = arith.constant 0 : index
    %swap3A_718 = vector.load %arg4[%swap3A_716, %swap3A_717] : memref<8192x256xf32, #tpu.memory_space<vmem>>, vector<64x256xf32>
    tpu.vector_store %arg4[%swap3A_716, %swap3A_717], %convert_element_type3A_715 {strides = array<i32>} : memref<8192x256xf32, #tpu.memory_space<vmem>>, vector<64x256xf32>,
    %slice3A_719 = vector.extract_strided_slice %add3A_217 {offsets = [0, 63], sizes = [64, 1], strides = [1, 1]} : vector<64x128xi32> to vector<64x1xi32>
    %eq3A_720 = vector.broadcast %slice3A_719 : vector<64x1xi32> to vector<64x256xi32>
    %eq3A_721 = arith.cmpi eq, %iota3A, %eq3A_720 : vector<64x256xi32>
    %convert_element_type3A_722 = arith.extui %eq3A_721 : vector<64x256xi1> to vector<64x256xi32>
    %convert_element_type3A_723 = arith.sitofp %convert_element_type3A_722 : vector<64x256xi32> to vector<64x256xf32>
    %swap3A_724 = arith.constant 4032 : index
    %swap3A_725 = arith.constant 0 : index
    %swap3A_726 = vector.load %arg4[%swap3A_724, %swap3A_725] : memref<8192x256xf32, #tpu.memory_space<vmem>>, vector<64x256xf32>
    tpu.vector_store %arg4[%swap3A_724, %swap3A_725], %convert_element_type3A_723 {strides = array<i32>} : memref<8192x256xf32, #tpu.memory_space<vmem>>, vector<64x256xf32>,
    %slice3A_727 = vector.extract_strided_slice %add3A_217 {offsets = [0, 64], sizes = [64, 1], strides = [1, 1]} : vector<64x128xi32> to vector<64x1xi32>
    %eq3A_728 = vector.broadcast %slice3A_727 : vector<64x1xi32> to vector<64x256xi32>
    %eq3A_729 = arith.cmpi eq, %iota3A, %eq3A_728 : vector<64x256xi32>
    %convert_element_type3A_730 = arith.extui %eq3A_729 : vector<64x256xi1> to vector<64x256xi32>
    %convert_element_type3A_731 = arith.sitofp %convert_element_type3A_730 : vector<64x256xi32> to vector<64x256xf32>
    %swap3A_732 = arith.constant 4096 : index
    %swap3A_733 = arith.constant 0 : index
    %swap3A_734 = vector.load %arg4[%swap3A_732, %swap3A_733] : memref<8192x256xf32, #tpu.memory_space<vmem>>, vector<64x256xf32>
    tpu.vector_store %arg4[%swap3A_732, %swap3A_733], %convert_element_type3A_731 {strides = array<i32>} : memref<8192x256xf32, #tpu.memory_space<vmem>>, vector<64x256xf32>,
    %slice3A_735 = vector.extract_strided_slice %add3A_217 {offsets = [0, 65], sizes = [64, 1], strides = [1, 1]} : vector<64x128xi32> to vector<64x1xi32>
    %eq3A_736 = vector.broadcast %slice3A_735 : vector<64x1xi32> to vector<64x256xi32>
    %eq3A_737 = arith.cmpi eq, %iota3A, %eq3A_736 : vector<64x256xi32>
    %convert_element_type3A_738 = arith.extui %eq3A_737 : vector<64x256xi1> to vector<64x256xi32>
    %convert_element_type3A_739 = arith.sitofp %convert_element_type3A_738 : vector<64x256xi32> to vector<64x256xf32>
    %swap3A_740 = arith.constant 4160 : index
    %swap3A_741 = arith.constant 0 : index
    %swap3A_742 = vector.load %arg4[%swap3A_740, %swap3A_741] : memref<8192x256xf32, #tpu.memory_space<vmem>>, vector<64x256xf32>
    tpu.vector_store %arg4[%swap3A_740, %swap3A_741], %convert_element_type3A_739 {strides = array<i32>} : memref<8192x256xf32, #tpu.memory_space<vmem>>, vector<64x256xf32>,
    %slice3A_743 = vector.extract_strided_slice %add3A_217 {offsets = [0, 66], sizes = [64, 1], strides = [1, 1]} : vector<64x128xi32> to vector<64x1xi32>
    %eq3A_744 = vector.broadcast %slice3A_743 : vector<64x1xi32> to vector<64x256xi32>
    %eq3A_745 = arith.cmpi eq, %iota3A, %eq3A_744 : vector<64x256xi32>
    %convert_element_type3A_746 = arith.extui %eq3A_745 : vector<64x256xi1> to vector<64x256xi32>
    %convert_element_type3A_747 = arith.sitofp %convert_element_type3A_746 : vector<64x256xi32> to vector<64x256xf32>
    %swap3A_748 = arith.constant 4224 : index
    %swap3A_749 = arith.constant 0 : index
    %swap3A_750 = vector.load %arg4[%swap3A_748, %swap3A_749] : memref<8192x256xf32, #tpu.memory_space<vmem>>, vector<64x256xf32>
    tpu.vector_store %arg4[%swap3A_748, %swap3A_749], %convert_element_type3A_747 {strides = array<i32>} : memref<8192x256xf32, #tpu.memory_space<vmem>>, vector<64x256xf32>,
    %slice3A_751 = vector.extract_strided_slice %add3A_217 {offsets = [0, 67], sizes = [64, 1], strides = [1, 1]} : vector<64x128xi32> to vector<64x1xi32>
    %eq3A_752 = vector.broadcast %slice3A_751 : vector<64x1xi32> to vector<64x256xi32>
    %eq3A_753 = arith.cmpi eq, %iota3A, %eq3A_752 : vector<64x256xi32>
    %convert_element_type3A_754 = arith.extui %eq3A_753 : vector<64x256xi1> to vector<64x256xi32>
    %convert_element_type3A_755 = arith.sitofp %convert_element_type3A_754 : vector<64x256xi32> to vector<64x256xf32>
    %swap3A_756 = arith.constant 4288 : index
    %swap3A_757 = arith.constant 0 : index
    %swap3A_758 = vector.load %arg4[%swap3A_756, %swap3A_757] : memref<8192x256xf32, #tpu.memory_space<vmem>>, vector<64x256xf32>
    tpu.vector_store %arg4[%swap3A_756, %swap3A_757], %convert_element_type3A_755 {strides = array<i32>} : memref<8192x256xf32, #tpu.memory_space<vmem>>, vector<64x256xf32>,
    %slice3A_759 = vector.extract_strided_slice %add3A_217 {offsets = [0, 68], sizes = [64, 1], strides = [1, 1]} : vector<64x128xi32> to vector<64x1xi32>
    %eq3A_760 = vector.broadcast %slice3A_759 : vector<64x1xi32> to vector<64x256xi32>
    %eq3A_761 = arith.cmpi eq, %iota3A, %eq3A_760 : vector<64x256xi32>
    %convert_element_type3A_762 = arith.extui %eq3A_761 : vector<64x256xi1> to vector<64x256xi32>
    %convert_element_type3A_763 = arith.sitofp %convert_element_type3A_762 : vector<64x256xi32> to vector<64x256xf32>
    %swap3A_764 = arith.constant 4352 : index
    %swap3A_765 = arith.constant 0 : index
    %swap3A_766 = vector.load %arg4[%swap3A_764, %swap3A_765] : memref<8192x256xf32, #tpu.memory_space<vmem>>, vector<64x256xf32>
    tpu.vector_store %arg4[%swap3A_764, %swap3A_765], %convert_element_type3A_763 {strides = array<i32>} : memref<8192x256xf32, #tpu.memory_space<vmem>>, vector<64x256xf32>,
    %slice3A_767 = vector.extract_strided_slice %add3A_217 {offsets = [0, 69], sizes = [64, 1], strides = [1, 1]} : vector<64x128xi32> to vector<64x1xi32>
    %eq3A_768 = vector.broadcast %slice3A_767 : vector<64x1xi32> to vector<64x256xi32>
    %eq3A_769 = arith.cmpi eq, %iota3A, %eq3A_768 : vector<64x256xi32>
    %convert_element_type3A_770 = arith.extui %eq3A_769 : vector<64x256xi1> to vector<64x256xi32>
    %convert_element_type3A_771 = arith.sitofp %convert_element_type3A_770 : vector<64x256xi32> to vector<64x256xf32>
    %swap3A_772 = arith.constant 4416 : index
    %swap3A_773 = arith.constant 0 : index
    %swap3A_774 = vector.load %arg4[%swap3A_772, %swap3A_773] : memref<8192x256xf32, #tpu.memory_space<vmem>>, vector<64x256xf32>
    tpu.vector_store %arg4[%swap3A_772, %swap3A_773], %convert_element_type3A_771 {strides = array<i32>} : memref<8192x256xf32, #tpu.memory_space<vmem>>, vector<64x256xf32>,
    %slice3A_775 = vector.extract_strided_slice %add3A_217 {offsets = [0, 70], sizes = [64, 1], strides = [1, 1]} : vector<64x128xi32> to vector<64x1xi32>
    %eq3A_776 = vector.broadcast %slice3A_775 : vector<64x1xi32> to vector<64x256xi32>
    %eq3A_777 = arith.cmpi eq, %iota3A, %eq3A_776 : vector<64x256xi32>
    %convert_element_type3A_778 = arith.extui %eq3A_777 : vector<64x256xi1> to vector<64x256xi32>
    %convert_element_type3A_779 = arith.sitofp %convert_element_type3A_778 : vector<64x256xi32> to vector<64x256xf32>
    %swap3A_780 = arith.constant 4480 : index
    %swap3A_781 = arith.constant 0 : index
    %swap3A_782 = vector.load %arg4[%swap3A_780, %swap3A_781] : memref<8192x256xf32, #tpu.memory_space<vmem>>, vector<64x256xf32>
    tpu.vector_store %arg4[%swap3A_780, %swap3A_781], %convert_element_type3A_779 {strides = array<i32>} : memref<8192x256xf32, #tpu.memory_space<vmem>>, vector<64x256xf32>,
    %slice3A_783 = vector.extract_strided_slice %add3A_217 {offsets = [0, 71], sizes = [64, 1], strides = [1, 1]} : vector<64x128xi32> to vector<64x1xi32>
    %eq3A_784 = vector.broadcast %slice3A_783 : vector<64x1xi32> to vector<64x256xi32>
    %eq3A_785 = arith.cmpi eq, %iota3A, %eq3A_784 : vector<64x256xi32>
    %convert_element_type3A_786 = arith.extui %eq3A_785 : vector<64x256xi1> to vector<64x256xi32>
    %convert_element_type3A_787 = arith.sitofp %convert_element_type3A_786 : vector<64x256xi32> to vector<64x256xf32>
    %swap3A_788 = arith.constant 4544 : index
    %swap3A_789 = arith.constant 0 : index
    %swap3A_790 = vector.load %arg4[%swap3A_788, %swap3A_789] : memref<8192x256xf32, #tpu.memory_space<vmem>>, vector<64x256xf32>
    tpu.vector_store %arg4[%swap3A_788, %swap3A_789], %convert_element_type3A_787 {strides = array<i32>} : memref<8192x256xf32, #tpu.memory_space<vmem>>, vector<64x256xf32>,
    %slice3A_791 = vector.extract_strided_slice %add3A_217 {offsets = [0, 72], sizes = [64, 1], strides = [1, 1]} : vector<64x128xi32> to vector<64x1xi32>
    %eq3A_792 = vector.broadcast %slice3A_791 : vector<64x1xi32> to vector<64x256xi32>
    %eq3A_793 = arith.cmpi eq, %iota3A, %eq3A_792 : vector<64x256xi32>
    %convert_element_type3A_794 = arith.extui %eq3A_793 : vector<64x256xi1> to vector<64x256xi32>
    %convert_element_type3A_795 = arith.sitofp %convert_element_type3A_794 : vector<64x256xi32> to vector<64x256xf32>
    %swap3A_796 = arith.constant 4608 : index
    %swap3A_797 = arith.constant 0 : index
    %swap3A_798 = vector.load %arg4[%swap3A_796, %swap3A_797] : memref<8192x256xf32, #tpu.memory_space<vmem>>, vector<64x256xf32>
    tpu.vector_store %arg4[%swap3A_796, %swap3A_797], %convert_element_type3A_795 {strides = array<i32>} : memref<8192x256xf32, #tpu.memory_space<vmem>>, vector<64x256xf32>,
    %slice3A_799 = vector.extract_strided_slice %add3A_217 {offsets = [0, 73], sizes = [64, 1], strides = [1, 1]} : vector<64x128xi32> to vector<64x1xi32>
    %eq3A_800 = vector.broadcast %slice3A_799 : vector<64x1xi32> to vector<64x256xi32>
    %eq3A_801 = arith.cmpi eq, %iota3A, %eq3A_800 : vector<64x256xi32>
    %convert_element_type3A_802 = arith.extui %eq3A_801 : vector<64x256xi1> to vector<64x256xi32>
    %convert_element_type3A_803 = arith.sitofp %convert_element_type3A_802 : vector<64x256xi32> to vector<64x256xf32>
    %swap3A_804 = arith.constant 4672 : index
    %swap3A_805 = arith.constant 0 : index
    %swap3A_806 = vector.load %arg4[%swap3A_804, %swap3A_805] : memref<8192x256xf32, #tpu.memory_space<vmem>>, vector<64x256xf32>
    tpu.vector_store %arg4[%swap3A_804, %swap3A_805], %convert_element_type3A_803 {strides = array<i32>} : memref<8192x256xf32, #tpu.memory_space<vmem>>, vector<64x256xf32>,
    %slice3A_807 = vector.extract_strided_slice %add3A_217 {offsets = [0, 74], sizes = [64, 1], strides = [1, 1]} : vector<64x128xi32> to vector<64x1xi32>
    %eq3A_808 = vector.broadcast %slice3A_807 : vector<64x1xi32> to vector<64x256xi32>
    %eq3A_809 = arith.cmpi eq, %iota3A, %eq3A_808 : vector<64x256xi32>
    %convert_element_type3A_810 = arith.extui %eq3A_809 : vector<64x256xi1> to vector<64x256xi32>
    %convert_element_type3A_811 = arith.sitofp %convert_element_type3A_810 : vector<64x256xi32> to vector<64x256xf32>
    %swap3A_812 = arith.constant 4736 : index
    %swap3A_813 = arith.constant 0 : index
    %swap3A_814 = vector.load %arg4[%swap3A_812, %swap3A_813] : memref<8192x256xf32, #tpu.memory_space<vmem>>, vector<64x256xf32>
    tpu.vector_store %arg4[%swap3A_812, %swap3A_813], %convert_element_type3A_811 {strides = array<i32>} : memref<8192x256xf32, #tpu.memory_space<vmem>>, vector<64x256xf32>,
    %slice3A_815 = vector.extract_strided_slice %add3A_217 {offsets = [0, 75], sizes = [64, 1], strides = [1, 1]} : vector<64x128xi32> to vector<64x1xi32>
    %eq3A_816 = vector.broadcast %slice3A_815 : vector<64x1xi32> to vector<64x256xi32>
    %eq3A_817 = arith.cmpi eq, %iota3A, %eq3A_816 : vector<64x256xi32>
    %convert_element_type3A_818 = arith.extui %eq3A_817 : vector<64x256xi1> to vector<64x256xi32>
    %convert_element_type3A_819 = arith.sitofp %convert_element_type3A_818 : vector<64x256xi32> to vector<64x256xf32>
    %swap3A_820 = arith.constant 4800 : index
    %swap3A_821 = arith.constant 0 : index
    %swap3A_822 = vector.load %arg4[%swap3A_820, %swap3A_821] : memref<8192x256xf32, #tpu.memory_space<vmem>>, vector<64x256xf32>
    tpu.vector_store %arg4[%swap3A_820, %swap3A_821], %convert_element_type3A_819 {strides = array<i32>} : memref<8192x256xf32, #tpu.memory_space<vmem>>, vector<64x256xf32>,
    %slice3A_823 = vector.extract_strided_slice %add3A_217 {offsets = [0, 76], sizes = [64, 1], strides = [1, 1]} : vector<64x128xi32> to vector<64x1xi32>
    %eq3A_824 = vector.broadcast %slice3A_823 : vector<64x1xi32> to vector<64x256xi32>
    %eq3A_825 = arith.cmpi eq, %iota3A, %eq3A_824 : vector<64x256xi32>
    %convert_element_type3A_826 = arith.extui %eq3A_825 : vector<64x256xi1> to vector<64x256xi32>
    %convert_element_type3A_827 = arith.sitofp %convert_element_type3A_826 : vector<64x256xi32> to vector<64x256xf32>
    %swap3A_828 = arith.constant 4864 : index
    %swap3A_829 = arith.constant 0 : index
    %swap3A_830 = vector.load %arg4[%swap3A_828, %swap3A_829] : memref<8192x256xf32, #tpu.memory_space<vmem>>, vector<64x256xf32>
    tpu.vector_store %arg4[%swap3A_828, %swap3A_829], %convert_element_type3A_827 {strides = array<i32>} : memref<8192x256xf32, #tpu.memory_space<vmem>>, vector<64x256xf32>,
    %slice3A_831 = vector.extract_strided_slice %add3A_217 {offsets = [0, 77], sizes = [64, 1], strides = [1, 1]} : vector<64x128xi32> to vector<64x1xi32>
    %eq3A_832 = vector.broadcast %slice3A_831 : vector<64x1xi32> to vector<64x256xi32>
    %eq3A_833 = arith.cmpi eq, %iota3A, %eq3A_832 : vector<64x256xi32>
    %convert_element_type3A_834 = arith.extui %eq3A_833 : vector<64x256xi1> to vector<64x256xi32>
    %convert_element_type3A_835 = arith.sitofp %convert_element_type3A_834 : vector<64x256xi32> to vector<64x256xf32>
    %swap3A_836 = arith.constant 4928 : index
    %swap3A_837 = arith.constant 0 : index
    %swap3A_838 = vector.load %arg4[%swap3A_836, %swap3A_837] : memref<8192x256xf32, #tpu.memory_space<vmem>>, vector<64x256xf32>
    tpu.vector_store %arg4[%swap3A_836, %swap3A_837], %convert_element_type3A_835 {strides = array<i32>} : memref<8192x256xf32, #tpu.memory_space<vmem>>, vector<64x256xf32>,
    %slice3A_839 = vector.extract_strided_slice %add3A_217 {offsets = [0, 78], sizes = [64, 1], strides = [1, 1]} : vector<64x128xi32> to vector<64x1xi32>
    %eq3A_840 = vector.broadcast %slice3A_839 : vector<64x1xi32> to vector<64x256xi32>
    %eq3A_841 = arith.cmpi eq, %iota3A, %eq3A_840 : vector<64x256xi32>
    %convert_element_type3A_842 = arith.extui %eq3A_841 : vector<64x256xi1> to vector<64x256xi32>
    %convert_element_type3A_843 = arith.sitofp %convert_element_type3A_842 : vector<64x256xi32> to vector<64x256xf32>
    %swap3A_844 = arith.constant 4992 : index
    %swap3A_845 = arith.constant 0 : index
    %swap3A_846 = vector.load %arg4[%swap3A_844, %swap3A_845] : memref<8192x256xf32, #tpu.memory_space<vmem>>, vector<64x256xf32>
    tpu.vector_store %arg4[%swap3A_844, %swap3A_845], %convert_element_type3A_843 {strides = array<i32>} : memref<8192x256xf32, #tpu.memory_space<vmem>>, vector<64x256xf32>,
    %slice3A_847 = vector.extract_strided_slice %add3A_217 {offsets = [0, 79], sizes = [64, 1], strides = [1, 1]} : vector<64x128xi32> to vector<64x1xi32>
    %eq3A_848 = vector.broadcast %slice3A_847 : vector<64x1xi32> to vector<64x256xi32>
    %eq3A_849 = arith.cmpi eq, %iota3A, %eq3A_848 : vector<64x256xi32>
    %convert_element_type3A_850 = arith.extui %eq3A_849 : vector<64x256xi1> to vector<64x256xi32>
    %convert_element_type3A_851 = arith.sitofp %convert_element_type3A_850 : vector<64x256xi32> to vector<64x256xf32>
    %swap3A_852 = arith.constant 5056 : index
    %swap3A_853 = arith.constant 0 : index
    %swap3A_854 = vector.load %arg4[%swap3A_852, %swap3A_853] : memref<8192x256xf32, #tpu.memory_space<vmem>>, vector<64x256xf32>
    tpu.vector_store %arg4[%swap3A_852, %swap3A_853], %convert_element_type3A_851 {strides = array<i32>} : memref<8192x256xf32, #tpu.memory_space<vmem>>, vector<64x256xf32>,
    %slice3A_855 = vector.extract_strided_slice %add3A_217 {offsets = [0, 80], sizes = [64, 1], strides = [1, 1]} : vector<64x128xi32> to vector<64x1xi32>
    %eq3A_856 = vector.broadcast %slice3A_855 : vector<64x1xi32> to vector<64x256xi32>
    %eq3A_857 = arith.cmpi eq, %iota3A, %eq3A_856 : vector<64x256xi32>
    %convert_element_type3A_858 = arith.extui %eq3A_857 : vector<64x256xi1> to vector<64x256xi32>
    %convert_element_type3A_859 = arith.sitofp %convert_element_type3A_858 : vector<64x256xi32> to vector<64x256xf32>
    %swap3A_860 = arith.constant 5120 : index
    %swap3A_861 = arith.constant 0 : index
    %swap3A_862 = vector.load %arg4[%swap3A_860, %swap3A_861] : memref<8192x256xf32, #tpu.memory_space<vmem>>, vector<64x256xf32>
    tpu.vector_store %arg4[%swap3A_860, %swap3A_861], %convert_element_type3A_859 {strides = array<i32>} : memref<8192x256xf32, #tpu.memory_space<vmem>>, vector<64x256xf32>,
    %slice3A_863 = vector.extract_strided_slice %add3A_217 {offsets = [0, 81], sizes = [64, 1], strides = [1, 1]} : vector<64x128xi32> to vector<64x1xi32>
    %eq3A_864 = vector.broadcast %slice3A_863 : vector<64x1xi32> to vector<64x256xi32>
    %eq3A_865 = arith.cmpi eq, %iota3A, %eq3A_864 : vector<64x256xi32>
    %convert_element_type3A_866 = arith.extui %eq3A_865 : vector<64x256xi1> to vector<64x256xi32>
    %convert_element_type3A_867 = arith.sitofp %convert_element_type3A_866 : vector<64x256xi32> to vector<64x256xf32>
    %swap3A_868 = arith.constant 5184 : index
    %swap3A_869 = arith.constant 0 : index
    %swap3A_870 = vector.load %arg4[%swap3A_868, %swap3A_869] : memref<8192x256xf32, #tpu.memory_space<vmem>>, vector<64x256xf32>
    tpu.vector_store %arg4[%swap3A_868, %swap3A_869], %convert_element_type3A_867 {strides = array<i32>} : memref<8192x256xf32, #tpu.memory_space<vmem>>, vector<64x256xf32>,
    %slice3A_871 = vector.extract_strided_slice %add3A_217 {offsets = [0, 82], sizes = [64, 1], strides = [1, 1]} : vector<64x128xi32> to vector<64x1xi32>
    %eq3A_872 = vector.broadcast %slice3A_871 : vector<64x1xi32> to vector<64x256xi32>
    %eq3A_873 = arith.cmpi eq, %iota3A, %eq3A_872 : vector<64x256xi32>
    %convert_element_type3A_874 = arith.extui %eq3A_873 : vector<64x256xi1> to vector<64x256xi32>
    %convert_element_type3A_875 = arith.sitofp %convert_element_type3A_874 : vector<64x256xi32> to vector<64x256xf32>
    %swap3A_876 = arith.constant 5248 : index
    %swap3A_877 = arith.constant 0 : index
    %swap3A_878 = vector.load %arg4[%swap3A_876, %swap3A_877] : memref<8192x256xf32, #tpu.memory_space<vmem>>, vector<64x256xf32>
    tpu.vector_store %arg4[%swap3A_876, %swap3A_877], %convert_element_type3A_875 {strides = array<i32>} : memref<8192x256xf32, #tpu.memory_space<vmem>>, vector<64x256xf32>,
    %slice3A_879 = vector.extract_strided_slice %add3A_217 {offsets = [0, 83], sizes = [64, 1], strides = [1, 1]} : vector<64x128xi32> to vector<64x1xi32>
    %eq3A_880 = vector.broadcast %slice3A_879 : vector<64x1xi32> to vector<64x256xi32>
    %eq3A_881 = arith.cmpi eq, %iota3A, %eq3A_880 : vector<64x256xi32>
    %convert_element_type3A_882 = arith.extui %eq3A_881 : vector<64x256xi1> to vector<64x256xi32>
    %convert_element_type3A_883 = arith.sitofp %convert_element_type3A_882 : vector<64x256xi32> to vector<64x256xf32>
    %swap3A_884 = arith.constant 5312 : index
    %swap3A_885 = arith.constant 0 : index
    %swap3A_886 = vector.load %arg4[%swap3A_884, %swap3A_885] : memref<8192x256xf32, #tpu.memory_space<vmem>>, vector<64x256xf32>
    tpu.vector_store %arg4[%swap3A_884, %swap3A_885], %convert_element_type3A_883 {strides = array<i32>} : memref<8192x256xf32, #tpu.memory_space<vmem>>, vector<64x256xf32>,
    %slice3A_887 = vector.extract_strided_slice %add3A_217 {offsets = [0, 84], sizes = [64, 1], strides = [1, 1]} : vector<64x128xi32> to vector<64x1xi32>
    %eq3A_888 = vector.broadcast %slice3A_887 : vector<64x1xi32> to vector<64x256xi32>
    %eq3A_889 = arith.cmpi eq, %iota3A, %eq3A_888 : vector<64x256xi32>
    %convert_element_type3A_890 = arith.extui %eq3A_889 : vector<64x256xi1> to vector<64x256xi32>
    %convert_element_type3A_891 = arith.sitofp %convert_element_type3A_890 : vector<64x256xi32> to vector<64x256xf32>
    %swap3A_892 = arith.constant 5376 : index
    %swap3A_893 = arith.constant 0 : index
    %swap3A_894 = vector.load %arg4[%swap3A_892, %swap3A_893] : memref<8192x256xf32, #tpu.memory_space<vmem>>, vector<64x256xf32>
    tpu.vector_store %arg4[%swap3A_892, %swap3A_893], %convert_element_type3A_891 {strides = array<i32>} : memref<8192x256xf32, #tpu.memory_space<vmem>>, vector<64x256xf32>,
    %slice3A_895 = vector.extract_strided_slice %add3A_217 {offsets = [0, 85], sizes = [64, 1], strides = [1, 1]} : vector<64x128xi32> to vector<64x1xi32>
    %eq3A_896 = vector.broadcast %slice3A_895 : vector<64x1xi32> to vector<64x256xi32>
    %eq3A_897 = arith.cmpi eq, %iota3A, %eq3A_896 : vector<64x256xi32>
    %convert_element_type3A_898 = arith.extui %eq3A_897 : vector<64x256xi1> to vector<64x256xi32>
    %convert_element_type3A_899 = arith.sitofp %convert_element_type3A_898 : vector<64x256xi32> to vector<64x256xf32>
    %swap3A_900 = arith.constant 5440 : index
    %swap3A_901 = arith.constant 0 : index
    %swap3A_902 = vector.load %arg4[%swap3A_900, %swap3A_901] : memref<8192x256xf32, #tpu.memory_space<vmem>>, vector<64x256xf32>
    tpu.vector_store %arg4[%swap3A_900, %swap3A_901], %convert_element_type3A_899 {strides = array<i32>} : memref<8192x256xf32, #tpu.memory_space<vmem>>, vector<64x256xf32>,
    %slice3A_903 = vector.extract_strided_slice %add3A_217 {offsets = [0, 86], sizes = [64, 1], strides = [1, 1]} : vector<64x128xi32> to vector<64x1xi32>
    %eq3A_904 = vector.broadcast %slice3A_903 : vector<64x1xi32> to vector<64x256xi32>
    %eq3A_905 = arith.cmpi eq, %iota3A, %eq3A_904 : vector<64x256xi32>
    %convert_element_type3A_906 = arith.extui %eq3A_905 : vector<64x256xi1> to vector<64x256xi32>
    %convert_element_type3A_907 = arith.sitofp %convert_element_type3A_906 : vector<64x256xi32> to vector<64x256xf32>
    %swap3A_908 = arith.constant 5504 : index
    %swap3A_909 = arith.constant 0 : index
    %swap3A_910 = vector.load %arg4[%swap3A_908, %swap3A_909] : memref<8192x256xf32, #tpu.memory_space<vmem>>, vector<64x256xf32>
    tpu.vector_store %arg4[%swap3A_908, %swap3A_909], %convert_element_type3A_907 {strides = array<i32>} : memref<8192x256xf32, #tpu.memory_space<vmem>>, vector<64x256xf32>,
    %slice3A_911 = vector.extract_strided_slice %add3A_217 {offsets = [0, 87], sizes = [64, 1], strides = [1, 1]} : vector<64x128xi32> to vector<64x1xi32>
    %eq3A_912 = vector.broadcast %slice3A_911 : vector<64x1xi32> to vector<64x256xi32>
    %eq3A_913 = arith.cmpi eq, %iota3A, %eq3A_912 : vector<64x256xi32>
    %convert_element_type3A_914 = arith.extui %eq3A_913 : vector<64x256xi1> to vector<64x256xi32>
    %convert_element_type3A_915 = arith.sitofp %convert_element_type3A_914 : vector<64x256xi32> to vector<64x256xf32>
    %swap3A_916 = arith.constant 5568 : index
    %swap3A_917 = arith.constant 0 : index
    %swap3A_918 = vector.load %arg4[%swap3A_916, %swap3A_917] : memref<8192x256xf32, #tpu.memory_space<vmem>>, vector<64x256xf32>
    tpu.vector_store %arg4[%swap3A_916, %swap3A_917], %convert_element_type3A_915 {strides = array<i32>} : memref<8192x256xf32, #tpu.memory_space<vmem>>, vector<64x256xf32>,
    %slice3A_919 = vector.extract_strided_slice %add3A_217 {offsets = [0, 88], sizes = [64, 1], strides = [1, 1]} : vector<64x128xi32> to vector<64x1xi32>
    %eq3A_920 = vector.broadcast %slice3A_919 : vector<64x1xi32> to vector<64x256xi32>
    %eq3A_921 = arith.cmpi eq, %iota3A, %eq3A_920 : vector<64x256xi32>
    %convert_element_type3A_922 = arith.extui %eq3A_921 : vector<64x256xi1> to vector<64x256xi32>
    %convert_element_type3A_923 = arith.sitofp %convert_element_type3A_922 : vector<64x256xi32> to vector<64x256xf32>
    %swap3A_924 = arith.constant 5632 : index
    %swap3A_925 = arith.constant 0 : index
    %swap3A_926 = vector.load %arg4[%swap3A_924, %swap3A_925] : memref<8192x256xf32, #tpu.memory_space<vmem>>, vector<64x256xf32>
    tpu.vector_store %arg4[%swap3A_924, %swap3A_925], %convert_element_type3A_923 {strides = array<i32>} : memref<8192x256xf32, #tpu.memory_space<vmem>>, vector<64x256xf32>,
    %slice3A_927 = vector.extract_strided_slice %add3A_217 {offsets = [0, 89], sizes = [64, 1], strides = [1, 1]} : vector<64x128xi32> to vector<64x1xi32>
    %eq3A_928 = vector.broadcast %slice3A_927 : vector<64x1xi32> to vector<64x256xi32>
    %eq3A_929 = arith.cmpi eq, %iota3A, %eq3A_928 : vector<64x256xi32>
    %convert_element_type3A_930 = arith.extui %eq3A_929 : vector<64x256xi1> to vector<64x256xi32>
    %convert_element_type3A_931 = arith.sitofp %convert_element_type3A_930 : vector<64x256xi32> to vector<64x256xf32>
    %swap3A_932 = arith.constant 5696 : index
    %swap3A_933 = arith.constant 0 : index
    %swap3A_934 = vector.load %arg4[%swap3A_932, %swap3A_933] : memref<8192x256xf32, #tpu.memory_space<vmem>>, vector<64x256xf32>
    tpu.vector_store %arg4[%swap3A_932, %swap3A_933], %convert_element_type3A_931 {strides = array<i32>} : memref<8192x256xf32, #tpu.memory_space<vmem>>, vector<64x256xf32>,
    %slice3A_935 = vector.extract_strided_slice %add3A_217 {offsets = [0, 90], sizes = [64, 1], strides = [1, 1]} : vector<64x128xi32> to vector<64x1xi32>
    %eq3A_936 = vector.broadcast %slice3A_935 : vector<64x1xi32> to vector<64x256xi32>
    %eq3A_937 = arith.cmpi eq, %iota3A, %eq3A_936 : vector<64x256xi32>
    %convert_element_type3A_938 = arith.extui %eq3A_937 : vector<64x256xi1> to vector<64x256xi32>
    %convert_element_type3A_939 = arith.sitofp %convert_element_type3A_938 : vector<64x256xi32> to vector<64x256xf32>
    %swap3A_940 = arith.constant 5760 : index
    %swap3A_941 = arith.constant 0 : index
    %swap3A_942 = vector.load %arg4[%swap3A_940, %swap3A_941] : memref<8192x256xf32, #tpu.memory_space<vmem>>, vector<64x256xf32>
    tpu.vector_store %arg4[%swap3A_940, %swap3A_941], %convert_element_type3A_939 {strides = array<i32>} : memref<8192x256xf32, #tpu.memory_space<vmem>>, vector<64x256xf32>,
    %slice3A_943 = vector.extract_strided_slice %add3A_217 {offsets = [0, 91], sizes = [64, 1], strides = [1, 1]} : vector<64x128xi32> to vector<64x1xi32>
    %eq3A_944 = vector.broadcast %slice3A_943 : vector<64x1xi32> to vector<64x256xi32>
    %eq3A_945 = arith.cmpi eq, %iota3A, %eq3A_944 : vector<64x256xi32>
    %convert_element_type3A_946 = arith.extui %eq3A_945 : vector<64x256xi1> to vector<64x256xi32>
    %convert_element_type3A_947 = arith.sitofp %convert_element_type3A_946 : vector<64x256xi32> to vector<64x256xf32>
    %swap3A_948 = arith.constant 5824 : index
    %swap3A_949 = arith.constant 0 : index
    %swap3A_950 = vector.load %arg4[%swap3A_948, %swap3A_949] : memref<8192x256xf32, #tpu.memory_space<vmem>>, vector<64x256xf32>
    tpu.vector_store %arg4[%swap3A_948, %swap3A_949], %convert_element_type3A_947 {strides = array<i32>} : memref<8192x256xf32, #tpu.memory_space<vmem>>, vector<64x256xf32>,
    %slice3A_951 = vector.extract_strided_slice %add3A_217 {offsets = [0, 92], sizes = [64, 1], strides = [1, 1]} : vector<64x128xi32> to vector<64x1xi32>
    %eq3A_952 = vector.broadcast %slice3A_951 : vector<64x1xi32> to vector<64x256xi32>
    %eq3A_953 = arith.cmpi eq, %iota3A, %eq3A_952 : vector<64x256xi32>
    %convert_element_type3A_954 = arith.extui %eq3A_953 : vector<64x256xi1> to vector<64x256xi32>
    %convert_element_type3A_955 = arith.sitofp %convert_element_type3A_954 : vector<64x256xi32> to vector<64x256xf32>
    %swap3A_956 = arith.constant 5888 : index
    %swap3A_957 = arith.constant 0 : index
    %swap3A_958 = vector.load %arg4[%swap3A_956, %swap3A_957] : memref<8192x256xf32, #tpu.memory_space<vmem>>, vector<64x256xf32>
    tpu.vector_store %arg4[%swap3A_956, %swap3A_957], %convert_element_type3A_955 {strides = array<i32>} : memref<8192x256xf32, #tpu.memory_space<vmem>>, vector<64x256xf32>,
    %slice3A_959 = vector.extract_strided_slice %add3A_217 {offsets = [0, 93], sizes = [64, 1], strides = [1, 1]} : vector<64x128xi32> to vector<64x1xi32>
    %eq3A_960 = vector.broadcast %slice3A_959 : vector<64x1xi32> to vector<64x256xi32>
    %eq3A_961 = arith.cmpi eq, %iota3A, %eq3A_960 : vector<64x256xi32>
    %convert_element_type3A_962 = arith.extui %eq3A_961 : vector<64x256xi1> to vector<64x256xi32>
    %convert_element_type3A_963 = arith.sitofp %convert_element_type3A_962 : vector<64x256xi32> to vector<64x256xf32>
    %swap3A_964 = arith.constant 5952 : index
    %swap3A_965 = arith.constant 0 : index
    %swap3A_966 = vector.load %arg4[%swap3A_964, %swap3A_965] : memref<8192x256xf32, #tpu.memory_space<vmem>>, vector<64x256xf32>
    tpu.vector_store %arg4[%swap3A_964, %swap3A_965], %convert_element_type3A_963 {strides = array<i32>} : memref<8192x256xf32, #tpu.memory_space<vmem>>, vector<64x256xf32>,
    %slice3A_967 = vector.extract_strided_slice %add3A_217 {offsets = [0, 94], sizes = [64, 1], strides = [1, 1]} : vector<64x128xi32> to vector<64x1xi32>
    %eq3A_968 = vector.broadcast %slice3A_967 : vector<64x1xi32> to vector<64x256xi32>
    %eq3A_969 = arith.cmpi eq, %iota3A, %eq3A_968 : vector<64x256xi32>
    %convert_element_type3A_970 = arith.extui %eq3A_969 : vector<64x256xi1> to vector<64x256xi32>
    %convert_element_type3A_971 = arith.sitofp %convert_element_type3A_970 : vector<64x256xi32> to vector<64x256xf32>
    %swap3A_972 = arith.constant 6016 : index
    %swap3A_973 = arith.constant 0 : index
    %swap3A_974 = vector.load %arg4[%swap3A_972, %swap3A_973] : memref<8192x256xf32, #tpu.memory_space<vmem>>, vector<64x256xf32>
    tpu.vector_store %arg4[%swap3A_972, %swap3A_973], %convert_element_type3A_971 {strides = array<i32>} : memref<8192x256xf32, #tpu.memory_space<vmem>>, vector<64x256xf32>,
    %slice3A_975 = vector.extract_strided_slice %add3A_217 {offsets = [0, 95], sizes = [64, 1], strides = [1, 1]} : vector<64x128xi32> to vector<64x1xi32>
    %eq3A_976 = vector.broadcast %slice3A_975 : vector<64x1xi32> to vector<64x256xi32>
    %eq3A_977 = arith.cmpi eq, %iota3A, %eq3A_976 : vector<64x256xi32>
    %convert_element_type3A_978 = arith.extui %eq3A_977 : vector<64x256xi1> to vector<64x256xi32>
    %convert_element_type3A_979 = arith.sitofp %convert_element_type3A_978 : vector<64x256xi32> to vector<64x256xf32>
    %swap3A_980 = arith.constant 6080 : index
    %swap3A_981 = arith.constant 0 : index
    %swap3A_982 = vector.load %arg4[%swap3A_980, %swap3A_981] : memref<8192x256xf32, #tpu.memory_space<vmem>>, vector<64x256xf32>
    tpu.vector_store %arg4[%swap3A_980, %swap3A_981], %convert_element_type3A_979 {strides = array<i32>} : memref<8192x256xf32, #tpu.memory_space<vmem>>, vector<64x256xf32>,
    %slice3A_983 = vector.extract_strided_slice %add3A_217 {offsets = [0, 96], sizes = [64, 1], strides = [1, 1]} : vector<64x128xi32> to vector<64x1xi32>
    %eq3A_984 = vector.broadcast %slice3A_983 : vector<64x1xi32> to vector<64x256xi32>
    %eq3A_985 = arith.cmpi eq, %iota3A, %eq3A_984 : vector<64x256xi32>
    %convert_element_type3A_986 = arith.extui %eq3A_985 : vector<64x256xi1> to vector<64x256xi32>
    %convert_element_type3A_987 = arith.sitofp %convert_element_type3A_986 : vector<64x256xi32> to vector<64x256xf32>
    %swap3A_988 = arith.constant 6144 : index
    %swap3A_989 = arith.constant 0 : index
    %swap3A_990 = vector.load %arg4[%swap3A_988, %swap3A_989] : memref<8192x256xf32, #tpu.memory_space<vmem>>, vector<64x256xf32>
    tpu.vector_store %arg4[%swap3A_988, %swap3A_989], %convert_element_type3A_987 {strides = array<i32>} : memref<8192x256xf32, #tpu.memory_space<vmem>>, vector<64x256xf32>,
    %slice3A_991 = vector.extract_strided_slice %add3A_217 {offsets = [0, 97], sizes = [64, 1], strides = [1, 1]} : vector<64x128xi32> to vector<64x1xi32>
    %eq3A_992 = vector.broadcast %slice3A_991 : vector<64x1xi32> to vector<64x256xi32>
    %eq3A_993 = arith.cmpi eq, %iota3A, %eq3A_992 : vector<64x256xi32>
    %convert_element_type3A_994 = arith.extui %eq3A_993 : vector<64x256xi1> to vector<64x256xi32>
    %convert_element_type3A_995 = arith.sitofp %convert_element_type3A_994 : vector<64x256xi32> to vector<64x256xf32>
    %swap3A_996 = arith.constant 6208 : index
    %swap3A_997 = arith.constant 0 : index
    %swap3A_998 = vector.load %arg4[%swap3A_996, %swap3A_997] : memref<8192x256xf32, #tpu.memory_space<vmem>>, vector<64x256xf32>
    tpu.vector_store %arg4[%swap3A_996, %swap3A_997], %convert_element_type3A_995 {strides = array<i32>} : memref<8192x256xf32, #tpu.memory_space<vmem>>, vector<64x256xf32>,
    %slice3A_999 = vector.extract_strided_slice %add3A_217 {offsets = [0, 98], sizes = [64, 1], strides = [1, 1]} : vector<64x128xi32> to vector<64x1xi32>
    %eq3A_1000 = vector.broadcast %slice3A_999 : vector<64x1xi32> to vector<64x256xi32>
    %eq3A_1001 = arith.cmpi eq, %iota3A, %eq3A_1000 : vector<64x256xi32>
    %convert_element_type3A_1002 = arith.extui %eq3A_1001 : vector<64x256xi1> to vector<64x256xi32>
    %convert_element_type3A_1003 = arith.sitofp %convert_element_type3A_1002 : vector<64x256xi32> to vector<64x256xf32>
    %swap3A_1004 = arith.constant 6272 : index
    %swap3A_1005 = arith.constant 0 : index
    %swap3A_1006 = vector.load %arg4[%swap3A_1004, %swap3A_1005] : memref<8192x256xf32, #tpu.memory_space<vmem>>, vector<64x256xf32>
    tpu.vector_store %arg4[%swap3A_1004, %swap3A_1005], %convert_element_type3A_1003 {strides = array<i32>} : memref<8192x256xf32, #tpu.memory_space<vmem>>, vector<64x256xf32>,
    %slice3A_1007 = vector.extract_strided_slice %add3A_217 {offsets = [0, 99], sizes = [64, 1], strides = [1, 1]} : vector<64x128xi32> to vector<64x1xi32>
    %eq3A_1008 = vector.broadcast %slice3A_1007 : vector<64x1xi32> to vector<64x256xi32>
    %eq3A_1009 = arith.cmpi eq, %iota3A, %eq3A_1008 : vector<64x256xi32>
    %convert_element_type3A_1010 = arith.extui %eq3A_1009 : vector<64x256xi1> to vector<64x256xi32>
    %convert_element_type3A_1011 = arith.sitofp %convert_element_type3A_1010 : vector<64x256xi32> to vector<64x256xf32>
    %swap3A_1012 = arith.constant 6336 : index
    %swap3A_1013 = arith.constant 0 : index
    %swap3A_1014 = vector.load %arg4[%swap3A_1012, %swap3A_1013] : memref<8192x256xf32, #tpu.memory_space<vmem>>, vector<64x256xf32>
    tpu.vector_store %arg4[%swap3A_1012, %swap3A_1013], %convert_element_type3A_1011 {strides = array<i32>} : memref<8192x256xf32, #tpu.memory_space<vmem>>, vector<64x256xf32>,
    %slice3A_1015 = vector.extract_strided_slice %add3A_217 {offsets = [0, 100], sizes = [64, 1], strides = [1, 1]} : vector<64x128xi32> to vector<64x1xi32>
    %eq3A_1016 = vector.broadcast %slice3A_1015 : vector<64x1xi32> to vector<64x256xi32>
    %eq3A_1017 = arith.cmpi eq, %iota3A, %eq3A_1016 : vector<64x256xi32>
    %convert_element_type3A_1018 = arith.extui %eq3A_1017 : vector<64x256xi1> to vector<64x256xi32>
    %convert_element_type3A_1019 = arith.sitofp %convert_element_type3A_1018 : vector<64x256xi32> to vector<64x256xf32>
    %swap3A_1020 = arith.constant 6400 : index
    %swap3A_1021 = arith.constant 0 : index
    %swap3A_1022 = vector.load %arg4[%swap3A_1020, %swap3A_1021] : memref<8192x256xf32, #tpu.memory_space<vmem>>, vector<64x256xf32>
    tpu.vector_store %arg4[%swap3A_1020, %swap3A_1021], %convert_element_type3A_1019 {strides = array<i32>} : memref<8192x256xf32, #tpu.memory_space<vmem>>, vector<64x256xf32>,
    %slice3A_1023 = vector.extract_strided_slice %add3A_217 {offsets = [0, 101], sizes = [64, 1], strides = [1, 1]} : vector<64x128xi32> to vector<64x1xi32>
    %eq3A_1024 = vector.broadcast %slice3A_1023 : vector<64x1xi32> to vector<64x256xi32>
    %eq3A_1025 = arith.cmpi eq, %iota3A, %eq3A_1024 : vector<64x256xi32>
    %convert_element_type3A_1026 = arith.extui %eq3A_1025 : vector<64x256xi1> to vector<64x256xi32>
    %convert_element_type3A_1027 = arith.sitofp %convert_element_type3A_1026 : vector<64x256xi32> to vector<64x256xf32>
    %swap3A_1028 = arith.constant 6464 : index
    %swap3A_1029 = arith.constant 0 : index
    %swap3A_1030 = vector.load %arg4[%swap3A_1028, %swap3A_1029] : memref<8192x256xf32, #tpu.memory_space<vmem>>, vector<64x256xf32>
    tpu.vector_store %arg4[%swap3A_1028, %swap3A_1029], %convert_element_type3A_1027 {strides = array<i32>} : memref<8192x256xf32, #tpu.memory_space<vmem>>, vector<64x256xf32>,
    %slice3A_1031 = vector.extract_strided_slice %add3A_217 {offsets = [0, 102], sizes = [64, 1], strides = [1, 1]} : vector<64x128xi32> to vector<64x1xi32>
    %eq3A_1032 = vector.broadcast %slice3A_1031 : vector<64x1xi32> to vector<64x256xi32>
    %eq3A_1033 = arith.cmpi eq, %iota3A, %eq3A_1032 : vector<64x256xi32>
    %convert_element_type3A_1034 = arith.extui %eq3A_1033 : vector<64x256xi1> to vector<64x256xi32>
    %convert_element_type3A_1035 = arith.sitofp %convert_element_type3A_1034 : vector<64x256xi32> to vector<64x256xf32>
    %swap3A_1036 = arith.constant 6528 : index
    %swap3A_1037 = arith.constant 0 : index
    %swap3A_1038 = vector.load %arg4[%swap3A_1036, %swap3A_1037] : memref<8192x256xf32, #tpu.memory_space<vmem>>, vector<64x256xf32>
    tpu.vector_store %arg4[%swap3A_1036, %swap3A_1037], %convert_element_type3A_1035 {strides = array<i32>} : memref<8192x256xf32, #tpu.memory_space<vmem>>, vector<64x256xf32>,
    %slice3A_1039 = vector.extract_strided_slice %add3A_217 {offsets = [0, 103], sizes = [64, 1], strides = [1, 1]} : vector<64x128xi32> to vector<64x1xi32>
    %eq3A_1040 = vector.broadcast %slice3A_1039 : vector<64x1xi32> to vector<64x256xi32>
    %eq3A_1041 = arith.cmpi eq, %iota3A, %eq3A_1040 : vector<64x256xi32>
    %convert_element_type3A_1042 = arith.extui %eq3A_1041 : vector<64x256xi1> to vector<64x256xi32>
    %convert_element_type3A_1043 = arith.sitofp %convert_element_type3A_1042 : vector<64x256xi32> to vector<64x256xf32>
    %swap3A_1044 = arith.constant 6592 : index
    %swap3A_1045 = arith.constant 0 : index
    %swap3A_1046 = vector.load %arg4[%swap3A_1044, %swap3A_1045] : memref<8192x256xf32, #tpu.memory_space<vmem>>, vector<64x256xf32>
    tpu.vector_store %arg4[%swap3A_1044, %swap3A_1045], %convert_element_type3A_1043 {strides = array<i32>} : memref<8192x256xf32, #tpu.memory_space<vmem>>, vector<64x256xf32>,
    %slice3A_1047 = vector.extract_strided_slice %add3A_217 {offsets = [0, 104], sizes = [64, 1], strides = [1, 1]} : vector<64x128xi32> to vector<64x1xi32>
    %eq3A_1048 = vector.broadcast %slice3A_1047 : vector<64x1xi32> to vector<64x256xi32>
    %eq3A_1049 = arith.cmpi eq, %iota3A, %eq3A_1048 : vector<64x256xi32>
    %convert_element_type3A_1050 = arith.extui %eq3A_1049 : vector<64x256xi1> to vector<64x256xi32>
    %convert_element_type3A_1051 = arith.sitofp %convert_element_type3A_1050 : vector<64x256xi32> to vector<64x256xf32>
    %swap3A_1052 = arith.constant 6656 : index
    %swap3A_1053 = arith.constant 0 : index
    %swap3A_1054 = vector.load %arg4[%swap3A_1052, %swap3A_1053] : memref<8192x256xf32, #tpu.memory_space<vmem>>, vector<64x256xf32>
    tpu.vector_store %arg4[%swap3A_1052, %swap3A_1053], %convert_element_type3A_1051 {strides = array<i32>} : memref<8192x256xf32, #tpu.memory_space<vmem>>, vector<64x256xf32>,
    %slice3A_1055 = vector.extract_strided_slice %add3A_217 {offsets = [0, 105], sizes = [64, 1], strides = [1, 1]} : vector<64x128xi32> to vector<64x1xi32>
    %eq3A_1056 = vector.broadcast %slice3A_1055 : vector<64x1xi32> to vector<64x256xi32>
    %eq3A_1057 = arith.cmpi eq, %iota3A, %eq3A_1056 : vector<64x256xi32>
    %convert_element_type3A_1058 = arith.extui %eq3A_1057 : vector<64x256xi1> to vector<64x256xi32>
    %convert_element_type3A_1059 = arith.sitofp %convert_element_type3A_1058 : vector<64x256xi32> to vector<64x256xf32>
    %swap3A_1060 = arith.constant 6720 : index
    %swap3A_1061 = arith.constant 0 : index
    %swap3A_1062 = vector.load %arg4[%swap3A_1060, %swap3A_1061] : memref<8192x256xf32, #tpu.memory_space<vmem>>, vector<64x256xf32>
    tpu.vector_store %arg4[%swap3A_1060, %swap3A_1061], %convert_element_type3A_1059 {strides = array<i32>} : memref<8192x256xf32, #tpu.memory_space<vmem>>, vector<64x256xf32>,
    %slice3A_1063 = vector.extract_strided_slice %add3A_217 {offsets = [0, 106], sizes = [64, 1], strides = [1, 1]} : vector<64x128xi32> to vector<64x1xi32>
    %eq3A_1064 = vector.broadcast %slice3A_1063 : vector<64x1xi32> to vector<64x256xi32>
    %eq3A_1065 = arith.cmpi eq, %iota3A, %eq3A_1064 : vector<64x256xi32>
    %convert_element_type3A_1066 = arith.extui %eq3A_1065 : vector<64x256xi1> to vector<64x256xi32>
    %convert_element_type3A_1067 = arith.sitofp %convert_element_type3A_1066 : vector<64x256xi32> to vector<64x256xf32>
    %swap3A_1068 = arith.constant 6784 : index
    %swap3A_1069 = arith.constant 0 : index
    %swap3A_1070 = vector.load %arg4[%swap3A_1068, %swap3A_1069] : memref<8192x256xf32, #tpu.memory_space<vmem>>, vector<64x256xf32>
    tpu.vector_store %arg4[%swap3A_1068, %swap3A_1069], %convert_element_type3A_1067 {strides = array<i32>} : memref<8192x256xf32, #tpu.memory_space<vmem>>, vector<64x256xf32>,
    %slice3A_1071 = vector.extract_strided_slice %add3A_217 {offsets = [0, 107], sizes = [64, 1], strides = [1, 1]} : vector<64x128xi32> to vector<64x1xi32>
    %eq3A_1072 = vector.broadcast %slice3A_1071 : vector<64x1xi32> to vector<64x256xi32>
    %eq3A_1073 = arith.cmpi eq, %iota3A, %eq3A_1072 : vector<64x256xi32>
    %convert_element_type3A_1074 = arith.extui %eq3A_1073 : vector<64x256xi1> to vector<64x256xi32>
    %convert_element_type3A_1075 = arith.sitofp %convert_element_type3A_1074 : vector<64x256xi32> to vector<64x256xf32>
    %swap3A_1076 = arith.constant 6848 : index
    %swap3A_1077 = arith.constant 0 : index
    %swap3A_1078 = vector.load %arg4[%swap3A_1076, %swap3A_1077] : memref<8192x256xf32, #tpu.memory_space<vmem>>, vector<64x256xf32>
    tpu.vector_store %arg4[%swap3A_1076, %swap3A_1077], %convert_element_type3A_1075 {strides = array<i32>} : memref<8192x256xf32, #tpu.memory_space<vmem>>, vector<64x256xf32>,
    %slice3A_1079 = vector.extract_strided_slice %add3A_217 {offsets = [0, 108], sizes = [64, 1], strides = [1, 1]} : vector<64x128xi32> to vector<64x1xi32>
    %eq3A_1080 = vector.broadcast %slice3A_1079 : vector<64x1xi32> to vector<64x256xi32>
    %eq3A_1081 = arith.cmpi eq, %iota3A, %eq3A_1080 : vector<64x256xi32>
    %convert_element_type3A_1082 = arith.extui %eq3A_1081 : vector<64x256xi1> to vector<64x256xi32>
    %convert_element_type3A_1083 = arith.sitofp %convert_element_type3A_1082 : vector<64x256xi32> to vector<64x256xf32>
    %swap3A_1084 = arith.constant 6912 : index
    %swap3A_1085 = arith.constant 0 : index
    %swap3A_1086 = vector.load %arg4[%swap3A_1084, %swap3A_1085] : memref<8192x256xf32, #tpu.memory_space<vmem>>, vector<64x256xf32>
    tpu.vector_store %arg4[%swap3A_1084, %swap3A_1085], %convert_element_type3A_1083 {strides = array<i32>} : memref<8192x256xf32, #tpu.memory_space<vmem>>, vector<64x256xf32>,
    %slice3A_1087 = vector.extract_strided_slice %add3A_217 {offsets = [0, 109], sizes = [64, 1], strides = [1, 1]} : vector<64x128xi32> to vector<64x1xi32>
    %eq3A_1088 = vector.broadcast %slice3A_1087 : vector<64x1xi32> to vector<64x256xi32>
    %eq3A_1089 = arith.cmpi eq, %iota3A, %eq3A_1088 : vector<64x256xi32>
    %convert_element_type3A_1090 = arith.extui %eq3A_1089 : vector<64x256xi1> to vector<64x256xi32>
    %convert_element_type3A_1091 = arith.sitofp %convert_element_type3A_1090 : vector<64x256xi32> to vector<64x256xf32>
    %swap3A_1092 = arith.constant 6976 : index
    %swap3A_1093 = arith.constant 0 : index
    %swap3A_1094 = vector.load %arg4[%swap3A_1092, %swap3A_1093] : memref<8192x256xf32, #tpu.memory_space<vmem>>, vector<64x256xf32>
    tpu.vector_store %arg4[%swap3A_1092, %swap3A_1093], %convert_element_type3A_1091 {strides = array<i32>} : memref<8192x256xf32, #tpu.memory_space<vmem>>, vector<64x256xf32>,
    %slice3A_1095 = vector.extract_strided_slice %add3A_217 {offsets = [0, 110], sizes = [64, 1], strides = [1, 1]} : vector<64x128xi32> to vector<64x1xi32>
    %eq3A_1096 = vector.broadcast %slice3A_1095 : vector<64x1xi32> to vector<64x256xi32>
    %eq3A_1097 = arith.cmpi eq, %iota3A, %eq3A_1096 : vector<64x256xi32>
    %convert_element_type3A_1098 = arith.extui %eq3A_1097 : vector<64x256xi1> to vector<64x256xi32>
    %convert_element_type3A_1099 = arith.sitofp %convert_element_type3A_1098 : vector<64x256xi32> to vector<64x256xf32>
    %swap3A_1100 = arith.constant 7040 : index
    %swap3A_1101 = arith.constant 0 : index
    %swap3A_1102 = vector.load %arg4[%swap3A_1100, %swap3A_1101] : memref<8192x256xf32, #tpu.memory_space<vmem>>, vector<64x256xf32>
    tpu.vector_store %arg4[%swap3A_1100, %swap3A_1101], %convert_element_type3A_1099 {strides = array<i32>} : memref<8192x256xf32, #tpu.memory_space<vmem>>, vector<64x256xf32>,
    %slice3A_1103 = vector.extract_strided_slice %add3A_217 {offsets = [0, 111], sizes = [64, 1], strides = [1, 1]} : vector<64x128xi32> to vector<64x1xi32>
    %eq3A_1104 = vector.broadcast %slice3A_1103 : vector<64x1xi32> to vector<64x256xi32>
    %eq3A_1105 = arith.cmpi eq, %iota3A, %eq3A_1104 : vector<64x256xi32>
    %convert_element_type3A_1106 = arith.extui %eq3A_1105 : vector<64x256xi1> to vector<64x256xi32>
    %convert_element_type3A_1107 = arith.sitofp %convert_element_type3A_1106 : vector<64x256xi32> to vector<64x256xf32>
    %swap3A_1108 = arith.constant 7104 : index
    %swap3A_1109 = arith.constant 0 : index
    %swap3A_1110 = vector.load %arg4[%swap3A_1108, %swap3A_1109] : memref<8192x256xf32, #tpu.memory_space<vmem>>, vector<64x256xf32>
    tpu.vector_store %arg4[%swap3A_1108, %swap3A_1109], %convert_element_type3A_1107 {strides = array<i32>} : memref<8192x256xf32, #tpu.memory_space<vmem>>, vector<64x256xf32>,
    %slice3A_1111 = vector.extract_strided_slice %add3A_217 {offsets = [0, 112], sizes = [64, 1], strides = [1, 1]} : vector<64x128xi32> to vector<64x1xi32>
    %eq3A_1112 = vector.broadcast %slice3A_1111 : vector<64x1xi32> to vector<64x256xi32>
    %eq3A_1113 = arith.cmpi eq, %iota3A, %eq3A_1112 : vector<64x256xi32>
    %convert_element_type3A_1114 = arith.extui %eq3A_1113 : vector<64x256xi1> to vector<64x256xi32>
    %convert_element_type3A_1115 = arith.sitofp %convert_element_type3A_1114 : vector<64x256xi32> to vector<64x256xf32>
    %swap3A_1116 = arith.constant 7168 : index
    %swap3A_1117 = arith.constant 0 : index
    %swap3A_1118 = vector.load %arg4[%swap3A_1116, %swap3A_1117] : memref<8192x256xf32, #tpu.memory_space<vmem>>, vector<64x256xf32>
    tpu.vector_store %arg4[%swap3A_1116, %swap3A_1117], %convert_element_type3A_1115 {strides = array<i32>} : memref<8192x256xf32, #tpu.memory_space<vmem>>, vector<64x256xf32>,
    %slice3A_1119 = vector.extract_strided_slice %add3A_217 {offsets = [0, 113], sizes = [64, 1], strides = [1, 1]} : vector<64x128xi32> to vector<64x1xi32>
    %eq3A_1120 = vector.broadcast %slice3A_1119 : vector<64x1xi32> to vector<64x256xi32>
    %eq3A_1121 = arith.cmpi eq, %iota3A, %eq3A_1120 : vector<64x256xi32>
    %convert_element_type3A_1122 = arith.extui %eq3A_1121 : vector<64x256xi1> to vector<64x256xi32>
    %convert_element_type3A_1123 = arith.sitofp %convert_element_type3A_1122 : vector<64x256xi32> to vector<64x256xf32>
    %swap3A_1124 = arith.constant 7232 : index
    %swap3A_1125 = arith.constant 0 : index
    %swap3A_1126 = vector.load %arg4[%swap3A_1124, %swap3A_1125] : memref<8192x256xf32, #tpu.memory_space<vmem>>, vector<64x256xf32>
    tpu.vector_store %arg4[%swap3A_1124, %swap3A_1125], %convert_element_type3A_1123 {strides = array<i32>} : memref<8192x256xf32, #tpu.memory_space<vmem>>, vector<64x256xf32>,
    %slice3A_1127 = vector.extract_strided_slice %add3A_217 {offsets = [0, 114], sizes = [64, 1], strides = [1, 1]} : vector<64x128xi32> to vector<64x1xi32>
    %eq3A_1128 = vector.broadcast %slice3A_1127 : vector<64x1xi32> to vector<64x256xi32>
    %eq3A_1129 = arith.cmpi eq, %iota3A, %eq3A_1128 : vector<64x256xi32>
    %convert_element_type3A_1130 = arith.extui %eq3A_1129 : vector<64x256xi1> to vector<64x256xi32>
    %convert_element_type3A_1131 = arith.sitofp %convert_element_type3A_1130 : vector<64x256xi32> to vector<64x256xf32>
    %swap3A_1132 = arith.constant 7296 : index
    %swap3A_1133 = arith.constant 0 : index
    %swap3A_1134 = vector.load %arg4[%swap3A_1132, %swap3A_1133] : memref<8192x256xf32, #tpu.memory_space<vmem>>, vector<64x256xf32>
    tpu.vector_store %arg4[%swap3A_1132, %swap3A_1133], %convert_element_type3A_1131 {strides = array<i32>} : memref<8192x256xf32, #tpu.memory_space<vmem>>, vector<64x256xf32>,
    %slice3A_1135 = vector.extract_strided_slice %add3A_217 {offsets = [0, 115], sizes = [64, 1], strides = [1, 1]} : vector<64x128xi32> to vector<64x1xi32>
    %eq3A_1136 = vector.broadcast %slice3A_1135 : vector<64x1xi32> to vector<64x256xi32>
    %eq3A_1137 = arith.cmpi eq, %iota3A, %eq3A_1136 : vector<64x256xi32>
    %convert_element_type3A_1138 = arith.extui %eq3A_1137 : vector<64x256xi1> to vector<64x256xi32>
    %convert_element_type3A_1139 = arith.sitofp %convert_element_type3A_1138 : vector<64x256xi32> to vector<64x256xf32>
    %swap3A_1140 = arith.constant 7360 : index
    %swap3A_1141 = arith.constant 0 : index
    %swap3A_1142 = vector.load %arg4[%swap3A_1140, %swap3A_1141] : memref<8192x256xf32, #tpu.memory_space<vmem>>, vector<64x256xf32>
    tpu.vector_store %arg4[%swap3A_1140, %swap3A_1141], %convert_element_type3A_1139 {strides = array<i32>} : memref<8192x256xf32, #tpu.memory_space<vmem>>, vector<64x256xf32>,
    %slice3A_1143 = vector.extract_strided_slice %add3A_217 {offsets = [0, 116], sizes = [64, 1], strides = [1, 1]} : vector<64x128xi32> to vector<64x1xi32>
    %eq3A_1144 = vector.broadcast %slice3A_1143 : vector<64x1xi32> to vector<64x256xi32>
    %eq3A_1145 = arith.cmpi eq, %iota3A, %eq3A_1144 : vector<64x256xi32>
    %convert_element_type3A_1146 = arith.extui %eq3A_1145 : vector<64x256xi1> to vector<64x256xi32>
    %convert_element_type3A_1147 = arith.sitofp %convert_element_type3A_1146 : vector<64x256xi32> to vector<64x256xf32>
    %swap3A_1148 = arith.constant 7424 : index
    %swap3A_1149 = arith.constant 0 : index
    %swap3A_1150 = vector.load %arg4[%swap3A_1148, %swap3A_1149] : memref<8192x256xf32, #tpu.memory_space<vmem>>, vector<64x256xf32>
    tpu.vector_store %arg4[%swap3A_1148, %swap3A_1149], %convert_element_type3A_1147 {strides = array<i32>} : memref<8192x256xf32, #tpu.memory_space<vmem>>, vector<64x256xf32>,
    %slice3A_1151 = vector.extract_strided_slice %add3A_217 {offsets = [0, 117], sizes = [64, 1], strides = [1, 1]} : vector<64x128xi32> to vector<64x1xi32>
    %eq3A_1152 = vector.broadcast %slice3A_1151 : vector<64x1xi32> to vector<64x256xi32>
    %eq3A_1153 = arith.cmpi eq, %iota3A, %eq3A_1152 : vector<64x256xi32>
    %convert_element_type3A_1154 = arith.extui %eq3A_1153 : vector<64x256xi1> to vector<64x256xi32>
    %convert_element_type3A_1155 = arith.sitofp %convert_element_type3A_1154 : vector<64x256xi32> to vector<64x256xf32>
    %swap3A_1156 = arith.constant 7488 : index
    %swap3A_1157 = arith.constant 0 : index
    %swap3A_1158 = vector.load %arg4[%swap3A_1156, %swap3A_1157] : memref<8192x256xf32, #tpu.memory_space<vmem>>, vector<64x256xf32>
    tpu.vector_store %arg4[%swap3A_1156, %swap3A_1157], %convert_element_type3A_1155 {strides = array<i32>} : memref<8192x256xf32, #tpu.memory_space<vmem>>, vector<64x256xf32>,
    %slice3A_1159 = vector.extract_strided_slice %add3A_217 {offsets = [0, 118], sizes = [64, 1], strides = [1, 1]} : vector<64x128xi32> to vector<64x1xi32>
    %eq3A_1160 = vector.broadcast %slice3A_1159 : vector<64x1xi32> to vector<64x256xi32>
    %eq3A_1161 = arith.cmpi eq, %iota3A, %eq3A_1160 : vector<64x256xi32>
    %convert_element_type3A_1162 = arith.extui %eq3A_1161 : vector<64x256xi1> to vector<64x256xi32>
    %convert_element_type3A_1163 = arith.sitofp %convert_element_type3A_1162 : vector<64x256xi32> to vector<64x256xf32>
    %swap3A_1164 = arith.constant 7552 : index
    %swap3A_1165 = arith.constant 0 : index
    %swap3A_1166 = vector.load %arg4[%swap3A_1164, %swap3A_1165] : memref<8192x256xf32, #tpu.memory_space<vmem>>, vector<64x256xf32>
    tpu.vector_store %arg4[%swap3A_1164, %swap3A_1165], %convert_element_type3A_1163 {strides = array<i32>} : memref<8192x256xf32, #tpu.memory_space<vmem>>, vector<64x256xf32>,
    %slice3A_1167 = vector.extract_strided_slice %add3A_217 {offsets = [0, 119], sizes = [64, 1], strides = [1, 1]} : vector<64x128xi32> to vector<64x1xi32>
    %eq3A_1168 = vector.broadcast %slice3A_1167 : vector<64x1xi32> to vector<64x256xi32>
    %eq3A_1169 = arith.cmpi eq, %iota3A, %eq3A_1168 : vector<64x256xi32>
    %convert_element_type3A_1170 = arith.extui %eq3A_1169 : vector<64x256xi1> to vector<64x256xi32>
    %convert_element_type3A_1171 = arith.sitofp %convert_element_type3A_1170 : vector<64x256xi32> to vector<64x256xf32>
    %swap3A_1172 = arith.constant 7616 : index
    %swap3A_1173 = arith.constant 0 : index
    %swap3A_1174 = vector.load %arg4[%swap3A_1172, %swap3A_1173] : memref<8192x256xf32, #tpu.memory_space<vmem>>, vector<64x256xf32>
    tpu.vector_store %arg4[%swap3A_1172, %swap3A_1173], %convert_element_type3A_1171 {strides = array<i32>} : memref<8192x256xf32, #tpu.memory_space<vmem>>, vector<64x256xf32>,
    %slice3A_1175 = vector.extract_strided_slice %add3A_217 {offsets = [0, 120], sizes = [64, 1], strides = [1, 1]} : vector<64x128xi32> to vector<64x1xi32>
    %eq3A_1176 = vector.broadcast %slice3A_1175 : vector<64x1xi32> to vector<64x256xi32>
    %eq3A_1177 = arith.cmpi eq, %iota3A, %eq3A_1176 : vector<64x256xi32>
    %convert_element_type3A_1178 = arith.extui %eq3A_1177 : vector<64x256xi1> to vector<64x256xi32>
    %convert_element_type3A_1179 = arith.sitofp %convert_element_type3A_1178 : vector<64x256xi32> to vector<64x256xf32>
    %swap3A_1180 = arith.constant 7680 : index
    %swap3A_1181 = arith.constant 0 : index
    %swap3A_1182 = vector.load %arg4[%swap3A_1180, %swap3A_1181] : memref<8192x256xf32, #tpu.memory_space<vmem>>, vector<64x256xf32>
    tpu.vector_store %arg4[%swap3A_1180, %swap3A_1181], %convert_element_type3A_1179 {strides = array<i32>} : memref<8192x256xf32, #tpu.memory_space<vmem>>, vector<64x256xf32>,
    %slice3A_1183 = vector.extract_strided_slice %add3A_217 {offsets = [0, 121], sizes = [64, 1], strides = [1, 1]} : vector<64x128xi32> to vector<64x1xi32>
    %eq3A_1184 = vector.broadcast %slice3A_1183 : vector<64x1xi32> to vector<64x256xi32>
    %eq3A_1185 = arith.cmpi eq, %iota3A, %eq3A_1184 : vector<64x256xi32>
    %convert_element_type3A_1186 = arith.extui %eq3A_1185 : vector<64x256xi1> to vector<64x256xi32>
    %convert_element_type3A_1187 = arith.sitofp %convert_element_type3A_1186 : vector<64x256xi32> to vector<64x256xf32>
    %swap3A_1188 = arith.constant 7744 : index
    %swap3A_1189 = arith.constant 0 : index
    %swap3A_1190 = vector.load %arg4[%swap3A_1188, %swap3A_1189] : memref<8192x256xf32, #tpu.memory_space<vmem>>, vector<64x256xf32>
    tpu.vector_store %arg4[%swap3A_1188, %swap3A_1189], %convert_element_type3A_1187 {strides = array<i32>} : memref<8192x256xf32, #tpu.memory_space<vmem>>, vector<64x256xf32>,
    %slice3A_1191 = vector.extract_strided_slice %add3A_217 {offsets = [0, 122], sizes = [64, 1], strides = [1, 1]} : vector<64x128xi32> to vector<64x1xi32>
    %eq3A_1192 = vector.broadcast %slice3A_1191 : vector<64x1xi32> to vector<64x256xi32>
    %eq3A_1193 = arith.cmpi eq, %iota3A, %eq3A_1192 : vector<64x256xi32>
    %convert_element_type3A_1194 = arith.extui %eq3A_1193 : vector<64x256xi1> to vector<64x256xi32>
    %convert_element_type3A_1195 = arith.sitofp %convert_element_type3A_1194 : vector<64x256xi32> to vector<64x256xf32>
    %swap3A_1196 = arith.constant 7808 : index
    %swap3A_1197 = arith.constant 0 : index
    %swap3A_1198 = vector.load %arg4[%swap3A_1196, %swap3A_1197] : memref<8192x256xf32, #tpu.memory_space<vmem>>, vector<64x256xf32>
    tpu.vector_store %arg4[%swap3A_1196, %swap3A_1197], %convert_element_type3A_1195 {strides = array<i32>} : memref<8192x256xf32, #tpu.memory_space<vmem>>, vector<64x256xf32>,
    %slice3A_1199 = vector.extract_strided_slice %add3A_217 {offsets = [0, 123], sizes = [64, 1], strides = [1, 1]} : vector<64x128xi32> to vector<64x1xi32>
    %eq3A_1200 = vector.broadcast %slice3A_1199 : vector<64x1xi32> to vector<64x256xi32>
    %eq3A_1201 = arith.cmpi eq, %iota3A, %eq3A_1200 : vector<64x256xi32>
    %convert_element_type3A_1202 = arith.extui %eq3A_1201 : vector<64x256xi1> to vector<64x256xi32>
    %convert_element_type3A_1203 = arith.sitofp %convert_element_type3A_1202 : vector<64x256xi32> to vector<64x256xf32>
    %swap3A_1204 = arith.constant 7872 : index
    %swap3A_1205 = arith.constant 0 : index
    %swap3A_1206 = vector.load %arg4[%swap3A_1204, %swap3A_1205] : memref<8192x256xf32, #tpu.memory_space<vmem>>, vector<64x256xf32>
    tpu.vector_store %arg4[%swap3A_1204, %swap3A_1205], %convert_element_type3A_1203 {strides = array<i32>} : memref<8192x256xf32, #tpu.memory_space<vmem>>, vector<64x256xf32>,
    %slice3A_1207 = vector.extract_strided_slice %add3A_217 {offsets = [0, 124], sizes = [64, 1], strides = [1, 1]} : vector<64x128xi32> to vector<64x1xi32>
    %eq3A_1208 = vector.broadcast %slice3A_1207 : vector<64x1xi32> to vector<64x256xi32>
    %eq3A_1209 = arith.cmpi eq, %iota3A, %eq3A_1208 : vector<64x256xi32>
    %convert_element_type3A_1210 = arith.extui %eq3A_1209 : vector<64x256xi1> to vector<64x256xi32>
    %convert_element_type3A_1211 = arith.sitofp %convert_element_type3A_1210 : vector<64x256xi32> to vector<64x256xf32>
    %swap3A_1212 = arith.constant 7936 : index
    %swap3A_1213 = arith.constant 0 : index
    %swap3A_1214 = vector.load %arg4[%swap3A_1212, %swap3A_1213] : memref<8192x256xf32, #tpu.memory_space<vmem>>, vector<64x256xf32>
    tpu.vector_store %arg4[%swap3A_1212, %swap3A_1213], %convert_element_type3A_1211 {strides = array<i32>} : memref<8192x256xf32, #tpu.memory_space<vmem>>, vector<64x256xf32>,
    %slice3A_1215 = vector.extract_strided_slice %add3A_217 {offsets = [0, 125], sizes = [64, 1], strides = [1, 1]} : vector<64x128xi32> to vector<64x1xi32>
    %eq3A_1216 = vector.broadcast %slice3A_1215 : vector<64x1xi32> to vector<64x256xi32>
    %eq3A_1217 = arith.cmpi eq, %iota3A, %eq3A_1216 : vector<64x256xi32>
    %convert_element_type3A_1218 = arith.extui %eq3A_1217 : vector<64x256xi1> to vector<64x256xi32>
    %convert_element_type3A_1219 = arith.sitofp %convert_element_type3A_1218 : vector<64x256xi32> to vector<64x256xf32>
    %swap3A_1220 = arith.constant 8000 : index
    %swap3A_1221 = arith.constant 0 : index
    %swap3A_1222 = vector.load %arg4[%swap3A_1220, %swap3A_1221] : memref<8192x256xf32, #tpu.memory_space<vmem>>, vector<64x256xf32>
    tpu.vector_store %arg4[%swap3A_1220, %swap3A_1221], %convert_element_type3A_1219 {strides = array<i32>} : memref<8192x256xf32, #tpu.memory_space<vmem>>, vector<64x256xf32>,
    %slice3A_1223 = vector.extract_strided_slice %add3A_217 {offsets = [0, 126], sizes = [64, 1], strides = [1, 1]} : vector<64x128xi32> to vector<64x1xi32>
    %eq3A_1224 = vector.broadcast %slice3A_1223 : vector<64x1xi32> to vector<64x256xi32>
    %eq3A_1225 = arith.cmpi eq, %iota3A, %eq3A_1224 : vector<64x256xi32>
    %convert_element_type3A_1226 = arith.extui %eq3A_1225 : vector<64x256xi1> to vector<64x256xi32>
    %convert_element_type3A_1227 = arith.sitofp %convert_element_type3A_1226 : vector<64x256xi32> to vector<64x256xf32>
    %swap3A_1228 = arith.constant 8064 : index
    %swap3A_1229 = arith.constant 0 : index
    %swap3A_1230 = vector.load %arg4[%swap3A_1228, %swap3A_1229] : memref<8192x256xf32, #tpu.memory_space<vmem>>, vector<64x256xf32>
    tpu.vector_store %arg4[%swap3A_1228, %swap3A_1229], %convert_element_type3A_1227 {strides = array<i32>} : memref<8192x256xf32, #tpu.memory_space<vmem>>, vector<64x256xf32>,
    %slice3A_1231 = vector.extract_strided_slice %add3A_217 {offsets = [0, 127], sizes = [64, 1], strides = [1, 1]} : vector<64x128xi32> to vector<64x1xi32>
    %eq3A_1232 = vector.broadcast %slice3A_1231 : vector<64x1xi32> to vector<64x256xi32>
    %eq3A_1233 = arith.cmpi eq, %iota3A, %eq3A_1232 : vector<64x256xi32>
    %convert_element_type3A_1234 = arith.extui %eq3A_1233 : vector<64x256xi1> to vector<64x256xi32>
    %convert_element_type3A_1235 = arith.sitofp %convert_element_type3A_1234 : vector<64x256xi32> to vector<64x256xf32>
    %swap3A_1236 = arith.constant 8128 : index
    %swap3A_1237 = arith.constant 0 : index
    %swap3A_1238 = vector.load %arg4[%swap3A_1236, %swap3A_1237] : memref<8192x256xf32, #tpu.memory_space<vmem>>, vector<64x256xf32>
    tpu.vector_store %arg4[%swap3A_1236, %swap3A_1237], %convert_element_type3A_1235 {strides = array<i32>} : memref<8192x256xf32, #tpu.memory_space<vmem>>, vector<64x256xf32>,
    return
  }
  func.func @transform_0(%arg0: i32) -> (i32, i32) {
    %c0_i32 = arith.constant 0 : i32
    %c0_i32_0 = arith.constant 0 : i32
    return %arg0, %c0_i32 : i32, i32
  }
  func.func @transform_1(%arg0: i32) -> (i32, i32) {
    %c0_i32 = arith.constant 0 : i32
    %c0_i32_0 = arith.constant 0 : i32
    return %arg0, %c0_i32 : i32, i32
  }
  func.func @transform_2(%arg0: i32) -> (i32, i32) {
    %c0_i32 = arith.constant 0 : i32
    %c0_i32_0 = arith.constant 0 : i32
    %c0_i32_1 = arith.constant 0 : i32
    return %c0_i32, %c0_i32_0 : i32, i32
  }
  func.func @transform_3(%arg0: i32) -> (i32, i32) {
    %c0_i32 = arith.constant 0 : i32
    %c0_i32_0 = arith.constant 0 : i32
    return %arg0, %c0_i32 : i32, i32
  }
}

</mosaic_0001>

<sc_bundles>
// kernel: kernel.4.cloned.1.call-start
scs
__scs_entry_jumppad:
0x0: {  	(pc) =	sbr.rel $0x88, $3  }
0x1: {  	(tag) =	ssettag $0x0;
	lr =	simm.s32 $0x1  }
0x2: {  	[smem:$0x3F9F] =	sst lr;
	_ =	strace $0xD0000000  }
0x3: {  	_ = 	snop  }
0x4: {  	_ = 	snop  }
0x5: {  	_ = 	snop  }
0x6: {  	_ = 	snop  }
0x7: {  	_ = 	snop  }
__scs_overlays_trampoline_lowered:
0x8: {  	[smem:$0x3FAE] =	sst s0  }
0x9: {  	[smem:$0x3FAF] =	sst s1  }
0xa: {  	[smem:$0x3FB0] =	sst s2  }
0xb: {  	[smem:$0x3FB1] =	sst s3  }
0xc: {  	[smem:$0x3FB2] =	sst s4  }
0xd: {  	[smem:$0x3FB3] =	sst s5  }
0xe: {  	[smem:$0x3FB4] =	sst s6  }
0xf: {  	[smem:$0x3FB5] =	sst s7  }
0x10: {  	[smem:$0x3FB6] =	sst s8  }
0x11: {  	[smem:$0x3FB7] =	sst s9;
	s0 =	simm.s32 @!p0 $0x0  }
0x12: {  	s1 =	sld [smem:$0x3F9D];
	s0 =	simm.s32 @p0 $0x1  }
0x13: {  	[smem:$0x3FB8] =	sst s0;
	s0 =	simm.s32 @!p1 $0x0  }
0x14: {  	s2 =	sld [smem:$0x3F9C];
	s0 =	simm.s32 @p1 $0x1  }
0x15: {  	[smem:$0x3FB9] =	sst s0;
	s0 =	simm.s32 @!p2 $0x0  }
0x16: {  	s3 =	sld [smem:$0x3FDB];
	s0 =	simm.s32 @p2 $0x1  }
0x17: {  	s4 =	simm.s32 $0x1BF5;
	[smem:$0x3FBB] =	sst s0  }
0x18: {  	s0 =	sld [smem:$0x3F9E];
	_ =	swait.ge [sflag:s4], $0x0  }
0x19: {  	s7 =	sld [smem:$0x3F9F]  }
0x1a: {  	s8 =	sadd.s32 $0xFFFFE003, lr  }
0x1b: {  	s9 =	sadd.s32 $0xFFFFFEF7, lr;
	s5 =	simm.s32 $0xFFFFFFFF;
	p2 =	slt.u32 s8, $0xFFFFF086  }
0x1c: {  	p1 =	slt.u32 s9, $0xF7A;
	s5 =	simm.s32 @!p2 $0x0  }
0x1d: {  	s5 =	simm.s32 @p1 $0x1;
	p0 =	seq.s32 s7, s2  }
0x1e: {  	s7 =	smul.u32 @!p0 $0xF7A, s2;
	p2 =	seq.s32 @!p0 s5, $0x0  }
0x1f: {  	s9 =	smul.u32 $0xF7A, s1;
	s8 =	simm.s32 @!p0 $0x1BF5;
	p2 =	por !p2, p0  }
0x20: {  	[sflag:s8] =	ssyncset.s32 @!p0 $0xFFFFF086;
	s6 =	sadd.s32 @!p0 s3, s7;
	s7 =	simm.s32 @!p0 $0x108  }
0x21: {  	s3 =	sadd.s32 s3, s9;
	s6 =	sadd.s32 @!p0 $0x88, s6;
	s7 =	simm.s32 @p2 $0x1082  }
0x22: {  	[simem:s7], [sflag:s8] =	dma.local @!p0 [hbm:s6], $0xF7A  }
0x23: {  	s9 =	sor.u32 $0xD0000000, s2;
	s6 =	simm.s32 $0x108;
	_ =	swait.ge @!p0 [sflag:s8], $0x0  }
0x24: {  	s3 =	sadd.s32 $0x88, s3;
	s6 =	simm.s32 @!p1 $0x1082;
	[sflag:s4] =	ssyncset.s32 $0xFFFFF086  }
0x25: {  	[simem:s6], [sflag:s4] =	dma.local [hbm:s3], $0xF7A  }
0x26: {  	[smem:$0x3F9F] =	sst s1;
	(tag) =	ssettag s2;
	_ =	strace s9  }
0x27: {  	s1 =	sld [smem:$0x3FAF]  }
0x28: {  	s2 =	sld [smem:$0x3FB0]  }
0x29: {  	s4 =	sld [smem:$0x3FB2]  }
0x2a: {  	p0 =	seq.s32 s5, $0x0;
	s5 =	sld [smem:$0x3FB3]  }
0x2b: {  	s6 =	sld [smem:$0x3FB4]  }
0x2c: {  	s7 =	sld [smem:$0x3FB5]  }
0x2d: {  	s3 =	simm.s32 $0x108;
	s8 =	sld [smem:$0x3FB6]  }
0x2e: {  	s3 =	simm.s32 @!p0 $0x1082;
	s9 =	sld [smem:$0x3FB7]  }
0x2f: {  	lr =	sadd.s32 s0, s3;
	s0 =	sld [smem:$0x3FAE]  }
0x30: {  	s3 =	sld [smem:$0x3FB1]  }
0x31: {  	[smem:$0x3FBA] =	sst s10  }
0x32: {  	s10 =	sld [smem:$0x3FB8];
	_ =	sdelay $0x3  }
0x33: {  	p0 =	seq.s32 s10, $0x1;
	s10 =	sld [smem:$0x3FBA];
	_ =	sdelay $0x3  }
0x34: {  	[smem:$0x3FBA] =	sst s10  }
0x35: {  	s10 =	sld [smem:$0x3FB9];
	_ =	sdelay $0x3  }
0x36: {  	p1 =	seq.s32 s10, $0x1;
	s10 =	sld [smem:$0x3FBA];
	_ =	sdelay $0x3  }
0x37: {  	[smem:$0x3FBA] =	sst s10  }
0x38: {  	s10 =	sld [smem:$0x3FBB]  }
0x39: {  	_ = 	snop;
	(pc) =	sbr.ind lr, $3  }
0x3a: {  	_ = 	snop  }
0x3b: {  	_ = 	snop  }
0x3c: {  	p2 =	seq.s32 s10, $0x1;
	s10 =	sld [smem:$0x3FBA]  }
0x3d: {  	_ =	shalt  }
0x3e: {  	_ =	shalt  }
0x3f: {  	_ =	shalt  }
0x40: {  	_ =	shalt  }
0x41: {  	_ =	shalt  }
0x42: {  	_ =	shalt  }
0x43: {  	_ =	shalt  }
0x44: {  	_ =	shalt  }
0x45: {  	_ =	shalt  }
0x46: {  	_ =	shalt  }
0x47: {  	_ =	shalt  }
0x48: {  	_ =	shalt  }
0x49: {  	_ =	shalt  }
0x4a: {  	_ =	shalt  }
0x4b: {  	_ =	shalt  }
0x4c: {  	_ =	shalt  }
0x4d: {  	_ =	shalt  }
0x4e: {  	_ =	shalt  }
0x4f: {  	_ =	shalt  }
0x50: {  	_ =	shalt  }
0x51: {  	_ =	shalt  }
0x52: {  	_ =	shalt  }
0x53: {  	_ =	shalt  }
0x54: {  	_ =	shalt  }
0x55: {  	_ =	shalt  }
0x56: {  	_ =	shalt  }
0x57: {  	_ =	shalt  }
0x58: {  	_ =	shalt  }
0x59: {  	_ =	shalt  }
0x5a: {  	_ =	shalt  }
0x5b: {  	_ =	shalt  }
0x5c: {  	_ =	shalt  }
0x5d: {  	_ =	shalt  }
0x5e: {  	_ =	shalt  }
0x5f: {  	_ =	shalt  }
0x60: {  	_ =	shalt  }
0x61: {  	_ =	shalt  }
0x62: {  	_ =	shalt  }
0x63: {  	_ =	shalt  }
0x64: {  	_ =	shalt  }
0x65: {  	_ =	shalt  }
0x66: {  	_ =	shalt  }
0x67: {  	_ =	shalt  }
0x68: {  	_ =	shalt  }
0x69: {  	_ =	shalt  }
0x6a: {  	_ =	shalt  }
0x6b: {  	_ =	shalt  }
0x6c: {  	_ =	shalt  }
0x6d: {  	_ =	shalt  }
0x6e: {  	_ =	shalt  }
0x6f: {  	_ =	shalt  }
0x70: {  	_ =	shalt  }
0x71: {  	_ =	shalt  }
0x72: {  	_ =	shalt  }
0x73: {  	_ =	shalt  }
0x74: {  	_ =	shalt  }
0x75: {  	_ =	shalt  }
0x76: {  	_ =	shalt  }
0x77: {  	_ =	shalt  }
0x78: {  	_ =	shalt  }
0x79: {  	_ =	shalt  }
0x7a: {  	_ =	shalt  }
0x7b: {  	_ =	shalt  }
0x7c: {  	_ =	shalt  }
0x7d: {  	_ =	shalt  }
0x7e: {  	_ =	shalt  }
0x7f: {  	_ =	shalt  }
0x80: {  	_ =	shalt  }
0x81: {  	_ =	shalt  }
0x82: {  	_ =	shalt  }
0x83: {  	_ =	shalt  }
0x84: {  	_ =	shalt  }
0x85: {  	_ =	shalt  }
0x86: {  	_ =	shalt  }
0x87: {  	_ =	shalt  }
.Lfunc_end0:
.L_simem_size_0:
called_computation_lowered:
.L_overlay_start_0:
0x88: {  	s2 =	sld [smem:$0x3FD9]  }
0x89: {  	s3 =	sld [smem:$0x3FFE];
	_ =	sdelay $0x1  }
0x8a: {  	s1 =	srdreg.scid  }
0x8b: {  	s0 =	sand.u32 $0x1, s1  }
0x8c: {  	s17 =	sshll.u32 s0, $0xA;
	s2 =	sadd.s32 s3, s2  }
0x8d: {  	s2 =	sadd.s32 s2, s17  }
0x8e: {  	[smem:$0x3FC6] =	sst s2  }
0x8f: {  	_ = 	snop  }
0x90: {  	s2 =	sld [smem:$0x3FD0];
	(tm) =	ssettm $0x1  }
0x91: {  	s18 =	sld [smem:$0x3FFB];
	_ =	sdelay $0x3  }
0x92: {  	_ =	strace s18  }
0x93: {  	s3 =	sld [smem:$0x3FFC];
	_ =	sdelay $0x3  }
0x94: {  	_ =	strace s3  }
0x95: {  	s3 =	sld [smem:$0x3FFD];
	_ =	sdelay $0x3  }
0x96: {  	_ =	strace s3  }
0x97: {  	_ =	strace $0x8FFFFFFF  }
0x98: {  	s19 =	sld [smem:$0x3FDB];
	_ =	sdelay $0x1  }
0x99: {  	s4 =	simm.s32 $_scs_section_size  }
0x9a: {  	s5 =	simm.s32 $_size__tile_overlayer_lowered;
	s6 =	simm.s32 $_tile_overlayer_lowered  }
0x9b: {  	s22 =	simm.s32 $0x1BFF;
	s21 =	sshll.u32 s6, $0x1;
	s3 =	sadd.s32 s4, s19  }
0x9c: {  	s7 =	simm.s32 $0x0;
	s20 =	sshll.u32 s5, $0x1;
	s5 =	sadd.s32 s21, s3  }
0x9d: {  	[timem:s7], [sflag:s22] =	dma.local [hbm:s5], s20  }
0x9e: {  	_ =	swait.ge [sflag:s22], s20  }
0x9f: {  	s4 =	ssub.s32 $0x0, s20;
	[sflag:s22] =	ssyncset.done $0x0  }
0xa0: {  	[sflag:s22] =	ssyncadd.s32 s4;
	_ =	sdelay $0x1  }
0xa1: {  	s23 =	simm.s32 $0x1B8B  }
0xa2: {  	_ =	swait.ge [sflag:s23], $0x1  }
0xa3: {  	[sflag:s23] =	ssyncset.done $0x0  }
0xa4: {  	s25 =	simm.s32 $0x1B8E;
	s24 =	sld [smem:$0x3FFE];
	[sflag:s23] =	ssyncadd.s32 $0xFFFFFFFF  }
0xa5: {  	s26 =	simm.s32 $execute0_lowered;
	[smem:$0x3FD2] =	sst s25  }
0xa6: {  	s5 =	sshll.u32 s26, $0x1;
	_ =	strace $0x80000046;
	[dreg:$0x1] =	wrdreg $0xFFFFFFFF  }
0xa7: {  	s28 =	simm.s32 $_size_execute0_lowered;
	s3 =	sadd.s32 s3, s5;
	[dreg:$0x0] =	wrdreg $0x0  }
0xa8: {  	s5 =	sshll.u32 s28, $0x1;
	[dreg:$0x2] =	wrdreg s3  }
0xa9: {  	[dreg:$0x3] =	wrdreg s5  }
0xaa: {  	[dreg:$0x4] =	wrdreg $0xC0  }
0xab: {  	_ =	task [dreg:s7], $0x5FFFF  }
0xac: {  	[dreg:$0x1] =	wrdreg $0xFFFFFFFF  }
0xad: {  	[dreg:$0x0] =	wrdreg $0x60  }
0xae: {  	[dreg:$0x2] =	wrdreg s24  }
0xaf: {  	[dreg:$0x3] =	wrdreg s2  }
0xb0: {  	[dreg:$0x4] =	wrdreg $0x9  }
0xb1: {  	_ =	task.clear_ibuf [dreg:s7], $0x5FFFF;
	_ =	strace $0x90000046  }
0xb2: {  	s29 =	simm.s32 $0x9;
	_ =	strace $0x80000048  }
0xb3: {  	_ =	swait.ge [sflag:s29], $0x1  }
0xb4: {  	[sflag:s29] =	ssyncadd.s32 $0xFFFFFFFF  }
0xb5: {  	_ =	strace $0x90000048  }
0xb6: {  	_ =	sfence  }
0xb7: {  	s30 =	sld [smem:$0x0];
	_ =	sdelay $0x2  }
0xb8: {  	s31 =	sshll.u32 s1, $0xD;
	s1 =	sshrl.u32 s1, $0x2  }
0xb9: {  	s3 =	sand.u32 $0x4000, s31;
	s1 =	sadd.s32 s1, s30  }
0xba: {  	s0 =	sor.u32 s3, s0;
	s1 =	sshll.u32 s1, $0x11  }
0xbb: {  	s0 =	sor.u32 s1, s0  }
0xbc: {  	s0 =	sadd.s32 $0x8F2B, s0  }
0xbd: {  	[sflag:s0] =	ssyncadd.remote.s32 $0x1  }
0xbe: {  	_ =	sfence.sel $0xFFFF  }
0xbf: {  	[dreg:$0x0] =	wrdreg $0xFFFFFFFF;
	(pc) =	sbr.abs _section_cstart, $3  }
0xc0: {  	[dreg:$0x1] =	wrdreg $0xFFFFFFFF  }
0xc1: {  	_ =	task.clear_ibuf [dreg:s7], $0x2FFFF;
	_ =	strace $0x9FFFFFFF  }
0xc2: {  	(tm) =	ssettm $0x7FFFFFFF  }
0xc3: {  	_ =	shalt  }
tec
execute0_lowered:
.L_overlay_start_1:
0x0: {  	(tag) =	ssettag $0x1  }
0x1: {  	s5 =	rddreg [dreg:$0x0]  }
0x2: {  	s9 =	rddreg [dreg:$0x1]  }
0x3: {  	s0 =	rddreg [dreg:$0x2]  }
0x4: {  	s3 =	srdreg.scid;
	s1 =	stileid.u32;
	s2 =	simm.s32 $0x0  }
0x5: {  	s14 =	simm.s32 $0x8620;
	s15 =	simm.s32 $0x1;
	s16 =	simm.s32 $0x2  }
0x6: {  	s17 =	simm.s32 $0x0;
	s6 =	sand.u32 $0x1, s3;
	s10 =	smul.u32 $0x600, s1  }
0x7: {  	s26 =	sshll.u32 s1, $0x1;
	[smem:$0x7FF] =	sst s2;
	s28 =	smul.u32 $0xC000, s1  }
0x8: {  	s4 =	sadd.s32 $0x1A00, s5;
	s3 =	sor.u32 s6, s26;
	s12 =	smul.u32 $0x300, s6  }
0x9: {  	_ =	strace $0x80000047;
	s8 =	ssub.s32 $0x2, s6;
	s13 =	smul.u32 $0x6000, s6  }
0xa: {  	v0 =	vlaneseq.u32;
	s7 =	smul.u32 $0x300, s3;
	s3 =	sadd.s32 $0x1800, s5;
	s11 =	sshrl.u32 s8, $0x1  }
0xb: {  	v0 =	vmul.u32 $0x100, v0;
	s30 =	sadd.s32 s28, s9;
	s8 =	ssub.s32 s8, s11;
	s29 =	sadd.s32 s12, s10  }
0xc: {  	v1 =	vimm.s32 $0x0;
	s10 =	simm.s32 $0x3;
	s11 =	simm.s32 $0x300;
	s7 =	sshrl.u32 s7, $0x3  }
0xd: {  	v2 =	vimm.f32 $0.0e+00;
	v10 =	vimm.f32 $1.000000000e+00;
	v3 =	vor.u32 $0x1000, v0;
	s12 =	simm.s32 $0x600;
	s31 =	sshll.u32 s29, $0x5;
	s5 =	sadd.s32 s5, s7  }
0xe: {  	v4 =	vor.u32 $0x2000, v0;
	v5 =	vor.u32 $0x3000, v0;
	v6 =	vor.u32 $0x4000, v0;
	s7 =	smax.u32 s8, $0x1;
	s8 =	sadd.s32 s13, s30;
	s9 =	sadd.s32 s31, s9  }
0xf: {  	v7 =	vor.u32 $0x5000, v0;
	v8 =	vor.u32 $0x6000, v0;
	v9 =	vor.u32 $0x7000, v0;
	s13 =	simm.s32 $0x620;
	s6 =	sadd.s32 $0xC00, s5;
	s9 =	sadd.s32 $0x1000, s9  }
.LBB2_1:
0x10: {  	[tilespmem:s2], [sflag:$0x3] =	stream.linear.gather [hbm4b:s6+s2], $0x300, $0x38;
	[tilespmem:$0x10720] =	vst v63  }
0x11: {  	_ =	swait.ge [sflag:s10], $0x300  }
0x12: {  	[sflag:s10] =	ssyncset.done $0x0  }
0x13: {  	[sflag:s10] =	ssyncadd.s32 $0xFFFFFD00  }
0x14: {  	[tilespmem:s11], [sflag:$0x3] =	stream.linear.gather [hbm4b:s5+s2], $0x300, $0x38;
	[tilespmem:$0x10720] =	vst v63  }
0x15: {  	_ =	swait.ge [sflag:s10], $0x300  }
0x16: {  	[sflag:s10] =	ssyncset.done $0x0  }
0x17: {  	[sflag:s10] =	ssyncadd.s32 $0xFFFFFD00  }
0x18: {  	[tilespmem:s12], [sflag:$0x3] =	stream.linear.gather [hbm4b:s3+s2], $0x20, $0x38;
	[tilespmem:$0x10720] =	vst v63  }
0x19: {  	_ =	swait.ge [sflag:s10], $0x20  }
0x1a: {  	[sflag:s10] =	ssyncset.done $0x0  }
0x1b: {  	[sflag:s10] =	ssyncadd.s32 $0xFFFFFFE0  }
0x1c: {  	[tilespmem:s13], [sflag:$0x3] =	stream.linear.gather [hbm4b:s4+s2], $0x8000, $0x38;
	[tilespmem:$0x10720] =	vst v63  }
0x1d: {  	_ =	swait.ge [sflag:s10], $0x8000  }
0x1e: {  	[sflag:s10] =	ssyncset.done $0x0  }
0x1f: {  	[sflag:s10] =	ssyncadd.s32 $0xFFFF8000  }
0x20: {  	[tilespmem:s14], [sflag:$0x3] =	stream.linear.gather [hbm4b:s4+s2], $0x8000, $0x38;
	[tilespmem:$0x10720] =	vst v63  }
0x21: {  	_ =	swait.ge [sflag:s10], $0x8000  }
0x22: {  	[sflag:s10] =	ssyncset.done $0x0  }
0x23: {  	[sflag:s10] =	ssyncadd.s32 $0xFFFF8000  }
0x24: {  	v39 =	vld [tilespmem:$0x600]  }
0x25: {  	v40 =	vld [tilespmem:$0x610];
	_ =	sdelay $0x3  }
0x26: {  	[tilespmem:$0x10620] =	vst v1  }
0x27: {  	[tilespmem:$0x106A0] =	vst v1;
	v11 =	vbroadcast v39, $0x0;
	v12 =	vbroadcast v40, $0x0  }
0x28: {  	[tilespmem:$0x10630] =	vst v1;
	v13 =	vbroadcast v39, $0x1;
	v14 =	vbroadcast v40, $0x1  }
0x29: {  	[tilespmem:$0x106B0] =	vst v1;
	v15 =	vbroadcast v39, $0x2;
	v16 =	vbroadcast v40, $0x2  }
0x2a: {  	[tilespmem:$0x10640] =	vst v1;
	v17 =	vbroadcast v39, $0x3;
	v18 =	vbroadcast v40, $0x3  }
0x2b: {  	[tilespmem:$0x106C0] =	vst v1;
	v19 =	vbroadcast v39, $0x4;
	v20 =	vbroadcast v40, $0x4  }
0x2c: {  	[tilespmem:$0x10650] =	vst v1;
	v21 =	vbroadcast v39, $0x5;
	v22 =	vbroadcast v40, $0x5  }
0x2d: {  	[tilespmem:$0x106D0] =	vst v1;
	v23 =	vbroadcast v39, $0x6;
	v24 =	vbroadcast v40, $0x6  }
0x2e: {  	[tilespmem:$0x10660] =	vst v1;
	v25 =	vbroadcast v39, $0x7;
	v26 =	vbroadcast v40, $0x7  }
0x2f: {  	[tilespmem:$0x106E0] =	vst v1;
	v27 =	vbroadcast v39, $0x8;
	v28 =	vbroadcast v40, $0x8  }
0x30: {  	[tilespmem:$0x10670] =	vst v1;
	v29 =	vbroadcast v39, $0x9;
	v30 =	vbroadcast v40, $0x9  }
0x31: {  	[tilespmem:$0x106F0] =	vst v1;
	v31 =	vbroadcast v39, $0xA;
	v32 =	vbroadcast v40, $0xA  }
0x32: {  	[tilespmem:$0x10680] =	vst v1;
	v33 =	vbroadcast v39, $0xB;
	v34 =	vbroadcast v40, $0xB  }
0x33: {  	[tilespmem:$0x10700] =	vst v1;
	v35 =	vbroadcast v39, $0xC;
	v36 =	vbroadcast v40, $0xC  }
0x34: {  	[tilespmem:$0x10690] =	vst v1;
	v37 =	vbroadcast v39, $0xD;
	v38 =	vbroadcast v40, $0xD  }
0x35: {  	s18 =	smov.u32 s9;
	s19 =	smov.u32 s8;
	s20 =	simm.s32 $0x0;
	[tilespmem:$0x10710] =	vst v1;
	v39 =	vbroadcast v39, $0xE;
	v40 =	vbroadcast v40, $0xE  }
.LBB2_2:
0x36: {  	p0 =	seq.s32 s20, $0x0  }
0x37: {  	s21 =	simm.s32 @!p0 $0x1  }
0x38: {  	_ =	swait.ge @!p0 [sflag:s21], $0x8000  }
0x39: {  	[sflag:s21] =	ssyncset.done @!p0 $0x0  }
0x3a: {  	[sflag:s21] =	ssyncadd.s32 @!p0 $0xFFFF8000  }
0x3b: {  	v41 =	vld [tilespmem:$0x10620];
	_ =	sdelay $0x4  }
0x3c: {  	v41 =	vadd.s32 v0, v41;
	_ =	sdelay $0x4  }
0x3d: {  	[tilespmem:v41+s13+$0x0] =	vst.idx.msk $0xffff, v2  }
0x3e: {  	v41 =	vld [tilespmem:$0x10630];
	_ =	sdelay $0x4  }
0x3f: {  	v41 =	vadd.s32 v3, v41;
	_ =	sdelay $0x4  }
0x40: {  	[tilespmem:v41+s13+$0x0] =	vst.idx.msk $0xffff, v2  }
0x41: {  	v41 =	vld [tilespmem:$0x10640];
	_ =	sdelay $0x4  }
0x42: {  	v41 =	vadd.s32 v4, v41;
	_ =	sdelay $0x4  }
0x43: {  	[tilespmem:v41+s13+$0x0] =	vst.idx.msk $0xffff, v2  }
0x44: {  	v41 =	vld [tilespmem:$0x10650];
	_ =	sdelay $0x4  }
0x45: {  	v41 =	vadd.s32 v5, v41;
	_ =	sdelay $0x4  }
0x46: {  	[tilespmem:v41+s13+$0x0] =	vst.idx.msk $0xffff, v2  }
0x47: {  	v41 =	vld [tilespmem:$0x10660];
	_ =	sdelay $0x4  }
0x48: {  	v41 =	vadd.s32 v6, v41;
	_ =	sdelay $0x4  }
0x49: {  	[tilespmem:v41+s13+$0x0] =	vst.idx.msk $0xffff, v2  }
0x4a: {  	v41 =	vld [tilespmem:$0x10670];
	_ =	sdelay $0x4  }
0x4b: {  	v41 =	vadd.s32 v7, v41;
	_ =	sdelay $0x4  }
0x4c: {  	[tilespmem:v41+s13+$0x0] =	vst.idx.msk $0xffff, v2  }
0x4d: {  	v41 =	vld [tilespmem:$0x10680];
	_ =	sdelay $0x4  }
0x4e: {  	v41 =	vadd.s32 v8, v41;
	_ =	sdelay $0x4  }
0x4f: {  	[tilespmem:v41+s13+$0x0] =	vst.idx.msk $0xffff, v2  }
0x50: {  	v41 =	vld [tilespmem:$0x10690];
	_ =	sdelay $0x4  }
0x51: {  	v41 =	vadd.s32 v9, v41;
	_ =	sdelay $0x4  }
0x52: {  	s31 =	sshra.s32 s20, $0x2;
	[tilespmem:v41+s13+$0x0] =	vst.idx.msk $0xffff, v2  }
0x53: {  	v41 =	vld [tilespmem:s31+$0x0]  }
0x54: {  	v42 =	vld [tilespmem:s31+$0x300];
	_ =	sdelay $0x4  }
0x55: {  	vm0 =	vgt.f32 v41, v11;
	vm1 =	vgt.f32 v42, v12;
	vm2 =	vgt.f32 v41, v13  }
0x56: {  	vm7 =	vgt.f32 v42, v14;
	vm8 =	vgt.f32 v41, v15;
	vm9 =	vgt.f32 v42, v16  }
0x57: {  	vm10 =	vgt.f32 v41, v17;
	vm11 =	vgt.f32 v42, v18;
	vm12 =	vgt.f32 v41, v19  }
0x58: {  	vm13 =	vgt.f32 v42, v20;
	vm14 =	vgt.f32 v41, v21;
	vm15 =	vgt.f32 v42, v22  }
0x59: {  	vm4 =	vgt.f32 v41, v23;
	vm5 =	vgt.f32 v42, v24;
	vm6 =	vgt.f32 v41, v25  }
0x5a: {  	v43 =	vsel vm0, $0x1, v1;
	v44 =	vsel vm1, $0x1, v1;
	v45 =	vsel vm2, $0x1, v1  }
0x5b: {  	v50 =	vsel vm7, $0x1, v1;
	v46 =	vsel vm8, $0x1, v1;
	v51 =	vsel vm9, $0x1, v1  }
0x5c: {  	v52 =	vsel vm10, $0x1, v1;
	v53 =	vsel vm11, $0x1, v1;
	v54 =	vsel vm12, $0x1, v1  }
0x5d: {  	v55 =	vsel vm13, $0x1, v1;
	v56 =	vsel vm14, $0x1, v1;
	v57 =	vsel vm15, $0x1, v1  }
0x5e: {  	v58 =	vsel vm4, $0x1, v1;
	v59 =	vsel vm5, $0x1, v1;
	v60 =	vsel vm6, $0x1, v1  }
0x5f: {  	vm7 =	vgt.f32 v42, v26;
	vm8 =	vgt.f32 v41, v27;
	vm9 =	vgt.f32 v42, v28  }
0x60: {  	vm10 =	vgt.f32 v41, v29;
	vm11 =	vgt.f32 v42, v30;
	vm12 =	vgt.f32 v41, v31  }
0x61: {  	vm13 =	vgt.f32 v42, v32;
	vm14 =	vgt.f32 v41, v33;
	vm15 =	vgt.f32 v42, v34  }
0x62: {  	vm4 =	vgt.f32 v41, v35;
	vm5 =	vgt.f32 v42, v36;
	vm6 =	vgt.f32 v41, v37  }
0x63: {  	v43 =	vadd.s32 v45, v43;
	v44 =	vadd.s32 v50, v44;
	v61 =	vsel vm7, $0x1, v1  }
0x64: {  	v62 =	vsel vm8, $0x1, v1;
	v63 =	vsel vm9, $0x1, v1;
	v48 =	vsel vm10, $0x1, v1  }
0x65: {  	v49 =	vsel vm11, $0x1, v1;
	v50 =	vsel vm12, $0x1, v1;
	v43 =	vadd.s32 v46, v43  }
0x66: {  	vm7 =	vgt.f32 v42, v38;
	v44 =	vadd.s32 v51, v44;
	v43 =	vadd.s32 v52, v43  }
0x67: {  	vm8 =	vgt.f32 v41, v39;
	v44 =	vadd.s32 v53, v44;
	v43 =	vadd.s32 v54, v43  }
0x68: {  	vm9 =	vgt.f32 v42, v40;
	v44 =	vadd.s32 v55, v44;
	v43 =	vadd.s32 v56, v43  }
0x69: {  	v51 =	vsel vm13, $0x1, v1;
	v44 =	vadd.s32 v57, v44;
	v43 =	vadd.s32 v58, v43  }
0x6a: {  	v52 =	vsel vm14, $0x1, v1;
	v44 =	vadd.s32 v59, v44;
	v43 =	vadd.s32 v60, v43  }
0x6b: {  	v53 =	vsel vm15, $0x1, v1;
	v44 =	vadd.s32 v61, v44;
	v43 =	vadd.s32 v62, v43  }
0x6c: {  	v54 =	vsel vm4, $0x1, v1;
	v44 =	vadd.s32 v63, v44;
	v43 =	vadd.s32 v48, v43  }
0x6d: {  	v55 =	vsel vm5, $0x1, v1;
	v44 =	vadd.s32 v49, v44;
	v43 =	vadd.s32 v50, v43  }
0x6e: {  	v56 =	vsel vm6, $0x1, v1;
	v44 =	vadd.s32 v51, v44;
	v43 =	vadd.s32 v52, v43  }
0x6f: {  	v57 =	vsel vm7, $0x1, v1;
	v44 =	vadd.s32 v53, v44;
	v43 =	vadd.s32 v54, v43  }
0x70: {  	v58 =	vsel vm8, $0x1, v1;
	v44 =	vadd.s32 v55, v44;
	v43 =	vadd.s32 v56, v43  }
0x71: {  	v60 =	vsel vm9, $0x1, v1;
	v41 =	vadd.s32 v57, v44;
	v59 =	vadd.s32 v58, v43  }
0x72: {  	v41 =	vadd.s32 v60, v41;
	v42 =	vshll.u32 v59, $0x4  }
0x73: {  	v42 =	vadd.s32 v41, v42  }
0x74: {  	v41 =	vand.u32 $0x7, v41;
	v61 =	vand.u32 $0xFFFFFFF8, v42  }
0x75: {  	v41 =	vor.u32 v41, v61  }
0x76: {  	v41 =	vadd.s32 v0, v41;
	_ =	sdelay $0x4  }
0x77: {  	[tilespmem:v41+s13+$0x0] =	vst.idx.msk $0xffff, v10  }
0x78: {  	[tilespmem:$0x10620] =	vst v42  }
0x79: {  	v41 =	vld [tilespmem:s31+$0x10]  }
0x7a: {  	v42 =	vld [tilespmem:s31+$0x310];
	_ =	sdelay $0x4  }
0x7b: {  	vm10 =	vgt.f32 v41, v11;
	vm11 =	vgt.f32 v42, v12;
	vm12 =	vgt.f32 v41, v13  }
0x7c: {  	vm13 =	vgt.f32 v42, v14;
	vm14 =	vgt.f32 v41, v15;
	vm15 =	vgt.f32 v42, v16  }
0x7d: {  	vm4 =	vgt.f32 v41, v17;
	vm5 =	vgt.f32 v42, v18;
	vm6 =	vgt.f32 v41, v19  }
0x7e: {  	vm7 =	vgt.f32 v42, v20;
	vm8 =	vgt.f32 v41, v21;
	vm9 =	vgt.f32 v42, v22  }
0x7f: {  	v62 =	vsel vm10, $0x1, v1;
	v63 =	vsel vm11, $0x1, v1;
	v48 =	vsel vm12, $0x1, v1  }
0x80: {  	v49 =	vsel vm13, $0x1, v1;
	v50 =	vsel vm14, $0x1, v1;
	v51 =	vsel vm15, $0x1, v1  }
0x81: {  	v52 =	vsel vm4, $0x1, v1;
	v53 =	vsel vm5, $0x1, v1;
	v54 =	vsel vm6, $0x1, v1  }
0x82: {  	v55 =	vsel vm7, $0x1, v1;
	v56 =	vsel vm8, $0x1, v1;
	v57 =	vsel vm9, $0x1, v1  }
0x83: {  	vm10 =	vgt.f32 v41, v23;
	vm11 =	vgt.f32 v42, v24;
	vm12 =	vgt.f32 v41, v25  }
0x84: {  	vm13 =	vgt.f32 v42, v26;
	vm14 =	vgt.f32 v41, v27;
	vm15 =	vgt.f32 v42, v28  }
0x85: {  	vm4 =	vgt.f32 v41, v29;
	vm5 =	vgt.f32 v42, v30;
	vm6 =	vgt.f32 v41, v31  }
0x86: {  	vm7 =	vgt.f32 v42, v32;
	vm8 =	vgt.f32 v41, v33;
	vm9 =	vgt.f32 v42, v34  }
0x87: {  	v43 =	vadd.s32 v48, v62;
	v44 =	vadd.s32 v49, v63;
	v58 =	vsel vm10, $0x1, v1  }
0x88: {  	v59 =	vsel vm11, $0x1, v1;
	v60 =	vsel vm12, $0x1, v1;
	v61 =	vsel vm13, $0x1, v1  }
0x89: {  	v62 =	vsel vm14, $0x1, v1;
	v63 =	vsel vm15, $0x1, v1;
	v48 =	vsel vm4, $0x1, v1  }
0x8a: {  	v49 =	vsel vm5, $0x1, v1;
	vm10 =	vgt.f32 v41, v35;
	vm11 =	vgt.f32 v42, v36  }
0x8b: {  	vm12 =	vgt.f32 v41, v37;
	vm13 =	vgt.f32 v42, v38;
	v43 =	vadd.s32 v50, v43  }
0x8c: {  	vm14 =	vgt.f32 v41, v39;
	v44 =	vadd.s32 v51, v44;
	v43 =	vadd.s32 v52, v43  }
0x8d: {  	vm15 =	vgt.f32 v42, v40;
	v44 =	vadd.s32 v53, v44;
	v43 =	vadd.s32 v54, v43  }
0x8e: {  	v50 =	vsel vm6, $0x1, v1;
	v44 =	vadd.s32 v55, v44;
	v43 =	vadd.s32 v56, v43  }
0x8f: {  	v51 =	vsel vm7, $0x1, v1;
	v44 =	vadd.s32 v57, v44;
	v43 =	vadd.s32 v58, v43  }
0x90: {  	v52 =	vsel vm8, $0x1, v1;
	v44 =	vadd.s32 v59, v44;
	v43 =	vadd.s32 v60, v43  }
0x91: {  	v53 =	vsel vm9, $0x1, v1;
	v44 =	vadd.s32 v61, v44;
	v43 =	vadd.s32 v62, v43  }
0x92: {  	v54 =	vsel vm10, $0x1, v1;
	v44 =	vadd.s32 v63, v44;
	v43 =	vadd.s32 v48, v43  }
0x93: {  	v55 =	vsel vm11, $0x1, v1;
	v44 =	vadd.s32 v49, v44;
	v43 =	vadd.s32 v50, v43  }
0x94: {  	v56 =	vsel vm12, $0x1, v1;
	v44 =	vadd.s32 v51, v44;
	v43 =	vadd.s32 v52, v43  }
0x95: {  	v57 =	vsel vm13, $0x1, v1;
	v44 =	vadd.s32 v53, v44;
	v43 =	vadd.s32 v54, v43  }
0x96: {  	v58 =	vsel vm14, $0x1, v1;
	v44 =	vadd.s32 v55, v44;
	v43 =	vadd.s32 v56, v43  }
0x97: {  	v60 =	vsel vm15, $0x1, v1;
	v41 =	vadd.s32 v57, v44;
	v59 =	vadd.s32 v58, v43  }
0x98: {  	v41 =	vadd.s32 v60, v41;
	v42 =	vshll.u32 v59, $0x4  }
0x99: {  	v42 =	vadd.s32 v41, v42  }
0x9a: {  	v41 =	vand.u32 $0x7, v41;
	v61 =	vand.u32 $0xFFFFFFF8, v42  }
0x9b: {  	v41 =	vor.u32 v41, v61  }
0x9c: {  	v41 =	vadd.s32 v3, v41;
	_ =	sdelay $0x4  }
0x9d: {  	[tilespmem:v41+s13+$0x0] =	vst.idx.msk $0xffff, v10  }
0x9e: {  	[tilespmem:$0x10630] =	vst v42  }
0x9f: {  	v41 =	vld [tilespmem:s31+$0x20]  }
0xa0: {  	v42 =	vld [tilespmem:s31+$0x320];
	_ =	sdelay $0x4  }
0xa1: {  	vm4 =	vgt.f32 v41, v11;
	vm5 =	vgt.f32 v42, v12;
	vm6 =	vgt.f32 v41, v13  }
0xa2: {  	vm7 =	vgt.f32 v42, v14;
	vm8 =	vgt.f32 v41, v15;
	vm9 =	vgt.f32 v42, v16  }
0xa3: {  	vm10 =	vgt.f32 v41, v17;
	vm11 =	vgt.f32 v42, v18;
	vm12 =	vgt.f32 v41, v19  }
0xa4: {  	vm13 =	vgt.f32 v42, v20;
	vm14 =	vgt.f32 v41, v21;
	vm15 =	vgt.f32 v42, v22  }
0xa5: {  	v62 =	vsel vm4, $0x1, v1;
	v63 =	vsel vm5, $0x1, v1;
	v48 =	vsel vm6, $0x1, v1  }
0xa6: {  	v49 =	vsel vm7, $0x1, v1;
	v50 =	vsel vm8, $0x1, v1;
	v51 =	vsel vm9, $0x1, v1  }
0xa7: {  	v52 =	vsel vm10, $0x1, v1;
	v53 =	vsel vm11, $0x1, v1;
	v54 =	vsel vm12, $0x1, v1  }
0xa8: {  	v55 =	vsel vm13, $0x1, v1;
	v56 =	vsel vm14, $0x1, v1;
	v57 =	vsel vm15, $0x1, v1  }
0xa9: {  	vm4 =	vgt.f32 v41, v23;
	vm5 =	vgt.f32 v42, v24;
	vm6 =	vgt.f32 v41, v25  }
0xaa: {  	vm7 =	vgt.f32 v42, v26;
	vm8 =	vgt.f32 v41, v27;
	vm9 =	vgt.f32 v42, v28  }
0xab: {  	vm10 =	vgt.f32 v41, v29;
	vm11 =	vgt.f32 v42, v30;
	vm12 =	vgt.f32 v41, v31  }
0xac: {  	vm13 =	vgt.f32 v42, v32;
	vm14 =	vgt.f32 v41, v33;
	vm15 =	vgt.f32 v42, v34  }
0xad: {  	v43 =	vadd.s32 v48, v62;
	v44 =	vadd.s32 v49, v63;
	v58 =	vsel vm4, $0x1, v1  }
0xae: {  	v59 =	vsel vm5, $0x1, v1;
	v60 =	vsel vm6, $0x1, v1;
	v61 =	vsel vm7, $0x1, v1  }
0xaf: {  	v62 =	vsel vm8, $0x1, v1;
	v63 =	vsel vm9, $0x1, v1;
	v48 =	vsel vm10, $0x1, v1  }
0xb0: {  	v49 =	vsel vm11, $0x1, v1;
	vm4 =	vgt.f32 v41, v35;
	vm5 =	vgt.f32 v42, v36  }
0xb1: {  	vm6 =	vgt.f32 v41, v37;
	vm7 =	vgt.f32 v42, v38;
	v43 =	vadd.s32 v50, v43  }
0xb2: {  	vm8 =	vgt.f32 v41, v39;
	v44 =	vadd.s32 v51, v44;
	v43 =	vadd.s32 v52, v43  }
0xb3: {  	vm9 =	vgt.f32 v42, v40;
	v44 =	vadd.s32 v53, v44;
	v43 =	vadd.s32 v54, v43  }
0xb4: {  	v50 =	vsel vm12, $0x1, v1;
	v44 =	vadd.s32 v55, v44;
	v43 =	vadd.s32 v56, v43  }
0xb5: {  	v51 =	vsel vm13, $0x1, v1;
	v44 =	vadd.s32 v57, v44;
	v43 =	vadd.s32 v58, v43  }
0xb6: {  	v52 =	vsel vm14, $0x1, v1;
	v44 =	vadd.s32 v59, v44;
	v43 =	vadd.s32 v60, v43  }
0xb7: {  	v53 =	vsel vm15, $0x1, v1;
	v44 =	vadd.s32 v61, v44;
	v43 =	vadd.s32 v62, v43  }
0xb8: {  	v54 =	vsel vm4, $0x1, v1;
	v44 =	vadd.s32 v63, v44;
	v43 =	vadd.s32 v48, v43  }
0xb9: {  	v55 =	vsel vm5, $0x1, v1;
	v44 =	vadd.s32 v49, v44;
	v43 =	vadd.s32 v50, v43  }
0xba: {  	v56 =	vsel vm6, $0x1, v1;
	v44 =	vadd.s32 v51, v44;
	v43 =	vadd.s32 v52, v43  }
0xbb: {  	v57 =	vsel vm7, $0x1, v1;
	v44 =	vadd.s32 v53, v44;
	v43 =	vadd.s32 v54, v43  }
0xbc: {  	v58 =	vsel vm8, $0x1, v1;
	v44 =	vadd.s32 v55, v44;
	v43 =	vadd.s32 v56, v43  }
0xbd: {  	v60 =	vsel vm9, $0x1, v1;
	v41 =	vadd.s32 v57, v44;
	v59 =	vadd.s32 v58, v43  }
0xbe: {  	v41 =	vadd.s32 v60, v41;
	v42 =	vshll.u32 v59, $0x4  }
0xbf: {  	v42 =	vadd.s32 v41, v42  }
0xc0: {  	v41 =	vand.u32 $0x7, v41;
	v61 =	vand.u32 $0xFFFFFFF8, v42  }
0xc1: {  	v41 =	vor.u32 v41, v61  }
0xc2: {  	v41 =	vadd.s32 v4, v41;
	_ =	sdelay $0x4  }
0xc3: {  	[tilespmem:v41+s13+$0x0] =	vst.idx.msk $0xffff, v10  }
0xc4: {  	[tilespmem:$0x10640] =	vst v42  }
0xc5: {  	v41 =	vld [tilespmem:s31+$0x30]  }
0xc6: {  	v42 =	vld [tilespmem:s31+$0x330];
	_ =	sdelay $0x4  }
0xc7: {  	vm10 =	vgt.f32 v41, v11;
	vm11 =	vgt.f32 v42, v12;
	vm12 =	vgt.f32 v41, v13  }
0xc8: {  	vm13 =	vgt.f32 v42, v14;
	vm14 =	vgt.f32 v41, v15;
	vm15 =	vgt.f32 v42, v16  }
0xc9: {  	vm4 =	vgt.f32 v41, v17;
	vm5 =	vgt.f32 v42, v18;
	vm6 =	vgt.f32 v41, v19  }
0xca: {  	vm7 =	vgt.f32 v42, v20;
	vm8 =	vgt.f32 v41, v21;
	vm9 =	vgt.f32 v42, v22  }
0xcb: {  	v62 =	vsel vm10, $0x1, v1;
	v63 =	vsel vm11, $0x1, v1;
	v48 =	vsel vm12, $0x1, v1  }
0xcc: {  	v49 =	vsel vm13, $0x1, v1;
	v50 =	vsel vm14, $0x1, v1;
	v51 =	vsel vm15, $0x1, v1  }
0xcd: {  	v52 =	vsel vm4, $0x1, v1;
	v53 =	vsel vm5, $0x1, v1;
	v54 =	vsel vm6, $0x1, v1  }
0xce: {  	v55 =	vsel vm7, $0x1, v1;
	v56 =	vsel vm8, $0x1, v1;
	v57 =	vsel vm9, $0x1, v1  }
0xcf: {  	vm10 =	vgt.f32 v41, v23;
	vm11 =	vgt.f32 v42, v24;
	vm12 =	vgt.f32 v41, v25  }
0xd0: {  	vm13 =	vgt.f32 v42, v26;
	vm14 =	vgt.f32 v41, v27;
	vm15 =	vgt.f32 v42, v28  }
0xd1: {  	vm4 =	vgt.f32 v41, v29;
	vm5 =	vgt.f32 v42, v30;
	vm6 =	vgt.f32 v41, v31  }
0xd2: {  	vm7 =	vgt.f32 v42, v32;
	vm8 =	vgt.f32 v41, v33;
	vm9 =	vgt.f32 v42, v34  }
0xd3: {  	v43 =	vadd.s32 v48, v62;
	v44 =	vadd.s32 v49, v63;
	v58 =	vsel vm10, $0x1, v1  }
0xd4: {  	v59 =	vsel vm11, $0x1, v1;
	v60 =	vsel vm12, $0x1, v1;
	v61 =	vsel vm13, $0x1, v1  }
0xd5: {  	v62 =	vsel vm14, $0x1, v1;
	v63 =	vsel vm15, $0x1, v1;
	v48 =	vsel vm4, $0x1, v1  }
0xd6: {  	v49 =	vsel vm5, $0x1, v1;
	vm10 =	vgt.f32 v41, v35;
	vm11 =	vgt.f32 v42, v36  }
0xd7: {  	vm12 =	vgt.f32 v41, v37;
	vm13 =	vgt.f32 v42, v38;
	v43 =	vadd.s32 v50, v43  }
0xd8: {  	vm14 =	vgt.f32 v41, v39;
	v44 =	vadd.s32 v51, v44;
	v43 =	vadd.s32 v52, v43  }
0xd9: {  	vm15 =	vgt.f32 v42, v40;
	v44 =	vadd.s32 v53, v44;
	v43 =	vadd.s32 v54, v43  }
0xda: {  	v50 =	vsel vm6, $0x1, v1;
	v44 =	vadd.s32 v55, v44;
	v43 =	vadd.s32 v56, v43  }
0xdb: {  	v51 =	vsel vm7, $0x1, v1;
	v44 =	vadd.s32 v57, v44;
	v43 =	vadd.s32 v58, v43  }
0xdc: {  	v52 =	vsel vm8, $0x1, v1;
	v44 =	vadd.s32 v59, v44;
	v43 =	vadd.s32 v60, v43  }
0xdd: {  	v53 =	vsel vm9, $0x1, v1;
	v44 =	vadd.s32 v61, v44;
	v43 =	vadd.s32 v62, v43  }
0xde: {  	v54 =	vsel vm10, $0x1, v1;
	v44 =	vadd.s32 v63, v44;
	v43 =	vadd.s32 v48, v43  }
0xdf: {  	v55 =	vsel vm11, $0x1, v1;
	v44 =	vadd.s32 v49, v44;
	v43 =	vadd.s32 v50, v43  }
0xe0: {  	v56 =	vsel vm12, $0x1, v1;
	v44 =	vadd.s32 v51, v44;
	v43 =	vadd.s32 v52, v43  }
0xe1: {  	v57 =	vsel vm13, $0x1, v1;
	v44 =	vadd.s32 v53, v44;
	v43 =	vadd.s32 v54, v43  }
0xe2: {  	v58 =	vsel vm14, $0x1, v1;
	v44 =	vadd.s32 v55, v44;
	v43 =	vadd.s32 v56, v43  }
0xe3: {  	v60 =	vsel vm15, $0x1, v1;
	v41 =	vadd.s32 v57, v44;
	v59 =	vadd.s32 v58, v43  }
0xe4: {  	v41 =	vadd.s32 v60, v41;
	v42 =	vshll.u32 v59, $0x4  }
0xe5: {  	v42 =	vadd.s32 v41, v42  }
0xe6: {  	v41 =	vand.u32 $0x7, v41;
	v61 =	vand.u32 $0xFFFFFFF8, v42  }
0xe7: {  	v41 =	vor.u32 v41, v61  }
0xe8: {  	v41 =	vadd.s32 v5, v41;
	_ =	sdelay $0x4  }
0xe9: {  	[tilespmem:v41+s13+$0x0] =	vst.idx.msk $0xffff, v10  }
0xea: {  	[tilespmem:$0x10650] =	vst v42  }
0xeb: {  	v41 =	vld [tilespmem:s31+$0x40]  }
0xec: {  	v42 =	vld [tilespmem:s31+$0x340];
	_ =	sdelay $0x4  }
0xed: {  	vm4 =	vgt.f32 v41, v11;
	vm5 =	vgt.f32 v42, v12;
	vm6 =	vgt.f32 v41, v13  }
0xee: {  	vm7 =	vgt.f32 v42, v14;
	vm8 =	vgt.f32 v41, v15;
	vm9 =	vgt.f32 v42, v16  }
0xef: {  	vm10 =	vgt.f32 v41, v17;
	vm11 =	vgt.f32 v42, v18;
	vm12 =	vgt.f32 v41, v19  }
0xf0: {  	vm13 =	vgt.f32 v42, v20;
	vm14 =	vgt.f32 v41, v21;
	vm15 =	vgt.f32 v42, v22  }
0xf1: {  	v62 =	vsel vm4, $0x1, v1;
	v63 =	vsel vm5, $0x1, v1;
	v48 =	vsel vm6, $0x1, v1  }
0xf2: {  	v49 =	vsel vm7, $0x1, v1;
	v50 =	vsel vm8, $0x1, v1;
	v51 =	vsel vm9, $0x1, v1  }
0xf3: {  	v52 =	vsel vm10, $0x1, v1;
	v53 =	vsel vm11, $0x1, v1;
	v54 =	vsel vm12, $0x1, v1  }
0xf4: {  	v55 =	vsel vm13, $0x1, v1;
	v56 =	vsel vm14, $0x1, v1;
	v57 =	vsel vm15, $0x1, v1  }
0xf5: {  	vm4 =	vgt.f32 v41, v23;
	vm5 =	vgt.f32 v42, v24;
	vm6 =	vgt.f32 v41, v25  }
0xf6: {  	vm7 =	vgt.f32 v42, v26;
	vm8 =	vgt.f32 v41, v27;
	vm9 =	vgt.f32 v42, v28  }
0xf7: {  	vm10 =	vgt.f32 v41, v29;
	vm11 =	vgt.f32 v42, v30;
	vm12 =	vgt.f32 v41, v31  }
0xf8: {  	vm13 =	vgt.f32 v42, v32;
	vm14 =	vgt.f32 v41, v33;
	vm15 =	vgt.f32 v42, v34  }
0xf9: {  	v43 =	vadd.s32 v48, v62;
	v44 =	vadd.s32 v49, v63;
	v58 =	vsel vm4, $0x1, v1  }
0xfa: {  	v59 =	vsel vm5, $0x1, v1;
	v60 =	vsel vm6, $0x1, v1;
	v61 =	vsel vm7, $0x1, v1  }
0xfb: {  	v62 =	vsel vm8, $0x1, v1;
	v63 =	vsel vm9, $0x1, v1;
	v48 =	vsel vm10, $0x1, v1  }
0xfc: {  	v49 =	vsel vm11, $0x1, v1;
	vm4 =	vgt.f32 v41, v35;
	vm5 =	vgt.f32 v42, v36  }
0xfd: {  	vm6 =	vgt.f32 v41, v37;
	vm7 =	vgt.f32 v42, v38;
	v43 =	vadd.s32 v50, v43  }
0xfe: {  	vm8 =	vgt.f32 v41, v39;
	v44 =	vadd.s32 v51, v44;
	v43 =	vadd.s32 v52, v43  }
0xff: {  	vm9 =	vgt.f32 v42, v40;
	v44 =	vadd.s32 v53, v44;
	v43 =	vadd.s32 v54, v43  }
0x100: {  	v50 =	vsel vm12, $0x1, v1;
	v44 =	vadd.s32 v55, v44;
	v43 =	vadd.s32 v56, v43  }
0x101: {  	v51 =	vsel vm13, $0x1, v1;
	v44 =	vadd.s32 v57, v44;
	v43 =	vadd.s32 v58, v43  }
0x102: {  	v52 =	vsel vm14, $0x1, v1;
	v44 =	vadd.s32 v59, v44;
	v43 =	vadd.s32 v60, v43  }
0x103: {  	v53 =	vsel vm15, $0x1, v1;
	v44 =	vadd.s32 v61, v44;
	v43 =	vadd.s32 v62, v43  }
0x104: {  	v54 =	vsel vm4, $0x1, v1;
	v44 =	vadd.s32 v63, v44;
	v43 =	vadd.s32 v48, v43  }
0x105: {  	v55 =	vsel vm5, $0x1, v1;
	v44 =	vadd.s32 v49, v44;
	v43 =	vadd.s32 v50, v43  }
0x106: {  	v56 =	vsel vm6, $0x1, v1;
	v44 =	vadd.s32 v51, v44;
	v43 =	vadd.s32 v52, v43  }
0x107: {  	v57 =	vsel vm7, $0x1, v1;
	v44 =	vadd.s32 v53, v44;
	v43 =	vadd.s32 v54, v43  }
0x108: {  	v58 =	vsel vm8, $0x1, v1;
	v44 =	vadd.s32 v55, v44;
	v43 =	vadd.s32 v56, v43  }
0x109: {  	v60 =	vsel vm9, $0x1, v1;
	v41 =	vadd.s32 v57, v44;
	v59 =	vadd.s32 v58, v43  }
0x10a: {  	v41 =	vadd.s32 v60, v41;
	v42 =	vshll.u32 v59, $0x4  }
0x10b: {  	v42 =	vadd.s32 v41, v42  }
0x10c: {  	v41 =	vand.u32 $0x7, v41;
	v61 =	vand.u32 $0xFFFFFFF8, v42  }
0x10d: {  	v41 =	vor.u32 v41, v61  }
0x10e: {  	v41 =	vadd.s32 v6, v41;
	_ =	sdelay $0x4  }
0x10f: {  	[tilespmem:v41+s13+$0x0] =	vst.idx.msk $0xffff, v10  }
0x110: {  	[tilespmem:$0x10660] =	vst v42  }
0x111: {  	v41 =	vld [tilespmem:s31+$0x50]  }
0x112: {  	v42 =	vld [tilespmem:s31+$0x350];
	_ =	sdelay $0x4  }
0x113: {  	vm10 =	vgt.f32 v41, v11;
	vm11 =	vgt.f32 v42, v12;
	vm12 =	vgt.f32 v41, v13  }
0x114: {  	vm13 =	vgt.f32 v42, v14;
	vm14 =	vgt.f32 v41, v15;
	vm15 =	vgt.f32 v42, v16  }
0x115: {  	vm4 =	vgt.f32 v41, v17;
	vm5 =	vgt.f32 v42, v18;
	vm6 =	vgt.f32 v41, v19  }
0x116: {  	vm7 =	vgt.f32 v42, v20;
	vm8 =	vgt.f32 v41, v21;
	vm9 =	vgt.f32 v42, v22  }
0x117: {  	v62 =	vsel vm10, $0x1, v1;
	v63 =	vsel vm11, $0x1, v1;
	v48 =	vsel vm12, $0x1, v1  }
0x118: {  	v49 =	vsel vm13, $0x1, v1;
	v50 =	vsel vm14, $0x1, v1;
	v51 =	vsel vm15, $0x1, v1  }
0x119: {  	v52 =	vsel vm4, $0x1, v1;
	v53 =	vsel vm5, $0x1, v1;
	v54 =	vsel vm6, $0x1, v1  }
0x11a: {  	v55 =	vsel vm7, $0x1, v1;
	v56 =	vsel vm8, $0x1, v1;
	v57 =	vsel vm9, $0x1, v1  }
0x11b: {  	vm10 =	vgt.f32 v41, v23;
	vm11 =	vgt.f32 v42, v24;
	vm12 =	vgt.f32 v41, v25  }
0x11c: {  	vm13 =	vgt.f32 v42, v26;
	vm14 =	vgt.f32 v41, v27;
	vm15 =	vgt.f32 v42, v28  }
0x11d: {  	vm4 =	vgt.f32 v41, v29;
	vm5 =	vgt.f32 v42, v30;
	vm6 =	vgt.f32 v41, v31  }
0x11e: {  	vm7 =	vgt.f32 v42, v32;
	vm8 =	vgt.f32 v41, v33;
	vm9 =	vgt.f32 v42, v34  }
0x11f: {  	v43 =	vadd.s32 v48, v62;
	v44 =	vadd.s32 v49, v63;
	v58 =	vsel vm10, $0x1, v1  }
0x120: {  	v59 =	vsel vm11, $0x1, v1;
	v60 =	vsel vm12, $0x1, v1;
	v61 =	vsel vm13, $0x1, v1  }
0x121: {  	v62 =	vsel vm14, $0x1, v1;
	v63 =	vsel vm15, $0x1, v1;
	v48 =	vsel vm4, $0x1, v1  }
0x122: {  	v49 =	vsel vm5, $0x1, v1;
	vm10 =	vgt.f32 v41, v35;
	vm11 =	vgt.f32 v42, v36  }
0x123: {  	vm12 =	vgt.f32 v41, v37;
	vm13 =	vgt.f32 v42, v38;
	v43 =	vadd.s32 v50, v43  }
0x124: {  	vm14 =	vgt.f32 v41, v39;
	v44 =	vadd.s32 v51, v44;
	v43 =	vadd.s32 v52, v43  }
0x125: {  	vm15 =	vgt.f32 v42, v40;
	v44 =	vadd.s32 v53, v44;
	v43 =	vadd.s32 v54, v43  }
0x126: {  	v50 =	vsel vm6, $0x1, v1;
	v44 =	vadd.s32 v55, v44;
	v43 =	vadd.s32 v56, v43  }
0x127: {  	v51 =	vsel vm7, $0x1, v1;
	v44 =	vadd.s32 v57, v44;
	v43 =	vadd.s32 v58, v43  }
0x128: {  	v52 =	vsel vm8, $0x1, v1;
	v44 =	vadd.s32 v59, v44;
	v43 =	vadd.s32 v60, v43  }
0x129: {  	v53 =	vsel vm9, $0x1, v1;
	v44 =	vadd.s32 v61, v44;
	v43 =	vadd.s32 v62, v43  }
0x12a: {  	v54 =	vsel vm10, $0x1, v1;
	v44 =	vadd.s32 v63, v44;
	v43 =	vadd.s32 v48, v43  }
0x12b: {  	v55 =	vsel vm11, $0x1, v1;
	v44 =	vadd.s32 v49, v44;
	v43 =	vadd.s32 v50, v43  }
0x12c: {  	v56 =	vsel vm12, $0x1, v1;
	v44 =	vadd.s32 v51, v44;
	v43 =	vadd.s32 v52, v43  }
0x12d: {  	v57 =	vsel vm13, $0x1, v1;
	v44 =	vadd.s32 v53, v44;
	v43 =	vadd.s32 v54, v43  }
0x12e: {  	v58 =	vsel vm14, $0x1, v1;
	v44 =	vadd.s32 v55, v44;
	v43 =	vadd.s32 v56, v43  }
0x12f: {  	v60 =	vsel vm15, $0x1, v1;
	v41 =	vadd.s32 v57, v44;
	v59 =	vadd.s32 v58, v43  }
0x130: {  	v41 =	vadd.s32 v60, v41;
	v42 =	vshll.u32 v59, $0x4  }
0x131: {  	v42 =	vadd.s32 v41, v42  }
0x132: {  	v41 =	vand.u32 $0x7, v41;
	v61 =	vand.u32 $0xFFFFFFF8, v42  }
0x133: {  	v41 =	vor.u32 v41, v61  }
0x134: {  	v41 =	vadd.s32 v7, v41;
	_ =	sdelay $0x4  }
0x135: {  	[tilespmem:v41+s13+$0x0] =	vst.idx.msk $0xffff, v10  }
0x136: {  	[tilespmem:$0x10670] =	vst v42  }
0x137: {  	v41 =	vld [tilespmem:s31+$0x60]  }
0x138: {  	v42 =	vld [tilespmem:s31+$0x360];
	_ =	sdelay $0x4  }
0x139: {  	vm4 =	vgt.f32 v41, v11;
	vm5 =	vgt.f32 v42, v12;
	vm6 =	vgt.f32 v41, v13  }
0x13a: {  	vm7 =	vgt.f32 v42, v14;
	vm8 =	vgt.f32 v41, v15;
	vm9 =	vgt.f32 v42, v16  }
0x13b: {  	vm10 =	vgt.f32 v41, v17;
	vm11 =	vgt.f32 v42, v18;
	vm12 =	vgt.f32 v41, v19  }
0x13c: {  	vm13 =	vgt.f32 v42, v20;
	vm14 =	vgt.f32 v41, v21;
	vm15 =	vgt.f32 v42, v22  }
0x13d: {  	v62 =	vsel vm4, $0x1, v1;
	v63 =	vsel vm5, $0x1, v1;
	v48 =	vsel vm6, $0x1, v1  }
0x13e: {  	v49 =	vsel vm7, $0x1, v1;
	v50 =	vsel vm8, $0x1, v1;
	v51 =	vsel vm9, $0x1, v1  }
0x13f: {  	v52 =	vsel vm10, $0x1, v1;
	v53 =	vsel vm11, $0x1, v1;
	v54 =	vsel vm12, $0x1, v1  }
0x140: {  	v55 =	vsel vm13, $0x1, v1;
	v56 =	vsel vm14, $0x1, v1;
	v57 =	vsel vm15, $0x1, v1  }
0x141: {  	vm4 =	vgt.f32 v41, v23;
	vm5 =	vgt.f32 v42, v24;
	vm6 =	vgt.f32 v41, v25  }
0x142: {  	vm7 =	vgt.f32 v42, v26;
	vm8 =	vgt.f32 v41, v27;
	vm9 =	vgt.f32 v42, v28  }
0x143: {  	vm10 =	vgt.f32 v41, v29;
	vm11 =	vgt.f32 v42, v30;
	vm12 =	vgt.f32 v41, v31  }
0x144: {  	vm13 =	vgt.f32 v42, v32;
	vm14 =	vgt.f32 v41, v33;
	vm15 =	vgt.f32 v42, v34  }
0x145: {  	v43 =	vadd.s32 v48, v62;
	v44 =	vadd.s32 v49, v63;
	v58 =	vsel vm4, $0x1, v1  }
0x146: {  	v59 =	vsel vm5, $0x1, v1;
	v60 =	vsel vm6, $0x1, v1;
	v61 =	vsel vm7, $0x1, v1  }
0x147: {  	v62 =	vsel vm8, $0x1, v1;
	v63 =	vsel vm9, $0x1, v1;
	v48 =	vsel vm10, $0x1, v1  }
0x148: {  	v49 =	vsel vm11, $0x1, v1;
	vm4 =	vgt.f32 v41, v35;
	vm5 =	vgt.f32 v42, v36  }
0x149: {  	vm6 =	vgt.f32 v41, v37;
	vm7 =	vgt.f32 v42, v38;
	v43 =	vadd.s32 v50, v43  }
0x14a: {  	vm8 =	vgt.f32 v41, v39;
	v44 =	vadd.s32 v51, v44;
	v43 =	vadd.s32 v52, v43  }
0x14b: {  	vm9 =	vgt.f32 v42, v40;
	v44 =	vadd.s32 v53, v44;
	v43 =	vadd.s32 v54, v43  }
0x14c: {  	v50 =	vsel vm12, $0x1, v1;
	v44 =	vadd.s32 v55, v44;
	v43 =	vadd.s32 v56, v43  }
0x14d: {  	v51 =	vsel vm13, $0x1, v1;
	v44 =	vadd.s32 v57, v44;
	v43 =	vadd.s32 v58, v43  }
0x14e: {  	v52 =	vsel vm14, $0x1, v1;
	v44 =	vadd.s32 v59, v44;
	v43 =	vadd.s32 v60, v43  }
0x14f: {  	v53 =	vsel vm15, $0x1, v1;
	v44 =	vadd.s32 v61, v44;
	v43 =	vadd.s32 v62, v43  }
0x150: {  	v54 =	vsel vm4, $0x1, v1;
	v44 =	vadd.s32 v63, v44;
	v43 =	vadd.s32 v48, v43  }
0x151: {  	v55 =	vsel vm5, $0x1, v1;
	v44 =	vadd.s32 v49, v44;
	v43 =	vadd.s32 v50, v43  }
0x152: {  	v56 =	vsel vm6, $0x1, v1;
	v44 =	vadd.s32 v51, v44;
	v43 =	vadd.s32 v52, v43  }
0x153: {  	v57 =	vsel vm7, $0x1, v1;
	v44 =	vadd.s32 v53, v44;
	v43 =	vadd.s32 v54, v43  }
0x154: {  	v58 =	vsel vm8, $0x1, v1;
	v44 =	vadd.s32 v55, v44;
	v43 =	vadd.s32 v56, v43  }
0x155: {  	v60 =	vsel vm9, $0x1, v1;
	v41 =	vadd.s32 v57, v44;
	v59 =	vadd.s32 v58, v43  }
0x156: {  	v41 =	vadd.s32 v60, v41;
	v42 =	vshll.u32 v59, $0x4  }
0x157: {  	v42 =	vadd.s32 v41, v42  }
0x158: {  	v41 =	vand.u32 $0x7, v41;
	v61 =	vand.u32 $0xFFFFFFF8, v42  }
0x159: {  	v41 =	vor.u32 v41, v61  }
0x15a: {  	v41 =	vadd.s32 v8, v41;
	_ =	sdelay $0x4  }
0x15b: {  	[tilespmem:v41+s13+$0x0] =	vst.idx.msk $0xffff, v10  }
0x15c: {  	[tilespmem:$0x10680] =	vst v42  }
0x15d: {  	v41 =	vld [tilespmem:s31+$0x70]  }
0x15e: {  	v42 =	vld [tilespmem:s31+$0x370];
	_ =	sdelay $0x4  }
0x15f: {  	vm10 =	vgt.f32 v41, v11;
	vm11 =	vgt.f32 v42, v12;
	vm12 =	vgt.f32 v41, v13  }
0x160: {  	vm13 =	vgt.f32 v42, v14;
	vm14 =	vgt.f32 v41, v15;
	vm15 =	vgt.f32 v42, v16  }
0x161: {  	vm4 =	vgt.f32 v41, v17;
	vm5 =	vgt.f32 v42, v18;
	vm6 =	vgt.f32 v41, v19  }
0x162: {  	vm7 =	vgt.f32 v42, v20;
	vm8 =	vgt.f32 v41, v21;
	vm9 =	vgt.f32 v42, v22  }
0x163: {  	v62 =	vsel vm10, $0x1, v1;
	v63 =	vsel vm11, $0x1, v1;
	v48 =	vsel vm12, $0x1, v1  }
0x164: {  	v49 =	vsel vm13, $0x1, v1;
	v50 =	vsel vm14, $0x1, v1;
	v51 =	vsel vm15, $0x1, v1  }
0x165: {  	v52 =	vsel vm4, $0x1, v1;
	v53 =	vsel vm5, $0x1, v1;
	v54 =	vsel vm6, $0x1, v1  }
0x166: {  	v55 =	vsel vm7, $0x1, v1;
	v56 =	vsel vm8, $0x1, v1;
	v57 =	vsel vm9, $0x1, v1  }
0x167: {  	vm10 =	vgt.f32 v41, v23;
	vm11 =	vgt.f32 v42, v24;
	vm12 =	vgt.f32 v41, v25  }
0x168: {  	vm13 =	vgt.f32 v42, v26;
	vm14 =	vgt.f32 v41, v27;
	vm15 =	vgt.f32 v42, v28  }
0x169: {  	vm4 =	vgt.f32 v41, v29;
	vm5 =	vgt.f32 v42, v30;
	vm6 =	vgt.f32 v41, v31  }
0x16a: {  	vm7 =	vgt.f32 v42, v32;
	vm8 =	vgt.f32 v41, v33;
	vm9 =	vgt.f32 v42, v34  }
0x16b: {  	v43 =	vadd.s32 v48, v62;
	v44 =	vadd.s32 v49, v63;
	v58 =	vsel vm10, $0x1, v1  }
0x16c: {  	v59 =	vsel vm11, $0x1, v1;
	v60 =	vsel vm12, $0x1, v1;
	v61 =	vsel vm13, $0x1, v1  }
0x16d: {  	v62 =	vsel vm14, $0x1, v1;
	v63 =	vsel vm15, $0x1, v1;
	v48 =	vsel vm4, $0x1, v1  }
0x16e: {  	v49 =	vsel vm5, $0x1, v1;
	vm10 =	vgt.f32 v41, v35;
	vm11 =	vgt.f32 v42, v36  }
0x16f: {  	vm12 =	vgt.f32 v41, v37;
	vm13 =	vgt.f32 v42, v38;
	v43 =	vadd.s32 v50, v43  }
0x170: {  	vm14 =	vgt.f32 v41, v39;
	v44 =	vadd.s32 v51, v44;
	v43 =	vadd.s32 v52, v43  }
0x171: {  	vm15 =	vgt.f32 v42, v40;
	v44 =	vadd.s32 v53, v44;
	v43 =	vadd.s32 v54, v43  }
0x172: {  	v50 =	vsel vm6, $0x1, v1;
	v44 =	vadd.s32 v55, v44;
	v43 =	vadd.s32 v56, v43  }
0x173: {  	v51 =	vsel vm7, $0x1, v1;
	v44 =	vadd.s32 v57, v44;
	v43 =	vadd.s32 v58, v43  }
0x174: {  	v52 =	vsel vm8, $0x1, v1;
	v44 =	vadd.s32 v59, v44;
	v43 =	vadd.s32 v60, v43  }
0x175: {  	v53 =	vsel vm9, $0x1, v1;
	v44 =	vadd.s32 v61, v44;
	v43 =	vadd.s32 v62, v43  }
0x176: {  	v54 =	vsel vm10, $0x1, v1;
	v44 =	vadd.s32 v63, v44;
	v43 =	vadd.s32 v48, v43  }
0x177: {  	v55 =	vsel vm11, $0x1, v1;
	v44 =	vadd.s32 v49, v44;
	v43 =	vadd.s32 v50, v43  }
0x178: {  	v56 =	vsel vm12, $0x1, v1;
	v44 =	vadd.s32 v51, v44;
	v43 =	vadd.s32 v52, v43  }
0x179: {  	v57 =	vsel vm13, $0x1, v1;
	v44 =	vadd.s32 v53, v44;
	v43 =	vadd.s32 v54, v43  }
0x17a: {  	v58 =	vsel vm14, $0x1, v1;
	v44 =	vadd.s32 v55, v44;
	v43 =	vadd.s32 v56, v43  }
0x17b: {  	v60 =	vsel vm15, $0x1, v1;
	v41 =	vadd.s32 v57, v44;
	v59 =	vadd.s32 v58, v43  }
0x17c: {  	v41 =	vadd.s32 v60, v41;
	v42 =	vshll.u32 v59, $0x4  }
0x17d: {  	v42 =	vadd.s32 v41, v42  }
0x17e: {  	v41 =	vand.u32 $0x7, v41;
	v61 =	vand.u32 $0xFFFFFFF8, v42  }
0x17f: {  	v41 =	vor.u32 v41, v61  }
0x180: {  	v41 =	vadd.s32 v9, v41;
	_ =	sdelay $0x4  }
0x181: {  	[tilespmem:v41+s13+$0x0] =	vst.idx.msk $0xffff, v10  }
0x182: {  	s22 =	simm.s32 @!p0 $0x2;
	[tilespmem:$0x10690] =	vst v42  }
0x183: {  	[hbm4b:s19+s2] =	stream.linear.scatter [tilespmem:s13], [sflag:$0x1], $0x8000, $0x38;
	[tilespmem:$0x10720] =	vst v63  }
0x184: {  	_ =	swait.ge @!p0 [sflag:s22], $0x8000  }
0x185: {  	[sflag:s22] =	ssyncset.done @!p0 $0x0  }
0x186: {  	[sflag:s22] =	ssyncadd.s32 @!p0 $0xFFFF8000  }
0x187: {  	v62 =	vld [tilespmem:$0x106A0];
	_ =	sdelay $0x4  }
0x188: {  	v41 =	vadd.s32 v0, v62;
	_ =	sdelay $0x4  }
0x189: {  	[tilespmem:v41+s14+$0x0] =	vst.idx.msk $0xffff, v2  }
0x18a: {  	v41 =	vld [tilespmem:$0x106B0];
	_ =	sdelay $0x4  }
0x18b: {  	v41 =	vadd.s32 v3, v41;
	_ =	sdelay $0x4  }
0x18c: {  	[tilespmem:v41+s14+$0x0] =	vst.idx.msk $0xffff, v2  }
0x18d: {  	v41 =	vld [tilespmem:$0x106C0];
	_ =	sdelay $0x4  }
0x18e: {  	v41 =	vadd.s32 v4, v41;
	_ =	sdelay $0x4  }
0x18f: {  	[tilespmem:v41+s14+$0x0] =	vst.idx.msk $0xffff, v2  }
0x190: {  	v41 =	vld [tilespmem:$0x106D0];
	_ =	sdelay $0x4  }
0x191: {  	v41 =	vadd.s32 v5, v41;
	_ =	sdelay $0x4  }
0x192: {  	[tilespmem:v41+s14+$0x0] =	vst.idx.msk $0xffff, v2  }
0x193: {  	v41 =	vld [tilespmem:$0x106E0];
	_ =	sdelay $0x4  }
0x194: {  	v41 =	vadd.s32 v6, v41;
	_ =	sdelay $0x4  }
0x195: {  	[tilespmem:v41+s14+$0x0] =	vst.idx.msk $0xffff, v2  }
0x196: {  	v41 =	vld [tilespmem:$0x106F0];
	_ =	sdelay $0x4  }
0x197: {  	v41 =	vadd.s32 v7, v41;
	_ =	sdelay $0x4  }
0x198: {  	[tilespmem:v41+s14+$0x0] =	vst.idx.msk $0xffff, v2  }
0x199: {  	v41 =	vld [tilespmem:$0x10700];
	_ =	sdelay $0x4  }
0x19a: {  	v41 =	vadd.s32 v8, v41;
	_ =	sdelay $0x4  }
0x19b: {  	[tilespmem:v41+s14+$0x0] =	vst.idx.msk $0xffff, v2  }
0x19c: {  	v41 =	vld [tilespmem:$0x10710];
	_ =	sdelay $0x4  }
0x19d: {  	v41 =	vadd.s32 v9, v41;
	_ =	sdelay $0x4  }
0x19e: {  	[tilespmem:v41+s14+$0x0] =	vst.idx.msk $0xffff, v2  }
0x19f: {  	v41 =	vld [tilespmem:s31+$0x80]  }
0x1a0: {  	v42 =	vld [tilespmem:s31+$0x380];
	_ =	sdelay $0x4  }
0x1a1: {  	vm4 =	vgt.f32 v41, v11;
	vm5 =	vgt.f32 v42, v12;
	vm6 =	vgt.f32 v41, v13  }
0x1a2: {  	vm7 =	vgt.f32 v42, v14;
	vm8 =	vgt.f32 v41, v15;
	vm9 =	vgt.f32 v42, v16  }
0x1a3: {  	vm10 =	vgt.f32 v41, v17;
	vm11 =	vgt.f32 v42, v18;
	vm12 =	vgt.f32 v41, v19  }
0x1a4: {  	vm13 =	vgt.f32 v42, v20;
	vm14 =	vgt.f32 v41, v21;
	vm15 =	vgt.f32 v42, v22  }
0x1a5: {  	v63 =	vsel vm4, $0x1, v1;
	v48 =	vsel vm5, $0x1, v1;
	v49 =	vsel vm6, $0x1, v1  }
0x1a6: {  	v50 =	vsel vm7, $0x1, v1;
	v51 =	vsel vm8, $0x1, v1;
	v52 =	vsel vm9, $0x1, v1  }
0x1a7: {  	v53 =	vsel vm10, $0x1, v1;
	v54 =	vsel vm11, $0x1, v1;
	v55 =	vsel vm12, $0x1, v1  }
0x1a8: {  	v56 =	vsel vm13, $0x1, v1;
	v57 =	vsel vm14, $0x1, v1;
	v58 =	vsel vm15, $0x1, v1  }
0x1a9: {  	vm4 =	vgt.f32 v41, v23;
	vm5 =	vgt.f32 v42, v24;
	vm6 =	vgt.f32 v41, v25  }
0x1aa: {  	vm7 =	vgt.f32 v42, v26;
	vm8 =	vgt.f32 v41, v27;
	vm9 =	vgt.f32 v42, v28  }
0x1ab: {  	vm10 =	vgt.f32 v41, v29;
	vm11 =	vgt.f32 v42, v30;
	vm12 =	vgt.f32 v41, v31  }
0x1ac: {  	vm13 =	vgt.f32 v42, v32;
	vm14 =	vgt.f32 v41, v33;
	vm15 =	vgt.f32 v42, v34  }
0x1ad: {  	v43 =	vadd.s32 v49, v63;
	v44 =	vadd.s32 v50, v48;
	v59 =	vsel vm4, $0x1, v1  }
0x1ae: {  	v60 =	vsel vm5, $0x1, v1;
	v61 =	vsel vm6, $0x1, v1;
	v62 =	vsel vm7, $0x1, v1  }
0x1af: {  	v63 =	vsel vm8, $0x1, v1;
	v48 =	vsel vm9, $0x1, v1;
	v49 =	vsel vm10, $0x1, v1  }
0x1b0: {  	v50 =	vsel vm11, $0x1, v1;
	vm4 =	vgt.f32 v41, v35;
	vm5 =	vgt.f32 v42, v36  }
0x1b1: {  	vm6 =	vgt.f32 v41, v37;
	vm7 =	vgt.f32 v42, v38;
	v43 =	vadd.s32 v51, v43  }
0x1b2: {  	vm8 =	vgt.f32 v41, v39;
	v44 =	vadd.s32 v52, v44;
	v43 =	vadd.s32 v53, v43  }
0x1b3: {  	vm9 =	vgt.f32 v42, v40;
	v44 =	vadd.s32 v54, v44;
	v43 =	vadd.s32 v55, v43  }
0x1b4: {  	v51 =	vsel vm12, $0x1, v1;
	v44 =	vadd.s32 v56, v44;
	v43 =	vadd.s32 v57, v43  }
0x1b5: {  	v52 =	vsel vm13, $0x1, v1;
	v44 =	vadd.s32 v58, v44;
	v43 =	vadd.s32 v59, v43  }
0x1b6: {  	v53 =	vsel vm14, $0x1, v1;
	v44 =	vadd.s32 v60, v44;
	v43 =	vadd.s32 v61, v43  }
0x1b7: {  	v54 =	vsel vm15, $0x1, v1;
	v44 =	vadd.s32 v62, v44;
	v43 =	vadd.s32 v63, v43  }
0x1b8: {  	v55 =	vsel vm4, $0x1, v1;
	v44 =	vadd.s32 v48, v44;
	v43 =	vadd.s32 v49, v43  }
0x1b9: {  	v56 =	vsel vm5, $0x1, v1;
	v44 =	vadd.s32 v50, v44;
	v43 =	vadd.s32 v51, v43  }
0x1ba: {  	v57 =	vsel vm6, $0x1, v1;
	v44 =	vadd.s32 v52, v44;
	v43 =	vadd.s32 v53, v43  }
0x1bb: {  	v58 =	vsel vm7, $0x1, v1;
	v44 =	vadd.s32 v54, v44;
	v43 =	vadd.s32 v55, v43  }
0x1bc: {  	v59 =	vsel vm8, $0x1, v1;
	v44 =	vadd.s32 v56, v44;
	v43 =	vadd.s32 v57, v43  }
0x1bd: {  	v61 =	vsel vm9, $0x1, v1;
	v41 =	vadd.s32 v58, v44;
	v60 =	vadd.s32 v59, v43  }
0x1be: {  	v41 =	vadd.s32 v61, v41;
	v42 =	vshll.u32 v60, $0x4  }
0x1bf: {  	v42 =	vadd.s32 v41, v42  }
0x1c0: {  	v41 =	vand.u32 $0x7, v41;
	v62 =	vand.u32 $0xFFFFFFF8, v42  }
0x1c1: {  	v41 =	vor.u32 v41, v62  }
0x1c2: {  	v41 =	vadd.s32 v0, v41;
	_ =	sdelay $0x4  }
0x1c3: {  	[tilespmem:v41+s14+$0x0] =	vst.idx.msk $0xffff, v10  }
0x1c4: {  	[tilespmem:$0x106A0] =	vst v42  }
0x1c5: {  	v41 =	vld [tilespmem:s31+$0x90]  }
0x1c6: {  	v42 =	vld [tilespmem:s31+$0x390];
	_ =	sdelay $0x4  }
0x1c7: {  	vm10 =	vgt.f32 v41, v11;
	vm11 =	vgt.f32 v42, v12;
	vm12 =	vgt.f32 v41, v13  }
0x1c8: {  	vm13 =	vgt.f32 v42, v14;
	vm14 =	vgt.f32 v41, v15;
	vm15 =	vgt.f32 v42, v16  }
0x1c9: {  	vm4 =	vgt.f32 v41, v17;
	vm5 =	vgt.f32 v42, v18;
	vm6 =	vgt.f32 v41, v19  }
0x1ca: {  	vm7 =	vgt.f32 v42, v20;
	vm8 =	vgt.f32 v41, v21;
	vm9 =	vgt.f32 v42, v22  }
0x1cb: {  	v63 =	vsel vm10, $0x1, v1;
	v48 =	vsel vm11, $0x1, v1;
	v49 =	vsel vm12, $0x1, v1  }
0x1cc: {  	v50 =	vsel vm13, $0x1, v1;
	v51 =	vsel vm14, $0x1, v1;
	v52 =	vsel vm15, $0x1, v1  }
0x1cd: {  	v53 =	vsel vm4, $0x1, v1;
	v54 =	vsel vm5, $0x1, v1;
	v55 =	vsel vm6, $0x1, v1  }
0x1ce: {  	v56 =	vsel vm7, $0x1, v1;
	v57 =	vsel vm8, $0x1, v1;
	v58 =	vsel vm9, $0x1, v1  }
0x1cf: {  	vm10 =	vgt.f32 v41, v23;
	vm11 =	vgt.f32 v42, v24;
	vm12 =	vgt.f32 v41, v25  }
0x1d0: {  	vm13 =	vgt.f32 v42, v26;
	vm14 =	vgt.f32 v41, v27;
	vm15 =	vgt.f32 v42, v28  }
0x1d1: {  	vm4 =	vgt.f32 v41, v29;
	vm5 =	vgt.f32 v42, v30;
	vm6 =	vgt.f32 v41, v31  }
0x1d2: {  	vm7 =	vgt.f32 v42, v32;
	vm8 =	vgt.f32 v41, v33;
	vm9 =	vgt.f32 v42, v34  }
0x1d3: {  	v43 =	vadd.s32 v49, v63;
	v44 =	vadd.s32 v50, v48;
	v59 =	vsel vm10, $0x1, v1  }
0x1d4: {  	v60 =	vsel vm11, $0x1, v1;
	v61 =	vsel vm12, $0x1, v1;
	v62 =	vsel vm13, $0x1, v1  }
0x1d5: {  	v63 =	vsel vm14, $0x1, v1;
	v48 =	vsel vm15, $0x1, v1;
	v49 =	vsel vm4, $0x1, v1  }
0x1d6: {  	v50 =	vsel vm5, $0x1, v1;
	vm10 =	vgt.f32 v41, v35;
	vm11 =	vgt.f32 v42, v36  }
0x1d7: {  	vm12 =	vgt.f32 v41, v37;
	vm13 =	vgt.f32 v42, v38;
	v43 =	vadd.s32 v51, v43  }
0x1d8: {  	vm14 =	vgt.f32 v41, v39;
	v44 =	vadd.s32 v52, v44;
	v43 =	vadd.s32 v53, v43  }
0x1d9: {  	vm15 =	vgt.f32 v42, v40;
	v44 =	vadd.s32 v54, v44;
	v43 =	vadd.s32 v55, v43  }
0x1da: {  	v51 =	vsel vm6, $0x1, v1;
	v44 =	vadd.s32 v56, v44;
	v43 =	vadd.s32 v57, v43  }
0x1db: {  	v52 =	vsel vm7, $0x1, v1;
	v44 =	vadd.s32 v58, v44;
	v43 =	vadd.s32 v59, v43  }
0x1dc: {  	v53 =	vsel vm8, $0x1, v1;
	v44 =	vadd.s32 v60, v44;
	v43 =	vadd.s32 v61, v43  }
0x1dd: {  	v54 =	vsel vm9, $0x1, v1;
	v44 =	vadd.s32 v62, v44;
	v43 =	vadd.s32 v63, v43  }
0x1de: {  	v55 =	vsel vm10, $0x1, v1;
	v44 =	vadd.s32 v48, v44;
	v43 =	vadd.s32 v49, v43  }
0x1df: {  	v56 =	vsel vm11, $0x1, v1;
	v44 =	vadd.s32 v50, v44;
	v43 =	vadd.s32 v51, v43  }
0x1e0: {  	v57 =	vsel vm12, $0x1, v1;
	v44 =	vadd.s32 v52, v44;
	v43 =	vadd.s32 v53, v43  }
0x1e1: {  	v58 =	vsel vm13, $0x1, v1;
	v44 =	vadd.s32 v54, v44;
	v43 =	vadd.s32 v55, v43  }
0x1e2: {  	v59 =	vsel vm14, $0x1, v1;
	v44 =	vadd.s32 v56, v44;
	v43 =	vadd.s32 v57, v43  }
0x1e3: {  	v61 =	vsel vm15, $0x1, v1;
	v41 =	vadd.s32 v58, v44;
	v60 =	vadd.s32 v59, v43  }
0x1e4: {  	v41 =	vadd.s32 v61, v41;
	v42 =	vshll.u32 v60, $0x4  }
0x1e5: {  	v42 =	vadd.s32 v41, v42  }
0x1e6: {  	v41 =	vand.u32 $0x7, v41;
	v62 =	vand.u32 $0xFFFFFFF8, v42  }
0x1e7: {  	v41 =	vor.u32 v41, v62  }
0x1e8: {  	v41 =	vadd.s32 v3, v41;
	_ =	sdelay $0x4  }
0x1e9: {  	[tilespmem:v41+s14+$0x0] =	vst.idx.msk $0xffff, v10  }
0x1ea: {  	[tilespmem:$0x106B0] =	vst v42  }
0x1eb: {  	v41 =	vld [tilespmem:s31+$0xA0]  }
0x1ec: {  	v42 =	vld [tilespmem:s31+$0x3A0];
	_ =	sdelay $0x4  }
0x1ed: {  	vm4 =	vgt.f32 v41, v11;
	vm5 =	vgt.f32 v42, v12;
	vm6 =	vgt.f32 v41, v13  }
0x1ee: {  	vm7 =	vgt.f32 v42, v14;
	vm8 =	vgt.f32 v41, v15;
	vm9 =	vgt.f32 v42, v16  }
0x1ef: {  	vm10 =	vgt.f32 v41, v17;
	vm11 =	vgt.f32 v42, v18;
	vm12 =	vgt.f32 v41, v19  }
0x1f0: {  	vm13 =	vgt.f32 v42, v20;
	vm14 =	vgt.f32 v41, v21;
	vm15 =	vgt.f32 v42, v22  }
0x1f1: {  	v63 =	vsel vm4, $0x1, v1;
	v48 =	vsel vm5, $0x1, v1;
	v49 =	vsel vm6, $0x1, v1  }
0x1f2: {  	v50 =	vsel vm7, $0x1, v1;
	v51 =	vsel vm8, $0x1, v1;
	v52 =	vsel vm9, $0x1, v1  }
0x1f3: {  	v53 =	vsel vm10, $0x1, v1;
	v54 =	vsel vm11, $0x1, v1;
	v55 =	vsel vm12, $0x1, v1  }
0x1f4: {  	v56 =	vsel vm13, $0x1, v1;
	v57 =	vsel vm14, $0x1, v1;
	v58 =	vsel vm15, $0x1, v1  }
0x1f5: {  	vm4 =	vgt.f32 v41, v23;
	vm5 =	vgt.f32 v42, v24;
	vm6 =	vgt.f32 v41, v25  }
0x1f6: {  	vm7 =	vgt.f32 v42, v26;
	vm8 =	vgt.f32 v41, v27;
	vm9 =	vgt.f32 v42, v28  }
0x1f7: {  	vm10 =	vgt.f32 v41, v29;
	vm11 =	vgt.f32 v42, v30;
	vm12 =	vgt.f32 v41, v31  }
0x1f8: {  	vm13 =	vgt.f32 v42, v32;
	vm14 =	vgt.f32 v41, v33;
	vm15 =	vgt.f32 v42, v34  }
0x1f9: {  	v43 =	vadd.s32 v49, v63;
	v44 =	vadd.s32 v50, v48;
	v59 =	vsel vm4, $0x1, v1  }
0x1fa: {  	v60 =	vsel vm5, $0x1, v1;
	v61 =	vsel vm6, $0x1, v1;
	v62 =	vsel vm7, $0x1, v1  }
0x1fb: {  	v63 =	vsel vm8, $0x1, v1;
	v48 =	vsel vm9, $0x1, v1;
	v49 =	vsel vm10, $0x1, v1  }
0x1fc: {  	v50 =	vsel vm11, $0x1, v1;
	vm4 =	vgt.f32 v41, v35;
	vm5 =	vgt.f32 v42, v36  }
0x1fd: {  	vm6 =	vgt.f32 v41, v37;
	vm7 =	vgt.f32 v42, v38;
	v43 =	vadd.s32 v51, v43  }
0x1fe: {  	vm8 =	vgt.f32 v41, v39;
	v44 =	vadd.s32 v52, v44;
	v43 =	vadd.s32 v53, v43  }
0x1ff: {  	vm9 =	vgt.f32 v42, v40;
	v44 =	vadd.s32 v54, v44;
	v43 =	vadd.s32 v55, v43  }
0x200: {  	v51 =	vsel vm12, $0x1, v1;
	v44 =	vadd.s32 v56, v44;
	v43 =	vadd.s32 v57, v43  }
0x201: {  	v52 =	vsel vm13, $0x1, v1;
	v44 =	vadd.s32 v58, v44;
	v43 =	vadd.s32 v59, v43  }
0x202: {  	v53 =	vsel vm14, $0x1, v1;
	v44 =	vadd.s32 v60, v44;
	v43 =	vadd.s32 v61, v43  }
0x203: {  	v54 =	vsel vm15, $0x1, v1;
	v44 =	vadd.s32 v62, v44;
	v43 =	vadd.s32 v63, v43  }
0x204: {  	v55 =	vsel vm4, $0x1, v1;
	v44 =	vadd.s32 v48, v44;
	v43 =	vadd.s32 v49, v43  }
0x205: {  	v56 =	vsel vm5, $0x1, v1;
	v44 =	vadd.s32 v50, v44;
	v43 =	vadd.s32 v51, v43  }
0x206: {  	v57 =	vsel vm6, $0x1, v1;
	v44 =	vadd.s32 v52, v44;
	v43 =	vadd.s32 v53, v43  }
0x207: {  	v58 =	vsel vm7, $0x1, v1;
	v44 =	vadd.s32 v54, v44;
	v43 =	vadd.s32 v55, v43  }
0x208: {  	v59 =	vsel vm8, $0x1, v1;
	v44 =	vadd.s32 v56, v44;
	v43 =	vadd.s32 v57, v43  }
0x209: {  	v61 =	vsel vm9, $0x1, v1;
	v41 =	vadd.s32 v58, v44;
	v60 =	vadd.s32 v59, v43  }
0x20a: {  	v41 =	vadd.s32 v61, v41;
	v42 =	vshll.u32 v60, $0x4  }
0x20b: {  	v42 =	vadd.s32 v41, v42  }
0x20c: {  	v41 =	vand.u32 $0x7, v41;
	v62 =	vand.u32 $0xFFFFFFF8, v42  }
0x20d: {  	v41 =	vor.u32 v41, v62  }
0x20e: {  	v41 =	vadd.s32 v4, v41;
	_ =	sdelay $0x4  }
0x20f: {  	[tilespmem:v41+s14+$0x0] =	vst.idx.msk $0xffff, v10  }
0x210: {  	[tilespmem:$0x106C0] =	vst v42  }
0x211: {  	v41 =	vld [tilespmem:s31+$0xB0]  }
0x212: {  	v42 =	vld [tilespmem:s31+$0x3B0];
	_ =	sdelay $0x4  }
0x213: {  	vm10 =	vgt.f32 v41, v11;
	vm11 =	vgt.f32 v42, v12;
	vm12 =	vgt.f32 v41, v13  }
0x214: {  	vm13 =	vgt.f32 v42, v14;
	vm14 =	vgt.f32 v41, v15;
	vm15 =	vgt.f32 v42, v16  }
0x215: {  	vm4 =	vgt.f32 v41, v17;
	vm5 =	vgt.f32 v42, v18;
	vm6 =	vgt.f32 v41, v19  }
0x216: {  	vm7 =	vgt.f32 v42, v20;
	vm8 =	vgt.f32 v41, v21;
	vm9 =	vgt.f32 v42, v22  }
0x217: {  	v63 =	vsel vm10, $0x1, v1;
	v48 =	vsel vm11, $0x1, v1;
	v49 =	vsel vm12, $0x1, v1  }
0x218: {  	v50 =	vsel vm13, $0x1, v1;
	v51 =	vsel vm14, $0x1, v1;
	v52 =	vsel vm15, $0x1, v1  }
0x219: {  	v53 =	vsel vm4, $0x1, v1;
	v54 =	vsel vm5, $0x1, v1;
	v55 =	vsel vm6, $0x1, v1  }
0x21a: {  	v56 =	vsel vm7, $0x1, v1;
	v57 =	vsel vm8, $0x1, v1;
	v58 =	vsel vm9, $0x1, v1  }
0x21b: {  	vm10 =	vgt.f32 v41, v23;
	vm11 =	vgt.f32 v42, v24;
	vm12 =	vgt.f32 v41, v25  }
0x21c: {  	vm13 =	vgt.f32 v42, v26;
	vm14 =	vgt.f32 v41, v27;
	vm15 =	vgt.f32 v42, v28  }
0x21d: {  	vm4 =	vgt.f32 v41, v29;
	vm5 =	vgt.f32 v42, v30;
	vm6 =	vgt.f32 v41, v31  }
0x21e: {  	vm7 =	vgt.f32 v42, v32;
	vm8 =	vgt.f32 v41, v33;
	vm9 =	vgt.f32 v42, v34  }
0x21f: {  	v43 =	vadd.s32 v49, v63;
	v44 =	vadd.s32 v50, v48;
	v59 =	vsel vm10, $0x1, v1  }
0x220: {  	v60 =	vsel vm11, $0x1, v1;
	v61 =	vsel vm12, $0x1, v1;
	v62 =	vsel vm13, $0x1, v1  }
0x221: {  	v63 =	vsel vm14, $0x1, v1;
	v48 =	vsel vm15, $0x1, v1;
	v49 =	vsel vm4, $0x1, v1  }
0x222: {  	v50 =	vsel vm5, $0x1, v1;
	vm10 =	vgt.f32 v41, v35;
	vm11 =	vgt.f32 v42, v36  }
0x223: {  	vm12 =	vgt.f32 v41, v37;
	vm13 =	vgt.f32 v42, v38;
	v43 =	vadd.s32 v51, v43  }
0x224: {  	vm14 =	vgt.f32 v41, v39;
	v44 =	vadd.s32 v52, v44;
	v43 =	vadd.s32 v53, v43  }
0x225: {  	vm15 =	vgt.f32 v42, v40;
	v44 =	vadd.s32 v54, v44;
	v43 =	vadd.s32 v55, v43  }
0x226: {  	v51 =	vsel vm6, $0x1, v1;
	v44 =	vadd.s32 v56, v44;
	v43 =	vadd.s32 v57, v43  }
0x227: {  	v52 =	vsel vm7, $0x1, v1;
	v44 =	vadd.s32 v58, v44;
	v43 =	vadd.s32 v59, v43  }
0x228: {  	v53 =	vsel vm8, $0x1, v1;
	v44 =	vadd.s32 v60, v44;
	v43 =	vadd.s32 v61, v43  }
0x229: {  	v54 =	vsel vm9, $0x1, v1;
	v44 =	vadd.s32 v62, v44;
	v43 =	vadd.s32 v63, v43  }
0x22a: {  	v55 =	vsel vm10, $0x1, v1;
	v44 =	vadd.s32 v48, v44;
	v43 =	vadd.s32 v49, v43  }
0x22b: {  	v56 =	vsel vm11, $0x1, v1;
	v44 =	vadd.s32 v50, v44;
	v43 =	vadd.s32 v51, v43  }
0x22c: {  	v57 =	vsel vm12, $0x1, v1;
	v44 =	vadd.s32 v52, v44;
	v43 =	vadd.s32 v53, v43  }
0x22d: {  	v58 =	vsel vm13, $0x1, v1;
	v44 =	vadd.s32 v54, v44;
	v43 =	vadd.s32 v55, v43  }
0x22e: {  	v59 =	vsel vm14, $0x1, v1;
	v44 =	vadd.s32 v56, v44;
	v43 =	vadd.s32 v57, v43  }
0x22f: {  	v61 =	vsel vm15, $0x1, v1;
	v41 =	vadd.s32 v58, v44;
	v60 =	vadd.s32 v59, v43  }
0x230: {  	v41 =	vadd.s32 v61, v41;
	v42 =	vshll.u32 v60, $0x4  }
0x231: {  	v42 =	vadd.s32 v41, v42  }
0x232: {  	v41 =	vand.u32 $0x7, v41;
	v62 =	vand.u32 $0xFFFFFFF8, v42  }
0x233: {  	v41 =	vor.u32 v41, v62  }
0x234: {  	v41 =	vadd.s32 v5, v41;
	_ =	sdelay $0x4  }
0x235: {  	[tilespmem:v41+s14+$0x0] =	vst.idx.msk $0xffff, v10  }
0x236: {  	[tilespmem:$0x106D0] =	vst v42  }
0x237: {  	v41 =	vld [tilespmem:s31+$0xC0]  }
0x238: {  	v42 =	vld [tilespmem:s31+$0x3C0];
	_ =	sdelay $0x4  }
0x239: {  	vm4 =	vgt.f32 v41, v11;
	vm5 =	vgt.f32 v42, v12;
	vm6 =	vgt.f32 v41, v13  }
0x23a: {  	vm7 =	vgt.f32 v42, v14;
	vm8 =	vgt.f32 v41, v15;
	vm9 =	vgt.f32 v42, v16  }
0x23b: {  	vm10 =	vgt.f32 v41, v17;
	vm11 =	vgt.f32 v42, v18;
	vm12 =	vgt.f32 v41, v19  }
0x23c: {  	vm13 =	vgt.f32 v42, v20;
	vm14 =	vgt.f32 v41, v21;
	vm15 =	vgt.f32 v42, v22  }
0x23d: {  	v63 =	vsel vm4, $0x1, v1;
	v48 =	vsel vm5, $0x1, v1;
	v49 =	vsel vm6, $0x1, v1  }
0x23e: {  	v50 =	vsel vm7, $0x1, v1;
	v51 =	vsel vm8, $0x1, v1;
	v52 =	vsel vm9, $0x1, v1  }
0x23f: {  	v53 =	vsel vm10, $0x1, v1;
	v54 =	vsel vm11, $0x1, v1;
	v55 =	vsel vm12, $0x1, v1  }
0x240: {  	v56 =	vsel vm13, $0x1, v1;
	v57 =	vsel vm14, $0x1, v1;
	v58 =	vsel vm15, $0x1, v1  }
0x241: {  	vm4 =	vgt.f32 v41, v23;
	vm5 =	vgt.f32 v42, v24;
	vm6 =	vgt.f32 v41, v25  }
0x242: {  	vm7 =	vgt.f32 v42, v26;
	vm8 =	vgt.f32 v41, v27;
	vm9 =	vgt.f32 v42, v28  }
0x243: {  	vm10 =	vgt.f32 v41, v29;
	vm11 =	vgt.f32 v42, v30;
	vm12 =	vgt.f32 v41, v31  }
0x244: {  	vm13 =	vgt.f32 v42, v32;
	vm14 =	vgt.f32 v41, v33;
	vm15 =	vgt.f32 v42, v34  }
0x245: {  	v43 =	vadd.s32 v49, v63;
	v44 =	vadd.s32 v50, v48;
	v59 =	vsel vm4, $0x1, v1  }
0x246: {  	v60 =	vsel vm5, $0x1, v1;
	v61 =	vsel vm6, $0x1, v1;
	v62 =	vsel vm7, $0x1, v1  }
0x247: {  	v63 =	vsel vm8, $0x1, v1;
	v48 =	vsel vm9, $0x1, v1;
	v49 =	vsel vm10, $0x1, v1  }
0x248: {  	v50 =	vsel vm11, $0x1, v1;
	vm4 =	vgt.f32 v41, v35;
	vm5 =	vgt.f32 v42, v36  }
0x249: {  	vm6 =	vgt.f32 v41, v37;
	vm7 =	vgt.f32 v42, v38;
	v43 =	vadd.s32 v51, v43  }
0x24a: {  	vm8 =	vgt.f32 v41, v39;
	v44 =	vadd.s32 v52, v44;
	v43 =	vadd.s32 v53, v43  }
0x24b: {  	vm9 =	vgt.f32 v42, v40;
	v44 =	vadd.s32 v54, v44;
	v43 =	vadd.s32 v55, v43  }
0x24c: {  	v51 =	vsel vm12, $0x1, v1;
	v44 =	vadd.s32 v56, v44;
	v43 =	vadd.s32 v57, v43  }
0x24d: {  	v52 =	vsel vm13, $0x1, v1;
	v44 =	vadd.s32 v58, v44;
	v43 =	vadd.s32 v59, v43  }
0x24e: {  	v53 =	vsel vm14, $0x1, v1;
	v44 =	vadd.s32 v60, v44;
	v43 =	vadd.s32 v61, v43  }
0x24f: {  	v54 =	vsel vm15, $0x1, v1;
	v44 =	vadd.s32 v62, v44;
	v43 =	vadd.s32 v63, v43  }
0x250: {  	v55 =	vsel vm4, $0x1, v1;
	v44 =	vadd.s32 v48, v44;
	v43 =	vadd.s32 v49, v43  }
0x251: {  	v56 =	vsel vm5, $0x1, v1;
	v44 =	vadd.s32 v50, v44;
	v43 =	vadd.s32 v51, v43  }
0x252: {  	v57 =	vsel vm6, $0x1, v1;
	v44 =	vadd.s32 v52, v44;
	v43 =	vadd.s32 v53, v43  }
0x253: {  	v58 =	vsel vm7, $0x1, v1;
	v44 =	vadd.s32 v54, v44;
	v43 =	vadd.s32 v55, v43  }
0x254: {  	v59 =	vsel vm8, $0x1, v1;
	v44 =	vadd.s32 v56, v44;
	v43 =	vadd.s32 v57, v43  }
0x255: {  	v61 =	vsel vm9, $0x1, v1;
	v41 =	vadd.s32 v58, v44;
	v60 =	vadd.s32 v59, v43  }
0x256: {  	v41 =	vadd.s32 v61, v41;
	v42 =	vshll.u32 v60, $0x4  }
0x257: {  	v42 =	vadd.s32 v41, v42  }
0x258: {  	v41 =	vand.u32 $0x7, v41;
	v62 =	vand.u32 $0xFFFFFFF8, v42  }
0x259: {  	v41 =	vor.u32 v41, v62  }
0x25a: {  	v41 =	vadd.s32 v6, v41;
	_ =	sdelay $0x4  }
0x25b: {  	[tilespmem:v41+s14+$0x0] =	vst.idx.msk $0xffff, v10  }
0x25c: {  	[tilespmem:$0x106E0] =	vst v42  }
0x25d: {  	v41 =	vld [tilespmem:s31+$0xD0]  }
0x25e: {  	v42 =	vld [tilespmem:s31+$0x3D0];
	_ =	sdelay $0x4  }
0x25f: {  	vm10 =	vgt.f32 v41, v11;
	vm11 =	vgt.f32 v42, v12;
	vm12 =	vgt.f32 v41, v13  }
0x260: {  	vm13 =	vgt.f32 v42, v14;
	vm14 =	vgt.f32 v41, v15;
	vm15 =	vgt.f32 v42, v16  }
0x261: {  	vm4 =	vgt.f32 v41, v17;
	vm5 =	vgt.f32 v42, v18;
	vm6 =	vgt.f32 v41, v19  }
0x262: {  	vm7 =	vgt.f32 v42, v20;
	vm8 =	vgt.f32 v41, v21;
	vm9 =	vgt.f32 v42, v22  }
0x263: {  	v63 =	vsel vm10, $0x1, v1;
	v48 =	vsel vm11, $0x1, v1;
	v49 =	vsel vm12, $0x1, v1  }
0x264: {  	v50 =	vsel vm13, $0x1, v1;
	v51 =	vsel vm14, $0x1, v1;
	v52 =	vsel vm15, $0x1, v1  }
0x265: {  	v53 =	vsel vm4, $0x1, v1;
	v54 =	vsel vm5, $0x1, v1;
	v55 =	vsel vm6, $0x1, v1  }
0x266: {  	v56 =	vsel vm7, $0x1, v1;
	v57 =	vsel vm8, $0x1, v1;
	v58 =	vsel vm9, $0x1, v1  }
0x267: {  	vm10 =	vgt.f32 v41, v23;
	vm11 =	vgt.f32 v42, v24;
	vm12 =	vgt.f32 v41, v25  }
0x268: {  	vm13 =	vgt.f32 v42, v26;
	vm14 =	vgt.f32 v41, v27;
	vm15 =	vgt.f32 v42, v28  }
0x269: {  	vm4 =	vgt.f32 v41, v29;
	vm5 =	vgt.f32 v42, v30;
	vm6 =	vgt.f32 v41, v31  }
0x26a: {  	vm7 =	vgt.f32 v42, v32;
	vm8 =	vgt.f32 v41, v33;
	vm9 =	vgt.f32 v42, v34  }
0x26b: {  	v43 =	vadd.s32 v49, v63;
	v44 =	vadd.s32 v50, v48;
	v59 =	vsel vm10, $0x1, v1  }
0x26c: {  	v60 =	vsel vm11, $0x1, v1;
	v61 =	vsel vm12, $0x1, v1;
	v62 =	vsel vm13, $0x1, v1  }
0x26d: {  	v63 =	vsel vm14, $0x1, v1;
	v48 =	vsel vm15, $0x1, v1;
	v49 =	vsel vm4, $0x1, v1  }
0x26e: {  	v50 =	vsel vm5, $0x1, v1;
	vm10 =	vgt.f32 v41, v35;
	vm11 =	vgt.f32 v42, v36  }
0x26f: {  	vm12 =	vgt.f32 v41, v37;
	vm13 =	vgt.f32 v42, v38;
	v43 =	vadd.s32 v51, v43  }
0x270: {  	vm14 =	vgt.f32 v41, v39;
	v44 =	vadd.s32 v52, v44;
	v43 =	vadd.s32 v53, v43  }
0x271: {  	vm15 =	vgt.f32 v42, v40;
	v44 =	vadd.s32 v54, v44;
	v43 =	vadd.s32 v55, v43  }
0x272: {  	v51 =	vsel vm6, $0x1, v1;
	v44 =	vadd.s32 v56, v44;
	v43 =	vadd.s32 v57, v43  }
0x273: {  	v52 =	vsel vm7, $0x1, v1;
	v44 =	vadd.s32 v58, v44;
	v43 =	vadd.s32 v59, v43  }
0x274: {  	v53 =	vsel vm8, $0x1, v1;
	v44 =	vadd.s32 v60, v44;
	v43 =	vadd.s32 v61, v43  }
0x275: {  	v54 =	vsel vm9, $0x1, v1;
	v44 =	vadd.s32 v62, v44;
	v43 =	vadd.s32 v63, v43  }
0x276: {  	v55 =	vsel vm10, $0x1, v1;
	v44 =	vadd.s32 v48, v44;
	v43 =	vadd.s32 v49, v43  }
0x277: {  	v56 =	vsel vm11, $0x1, v1;
	v44 =	vadd.s32 v50, v44;
	v43 =	vadd.s32 v51, v43  }
0x278: {  	v57 =	vsel vm12, $0x1, v1;
	v44 =	vadd.s32 v52, v44;
	v43 =	vadd.s32 v53, v43  }
0x279: {  	v58 =	vsel vm13, $0x1, v1;
	v44 =	vadd.s32 v54, v44;
	v43 =	vadd.s32 v55, v43  }
0x27a: {  	v59 =	vsel vm14, $0x1, v1;
	v44 =	vadd.s32 v56, v44;
	v43 =	vadd.s32 v57, v43  }
0x27b: {  	v61 =	vsel vm15, $0x1, v1;
	v41 =	vadd.s32 v58, v44;
	v60 =	vadd.s32 v59, v43  }
0x27c: {  	v41 =	vadd.s32 v61, v41;
	v42 =	vshll.u32 v60, $0x4  }
0x27d: {  	v42 =	vadd.s32 v41, v42  }
0x27e: {  	v41 =	vand.u32 $0x7, v41;
	v62 =	vand.u32 $0xFFFFFFF8, v42  }
0x27f: {  	v41 =	vor.u32 v41, v62  }
0x280: {  	v41 =	vadd.s32 v7, v41;
	_ =	sdelay $0x4  }
0x281: {  	[tilespmem:v41+s14+$0x0] =	vst.idx.msk $0xffff, v10  }
0x282: {  	[tilespmem:$0x106F0] =	vst v42  }
0x283: {  	v41 =	vld [tilespmem:s31+$0xE0]  }
0x284: {  	v42 =	vld [tilespmem:s31+$0x3E0];
	_ =	sdelay $0x4  }
0x285: {  	vm4 =	vgt.f32 v41, v11;
	vm5 =	vgt.f32 v42, v12;
	vm6 =	vgt.f32 v41, v13  }
0x286: {  	vm7 =	vgt.f32 v42, v14;
	vm8 =	vgt.f32 v41, v15;
	vm9 =	vgt.f32 v42, v16  }
0x287: {  	vm10 =	vgt.f32 v41, v17;
	vm11 =	vgt.f32 v42, v18;
	vm12 =	vgt.f32 v41, v19  }
0x288: {  	vm13 =	vgt.f32 v42, v20;
	vm14 =	vgt.f32 v41, v21;
	vm15 =	vgt.f32 v42, v22  }
0x289: {  	v63 =	vsel vm4, $0x1, v1;
	v48 =	vsel vm5, $0x1, v1;
	v49 =	vsel vm6, $0x1, v1  }
0x28a: {  	v50 =	vsel vm7, $0x1, v1;
	v51 =	vsel vm8, $0x1, v1;
	v52 =	vsel vm9, $0x1, v1  }
0x28b: {  	v53 =	vsel vm10, $0x1, v1;
	v54 =	vsel vm11, $0x1, v1;
	v55 =	vsel vm12, $0x1, v1  }
0x28c: {  	v56 =	vsel vm13, $0x1, v1;
	v57 =	vsel vm14, $0x1, v1;
	v58 =	vsel vm15, $0x1, v1  }
0x28d: {  	vm4 =	vgt.f32 v41, v23;
	vm5 =	vgt.f32 v42, v24;
	vm6 =	vgt.f32 v41, v25  }
0x28e: {  	vm7 =	vgt.f32 v42, v26;
	vm8 =	vgt.f32 v41, v27;
	vm9 =	vgt.f32 v42, v28  }
0x28f: {  	vm10 =	vgt.f32 v41, v29;
	vm11 =	vgt.f32 v42, v30;
	vm12 =	vgt.f32 v41, v31  }
0x290: {  	vm13 =	vgt.f32 v42, v32;
	vm14 =	vgt.f32 v41, v33;
	vm15 =	vgt.f32 v42, v34  }
0x291: {  	v43 =	vadd.s32 v49, v63;
	v44 =	vadd.s32 v50, v48;
	v59 =	vsel vm4, $0x1, v1  }
0x292: {  	v60 =	vsel vm5, $0x1, v1;
	v61 =	vsel vm6, $0x1, v1;
	v62 =	vsel vm7, $0x1, v1  }
0x293: {  	v63 =	vsel vm8, $0x1, v1;
	v48 =	vsel vm9, $0x1, v1;
	v49 =	vsel vm10, $0x1, v1  }
0x294: {  	v50 =	vsel vm11, $0x1, v1;
	vm4 =	vgt.f32 v41, v35;
	vm5 =	vgt.f32 v42, v36  }
0x295: {  	vm6 =	vgt.f32 v41, v37;
	vm7 =	vgt.f32 v42, v38;
	v43 =	vadd.s32 v51, v43  }
0x296: {  	vm8 =	vgt.f32 v41, v39;
	v44 =	vadd.s32 v52, v44;
	v43 =	vadd.s32 v53, v43  }
0x297: {  	vm9 =	vgt.f32 v42, v40;
	v44 =	vadd.s32 v54, v44;
	v43 =	vadd.s32 v55, v43  }
0x298: {  	v51 =	vsel vm12, $0x1, v1;
	v44 =	vadd.s32 v56, v44;
	v43 =	vadd.s32 v57, v43  }
0x299: {  	v52 =	vsel vm13, $0x1, v1;
	v44 =	vadd.s32 v58, v44;
	v43 =	vadd.s32 v59, v43  }
0x29a: {  	v53 =	vsel vm14, $0x1, v1;
	v44 =	vadd.s32 v60, v44;
	v43 =	vadd.s32 v61, v43  }
0x29b: {  	v54 =	vsel vm15, $0x1, v1;
	v44 =	vadd.s32 v62, v44;
	v43 =	vadd.s32 v63, v43  }
0x29c: {  	v55 =	vsel vm4, $0x1, v1;
	v44 =	vadd.s32 v48, v44;
	v43 =	vadd.s32 v49, v43  }
0x29d: {  	v56 =	vsel vm5, $0x1, v1;
	v44 =	vadd.s32 v50, v44;
	v43 =	vadd.s32 v51, v43  }
0x29e: {  	v57 =	vsel vm6, $0x1, v1;
	v44 =	vadd.s32 v52, v44;
	v43 =	vadd.s32 v53, v43  }
0x29f: {  	v58 =	vsel vm7, $0x1, v1;
	v44 =	vadd.s32 v54, v44;
	v43 =	vadd.s32 v55, v43  }
0x2a0: {  	v59 =	vsel vm8, $0x1, v1;
	v44 =	vadd.s32 v56, v44;
	v43 =	vadd.s32 v57, v43  }
0x2a1: {  	v61 =	vsel vm9, $0x1, v1;
	v41 =	vadd.s32 v58, v44;
	v60 =	vadd.s32 v59, v43  }
0x2a2: {  	v41 =	vadd.s32 v61, v41;
	v42 =	vshll.u32 v60, $0x4  }
0x2a3: {  	v42 =	vadd.s32 v41, v42  }
0x2a4: {  	v41 =	vand.u32 $0x7, v41;
	v62 =	vand.u32 $0xFFFFFFF8, v42  }
0x2a5: {  	v41 =	vor.u32 v41, v62  }
0x2a6: {  	v41 =	vadd.s32 v8, v41;
	_ =	sdelay $0x4  }
0x2a7: {  	[tilespmem:v41+s14+$0x0] =	vst.idx.msk $0xffff, v10  }
0x2a8: {  	[tilespmem:$0x10700] =	vst v42  }
0x2a9: {  	v41 =	vld [tilespmem:s31+$0xF0]  }
0x2aa: {  	v42 =	vld [tilespmem:s31+$0x3F0];
	_ =	sdelay $0x4  }
0x2ab: {  	vm10 =	vgt.f32 v41, v11;
	vm11 =	vgt.f32 v42, v12;
	vm12 =	vgt.f32 v41, v13  }
0x2ac: {  	vm13 =	vgt.f32 v42, v14;
	vm14 =	vgt.f32 v41, v15;
	vm15 =	vgt.f32 v42, v16  }
0x2ad: {  	vm4 =	vgt.f32 v41, v17;
	vm5 =	vgt.f32 v42, v18;
	vm6 =	vgt.f32 v41, v19  }
0x2ae: {  	vm7 =	vgt.f32 v42, v20;
	vm8 =	vgt.f32 v41, v21;
	vm9 =	vgt.f32 v42, v22  }
0x2af: {  	v63 =	vsel vm10, $0x1, v1;
	v48 =	vsel vm11, $0x1, v1;
	v49 =	vsel vm12, $0x1, v1  }
0x2b0: {  	v50 =	vsel vm13, $0x1, v1;
	v51 =	vsel vm14, $0x1, v1;
	v52 =	vsel vm15, $0x1, v1  }
0x2b1: {  	v53 =	vsel vm4, $0x1, v1;
	v54 =	vsel vm5, $0x1, v1;
	v55 =	vsel vm6, $0x1, v1  }
0x2b2: {  	v56 =	vsel vm7, $0x1, v1;
	v57 =	vsel vm8, $0x1, v1;
	v58 =	vsel vm9, $0x1, v1  }
0x2b3: {  	vm10 =	vgt.f32 v41, v23;
	vm11 =	vgt.f32 v42, v24;
	vm12 =	vgt.f32 v41, v25  }
0x2b4: {  	vm13 =	vgt.f32 v42, v26;
	vm14 =	vgt.f32 v41, v27;
	vm15 =	vgt.f32 v42, v28  }
0x2b5: {  	vm4 =	vgt.f32 v41, v29;
	vm5 =	vgt.f32 v42, v30;
	vm6 =	vgt.f32 v41, v31  }
0x2b6: {  	vm7 =	vgt.f32 v42, v32;
	vm8 =	vgt.f32 v41, v33;
	vm9 =	vgt.f32 v42, v34  }
0x2b7: {  	v43 =	vadd.s32 v49, v63;
	v44 =	vadd.s32 v50, v48;
	v59 =	vsel vm10, $0x1, v1  }
0x2b8: {  	v60 =	vsel vm11, $0x1, v1;
	v61 =	vsel vm12, $0x1, v1;
	v62 =	vsel vm13, $0x1, v1  }
0x2b9: {  	v63 =	vsel vm14, $0x1, v1;
	v48 =	vsel vm15, $0x1, v1;
	v49 =	vsel vm4, $0x1, v1  }
0x2ba: {  	v50 =	vsel vm5, $0x1, v1;
	vm10 =	vgt.f32 v41, v35;
	vm11 =	vgt.f32 v42, v36  }
0x2bb: {  	vm12 =	vgt.f32 v41, v37;
	vm13 =	vgt.f32 v42, v38;
	v43 =	vadd.s32 v51, v43  }
0x2bc: {  	vm14 =	vgt.f32 v41, v39;
	v44 =	vadd.s32 v52, v44;
	v43 =	vadd.s32 v53, v43  }
0x2bd: {  	vm15 =	vgt.f32 v42, v40;
	v44 =	vadd.s32 v54, v44;
	v43 =	vadd.s32 v55, v43  }
0x2be: {  	v51 =	vsel vm6, $0x1, v1;
	v44 =	vadd.s32 v56, v44;
	v43 =	vadd.s32 v57, v43  }
0x2bf: {  	v52 =	vsel vm7, $0x1, v1;
	v44 =	vadd.s32 v58, v44;
	v43 =	vadd.s32 v59, v43  }
0x2c0: {  	v53 =	vsel vm8, $0x1, v1;
	v44 =	vadd.s32 v60, v44;
	v43 =	vadd.s32 v61, v43  }
0x2c1: {  	v54 =	vsel vm9, $0x1, v1;
	v44 =	vadd.s32 v62, v44;
	v43 =	vadd.s32 v63, v43  }
0x2c2: {  	v55 =	vsel vm10, $0x1, v1;
	v44 =	vadd.s32 v48, v44;
	v43 =	vadd.s32 v49, v43  }
0x2c3: {  	v56 =	vsel vm11, $0x1, v1;
	v44 =	vadd.s32 v50, v44;
	v43 =	vadd.s32 v51, v43  }
0x2c4: {  	v57 =	vsel vm12, $0x1, v1;
	v44 =	vadd.s32 v52, v44;
	v43 =	vadd.s32 v53, v43  }
0x2c5: {  	v58 =	vsel vm13, $0x1, v1;
	v44 =	vadd.s32 v54, v44;
	v43 =	vadd.s32 v55, v43  }
0x2c6: {  	v60 =	vsel vm14, $0x1, v1;
	v44 =	vadd.s32 v56, v44;
	v59 =	vadd.s32 v57, v43  }
0x2c7: {  	v62 =	vsel vm15, $0x1, v1;
	v61 =	vadd.s32 v58, v44;
	v41 =	vadd.s32 v60, v59  }
0x2c8: {  	v42 =	vadd.s32 v62, v61;
	v41 =	vshll.u32 v41, $0x4  }
0x2c9: {  	v41 =	vadd.s32 v42, v41  }
0x2ca: {  	v42 =	vand.u32 $0x7, v42;
	v63 =	vand.u32 $0xFFFFFFF8, v41  }
0x2cb: {  	v42 =	vor.u32 v42, v63  }
0x2cc: {  	v42 =	vadd.s32 v9, v42;
	_ =	sdelay $0x1  }
0x2cd: {  	s20 =	sadd.s32 $0x400, s20  }
0x2ce: {  	p0 =	sne.s32 s20, $0xC00  }
.Ltmp0:
0x2cf: {  	_ = 	snop;
	(pc) =	sbr.rel @p0 .LBB2_2-.Ltmp0, $4  }
0x2d0: {  	[tilespmem:v42+s14+$0x0] =	vst.idx.msk $0xffff, v10  }
0x2d1: {  	[tilespmem:$0x10710] =	vst v41  }
0x2d2: {  	[hbm4b:s18+s2] =	stream.linear.scatter [tilespmem:s14], [sflag:$0x2], $0x8000, $0x38;
	[tilespmem:$0x10720] =	vst v63  }
0x2d3: {  	s19 =	sadd.s32 $0x2000, s19;
	s18 =	sadd.s32 $0x2000, s18  }
0x2d4: {  	s17 =	sadd.s32 $0x1, s17  }
0x2d5: {  	_ =	swait.ge [sflag:s15], $0x8000;
	p0 =	sne.s32 s17, s7  }
.Ltmp1:
0x2d6: {  	[sflag:s15] =	ssyncset.done $0x0;
	(pc) =	sbr.rel @p0 .LBB2_1-.Ltmp1, $4  }
0x2d7: {  	[sflag:s15] =	ssyncadd.s32 $0xFFFF8000  }
0x2d8: {  	_ =	swait.ge [sflag:s16], $0x8000  }
0x2d9: {  	[sflag:s16] =	ssyncset.done $0x0  }
0x2da: {  	[sflag:s16] =	ssyncadd.s32 $0xFFFF8000  }
0x2db: {  	_ =	sfence.sel $0x180000  }
0x2dc: {  	[bflag:$0x0] =	sbarrier.arrive $0xFFFF  }
0x2dd: {  	p0 =	sne.s32 s1, $0x0;
	_ =	strace $0x90000047  }
0x2de: {  	s0 =	sadd.s32 @!p0 $0x100000, s0;
	[bflag:$0x2] =	sbarrier.arrive $0xFFFF  }
0x2df: {  	[sflag:s0] =	ssyncadd.tile.s32 @!p0 $0x1;
	_ =	shalt  }
.Lfunc_end2:
_tile_overlayer_lowered:
.L_overlay_start_2:
0x2e0: {  	(tag) =	ssettag $0x2  }
0x2e1: {  	s0 =	rddreg [dreg:$0x0];
	s2 =	stileid.u32  }
0x2e2: {  	s1 =	rddreg [dreg:$0x1];
	p0 =	sne.s32 s2, $0x0  }
0x2e3: {  	s3 =	rddreg [dreg:$0x2];
	[bflag:$0x3] =	sbarrier.arrive $0xFFFF;
	s2 =	simm.s32 @!p0 $0x1C03  }
0x2e4: {  	[timem:s3], [sflag:s2] =	dma.local @!p0 [hbm:s0], s1  }
0x2e5: {  	s0 =	simm.s32 @!p0 $0x3  }
0x2e6: {  	_ =	swait.ge @!p0 [sflag:s0], s1  }
0x2e7: {  	s1 =	ssub.s32 @!p0 $0x0, s1;
	[sflag:s0] =	ssyncset.done @!p0 $0x0  }
0x2e8: {  	[sflag:s0] =	ssyncadd.s32 @!p0 s1  }
0x2e9: {  	[bflag:$0x3] =	sbarrier.arrive $0xFFFF  }
0x2ea: {  	_ =	shalt  }

</sc_bundles>
